<compile_context>
chip_gen: v7x
topology: tpu7x:2x2x1
jax: 0.10.2.dev20260603
libtpu: 0.0.44.dev20260713+nightly
codegen_flags: <defaults>
</compile_context>

<pallas_src>
import functools

import jax
import jax.numpy as jnp
from jax import lax
from jax.experimental import pallas as pl
from jax.experimental.pallas import tpu as pltpu, tpu_sc as plsc

B = 4
N = 16384
MD = 128
H = 4
F = 32
T = 32
T3 = T * T * T
KC = H * 3
VC = H * F
CP = 144
EPS = 1e-5
NPAIR = B * H
NS = 16
NCORE = 2
PTS_PER_TILE = N // NS
CHUNK = 128
NCHUNK = PTS_PER_TILE // CHUNK


CH1 = 2048
NB1 = N // CH1


def _stats_body(x_ref, w_ref, s1_ref, s2_ref):
    bi = pl.program_id(0)
    ni = pl.program_id(1)

    @pl.when(jnp.logical_and(bi == 0, ni == 0))
    def _():
        s1_ref[...] = jnp.zeros_like(s1_ref)
        s2_ref[...] = jnp.zeros_like(s2_ref)

    x = x_ref[0]
    kv = lax.dot_general(
        w_ref[...], x, (((1,), (0,)), ((), ())),
        preferred_element_type=jnp.float32)
    s1_ref[...] += jnp.sum(kv, axis=1, keepdims=True)
    s2_ref[...] += jnp.sum(kv * kv, axis=1, keepdims=True)


def _stats_call(x, wp):
    return pl.pallas_call(
        _stats_body,
        grid=(B, NB1),
        in_specs=[
            pl.BlockSpec((1, MD, CH1), lambda b, n: (b, 0, n)),
            pl.BlockSpec((CP, MD), lambda b, n: (0, 0)),
        ],
        out_specs=[
            pl.BlockSpec((CP, 1), lambda b, n: (0, 0)),
            pl.BlockSpec((CP, 1), lambda b, n: (0, 0)),
        ],
        out_shape=[
            jax.ShapeDtypeStruct((CP, 1), jnp.float32),
            jax.ShapeDtypeStruct((CP, 1), jnp.float32),
        ],
    )(x, wp)


CH2 = 512
NB2 = N // CH2


def _dense_body(x_ref, o_ref, w_ref, mu_ref, sc_ref, be_ref, rb_ref,
                v_ref, wt_ref, ix_ref, ks_ref, k2_ref):
    bi = pl.program_id(0)
    ni = pl.program_id(1)

    @pl.when(jnp.logical_and(bi == 0, ni == 0))
    def _():
        ks_ref[0, 0] = 0.0
        k2_ref[0, 0] = 0.0

    x = x_ref[0]
    kv = lax.dot_general(
        w_ref[...], x, (((1,), (0,)), ((), ())),
        preferred_element_type=jnp.float32)
    kvn = (kv - mu_ref[...]) * sc_ref[...] + be_ref[...]

    o = o_ref[0]
    otile = jnp.concatenate([o[0:3, :]] * 4 + [o[3:7, :]], axis=0)
    coords16 = kvn[0:16, :] + otile
    keys16 = lax.dot_general(
        rb_ref[...], coords16, (((1,), (0,)), ((), ())),
        preferred_element_type=jnp.float32)
    ks_acc = jnp.sum(keys16[0:KC, :])
    k2_acc = jnp.sum(keys16[0:KC, :] * keys16[0:KC, :])
    w_rows = []
    i_rows = []
    for h in range(H):
        keys = keys16[3 * h:3 * h + 3, :]
        lat = jnp.tanh(keys)
        p = (lat + 1.0) * 0.5 * (T - 1)
        f = jnp.clip(jnp.floor(p), 0.0, T - 2)
        local = p - f
        fi = f.astype(jnp.int32)
        lx, ly, lz = local[0:1, :], local[1:2, :], local[2:3, :]
        base = (fi[0:1, :] * T + fi[1:2, :]) * T + fi[2:3, :]
        wch = []
        ich = []
        for ci in (0, 1):
            wx = lx if ci else 1.0 - lx
            for cj in (0, 1):
                wy = ly if cj else 1.0 - ly
                for ck in (0, 1):
                    wz = lz if ck else 1.0 - lz
                    wch.append(wx * wy * wz)
                    ich.append(base + (ci * T * T + cj * T + ck))
        w_rows.append(jnp.concatenate(wch, axis=0))
        i_rows.append(jnp.concatenate(ich, axis=0))

    ks_ref[0, 0] += ks_acc
    k2_ref[0, 0] += k2_acc
    wt_ref[0] = jnp.concatenate(w_rows, axis=0)
    ix_ref[0] = jnp.concatenate(i_rows, axis=0)
    v_ref[0] = kvn[KC:KC + VC, :]


def _dense_call(x, opad, wp, mu, scale, beta, rflat):
    return pl.pallas_call(
        _dense_body,
        grid=(B, NB2),
        in_specs=[
            pl.BlockSpec((1, MD, CH2), lambda b, n: (b, 0, n)),
            pl.BlockSpec((1, 8, CH2), lambda b, n: (b, 0, n)),
            pl.BlockSpec((CP, MD), lambda b, n: (0, 0)),
            pl.BlockSpec((CP, 1), lambda b, n: (0, 0)),
            pl.BlockSpec((CP, 1), lambda b, n: (0, 0)),
            pl.BlockSpec((CP, 1), lambda b, n: (0, 0)),
            pl.BlockSpec((16, 16), lambda b, n: (0, 0)),
        ],
        out_specs=[
            pl.BlockSpec((1, VC, CH2), lambda b, n: (b, 0, n)),
            pl.BlockSpec((1, 32, CH2), lambda b, n: (b, 0, n)),
            pl.BlockSpec((1, 32, CH2), lambda b, n: (b, 0, n)),
            pl.BlockSpec(memory_space=pltpu.SMEM),
            pl.BlockSpec(memory_space=pltpu.SMEM),
        ],
        out_shape=[
            jax.ShapeDtypeStruct((B, VC, N), jnp.float32),
            jax.ShapeDtypeStruct((B, 32, N), jnp.float32),
            jax.ShapeDtypeStruct((B, 32, N), jnp.int32),
            jax.ShapeDtypeStruct((1, 1), jnp.float32),
            jax.ShapeDtypeStruct((1, 1), jnp.float32),
        ],
    )(x, opad, wp, mu, scale, beta, rflat)


def _splat_body(v_hbm, w_hbm, i_hbm, z_hbm, z_sh, zbuf, vbuf, wbuf, ibuf,
                staged):
    cid = lax.axis_index("c")
    sid = lax.axis_index("s")
    zv = jnp.zeros((16,), jnp.float32)
    for i in range(CHUNK):
        zbuf[i, pl.ds(0, 16)] = zv
        zbuf[i, pl.ds(16, 16)] = zv
    iota = lax.iota(jnp.int32, 16)

    def round_body(r, carry):
        pair = r * NCORE + cid

        def zero_one(i, c):
            pltpu.sync_copy(zbuf, z_sh.at[pl.ds((sid * 16 + i) * CHUNK,
                                                CHUNK)])
            return c

        lax.fori_loop(0, 16, zero_one, 0)
        plsc.subcore_barrier()

        def chunk_body(k, c):
            p0 = sid * PTS_PER_TILE + k * CHUNK
            pltpu.sync_copy(v_hbm.at[pair, :, pl.ds(p0, CHUNK)], vbuf)
            pltpu.sync_copy(w_hbm.at[pair, :, pl.ds(p0, CHUNK)], wbuf)
            pltpu.sync_copy(i_hbm.at[pair, :, pl.ds(p0, CHUNK)], ibuf)

            def grp_body(g, c2):
                goff = g * 16
                rows = [iota + (goff + cc * CHUNK) for cc in range(8)]
                wv = [wbuf[cc, pl.ds(goff, 16)] for cc in range(8)]
                for f in range(F):
                    vv = vbuf[f, pl.ds(goff, 16)]
                    col = jnp.full((16,), f, jnp.int32)
                    for cc in range(8):
                        plsc.store_scatter(staged, [rows[cc], col],
                                           vv * wv[cc])
                return c2

            lax.fori_loop(0, CHUNK // 16, grp_body, 0)
            for cc in range(8):
                pltpu.sync_copy(staged.at[pl.ds(cc * CHUNK, CHUNK)],
                                z_sh.at[ibuf.at[cc]], add=True)
            return c

        lax.fori_loop(0, NCHUNK, chunk_body, 0)
        plsc.subcore_barrier()
        pltpu.sync_copy(z_sh.at[pl.ds(sid * (T3 // NS), T3 // NS)],
                        z_hbm.at[pair, pl.ds(sid * (T3 // NS), T3 // NS)])
        plsc.subcore_barrier()
        return carry

    lax.fori_loop(0, NPAIR // NCORE, round_body, 0)


def _splat_call(v16, w16, i16):
    mesh = plsc.VectorSubcoreMesh(core_axis_name="c", subcore_axis_name="s")
    run = pl.kernel(
        _splat_body,
        out_type=jax.ShapeDtypeStruct((NPAIR, T3, F), jnp.float32),
        mesh=mesh,
        compiler_params=pltpu.CompilerParams(needs_layout_passes=False,
                                             use_tc_tiling_on_sc=False),
        scratch_types=[
            pltpu.VMEM_SHARED((T3, F), jnp.float32),
            pltpu.VMEM((CHUNK, F), jnp.float32),
            pltpu.VMEM((F, CHUNK), jnp.float32),
            pltpu.VMEM((8, CHUNK), jnp.float32),
            pltpu.VMEM((8, CHUNK), jnp.int32),
            pltpu.VMEM((8 * CHUNK, F), jnp.float32),
        ],
    )
    return run(v16, w16, i16)


CB = 2048
NB4 = T3 // CB


def _final_body(z_ref, zt_ref, nnz_ref):
    pi = pl.program_id(0)
    si = pl.program_id(1)

    @pl.when(jnp.logical_and(pi == 0, si == 0))
    def _():
        nnz_ref[0, 0] = 0

    zb = z_ref[0]
    zt_ref[0] = zb.T
    nnz_ref[0, 0] += jnp.sum((jnp.abs(zb) > 1e-9).astype(jnp.int32))


def _final_call(zrows):
    return pl.pallas_call(
        _final_body,
        grid=(NPAIR, NB4),
        in_specs=[pl.BlockSpec((1, CB, F), lambda p, s: (p, s, 0))],
        out_specs=[
            pl.BlockSpec((1, F, CB), lambda p, s: (p, 0, s)),
            pl.BlockSpec(memory_space=pltpu.SMEM),
        ],
        out_shape=[
            jax.ShapeDtypeStruct((NPAIR, F, T3), jnp.float32),
            jax.ShapeDtypeStruct((1, 1), jnp.int32),
        ],
    )(zrows)


def kernel(input, orig_pcd, W_kv, key_gamma, key_beta, val_gamma, val_beta,
           R):
    x = input.astype(jnp.float32)
    wp = jnp.zeros((CP, MD), jnp.float32).at[:KC + VC].set(W_kv)
    s1, s2 = _stats_call(x, wp)
    m = jnp.float32(B * N)
    mean_c = s1[:, 0] / m
    var_c = s2[:, 0] / m - mean_c * mean_c
    gamma = jnp.concatenate(
        [key_gamma, val_gamma, jnp.ones((CP - KC - VC,), jnp.float32)])
    betav = jnp.concatenate(
        [key_beta, val_beta, jnp.zeros((CP - KC - VC,), jnp.float32)])
    scale = gamma / jnp.sqrt(var_c + EPS)
    opad = jnp.zeros((B, 8, N), jnp.float32).at[:, :3].set(orig_pcd)
    rbig = jnp.zeros((16, 16), jnp.float32)
    for h in range(H):
        rbig = rbig.at[3 * h:3 * h + 3, 3 * h:3 * h + 3].set(R[h])

    vout, wout, ixout, ksum, k2sum = _dense_call(
        x, opad, wp, mean_c[:, None], scale[:, None], betav[:, None], rbig)

    v16 = vout.reshape(NPAIR, F, N)
    w16 = wout.reshape(NPAIR, 8, N)
    i16 = ixout.reshape(NPAIR, 8, N)
    zrows = _splat_call(v16, w16, i16)
    zt, nnz = _final_call(zrows)
    z = zt.reshape(B, H, F, T3)
    occ = nnz[0, 0].astype(jnp.float32) / jnp.float32(B * F * H)
    cnt = B * KC * N
    mean_k = ksum[0, 0] / jnp.float32(cnt)
    var_k = (k2sum[0, 0] - ksum[0, 0] * ksum[0, 0] / jnp.float32(cnt)) \
        / jnp.float32(cnt - 1)
    return z, occ, mean_k, var_k

# --- scband reference (transcript-rebuilt; emitter-appended) ---
"""Pipeline reference for scband-multi-head-pool-60662118088774 (READ-ONLY COPY).

The authoritative reference and input builder live on the scoring server;
editing this copy changes nothing except your own understanding.
"""

import jax, jax.numpy as jnp
import numpy as np

B = 4
N = 16384
MODEL_DIM = 128
IN_FEAT = 32
T = 32
DIM = 3
HEADS = 4
EPS = 1e-5


def setup_inputs(seed: int = 0) -> dict:
    key = jax.random.key(seed)
    ks = jax.random.split(key, 8)
    inp = jax.random.normal(ks[0], (B, MODEL_DIM, N), dtype=jnp.float32)
    orig_pcd = jax.random.normal(ks[1], (B, 3, N), dtype=jnp.float32)
    # Conv1d(model_dim, heads*(in_feat+3), k=1, bias=False) weight -> (out, in)
    W_kv = jax.random.normal(ks[2], (HEADS * (IN_FEAT + 3), MODEL_DIM), dtype=jnp.float32) / np.sqrt(MODEL_DIM)
    # key_bn.weight is zero-initialized in the original module; use small values so the path is exercised
    key_gamma = 0.1 * jax.random.normal(ks[3], (HEADS * 3,), dtype=jnp.float32)
    key_beta = jnp.zeros((HEADS * 3,), dtype=jnp.float32)
    val_gamma = jnp.ones((HEADS * IN_FEAT,), dtype=jnp.float32) + 0.1 * jax.random.normal(ks[4], (HEADS * IN_FEAT,), dtype=jnp.float32)
    val_beta = jnp.zeros((HEADS * IN_FEAT,), dtype=jnp.float32)
    # VolTransformer: learned per-head 3x3 transform (scales=False)
    R = jnp.eye(3, dtype=jnp.float32)[None, :, :] + 0.1 * jax.random.normal(ks[5], (HEADS, 3, 3), dtype=jnp.float32)
    return {"input": inp, "orig_pcd": orig_pcd, "W_kv": W_kv, "key_gamma": key_gamma,
            "key_beta": key_beta, "val_gamma": val_gamma, "val_beta": val_beta, "R": R}


def _bn(x, gamma, beta):
    # training-mode BatchNorm1d over (batch, length) per channel; x: (B, C, N)
    mean = x.mean(axis=(0, 2), keepdims=True)
    var = x.var(axis=(0, 2), keepdims=True)
    return gamma[None, :, None] * (x - mean) / jnp.sqrt(var + EPS) + beta[None, :, None]


def _forward(input, orig_pcd, W_kv, key_gamma, key_beta, val_gamma, val_beta, R):
    # keys_values_pred: 1x1 conv == matmul over channel dim
    kv = jnp.einsum('om,bmn->bon', W_kv, input)  # (B, H*(F+3), N)
    keys_res = _bn(kv[:, :HEADS * 3], key_gamma, key_beta)           # (B, H*3, N)
    values = _bn(kv[:, HEADS * 3:], val_gamma, val_beta)             # (B, H*F, N)
    coords = orig_pcd[:, None] + keys_res.reshape(B, HEADS, 3, N)    # (B, H, 3, N)
    keys = jnp.einsum('hij,bhjn->bhin', R, coords)                   # VolTransformer
    keys = keys.reshape(B, HEADS * DIM, N)
    lattice = jnp.tanh(keys)
    # DifferentiablePositions: map [-1,1] coords to grid, floor + local fractional coords
    p = (lattice.reshape(B, HEADS, 3, N) + 1.0) * 0.5 * (T - 1)
    f = jnp.clip(jnp.floor(p), 0.0, T - 2)
    local = p - f                                                    # (B, H, 3, N)
    fi = f.astype(jnp.int32)
    corners = jnp.array([[i, j, k] for i in (0, 1) for j in (0, 1) for k in (0, 1)], dtype=jnp.int32)  # (8,3)
    idx3 = fi[:, :, None, :, :] + corners[None, None, :, :, None]    # (B, H, 8, 3, N)
    flat_idx = (idx3[:, :, :, 0] * T + idx3[:, :, :, 1]) * T + idx3[:, :, :, 2]  # (B, H, 8, N)
    w = jnp.where(corners[None, None, :, :, None] == 1,
                  local[:, :, None, :, :], 1.0 - local[:, :, None, :, :]).prod(axis=3)  # (B, H, 8, N)
    # Splat: trilinear scatter-add of values into per-head lattice
    vals = values.reshape(B, HEADS, IN_FEAT, N)

    def splat_one(v, wgt, idx):
        # v: (F,N), wgt: (8,N), idx: (8,N)
        contrib = (v[None, :, :] * wgt[:, None, :]).transpose(1, 0, 2).reshape(IN_FEAT, 8 * N)
        idxf = idx.reshape(8 * N)
        return jnp.zeros((IN_FEAT, T ** 3), dtype=jnp.float32).at[:, idxf].add(contrib)

    z = jax.vmap(jax.vmap(splat_one))(vals, w, flat_idx)             # (B, H, F, T^3)
    occ = (jnp.abs(z) > 1e-9).sum().astype(jnp.float32) / (B * IN_FEAT * HEADS)
    mean_k = jnp.mean(keys)
    var_k = jnp.var(keys, ddof=1)
    return z, occ, mean_k, var_k


def reference(input, orig_pcd, W_kv, key_gamma, key_beta, val_gamma, val_beta, R):
    z, occ, mean_k, var_k = _forward(input, orig_pcd, W_kv, key_gamma, key_beta, val_gamma, val_beta, R)
    return (z, occ, mean_k, var_k)

if __name__ == "__main__":
    import jax
    _d = setup_inputs()
    print(jax.jit(kernel)(*tuple(_d.values())))

</pallas_src>

<mosaic_0001>
#map = affine_map<(d0, d1) -> (0, 0, 0)>
module attributes {stable_mosaic.version = 14 : i64} {
  func.func @_splat_body(%arg0: i32, %arg1: i32, %arg2: memref<16x32x16384xf32, #tpu.memory_space<hbm>>, %arg3: memref<16x8x16384xf32, #tpu.memory_space<hbm>>, %arg4: memref<16x8x16384xi32, #tpu.memory_space<hbm>>, %arg5: memref<16x32768x32xf32, #tpu.memory_space<hbm>>, %arg6: memref<32768x32xf32, #tpu.memory_space<vmem_shared>>, %arg7: memref<128x32xf32, #tpu.memory_space<vmem>>, %arg8: memref<32x128xf32, #tpu.memory_space<vmem>>, %arg9: memref<8x128xf32, #tpu.memory_space<vmem>>, %arg10: memref<8x128xi32, #tpu.memory_space<vmem>>, %arg11: memref<1024x32xf32, #tpu.memory_space<vmem>>) attributes {dimension_semantics = [#tpu.dimension_semantics<core_parallel>, #tpu.dimension_semantics<subcore_parallel>], iteration_bounds = array<i64: 2, 16>, scalar_prefetch = 0 : i64, scratch_operands = 6 : i64, tpu.core_type = #tpu.core_type<sc_vector_subcore>, window_params = [{transform_indices = #map}, {transform_indices = #map}, {transform_indices = #map}, {transform_indices = #map}]} {
    %broadcast_in_dim3A = arith.constant 0.000000e+00 : f32
    %broadcast_in_dim3A_0 = vector.broadcast %broadcast_in_dim3A : f32 to vector<16xf32>
    %swap3A = arith.constant 0 : i32
    %swap3A_1 = arith.index_cast %swap3A : i32 to index
    %swap3A_2 = arith.constant 0 : index
    %swap3A_3 = tpu.vector_load %arg7[%swap3A_1, %swap3A_2] {strides = array<i32>} : memref<128x32xf32, #tpu.memory_space<vmem>>, vector<16xf32>,
    tpu.vector_store %arg7[%swap3A_1, %swap3A_2], %broadcast_in_dim3A_0 {strides = array<i32>} : memref<128x32xf32, #tpu.memory_space<vmem>>, vector<16xf32>,
    %swap3A_4 = arith.constant 0 : i32
    %swap3A_5 = arith.index_cast %swap3A_4 : i32 to index
    %swap3A_6 = arith.constant 16 : index
    %swap3A_7 = tpu.vector_load %arg7[%swap3A_5, %swap3A_6] {strides = array<i32>} : memref<128x32xf32, #tpu.memory_space<vmem>>, vector<16xf32>,
    tpu.vector_store %arg7[%swap3A_5, %swap3A_6], %broadcast_in_dim3A_0 {strides = array<i32>} : memref<128x32xf32, #tpu.memory_space<vmem>>, vector<16xf32>,
    %swap3A_8 = arith.constant 1 : i32
    %swap3A_9 = arith.index_cast %swap3A_8 : i32 to index
    %swap3A_10 = arith.constant 0 : index
    %swap3A_11 = tpu.vector_load %arg7[%swap3A_9, %swap3A_10] {strides = array<i32>} : memref<128x32xf32, #tpu.memory_space<vmem>>, vector<16xf32>,
    tpu.vector_store %arg7[%swap3A_9, %swap3A_10], %broadcast_in_dim3A_0 {strides = array<i32>} : memref<128x32xf32, #tpu.memory_space<vmem>>, vector<16xf32>,
    %swap3A_12 = arith.constant 1 : i32
    %swap3A_13 = arith.index_cast %swap3A_12 : i32 to index
    %swap3A_14 = arith.constant 16 : index
    %swap3A_15 = tpu.vector_load %arg7[%swap3A_13, %swap3A_14] {strides = array<i32>} : memref<128x32xf32, #tpu.memory_space<vmem>>, vector<16xf32>,
    tpu.vector_store %arg7[%swap3A_13, %swap3A_14], %broadcast_in_dim3A_0 {strides = array<i32>} : memref<128x32xf32, #tpu.memory_space<vmem>>, vector<16xf32>,
    %swap3A_16 = arith.constant 2 : i32
    %swap3A_17 = arith.index_cast %swap3A_16 : i32 to index
    %swap3A_18 = arith.constant 0 : index
    %swap3A_19 = tpu.vector_load %arg7[%swap3A_17, %swap3A_18] {strides = array<i32>} : memref<128x32xf32, #tpu.memory_space<vmem>>, vector<16xf32>,
    tpu.vector_store %arg7[%swap3A_17, %swap3A_18], %broadcast_in_dim3A_0 {strides = array<i32>} : memref<128x32xf32, #tpu.memory_space<vmem>>, vector<16xf32>,
    %swap3A_20 = arith.constant 2 : i32
    %swap3A_21 = arith.index_cast %swap3A_20 : i32 to index
    %swap3A_22 = arith.constant 16 : index
    %swap3A_23 = tpu.vector_load %arg7[%swap3A_21, %swap3A_22] {strides = array<i32>} : memref<128x32xf32, #tpu.memory_space<vmem>>, vector<16xf32>,
    tpu.vector_store %arg7[%swap3A_21, %swap3A_22], %broadcast_in_dim3A_0 {strides = array<i32>} : memref<128x32xf32, #tpu.memory_space<vmem>>, vector<16xf32>,
    %swap3A_24 = arith.constant 3 : i32
    %swap3A_25 = arith.index_cast %swap3A_24 : i32 to index
    %swap3A_26 = arith.constant 0 : index
    %swap3A_27 = tpu.vector_load %arg7[%swap3A_25, %swap3A_26] {strides = array<i32>} : memref<128x32xf32, #tpu.memory_space<vmem>>, vector<16xf32>,
    tpu.vector_store %arg7[%swap3A_25, %swap3A_26], %broadcast_in_dim3A_0 {strides = array<i32>} : memref<128x32xf32, #tpu.memory_space<vmem>>, vector<16xf32>,
    %swap3A_28 = arith.constant 3 : i32
    %swap3A_29 = arith.index_cast %swap3A_28 : i32 to index
    %swap3A_30 = arith.constant 16 : index
    %swap3A_31 = tpu.vector_load %arg7[%swap3A_29, %swap3A_30] {strides = array<i32>} : memref<128x32xf32, #tpu.memory_space<vmem>>, vector<16xf32>,
    tpu.vector_store %arg7[%swap3A_29, %swap3A_30], %broadcast_in_dim3A_0 {strides = array<i32>} : memref<128x32xf32, #tpu.memory_space<vmem>>, vector<16xf32>,
    %swap3A_32 = arith.constant 4 : i32
    %swap3A_33 = arith.index_cast %swap3A_32 : i32 to index
    %swap3A_34 = arith.constant 0 : index
    %swap3A_35 = tpu.vector_load %arg7[%swap3A_33, %swap3A_34] {strides = array<i32>} : memref<128x32xf32, #tpu.memory_space<vmem>>, vector<16xf32>,
    tpu.vector_store %arg7[%swap3A_33, %swap3A_34], %broadcast_in_dim3A_0 {strides = array<i32>} : memref<128x32xf32, #tpu.memory_space<vmem>>, vector<16xf32>,
    %swap3A_36 = arith.constant 4 : i32
    %swap3A_37 = arith.index_cast %swap3A_36 : i32 to index
    %swap3A_38 = arith.constant 16 : index
    %swap3A_39 = tpu.vector_load %arg7[%swap3A_37, %swap3A_38] {strides = array<i32>} : memref<128x32xf32, #tpu.memory_space<vmem>>, vector<16xf32>,
    tpu.vector_store %arg7[%swap3A_37, %swap3A_38], %broadcast_in_dim3A_0 {strides = array<i32>} : memref<128x32xf32, #tpu.memory_space<vmem>>, vector<16xf32>,
    %swap3A_40 = arith.constant 5 : i32
    %swap3A_41 = arith.index_cast %swap3A_40 : i32 to index
    %swap3A_42 = arith.constant 0 : index
    %swap3A_43 = tpu.vector_load %arg7[%swap3A_41, %swap3A_42] {strides = array<i32>} : memref<128x32xf32, #tpu.memory_space<vmem>>, vector<16xf32>,
    tpu.vector_store %arg7[%swap3A_41, %swap3A_42], %broadcast_in_dim3A_0 {strides = array<i32>} : memref<128x32xf32, #tpu.memory_space<vmem>>, vector<16xf32>,
    %swap3A_44 = arith.constant 5 : i32
    %swap3A_45 = arith.index_cast %swap3A_44 : i32 to index
    %swap3A_46 = arith.constant 16 : index
    %swap3A_47 = tpu.vector_load %arg7[%swap3A_45, %swap3A_46] {strides = array<i32>} : memref<128x32xf32, #tpu.memory_space<vmem>>, vector<16xf32>,
    tpu.vector_store %arg7[%swap3A_45, %swap3A_46], %broadcast_in_dim3A_0 {strides = array<i32>} : memref<128x32xf32, #tpu.memory_space<vmem>>, vector<16xf32>,
    %swap3A_48 = arith.constant 6 : i32
    %swap3A_49 = arith.index_cast %swap3A_48 : i32 to index
    %swap3A_50 = arith.constant 0 : index
    %swap3A_51 = tpu.vector_load %arg7[%swap3A_49, %swap3A_50] {strides = array<i32>} : memref<128x32xf32, #tpu.memory_space<vmem>>, vector<16xf32>,
    tpu.vector_store %arg7[%swap3A_49, %swap3A_50], %broadcast_in_dim3A_0 {strides = array<i32>} : memref<128x32xf32, #tpu.memory_space<vmem>>, vector<16xf32>,
    %swap3A_52 = arith.constant 6 : i32
    %swap3A_53 = arith.index_cast %swap3A_52 : i32 to index
    %swap3A_54 = arith.constant 16 : index
    %swap3A_55 = tpu.vector_load %arg7[%swap3A_53, %swap3A_54] {strides = array<i32>} : memref<128x32xf32, #tpu.memory_space<vmem>>, vector<16xf32>,
    tpu.vector_store %arg7[%swap3A_53, %swap3A_54], %broadcast_in_dim3A_0 {strides = array<i32>} : memref<128x32xf32, #tpu.memory_space<vmem>>, vector<16xf32>,
    %swap3A_56 = arith.constant 7 : i32
    %swap3A_57 = arith.index_cast %swap3A_56 : i32 to index
    %swap3A_58 = arith.constant 0 : index
    %swap3A_59 = tpu.vector_load %arg7[%swap3A_57, %swap3A_58] {strides = array<i32>} : memref<128x32xf32, #tpu.memory_space<vmem>>, vector<16xf32>,
    tpu.vector_store %arg7[%swap3A_57, %swap3A_58], %broadcast_in_dim3A_0 {strides = array<i32>} : memref<128x32xf32, #tpu.memory_space<vmem>>, vector<16xf32>,
    %swap3A_60 = arith.constant 7 : i32
    %swap3A_61 = arith.index_cast %swap3A_60 : i32 to index
    %swap3A_62 = arith.constant 16 : index
    %swap3A_63 = tpu.vector_load %arg7[%swap3A_61, %swap3A_62] {strides = array<i32>} : memref<128x32xf32, #tpu.memory_space<vmem>>, vector<16xf32>,
    tpu.vector_store %arg7[%swap3A_61, %swap3A_62], %broadcast_in_dim3A_0 {strides = array<i32>} : memref<128x32xf32, #tpu.memory_space<vmem>>, vector<16xf32>,
    %swap3A_64 = arith.constant 8 : i32
    %swap3A_65 = arith.index_cast %swap3A_64 : i32 to index
    %swap3A_66 = arith.constant 0 : index
    %swap3A_67 = tpu.vector_load %arg7[%swap3A_65, %swap3A_66] {strides = array<i32>} : memref<128x32xf32, #tpu.memory_space<vmem>>, vector<16xf32>,
    tpu.vector_store %arg7[%swap3A_65, %swap3A_66], %broadcast_in_dim3A_0 {strides = array<i32>} : memref<128x32xf32, #tpu.memory_space<vmem>>, vector<16xf32>,
    %swap3A_68 = arith.constant 8 : i32
    %swap3A_69 = arith.index_cast %swap3A_68 : i32 to index
    %swap3A_70 = arith.constant 16 : index
    %swap3A_71 = tpu.vector_load %arg7[%swap3A_69, %swap3A_70] {strides = array<i32>} : memref<128x32xf32, #tpu.memory_space<vmem>>, vector<16xf32>,
    tpu.vector_store %arg7[%swap3A_69, %swap3A_70], %broadcast_in_dim3A_0 {strides = array<i32>} : memref<128x32xf32, #tpu.memory_space<vmem>>, vector<16xf32>,
    %swap3A_72 = arith.constant 9 : i32
    %swap3A_73 = arith.index_cast %swap3A_72 : i32 to index
    %swap3A_74 = arith.constant 0 : index
    %swap3A_75 = tpu.vector_load %arg7[%swap3A_73, %swap3A_74] {strides = array<i32>} : memref<128x32xf32, #tpu.memory_space<vmem>>, vector<16xf32>,
    tpu.vector_store %arg7[%swap3A_73, %swap3A_74], %broadcast_in_dim3A_0 {strides = array<i32>} : memref<128x32xf32, #tpu.memory_space<vmem>>, vector<16xf32>,
    %swap3A_76 = arith.constant 9 : i32
    %swap3A_77 = arith.index_cast %swap3A_76 : i32 to index
    %swap3A_78 = arith.constant 16 : index
    %swap3A_79 = tpu.vector_load %arg7[%swap3A_77, %swap3A_78] {strides = array<i32>} : memref<128x32xf32, #tpu.memory_space<vmem>>, vector<16xf32>,
    tpu.vector_store %arg7[%swap3A_77, %swap3A_78], %broadcast_in_dim3A_0 {strides = array<i32>} : memref<128x32xf32, #tpu.memory_space<vmem>>, vector<16xf32>,
    %swap3A_80 = arith.constant 10 : i32
    %swap3A_81 = arith.index_cast %swap3A_80 : i32 to index
    %swap3A_82 = arith.constant 0 : index
    %swap3A_83 = tpu.vector_load %arg7[%swap3A_81, %swap3A_82] {strides = array<i32>} : memref<128x32xf32, #tpu.memory_space<vmem>>, vector<16xf32>,
    tpu.vector_store %arg7[%swap3A_81, %swap3A_82], %broadcast_in_dim3A_0 {strides = array<i32>} : memref<128x32xf32, #tpu.memory_space<vmem>>, vector<16xf32>,
    %swap3A_84 = arith.constant 10 : i32
    %swap3A_85 = arith.index_cast %swap3A_84 : i32 to index
    %swap3A_86 = arith.constant 16 : index
    %swap3A_87 = tpu.vector_load %arg7[%swap3A_85, %swap3A_86] {strides = array<i32>} : memref<128x32xf32, #tpu.memory_space<vmem>>, vector<16xf32>,
    tpu.vector_store %arg7[%swap3A_85, %swap3A_86], %broadcast_in_dim3A_0 {strides = array<i32>} : memref<128x32xf32, #tpu.memory_space<vmem>>, vector<16xf32>,
    %swap3A_88 = arith.constant 11 : i32
    %swap3A_89 = arith.index_cast %swap3A_88 : i32 to index
    %swap3A_90 = arith.constant 0 : index
    %swap3A_91 = tpu.vector_load %arg7[%swap3A_89, %swap3A_90] {strides = array<i32>} : memref<128x32xf32, #tpu.memory_space<vmem>>, vector<16xf32>,
    tpu.vector_store %arg7[%swap3A_89, %swap3A_90], %broadcast_in_dim3A_0 {strides = array<i32>} : memref<128x32xf32, #tpu.memory_space<vmem>>, vector<16xf32>,
    %swap3A_92 = arith.constant 11 : i32
    %swap3A_93 = arith.index_cast %swap3A_92 : i32 to index
    %swap3A_94 = arith.constant 16 : index
    %swap3A_95 = tpu.vector_load %arg7[%swap3A_93, %swap3A_94] {strides = array<i32>} : memref<128x32xf32, #tpu.memory_space<vmem>>, vector<16xf32>,
    tpu.vector_store %arg7[%swap3A_93, %swap3A_94], %broadcast_in_dim3A_0 {strides = array<i32>} : memref<128x32xf32, #tpu.memory_space<vmem>>, vector<16xf32>,
    %swap3A_96 = arith.constant 12 : i32
    %swap3A_97 = arith.index_cast %swap3A_96 : i32 to index
    %swap3A_98 = arith.constant 0 : index
    %swap3A_99 = tpu.vector_load %arg7[%swap3A_97, %swap3A_98] {strides = array<i32>} : memref<128x32xf32, #tpu.memory_space<vmem>>, vector<16xf32>,
    tpu.vector_store %arg7[%swap3A_97, %swap3A_98], %broadcast_in_dim3A_0 {strides = array<i32>} : memref<128x32xf32, #tpu.memory_space<vmem>>, vector<16xf32>,
    %swap3A_100 = arith.constant 12 : i32
    %swap3A_101 = arith.index_cast %swap3A_100 : i32 to index
    %swap3A_102 = arith.constant 16 : index
    %swap3A_103 = tpu.vector_load %arg7[%swap3A_101, %swap3A_102] {strides = array<i32>} : memref<128x32xf32, #tpu.memory_space<vmem>>, vector<16xf32>,
    tpu.vector_store %arg7[%swap3A_101, %swap3A_102], %broadcast_in_dim3A_0 {strides = array<i32>} : memref<128x32xf32, #tpu.memory_space<vmem>>, vector<16xf32>,
    %swap3A_104 = arith.constant 13 : i32
    %swap3A_105 = arith.index_cast %swap3A_104 : i32 to index
    %swap3A_106 = arith.constant 0 : index
    %swap3A_107 = tpu.vector_load %arg7[%swap3A_105, %swap3A_106] {strides = array<i32>} : memref<128x32xf32, #tpu.memory_space<vmem>>, vector<16xf32>,
    tpu.vector_store %arg7[%swap3A_105, %swap3A_106], %broadcast_in_dim3A_0 {strides = array<i32>} : memref<128x32xf32, #tpu.memory_space<vmem>>, vector<16xf32>,
    %swap3A_108 = arith.constant 13 : i32
    %swap3A_109 = arith.index_cast %swap3A_108 : i32 to index
    %swap3A_110 = arith.constant 16 : index
    %swap3A_111 = tpu.vector_load %arg7[%swap3A_109, %swap3A_110] {strides = array<i32>} : memref<128x32xf32, #tpu.memory_space<vmem>>, vector<16xf32>,
    tpu.vector_store %arg7[%swap3A_109, %swap3A_110], %broadcast_in_dim3A_0 {strides = array<i32>} : memref<128x32xf32, #tpu.memory_space<vmem>>, vector<16xf32>,
    %swap3A_112 = arith.constant 14 : i32
    %swap3A_113 = arith.index_cast %swap3A_112 : i32 to index
    %swap3A_114 = arith.constant 0 : index
    %swap3A_115 = tpu.vector_load %arg7[%swap3A_113, %swap3A_114] {strides = array<i32>} : memref<128x32xf32, #tpu.memory_space<vmem>>, vector<16xf32>,
    tpu.vector_store %arg7[%swap3A_113, %swap3A_114], %broadcast_in_dim3A_0 {strides = array<i32>} : memref<128x32xf32, #tpu.memory_space<vmem>>, vector<16xf32>,
    %swap3A_116 = arith.constant 14 : i32
    %swap3A_117 = arith.index_cast %swap3A_116 : i32 to index
    %swap3A_118 = arith.constant 16 : index
    %swap3A_119 = tpu.vector_load %arg7[%swap3A_117, %swap3A_118] {strides = array<i32>} : memref<128x32xf32, #tpu.memory_space<vmem>>, vector<16xf32>,
    tpu.vector_store %arg7[%swap3A_117, %swap3A_118], %broadcast_in_dim3A_0 {strides = array<i32>} : memref<128x32xf32, #tpu.memory_space<vmem>>, vector<16xf32>,
    %swap3A_120 = arith.constant 15 : i32
    %swap3A_121 = arith.index_cast %swap3A_120 : i32 to index
    %swap3A_122 = arith.constant 0 : index
    %swap3A_123 = tpu.vector_load %arg7[%swap3A_121, %swap3A_122] {strides = array<i32>} : memref<128x32xf32, #tpu.memory_space<vmem>>, vector<16xf32>,
    tpu.vector_store %arg7[%swap3A_121, %swap3A_122], %broadcast_in_dim3A_0 {strides = array<i32>} : memref<128x32xf32, #tpu.memory_space<vmem>>, vector<16xf32>,
    %swap3A_124 = arith.constant 15 : i32
    %swap3A_125 = arith.index_cast %swap3A_124 : i32 to index
    %swap3A_126 = arith.constant 16 : index
    %swap3A_127 = tpu.vector_load %arg7[%swap3A_125, %swap3A_126] {strides = array<i32>} : memref<128x32xf32, #tpu.memory_space<vmem>>, vector<16xf32>,
    tpu.vector_store %arg7[%swap3A_125, %swap3A_126], %broadcast_in_dim3A_0 {strides = array<i32>} : memref<128x32xf32, #tpu.memory_space<vmem>>, vector<16xf32>,
    %swap3A_128 = arith.constant 16 : i32
    %swap3A_129 = arith.index_cast %swap3A_128 : i32 to index
    %swap3A_130 = arith.constant 0 : index
    %swap3A_131 = tpu.vector_load %arg7[%swap3A_129, %swap3A_130] {strides = array<i32>} : memref<128x32xf32, #tpu.memory_space<vmem>>, vector<16xf32>,
    tpu.vector_store %arg7[%swap3A_129, %swap3A_130], %broadcast_in_dim3A_0 {strides = array<i32>} : memref<128x32xf32, #tpu.memory_space<vmem>>, vector<16xf32>,
    %swap3A_132 = arith.constant 16 : i32
    %swap3A_133 = arith.index_cast %swap3A_132 : i32 to index
    %swap3A_134 = arith.constant 16 : index
    %swap3A_135 = tpu.vector_load %arg7[%swap3A_133, %swap3A_134] {strides = array<i32>} : memref<128x32xf32, #tpu.memory_space<vmem>>, vector<16xf32>,
    tpu.vector_store %arg7[%swap3A_133, %swap3A_134], %broadcast_in_dim3A_0 {strides = array<i32>} : memref<128x32xf32, #tpu.memory_space<vmem>>, vector<16xf32>,
    %swap3A_136 = arith.constant 17 : i32
    %swap3A_137 = arith.index_cast %swap3A_136 : i32 to index
    %swap3A_138 = arith.constant 0 : index
    %swap3A_139 = tpu.vector_load %arg7[%swap3A_137, %swap3A_138] {strides = array<i32>} : memref<128x32xf32, #tpu.memory_space<vmem>>, vector<16xf32>,
    tpu.vector_store %arg7[%swap3A_137, %swap3A_138], %broadcast_in_dim3A_0 {strides = array<i32>} : memref<128x32xf32, #tpu.memory_space<vmem>>, vector<16xf32>,
    %swap3A_140 = arith.constant 17 : i32
    %swap3A_141 = arith.index_cast %swap3A_140 : i32 to index
    %swap3A_142 = arith.constant 16 : index
    %swap3A_143 = tpu.vector_load %arg7[%swap3A_141, %swap3A_142] {strides = array<i32>} : memref<128x32xf32, #tpu.memory_space<vmem>>, vector<16xf32>,
    tpu.vector_store %arg7[%swap3A_141, %swap3A_142], %broadcast_in_dim3A_0 {strides = array<i32>} : memref<128x32xf32, #tpu.memory_space<vmem>>, vector<16xf32>,
    %swap3A_144 = arith.constant 18 : i32
    %swap3A_145 = arith.index_cast %swap3A_144 : i32 to index
    %swap3A_146 = arith.constant 0 : index
    %swap3A_147 = tpu.vector_load %arg7[%swap3A_145, %swap3A_146] {strides = array<i32>} : memref<128x32xf32, #tpu.memory_space<vmem>>, vector<16xf32>,
    tpu.vector_store %arg7[%swap3A_145, %swap3A_146], %broadcast_in_dim3A_0 {strides = array<i32>} : memref<128x32xf32, #tpu.memory_space<vmem>>, vector<16xf32>,
    %swap3A_148 = arith.constant 18 : i32
    %swap3A_149 = arith.index_cast %swap3A_148 : i32 to index
    %swap3A_150 = arith.constant 16 : index
    %swap3A_151 = tpu.vector_load %arg7[%swap3A_149, %swap3A_150] {strides = array<i32>} : memref<128x32xf32, #tpu.memory_space<vmem>>, vector<16xf32>,
    tpu.vector_store %arg7[%swap3A_149, %swap3A_150], %broadcast_in_dim3A_0 {strides = array<i32>} : memref<128x32xf32, #tpu.memory_space<vmem>>, vector<16xf32>,
    %swap3A_152 = arith.constant 19 : i32
    %swap3A_153 = arith.index_cast %swap3A_152 : i32 to index
    %swap3A_154 = arith.constant 0 : index
    %swap3A_155 = tpu.vector_load %arg7[%swap3A_153, %swap3A_154] {strides = array<i32>} : memref<128x32xf32, #tpu.memory_space<vmem>>, vector<16xf32>,
    tpu.vector_store %arg7[%swap3A_153, %swap3A_154], %broadcast_in_dim3A_0 {strides = array<i32>} : memref<128x32xf32, #tpu.memory_space<vmem>>, vector<16xf32>,
    %swap3A_156 = arith.constant 19 : i32
    %swap3A_157 = arith.index_cast %swap3A_156 : i32 to index
    %swap3A_158 = arith.constant 16 : index
    %swap3A_159 = tpu.vector_load %arg7[%swap3A_157, %swap3A_158] {strides = array<i32>} : memref<128x32xf32, #tpu.memory_space<vmem>>, vector<16xf32>,
    tpu.vector_store %arg7[%swap3A_157, %swap3A_158], %broadcast_in_dim3A_0 {strides = array<i32>} : memref<128x32xf32, #tpu.memory_space<vmem>>, vector<16xf32>,
    %swap3A_160 = arith.constant 20 : i32
    %swap3A_161 = arith.index_cast %swap3A_160 : i32 to index
    %swap3A_162 = arith.constant 0 : index
    %swap3A_163 = tpu.vector_load %arg7[%swap3A_161, %swap3A_162] {strides = array<i32>} : memref<128x32xf32, #tpu.memory_space<vmem>>, vector<16xf32>,
    tpu.vector_store %arg7[%swap3A_161, %swap3A_162], %broadcast_in_dim3A_0 {strides = array<i32>} : memref<128x32xf32, #tpu.memory_space<vmem>>, vector<16xf32>,
    %swap3A_164 = arith.constant 20 : i32
    %swap3A_165 = arith.index_cast %swap3A_164 : i32 to index
    %swap3A_166 = arith.constant 16 : index
    %swap3A_167 = tpu.vector_load %arg7[%swap3A_165, %swap3A_166] {strides = array<i32>} : memref<128x32xf32, #tpu.memory_space<vmem>>, vector<16xf32>,
    tpu.vector_store %arg7[%swap3A_165, %swap3A_166], %broadcast_in_dim3A_0 {strides = array<i32>} : memref<128x32xf32, #tpu.memory_space<vmem>>, vector<16xf32>,
    %swap3A_168 = arith.constant 21 : i32
    %swap3A_169 = arith.index_cast %swap3A_168 : i32 to index
    %swap3A_170 = arith.constant 0 : index
    %swap3A_171 = tpu.vector_load %arg7[%swap3A_169, %swap3A_170] {strides = array<i32>} : memref<128x32xf32, #tpu.memory_space<vmem>>, vector<16xf32>,
    tpu.vector_store %arg7[%swap3A_169, %swap3A_170], %broadcast_in_dim3A_0 {strides = array<i32>} : memref<128x32xf32, #tpu.memory_space<vmem>>, vector<16xf32>,
    %swap3A_172 = arith.constant 21 : i32
    %swap3A_173 = arith.index_cast %swap3A_172 : i32 to index
    %swap3A_174 = arith.constant 16 : index
    %swap3A_175 = tpu.vector_load %arg7[%swap3A_173, %swap3A_174] {strides = array<i32>} : memref<128x32xf32, #tpu.memory_space<vmem>>, vector<16xf32>,
    tpu.vector_store %arg7[%swap3A_173, %swap3A_174], %broadcast_in_dim3A_0 {strides = array<i32>} : memref<128x32xf32, #tpu.memory_space<vmem>>, vector<16xf32>,
    %swap3A_176 = arith.constant 22 : i32
    %swap3A_177 = arith.index_cast %swap3A_176 : i32 to index
    %swap3A_178 = arith.constant 0 : index
    %swap3A_179 = tpu.vector_load %arg7[%swap3A_177, %swap3A_178] {strides = array<i32>} : memref<128x32xf32, #tpu.memory_space<vmem>>, vector<16xf32>,
    tpu.vector_store %arg7[%swap3A_177, %swap3A_178], %broadcast_in_dim3A_0 {strides = array<i32>} : memref<128x32xf32, #tpu.memory_space<vmem>>, vector<16xf32>,
    %swap3A_180 = arith.constant 22 : i32
    %swap3A_181 = arith.index_cast %swap3A_180 : i32 to index
    %swap3A_182 = arith.constant 16 : index
    %swap3A_183 = tpu.vector_load %arg7[%swap3A_181, %swap3A_182] {strides = array<i32>} : memref<128x32xf32, #tpu.memory_space<vmem>>, vector<16xf32>,
    tpu.vector_store %arg7[%swap3A_181, %swap3A_182], %broadcast_in_dim3A_0 {strides = array<i32>} : memref<128x32xf32, #tpu.memory_space<vmem>>, vector<16xf32>,
    %swap3A_184 = arith.constant 23 : i32
    %swap3A_185 = arith.index_cast %swap3A_184 : i32 to index
    %swap3A_186 = arith.constant 0 : index
    %swap3A_187 = tpu.vector_load %arg7[%swap3A_185, %swap3A_186] {strides = array<i32>} : memref<128x32xf32, #tpu.memory_space<vmem>>, vector<16xf32>,
    tpu.vector_store %arg7[%swap3A_185, %swap3A_186], %broadcast_in_dim3A_0 {strides = array<i32>} : memref<128x32xf32, #tpu.memory_space<vmem>>, vector<16xf32>,
    %swap3A_188 = arith.constant 23 : i32
    %swap3A_189 = arith.index_cast %swap3A_188 : i32 to index
    %swap3A_190 = arith.constant 16 : index
    %swap3A_191 = tpu.vector_load %arg7[%swap3A_189, %swap3A_190] {strides = array<i32>} : memref<128x32xf32, #tpu.memory_space<vmem>>, vector<16xf32>,
    tpu.vector_store %arg7[%swap3A_189, %swap3A_190], %broadcast_in_dim3A_0 {strides = array<i32>} : memref<128x32xf32, #tpu.memory_space<vmem>>, vector<16xf32>,
    %swap3A_192 = arith.constant 24 : i32
    %swap3A_193 = arith.index_cast %swap3A_192 : i32 to index
    %swap3A_194 = arith.constant 0 : index
    %swap3A_195 = tpu.vector_load %arg7[%swap3A_193, %swap3A_194] {strides = array<i32>} : memref<128x32xf32, #tpu.memory_space<vmem>>, vector<16xf32>,
    tpu.vector_store %arg7[%swap3A_193, %swap3A_194], %broadcast_in_dim3A_0 {strides = array<i32>} : memref<128x32xf32, #tpu.memory_space<vmem>>, vector<16xf32>,
    %swap3A_196 = arith.constant 24 : i32
    %swap3A_197 = arith.index_cast %swap3A_196 : i32 to index
    %swap3A_198 = arith.constant 16 : index
    %swap3A_199 = tpu.vector_load %arg7[%swap3A_197, %swap3A_198] {strides = array<i32>} : memref<128x32xf32, #tpu.memory_space<vmem>>, vector<16xf32>,
    tpu.vector_store %arg7[%swap3A_197, %swap3A_198], %broadcast_in_dim3A_0 {strides = array<i32>} : memref<128x32xf32, #tpu.memory_space<vmem>>, vector<16xf32>,
    %swap3A_200 = arith.constant 25 : i32
    %swap3A_201 = arith.index_cast %swap3A_200 : i32 to index
    %swap3A_202 = arith.constant 0 : index
    %swap3A_203 = tpu.vector_load %arg7[%swap3A_201, %swap3A_202] {strides = array<i32>} : memref<128x32xf32, #tpu.memory_space<vmem>>, vector<16xf32>,
    tpu.vector_store %arg7[%swap3A_201, %swap3A_202], %broadcast_in_dim3A_0 {strides = array<i32>} : memref<128x32xf32, #tpu.memory_space<vmem>>, vector<16xf32>,
    %swap3A_204 = arith.constant 25 : i32
    %swap3A_205 = arith.index_cast %swap3A_204 : i32 to index
    %swap3A_206 = arith.constant 16 : index
    %swap3A_207 = tpu.vector_load %arg7[%swap3A_205, %swap3A_206] {strides = array<i32>} : memref<128x32xf32, #tpu.memory_space<vmem>>, vector<16xf32>,
    tpu.vector_store %arg7[%swap3A_205, %swap3A_206], %broadcast_in_dim3A_0 {strides = array<i32>} : memref<128x32xf32, #tpu.memory_space<vmem>>, vector<16xf32>,
    %swap3A_208 = arith.constant 26 : i32
    %swap3A_209 = arith.index_cast %swap3A_208 : i32 to index
    %swap3A_210 = arith.constant 0 : index
    %swap3A_211 = tpu.vector_load %arg7[%swap3A_209, %swap3A_210] {strides = array<i32>} : memref<128x32xf32, #tpu.memory_space<vmem>>, vector<16xf32>,
    tpu.vector_store %arg7[%swap3A_209, %swap3A_210], %broadcast_in_dim3A_0 {strides = array<i32>} : memref<128x32xf32, #tpu.memory_space<vmem>>, vector<16xf32>,
    %swap3A_212 = arith.constant 26 : i32
    %swap3A_213 = arith.index_cast %swap3A_212 : i32 to index
    %swap3A_214 = arith.constant 16 : index
    %swap3A_215 = tpu.vector_load %arg7[%swap3A_213, %swap3A_214] {strides = array<i32>} : memref<128x32xf32, #tpu.memory_space<vmem>>, vector<16xf32>,
    tpu.vector_store %arg7[%swap3A_213, %swap3A_214], %broadcast_in_dim3A_0 {strides = array<i32>} : memref<128x32xf32, #tpu.memory_space<vmem>>, vector<16xf32>,
    %swap3A_216 = arith.constant 27 : i32
    %swap3A_217 = arith.index_cast %swap3A_216 : i32 to index
    %swap3A_218 = arith.constant 0 : index
    %swap3A_219 = tpu.vector_load %arg7[%swap3A_217, %swap3A_218] {strides = array<i32>} : memref<128x32xf32, #tpu.memory_space<vmem>>, vector<16xf32>,
    tpu.vector_store %arg7[%swap3A_217, %swap3A_218], %broadcast_in_dim3A_0 {strides = array<i32>} : memref<128x32xf32, #tpu.memory_space<vmem>>, vector<16xf32>,
    %swap3A_220 = arith.constant 27 : i32
    %swap3A_221 = arith.index_cast %swap3A_220 : i32 to index
    %swap3A_222 = arith.constant 16 : index
    %swap3A_223 = tpu.vector_load %arg7[%swap3A_221, %swap3A_222] {strides = array<i32>} : memref<128x32xf32, #tpu.memory_space<vmem>>, vector<16xf32>,
    tpu.vector_store %arg7[%swap3A_221, %swap3A_222], %broadcast_in_dim3A_0 {strides = array<i32>} : memref<128x32xf32, #tpu.memory_space<vmem>>, vector<16xf32>,
    %swap3A_224 = arith.constant 28 : i32
    %swap3A_225 = arith.index_cast %swap3A_224 : i32 to index
    %swap3A_226 = arith.constant 0 : index
    %swap3A_227 = tpu.vector_load %arg7[%swap3A_225, %swap3A_226] {strides = array<i32>} : memref<128x32xf32, #tpu.memory_space<vmem>>, vector<16xf32>,
    tpu.vector_store %arg7[%swap3A_225, %swap3A_226], %broadcast_in_dim3A_0 {strides = array<i32>} : memref<128x32xf32, #tpu.memory_space<vmem>>, vector<16xf32>,
    %swap3A_228 = arith.constant 28 : i32
    %swap3A_229 = arith.index_cast %swap3A_228 : i32 to index
    %swap3A_230 = arith.constant 16 : index
    %swap3A_231 = tpu.vector_load %arg7[%swap3A_229, %swap3A_230] {strides = array<i32>} : memref<128x32xf32, #tpu.memory_space<vmem>>, vector<16xf32>,
    tpu.vector_store %arg7[%swap3A_229, %swap3A_230], %broadcast_in_dim3A_0 {strides = array<i32>} : memref<128x32xf32, #tpu.memory_space<vmem>>, vector<16xf32>,
    %swap3A_232 = arith.constant 29 : i32
    %swap3A_233 = arith.index_cast %swap3A_232 : i32 to index
    %swap3A_234 = arith.constant 0 : index
    %swap3A_235 = tpu.vector_load %arg7[%swap3A_233, %swap3A_234] {strides = array<i32>} : memref<128x32xf32, #tpu.memory_space<vmem>>, vector<16xf32>,
    tpu.vector_store %arg7[%swap3A_233, %swap3A_234], %broadcast_in_dim3A_0 {strides = array<i32>} : memref<128x32xf32, #tpu.memory_space<vmem>>, vector<16xf32>,
    %swap3A_236 = arith.constant 29 : i32
    %swap3A_237 = arith.index_cast %swap3A_236 : i32 to index
    %swap3A_238 = arith.constant 16 : index
    %swap3A_239 = tpu.vector_load %arg7[%swap3A_237, %swap3A_238] {strides = array<i32>} : memref<128x32xf32, #tpu.memory_space<vmem>>, vector<16xf32>,
    tpu.vector_store %arg7[%swap3A_237, %swap3A_238], %broadcast_in_dim3A_0 {strides = array<i32>} : memref<128x32xf32, #tpu.memory_space<vmem>>, vector<16xf32>,
    %swap3A_240 = arith.constant 30 : i32
    %swap3A_241 = arith.index_cast %swap3A_240 : i32 to index
    %swap3A_242 = arith.constant 0 : index
    %swap3A_243 = tpu.vector_load %arg7[%swap3A_241, %swap3A_242] {strides = array<i32>} : memref<128x32xf32, #tpu.memory_space<vmem>>, vector<16xf32>,
    tpu.vector_store %arg7[%swap3A_241, %swap3A_242], %broadcast_in_dim3A_0 {strides = array<i32>} : memref<128x32xf32, #tpu.memory_space<vmem>>, vector<16xf32>,
    %swap3A_244 = arith.constant 30 : i32
    %swap3A_245 = arith.index_cast %swap3A_244 : i32 to index
    %swap3A_246 = arith.constant 16 : index
    %swap3A_247 = tpu.vector_load %arg7[%swap3A_245, %swap3A_246] {strides = array<i32>} : memref<128x32xf32, #tpu.memory_space<vmem>>, vector<16xf32>,
    tpu.vector_store %arg7[%swap3A_245, %swap3A_246], %broadcast_in_dim3A_0 {strides = array<i32>} : memref<128x32xf32, #tpu.memory_space<vmem>>, vector<16xf32>,
    %swap3A_248 = arith.constant 31 : i32
    %swap3A_249 = arith.index_cast %swap3A_248 : i32 to index
    %swap3A_250 = arith.constant 0 : index
    %swap3A_251 = tpu.vector_load %arg7[%swap3A_249, %swap3A_250] {strides = array<i32>} : memref<128x32xf32, #tpu.memory_space<vmem>>, vector<16xf32>,
    tpu.vector_store %arg7[%swap3A_249, %swap3A_250], %broadcast_in_dim3A_0 {strides = array<i32>} : memref<128x32xf32, #tpu.memory_space<vmem>>, vector<16xf32>,
    %swap3A_252 = arith.constant 31 : i32
    %swap3A_253 = arith.index_cast %swap3A_252 : i32 to index
    %swap3A_254 = arith.constant 16 : index
    %swap3A_255 = tpu.vector_load %arg7[%swap3A_253, %swap3A_254] {strides = array<i32>} : memref<128x32xf32, #tpu.memory_space<vmem>>, vector<16xf32>,
    tpu.vector_store %arg7[%swap3A_253, %swap3A_254], %broadcast_in_dim3A_0 {strides = array<i32>} : memref<128x32xf32, #tpu.memory_space<vmem>>, vector<16xf32>,
    %swap3A_256 = arith.constant 32 : i32
    %swap3A_257 = arith.index_cast %swap3A_256 : i32 to index
    %swap3A_258 = arith.constant 0 : index
    %swap3A_259 = tpu.vector_load %arg7[%swap3A_257, %swap3A_258] {strides = array<i32>} : memref<128x32xf32, #tpu.memory_space<vmem>>, vector<16xf32>,
    tpu.vector_store %arg7[%swap3A_257, %swap3A_258], %broadcast_in_dim3A_0 {strides = array<i32>} : memref<128x32xf32, #tpu.memory_space<vmem>>, vector<16xf32>,
    %swap3A_260 = arith.constant 32 : i32
    %swap3A_261 = arith.index_cast %swap3A_260 : i32 to index
    %swap3A_262 = arith.constant 16 : index
    %swap3A_263 = tpu.vector_load %arg7[%swap3A_261, %swap3A_262] {strides = array<i32>} : memref<128x32xf32, #tpu.memory_space<vmem>>, vector<16xf32>,
    tpu.vector_store %arg7[%swap3A_261, %swap3A_262], %broadcast_in_dim3A_0 {strides = array<i32>} : memref<128x32xf32, #tpu.memory_space<vmem>>, vector<16xf32>,
    %swap3A_264 = arith.constant 33 : i32
    %swap3A_265 = arith.index_cast %swap3A_264 : i32 to index
    %swap3A_266 = arith.constant 0 : index
    %swap3A_267 = tpu.vector_load %arg7[%swap3A_265, %swap3A_266] {strides = array<i32>} : memref<128x32xf32, #tpu.memory_space<vmem>>, vector<16xf32>,
    tpu.vector_store %arg7[%swap3A_265, %swap3A_266], %broadcast_in_dim3A_0 {strides = array<i32>} : memref<128x32xf32, #tpu.memory_space<vmem>>, vector<16xf32>,
    %swap3A_268 = arith.constant 33 : i32
    %swap3A_269 = arith.index_cast %swap3A_268 : i32 to index
    %swap3A_270 = arith.constant 16 : index
    %swap3A_271 = tpu.vector_load %arg7[%swap3A_269, %swap3A_270] {strides = array<i32>} : memref<128x32xf32, #tpu.memory_space<vmem>>, vector<16xf32>,
    tpu.vector_store %arg7[%swap3A_269, %swap3A_270], %broadcast_in_dim3A_0 {strides = array<i32>} : memref<128x32xf32, #tpu.memory_space<vmem>>, vector<16xf32>,
    %swap3A_272 = arith.constant 34 : i32
    %swap3A_273 = arith.index_cast %swap3A_272 : i32 to index
    %swap3A_274 = arith.constant 0 : index
    %swap3A_275 = tpu.vector_load %arg7[%swap3A_273, %swap3A_274] {strides = array<i32>} : memref<128x32xf32, #tpu.memory_space<vmem>>, vector<16xf32>,
    tpu.vector_store %arg7[%swap3A_273, %swap3A_274], %broadcast_in_dim3A_0 {strides = array<i32>} : memref<128x32xf32, #tpu.memory_space<vmem>>, vector<16xf32>,
    %swap3A_276 = arith.constant 34 : i32
    %swap3A_277 = arith.index_cast %swap3A_276 : i32 to index
    %swap3A_278 = arith.constant 16 : index
    %swap3A_279 = tpu.vector_load %arg7[%swap3A_277, %swap3A_278] {strides = array<i32>} : memref<128x32xf32, #tpu.memory_space<vmem>>, vector<16xf32>,
    tpu.vector_store %arg7[%swap3A_277, %swap3A_278], %broadcast_in_dim3A_0 {strides = array<i32>} : memref<128x32xf32, #tpu.memory_space<vmem>>, vector<16xf32>,
    %swap3A_280 = arith.constant 35 : i32
    %swap3A_281 = arith.index_cast %swap3A_280 : i32 to index
    %swap3A_282 = arith.constant 0 : index
    %swap3A_283 = tpu.vector_load %arg7[%swap3A_281, %swap3A_282] {strides = array<i32>} : memref<128x32xf32, #tpu.memory_space<vmem>>, vector<16xf32>,
    tpu.vector_store %arg7[%swap3A_281, %swap3A_282], %broadcast_in_dim3A_0 {strides = array<i32>} : memref<128x32xf32, #tpu.memory_space<vmem>>, vector<16xf32>,
    %swap3A_284 = arith.constant 35 : i32
    %swap3A_285 = arith.index_cast %swap3A_284 : i32 to index
    %swap3A_286 = arith.constant 16 : index
    %swap3A_287 = tpu.vector_load %arg7[%swap3A_285, %swap3A_286] {strides = array<i32>} : memref<128x32xf32, #tpu.memory_space<vmem>>, vector<16xf32>,
    tpu.vector_store %arg7[%swap3A_285, %swap3A_286], %broadcast_in_dim3A_0 {strides = array<i32>} : memref<128x32xf32, #tpu.memory_space<vmem>>, vector<16xf32>,
    %swap3A_288 = arith.constant 36 : i32
    %swap3A_289 = arith.index_cast %swap3A_288 : i32 to index
    %swap3A_290 = arith.constant 0 : index
    %swap3A_291 = tpu.vector_load %arg7[%swap3A_289, %swap3A_290] {strides = array<i32>} : memref<128x32xf32, #tpu.memory_space<vmem>>, vector<16xf32>,
    tpu.vector_store %arg7[%swap3A_289, %swap3A_290], %broadcast_in_dim3A_0 {strides = array<i32>} : memref<128x32xf32, #tpu.memory_space<vmem>>, vector<16xf32>,
    %swap3A_292 = arith.constant 36 : i32
    %swap3A_293 = arith.index_cast %swap3A_292 : i32 to index
    %swap3A_294 = arith.constant 16 : index
    %swap3A_295 = tpu.vector_load %arg7[%swap3A_293, %swap3A_294] {strides = array<i32>} : memref<128x32xf32, #tpu.memory_space<vmem>>, vector<16xf32>,
    tpu.vector_store %arg7[%swap3A_293, %swap3A_294], %broadcast_in_dim3A_0 {strides = array<i32>} : memref<128x32xf32, #tpu.memory_space<vmem>>, vector<16xf32>,
    %swap3A_296 = arith.constant 37 : i32
    %swap3A_297 = arith.index_cast %swap3A_296 : i32 to index
    %swap3A_298 = arith.constant 0 : index
    %swap3A_299 = tpu.vector_load %arg7[%swap3A_297, %swap3A_298] {strides = array<i32>} : memref<128x32xf32, #tpu.memory_space<vmem>>, vector<16xf32>,
    tpu.vector_store %arg7[%swap3A_297, %swap3A_298], %broadcast_in_dim3A_0 {strides = array<i32>} : memref<128x32xf32, #tpu.memory_space<vmem>>, vector<16xf32>,
    %swap3A_300 = arith.constant 37 : i32
    %swap3A_301 = arith.index_cast %swap3A_300 : i32 to index
    %swap3A_302 = arith.constant 16 : index
    %swap3A_303 = tpu.vector_load %arg7[%swap3A_301, %swap3A_302] {strides = array<i32>} : memref<128x32xf32, #tpu.memory_space<vmem>>, vector<16xf32>,
    tpu.vector_store %arg7[%swap3A_301, %swap3A_302], %broadcast_in_dim3A_0 {strides = array<i32>} : memref<128x32xf32, #tpu.memory_space<vmem>>, vector<16xf32>,
    %swap3A_304 = arith.constant 38 : i32
    %swap3A_305 = arith.index_cast %swap3A_304 : i32 to index
    %swap3A_306 = arith.constant 0 : index
    %swap3A_307 = tpu.vector_load %arg7[%swap3A_305, %swap3A_306] {strides = array<i32>} : memref<128x32xf32, #tpu.memory_space<vmem>>, vector<16xf32>,
    tpu.vector_store %arg7[%swap3A_305, %swap3A_306], %broadcast_in_dim3A_0 {strides = array<i32>} : memref<128x32xf32, #tpu.memory_space<vmem>>, vector<16xf32>,
    %swap3A_308 = arith.constant 38 : i32
    %swap3A_309 = arith.index_cast %swap3A_308 : i32 to index
    %swap3A_310 = arith.constant 16 : index
    %swap3A_311 = tpu.vector_load %arg7[%swap3A_309, %swap3A_310] {strides = array<i32>} : memref<128x32xf32, #tpu.memory_space<vmem>>, vector<16xf32>,
    tpu.vector_store %arg7[%swap3A_309, %swap3A_310], %broadcast_in_dim3A_0 {strides = array<i32>} : memref<128x32xf32, #tpu.memory_space<vmem>>, vector<16xf32>,
    %swap3A_312 = arith.constant 39 : i32
    %swap3A_313 = arith.index_cast %swap3A_312 : i32 to index
    %swap3A_314 = arith.constant 0 : index
    %swap3A_315 = tpu.vector_load %arg7[%swap3A_313, %swap3A_314] {strides = array<i32>} : memref<128x32xf32, #tpu.memory_space<vmem>>, vector<16xf32>,
    tpu.vector_store %arg7[%swap3A_313, %swap3A_314], %broadcast_in_dim3A_0 {strides = array<i32>} : memref<128x32xf32, #tpu.memory_space<vmem>>, vector<16xf32>,
    %swap3A_316 = arith.constant 39 : i32
    %swap3A_317 = arith.index_cast %swap3A_316 : i32 to index
    %swap3A_318 = arith.constant 16 : index
    %swap3A_319 = tpu.vector_load %arg7[%swap3A_317, %swap3A_318] {strides = array<i32>} : memref<128x32xf32, #tpu.memory_space<vmem>>, vector<16xf32>,
    tpu.vector_store %arg7[%swap3A_317, %swap3A_318], %broadcast_in_dim3A_0 {strides = array<i32>} : memref<128x32xf32, #tpu.memory_space<vmem>>, vector<16xf32>,
    %swap3A_320 = arith.constant 40 : i32
    %swap3A_321 = arith.index_cast %swap3A_320 : i32 to index
    %swap3A_322 = arith.constant 0 : index
    %swap3A_323 = tpu.vector_load %arg7[%swap3A_321, %swap3A_322] {strides = array<i32>} : memref<128x32xf32, #tpu.memory_space<vmem>>, vector<16xf32>,
    tpu.vector_store %arg7[%swap3A_321, %swap3A_322], %broadcast_in_dim3A_0 {strides = array<i32>} : memref<128x32xf32, #tpu.memory_space<vmem>>, vector<16xf32>,
    %swap3A_324 = arith.constant 40 : i32
    %swap3A_325 = arith.index_cast %swap3A_324 : i32 to index
    %swap3A_326 = arith.constant 16 : index
    %swap3A_327 = tpu.vector_load %arg7[%swap3A_325, %swap3A_326] {strides = array<i32>} : memref<128x32xf32, #tpu.memory_space<vmem>>, vector<16xf32>,
    tpu.vector_store %arg7[%swap3A_325, %swap3A_326], %broadcast_in_dim3A_0 {strides = array<i32>} : memref<128x32xf32, #tpu.memory_space<vmem>>, vector<16xf32>,
    %swap3A_328 = arith.constant 41 : i32
    %swap3A_329 = arith.index_cast %swap3A_328 : i32 to index
    %swap3A_330 = arith.constant 0 : index
    %swap3A_331 = tpu.vector_load %arg7[%swap3A_329, %swap3A_330] {strides = array<i32>} : memref<128x32xf32, #tpu.memory_space<vmem>>, vector<16xf32>,
    tpu.vector_store %arg7[%swap3A_329, %swap3A_330], %broadcast_in_dim3A_0 {strides = array<i32>} : memref<128x32xf32, #tpu.memory_space<vmem>>, vector<16xf32>,
    %swap3A_332 = arith.constant 41 : i32
    %swap3A_333 = arith.index_cast %swap3A_332 : i32 to index
    %swap3A_334 = arith.constant 16 : index
    %swap3A_335 = tpu.vector_load %arg7[%swap3A_333, %swap3A_334] {strides = array<i32>} : memref<128x32xf32, #tpu.memory_space<vmem>>, vector<16xf32>,
    tpu.vector_store %arg7[%swap3A_333, %swap3A_334], %broadcast_in_dim3A_0 {strides = array<i32>} : memref<128x32xf32, #tpu.memory_space<vmem>>, vector<16xf32>,
    %swap3A_336 = arith.constant 42 : i32
    %swap3A_337 = arith.index_cast %swap3A_336 : i32 to index
    %swap3A_338 = arith.constant 0 : index
    %swap3A_339 = tpu.vector_load %arg7[%swap3A_337, %swap3A_338] {strides = array<i32>} : memref<128x32xf32, #tpu.memory_space<vmem>>, vector<16xf32>,
    tpu.vector_store %arg7[%swap3A_337, %swap3A_338], %broadcast_in_dim3A_0 {strides = array<i32>} : memref<128x32xf32, #tpu.memory_space<vmem>>, vector<16xf32>,
    %swap3A_340 = arith.constant 42 : i32
    %swap3A_341 = arith.index_cast %swap3A_340 : i32 to index
    %swap3A_342 = arith.constant 16 : index
    %swap3A_343 = tpu.vector_load %arg7[%swap3A_341, %swap3A_342] {strides = array<i32>} : memref<128x32xf32, #tpu.memory_space<vmem>>, vector<16xf32>,
    tpu.vector_store %arg7[%swap3A_341, %swap3A_342], %broadcast_in_dim3A_0 {strides = array<i32>} : memref<128x32xf32, #tpu.memory_space<vmem>>, vector<16xf32>,
    %swap3A_344 = arith.constant 43 : i32
    %swap3A_345 = arith.index_cast %swap3A_344 : i32 to index
    %swap3A_346 = arith.constant 0 : index
    %swap3A_347 = tpu.vector_load %arg7[%swap3A_345, %swap3A_346] {strides = array<i32>} : memref<128x32xf32, #tpu.memory_space<vmem>>, vector<16xf32>,
    tpu.vector_store %arg7[%swap3A_345, %swap3A_346], %broadcast_in_dim3A_0 {strides = array<i32>} : memref<128x32xf32, #tpu.memory_space<vmem>>, vector<16xf32>,
    %swap3A_348 = arith.constant 43 : i32
    %swap3A_349 = arith.index_cast %swap3A_348 : i32 to index
    %swap3A_350 = arith.constant 16 : index
    %swap3A_351 = tpu.vector_load %arg7[%swap3A_349, %swap3A_350] {strides = array<i32>} : memref<128x32xf32, #tpu.memory_space<vmem>>, vector<16xf32>,
    tpu.vector_store %arg7[%swap3A_349, %swap3A_350], %broadcast_in_dim3A_0 {strides = array<i32>} : memref<128x32xf32, #tpu.memory_space<vmem>>, vector<16xf32>,
    %swap3A_352 = arith.constant 44 : i32
    %swap3A_353 = arith.index_cast %swap3A_352 : i32 to index
    %swap3A_354 = arith.constant 0 : index
    %swap3A_355 = tpu.vector_load %arg7[%swap3A_353, %swap3A_354] {strides = array<i32>} : memref<128x32xf32, #tpu.memory_space<vmem>>, vector<16xf32>,
    tpu.vector_store %arg7[%swap3A_353, %swap3A_354], %broadcast_in_dim3A_0 {strides = array<i32>} : memref<128x32xf32, #tpu.memory_space<vmem>>, vector<16xf32>,
    %swap3A_356 = arith.constant 44 : i32
    %swap3A_357 = arith.index_cast %swap3A_356 : i32 to index
    %swap3A_358 = arith.constant 16 : index
    %swap3A_359 = tpu.vector_load %arg7[%swap3A_357, %swap3A_358] {strides = array<i32>} : memref<128x32xf32, #tpu.memory_space<vmem>>, vector<16xf32>,
    tpu.vector_store %arg7[%swap3A_357, %swap3A_358], %broadcast_in_dim3A_0 {strides = array<i32>} : memref<128x32xf32, #tpu.memory_space<vmem>>, vector<16xf32>,
    %swap3A_360 = arith.constant 45 : i32
    %swap3A_361 = arith.index_cast %swap3A_360 : i32 to index
    %swap3A_362 = arith.constant 0 : index
    %swap3A_363 = tpu.vector_load %arg7[%swap3A_361, %swap3A_362] {strides = array<i32>} : memref<128x32xf32, #tpu.memory_space<vmem>>, vector<16xf32>,
    tpu.vector_store %arg7[%swap3A_361, %swap3A_362], %broadcast_in_dim3A_0 {strides = array<i32>} : memref<128x32xf32, #tpu.memory_space<vmem>>, vector<16xf32>,
    %swap3A_364 = arith.constant 45 : i32
    %swap3A_365 = arith.index_cast %swap3A_364 : i32 to index
    %swap3A_366 = arith.constant 16 : index
    %swap3A_367 = tpu.vector_load %arg7[%swap3A_365, %swap3A_366] {strides = array<i32>} : memref<128x32xf32, #tpu.memory_space<vmem>>, vector<16xf32>,
    tpu.vector_store %arg7[%swap3A_365, %swap3A_366], %broadcast_in_dim3A_0 {strides = array<i32>} : memref<128x32xf32, #tpu.memory_space<vmem>>, vector<16xf32>,
    %swap3A_368 = arith.constant 46 : i32
    %swap3A_369 = arith.index_cast %swap3A_368 : i32 to index
    %swap3A_370 = arith.constant 0 : index
    %swap3A_371 = tpu.vector_load %arg7[%swap3A_369, %swap3A_370] {strides = array<i32>} : memref<128x32xf32, #tpu.memory_space<vmem>>, vector<16xf32>,
    tpu.vector_store %arg7[%swap3A_369, %swap3A_370], %broadcast_in_dim3A_0 {strides = array<i32>} : memref<128x32xf32, #tpu.memory_space<vmem>>, vector<16xf32>,
    %swap3A_372 = arith.constant 46 : i32
    %swap3A_373 = arith.index_cast %swap3A_372 : i32 to index
    %swap3A_374 = arith.constant 16 : index
    %swap3A_375 = tpu.vector_load %arg7[%swap3A_373, %swap3A_374] {strides = array<i32>} : memref<128x32xf32, #tpu.memory_space<vmem>>, vector<16xf32>,
    tpu.vector_store %arg7[%swap3A_373, %swap3A_374], %broadcast_in_dim3A_0 {strides = array<i32>} : memref<128x32xf32, #tpu.memory_space<vmem>>, vector<16xf32>,
    %swap3A_376 = arith.constant 47 : i32
    %swap3A_377 = arith.index_cast %swap3A_376 : i32 to index
    %swap3A_378 = arith.constant 0 : index
    %swap3A_379 = tpu.vector_load %arg7[%swap3A_377, %swap3A_378] {strides = array<i32>} : memref<128x32xf32, #tpu.memory_space<vmem>>, vector<16xf32>,
    tpu.vector_store %arg7[%swap3A_377, %swap3A_378], %broadcast_in_dim3A_0 {strides = array<i32>} : memref<128x32xf32, #tpu.memory_space<vmem>>, vector<16xf32>,
    %swap3A_380 = arith.constant 47 : i32
    %swap3A_381 = arith.index_cast %swap3A_380 : i32 to index
    %swap3A_382 = arith.constant 16 : index
    %swap3A_383 = tpu.vector_load %arg7[%swap3A_381, %swap3A_382] {strides = array<i32>} : memref<128x32xf32, #tpu.memory_space<vmem>>, vector<16xf32>,
    tpu.vector_store %arg7[%swap3A_381, %swap3A_382], %broadcast_in_dim3A_0 {strides = array<i32>} : memref<128x32xf32, #tpu.memory_space<vmem>>, vector<16xf32>,
    %swap3A_384 = arith.constant 48 : i32
    %swap3A_385 = arith.index_cast %swap3A_384 : i32 to index
    %swap3A_386 = arith.constant 0 : index
    %swap3A_387 = tpu.vector_load %arg7[%swap3A_385, %swap3A_386] {strides = array<i32>} : memref<128x32xf32, #tpu.memory_space<vmem>>, vector<16xf32>,
    tpu.vector_store %arg7[%swap3A_385, %swap3A_386], %broadcast_in_dim3A_0 {strides = array<i32>} : memref<128x32xf32, #tpu.memory_space<vmem>>, vector<16xf32>,
    %swap3A_388 = arith.constant 48 : i32
    %swap3A_389 = arith.index_cast %swap3A_388 : i32 to index
    %swap3A_390 = arith.constant 16 : index
    %swap3A_391 = tpu.vector_load %arg7[%swap3A_389, %swap3A_390] {strides = array<i32>} : memref<128x32xf32, #tpu.memory_space<vmem>>, vector<16xf32>,
    tpu.vector_store %arg7[%swap3A_389, %swap3A_390], %broadcast_in_dim3A_0 {strides = array<i32>} : memref<128x32xf32, #tpu.memory_space<vmem>>, vector<16xf32>,
    %swap3A_392 = arith.constant 49 : i32
    %swap3A_393 = arith.index_cast %swap3A_392 : i32 to index
    %swap3A_394 = arith.constant 0 : index
    %swap3A_395 = tpu.vector_load %arg7[%swap3A_393, %swap3A_394] {strides = array<i32>} : memref<128x32xf32, #tpu.memory_space<vmem>>, vector<16xf32>,
    tpu.vector_store %arg7[%swap3A_393, %swap3A_394], %broadcast_in_dim3A_0 {strides = array<i32>} : memref<128x32xf32, #tpu.memory_space<vmem>>, vector<16xf32>,
    %swap3A_396 = arith.constant 49 : i32
    %swap3A_397 = arith.index_cast %swap3A_396 : i32 to index
    %swap3A_398 = arith.constant 16 : index
    %swap3A_399 = tpu.vector_load %arg7[%swap3A_397, %swap3A_398] {strides = array<i32>} : memref<128x32xf32, #tpu.memory_space<vmem>>, vector<16xf32>,
    tpu.vector_store %arg7[%swap3A_397, %swap3A_398], %broadcast_in_dim3A_0 {strides = array<i32>} : memref<128x32xf32, #tpu.memory_space<vmem>>, vector<16xf32>,
    %swap3A_400 = arith.constant 50 : i32
    %swap3A_401 = arith.index_cast %swap3A_400 : i32 to index
    %swap3A_402 = arith.constant 0 : index
    %swap3A_403 = tpu.vector_load %arg7[%swap3A_401, %swap3A_402] {strides = array<i32>} : memref<128x32xf32, #tpu.memory_space<vmem>>, vector<16xf32>,
    tpu.vector_store %arg7[%swap3A_401, %swap3A_402], %broadcast_in_dim3A_0 {strides = array<i32>} : memref<128x32xf32, #tpu.memory_space<vmem>>, vector<16xf32>,
    %swap3A_404 = arith.constant 50 : i32
    %swap3A_405 = arith.index_cast %swap3A_404 : i32 to index
    %swap3A_406 = arith.constant 16 : index
    %swap3A_407 = tpu.vector_load %arg7[%swap3A_405, %swap3A_406] {strides = array<i32>} : memref<128x32xf32, #tpu.memory_space<vmem>>, vector<16xf32>,
    tpu.vector_store %arg7[%swap3A_405, %swap3A_406], %broadcast_in_dim3A_0 {strides = array<i32>} : memref<128x32xf32, #tpu.memory_space<vmem>>, vector<16xf32>,
    %swap3A_408 = arith.constant 51 : i32
    %swap3A_409 = arith.index_cast %swap3A_408 : i32 to index
    %swap3A_410 = arith.constant 0 : index
    %swap3A_411 = tpu.vector_load %arg7[%swap3A_409, %swap3A_410] {strides = array<i32>} : memref<128x32xf32, #tpu.memory_space<vmem>>, vector<16xf32>,
    tpu.vector_store %arg7[%swap3A_409, %swap3A_410], %broadcast_in_dim3A_0 {strides = array<i32>} : memref<128x32xf32, #tpu.memory_space<vmem>>, vector<16xf32>,
    %swap3A_412 = arith.constant 51 : i32
    %swap3A_413 = arith.index_cast %swap3A_412 : i32 to index
    %swap3A_414 = arith.constant 16 : index
    %swap3A_415 = tpu.vector_load %arg7[%swap3A_413, %swap3A_414] {strides = array<i32>} : memref<128x32xf32, #tpu.memory_space<vmem>>, vector<16xf32>,
    tpu.vector_store %arg7[%swap3A_413, %swap3A_414], %broadcast_in_dim3A_0 {strides = array<i32>} : memref<128x32xf32, #tpu.memory_space<vmem>>, vector<16xf32>,
    %swap3A_416 = arith.constant 52 : i32
    %swap3A_417 = arith.index_cast %swap3A_416 : i32 to index
    %swap3A_418 = arith.constant 0 : index
    %swap3A_419 = tpu.vector_load %arg7[%swap3A_417, %swap3A_418] {strides = array<i32>} : memref<128x32xf32, #tpu.memory_space<vmem>>, vector<16xf32>,
    tpu.vector_store %arg7[%swap3A_417, %swap3A_418], %broadcast_in_dim3A_0 {strides = array<i32>} : memref<128x32xf32, #tpu.memory_space<vmem>>, vector<16xf32>,
    %swap3A_420 = arith.constant 52 : i32
    %swap3A_421 = arith.index_cast %swap3A_420 : i32 to index
    %swap3A_422 = arith.constant 16 : index
    %swap3A_423 = tpu.vector_load %arg7[%swap3A_421, %swap3A_422] {strides = array<i32>} : memref<128x32xf32, #tpu.memory_space<vmem>>, vector<16xf32>,
    tpu.vector_store %arg7[%swap3A_421, %swap3A_422], %broadcast_in_dim3A_0 {strides = array<i32>} : memref<128x32xf32, #tpu.memory_space<vmem>>, vector<16xf32>,
    %swap3A_424 = arith.constant 53 : i32
    %swap3A_425 = arith.index_cast %swap3A_424 : i32 to index
    %swap3A_426 = arith.constant 0 : index
    %swap3A_427 = tpu.vector_load %arg7[%swap3A_425, %swap3A_426] {strides = array<i32>} : memref<128x32xf32, #tpu.memory_space<vmem>>, vector<16xf32>,
    tpu.vector_store %arg7[%swap3A_425, %swap3A_426], %broadcast_in_dim3A_0 {strides = array<i32>} : memref<128x32xf32, #tpu.memory_space<vmem>>, vector<16xf32>,
    %swap3A_428 = arith.constant 53 : i32
    %swap3A_429 = arith.index_cast %swap3A_428 : i32 to index
    %swap3A_430 = arith.constant 16 : index
    %swap3A_431 = tpu.vector_load %arg7[%swap3A_429, %swap3A_430] {strides = array<i32>} : memref<128x32xf32, #tpu.memory_space<vmem>>, vector<16xf32>,
    tpu.vector_store %arg7[%swap3A_429, %swap3A_430], %broadcast_in_dim3A_0 {strides = array<i32>} : memref<128x32xf32, #tpu.memory_space<vmem>>, vector<16xf32>,
    %swap3A_432 = arith.constant 54 : i32
    %swap3A_433 = arith.index_cast %swap3A_432 : i32 to index
    %swap3A_434 = arith.constant 0 : index
    %swap3A_435 = tpu.vector_load %arg7[%swap3A_433, %swap3A_434] {strides = array<i32>} : memref<128x32xf32, #tpu.memory_space<vmem>>, vector<16xf32>,
    tpu.vector_store %arg7[%swap3A_433, %swap3A_434], %broadcast_in_dim3A_0 {strides = array<i32>} : memref<128x32xf32, #tpu.memory_space<vmem>>, vector<16xf32>,
    %swap3A_436 = arith.constant 54 : i32
    %swap3A_437 = arith.index_cast %swap3A_436 : i32 to index
    %swap3A_438 = arith.constant 16 : index
    %swap3A_439 = tpu.vector_load %arg7[%swap3A_437, %swap3A_438] {strides = array<i32>} : memref<128x32xf32, #tpu.memory_space<vmem>>, vector<16xf32>,
    tpu.vector_store %arg7[%swap3A_437, %swap3A_438], %broadcast_in_dim3A_0 {strides = array<i32>} : memref<128x32xf32, #tpu.memory_space<vmem>>, vector<16xf32>,
    %swap3A_440 = arith.constant 55 : i32
    %swap3A_441 = arith.index_cast %swap3A_440 : i32 to index
    %swap3A_442 = arith.constant 0 : index
    %swap3A_443 = tpu.vector_load %arg7[%swap3A_441, %swap3A_442] {strides = array<i32>} : memref<128x32xf32, #tpu.memory_space<vmem>>, vector<16xf32>,
    tpu.vector_store %arg7[%swap3A_441, %swap3A_442], %broadcast_in_dim3A_0 {strides = array<i32>} : memref<128x32xf32, #tpu.memory_space<vmem>>, vector<16xf32>,
    %swap3A_444 = arith.constant 55 : i32
    %swap3A_445 = arith.index_cast %swap3A_444 : i32 to index
    %swap3A_446 = arith.constant 16 : index
    %swap3A_447 = tpu.vector_load %arg7[%swap3A_445, %swap3A_446] {strides = array<i32>} : memref<128x32xf32, #tpu.memory_space<vmem>>, vector<16xf32>,
    tpu.vector_store %arg7[%swap3A_445, %swap3A_446], %broadcast_in_dim3A_0 {strides = array<i32>} : memref<128x32xf32, #tpu.memory_space<vmem>>, vector<16xf32>,
    %swap3A_448 = arith.constant 56 : i32
    %swap3A_449 = arith.index_cast %swap3A_448 : i32 to index
    %swap3A_450 = arith.constant 0 : index
    %swap3A_451 = tpu.vector_load %arg7[%swap3A_449, %swap3A_450] {strides = array<i32>} : memref<128x32xf32, #tpu.memory_space<vmem>>, vector<16xf32>,
    tpu.vector_store %arg7[%swap3A_449, %swap3A_450], %broadcast_in_dim3A_0 {strides = array<i32>} : memref<128x32xf32, #tpu.memory_space<vmem>>, vector<16xf32>,
    %swap3A_452 = arith.constant 56 : i32
    %swap3A_453 = arith.index_cast %swap3A_452 : i32 to index
    %swap3A_454 = arith.constant 16 : index
    %swap3A_455 = tpu.vector_load %arg7[%swap3A_453, %swap3A_454] {strides = array<i32>} : memref<128x32xf32, #tpu.memory_space<vmem>>, vector<16xf32>,
    tpu.vector_store %arg7[%swap3A_453, %swap3A_454], %broadcast_in_dim3A_0 {strides = array<i32>} : memref<128x32xf32, #tpu.memory_space<vmem>>, vector<16xf32>,
    %swap3A_456 = arith.constant 57 : i32
    %swap3A_457 = arith.index_cast %swap3A_456 : i32 to index
    %swap3A_458 = arith.constant 0 : index
    %swap3A_459 = tpu.vector_load %arg7[%swap3A_457, %swap3A_458] {strides = array<i32>} : memref<128x32xf32, #tpu.memory_space<vmem>>, vector<16xf32>,
    tpu.vector_store %arg7[%swap3A_457, %swap3A_458], %broadcast_in_dim3A_0 {strides = array<i32>} : memref<128x32xf32, #tpu.memory_space<vmem>>, vector<16xf32>,
    %swap3A_460 = arith.constant 57 : i32
    %swap3A_461 = arith.index_cast %swap3A_460 : i32 to index
    %swap3A_462 = arith.constant 16 : index
    %swap3A_463 = tpu.vector_load %arg7[%swap3A_461, %swap3A_462] {strides = array<i32>} : memref<128x32xf32, #tpu.memory_space<vmem>>, vector<16xf32>,
    tpu.vector_store %arg7[%swap3A_461, %swap3A_462], %broadcast_in_dim3A_0 {strides = array<i32>} : memref<128x32xf32, #tpu.memory_space<vmem>>, vector<16xf32>,
    %swap3A_464 = arith.constant 58 : i32
    %swap3A_465 = arith.index_cast %swap3A_464 : i32 to index
    %swap3A_466 = arith.constant 0 : index
    %swap3A_467 = tpu.vector_load %arg7[%swap3A_465, %swap3A_466] {strides = array<i32>} : memref<128x32xf32, #tpu.memory_space<vmem>>, vector<16xf32>,
    tpu.vector_store %arg7[%swap3A_465, %swap3A_466], %broadcast_in_dim3A_0 {strides = array<i32>} : memref<128x32xf32, #tpu.memory_space<vmem>>, vector<16xf32>,
    %swap3A_468 = arith.constant 58 : i32
    %swap3A_469 = arith.index_cast %swap3A_468 : i32 to index
    %swap3A_470 = arith.constant 16 : index
    %swap3A_471 = tpu.vector_load %arg7[%swap3A_469, %swap3A_470] {strides = array<i32>} : memref<128x32xf32, #tpu.memory_space<vmem>>, vector<16xf32>,
    tpu.vector_store %arg7[%swap3A_469, %swap3A_470], %broadcast_in_dim3A_0 {strides = array<i32>} : memref<128x32xf32, #tpu.memory_space<vmem>>, vector<16xf32>,
    %swap3A_472 = arith.constant 59 : i32
    %swap3A_473 = arith.index_cast %swap3A_472 : i32 to index
    %swap3A_474 = arith.constant 0 : index
    %swap3A_475 = tpu.vector_load %arg7[%swap3A_473, %swap3A_474] {strides = array<i32>} : memref<128x32xf32, #tpu.memory_space<vmem>>, vector<16xf32>,
    tpu.vector_store %arg7[%swap3A_473, %swap3A_474], %broadcast_in_dim3A_0 {strides = array<i32>} : memref<128x32xf32, #tpu.memory_space<vmem>>, vector<16xf32>,
    %swap3A_476 = arith.constant 59 : i32
    %swap3A_477 = arith.index_cast %swap3A_476 : i32 to index
    %swap3A_478 = arith.constant 16 : index
    %swap3A_479 = tpu.vector_load %arg7[%swap3A_477, %swap3A_478] {strides = array<i32>} : memref<128x32xf32, #tpu.memory_space<vmem>>, vector<16xf32>,
    tpu.vector_store %arg7[%swap3A_477, %swap3A_478], %broadcast_in_dim3A_0 {strides = array<i32>} : memref<128x32xf32, #tpu.memory_space<vmem>>, vector<16xf32>,
    %swap3A_480 = arith.constant 60 : i32
    %swap3A_481 = arith.index_cast %swap3A_480 : i32 to index
    %swap3A_482 = arith.constant 0 : index
    %swap3A_483 = tpu.vector_load %arg7[%swap3A_481, %swap3A_482] {strides = array<i32>} : memref<128x32xf32, #tpu.memory_space<vmem>>, vector<16xf32>,
    tpu.vector_store %arg7[%swap3A_481, %swap3A_482], %broadcast_in_dim3A_0 {strides = array<i32>} : memref<128x32xf32, #tpu.memory_space<vmem>>, vector<16xf32>,
    %swap3A_484 = arith.constant 60 : i32
    %swap3A_485 = arith.index_cast %swap3A_484 : i32 to index
    %swap3A_486 = arith.constant 16 : index
    %swap3A_487 = tpu.vector_load %arg7[%swap3A_485, %swap3A_486] {strides = array<i32>} : memref<128x32xf32, #tpu.memory_space<vmem>>, vector<16xf32>,
    tpu.vector_store %arg7[%swap3A_485, %swap3A_486], %broadcast_in_dim3A_0 {strides = array<i32>} : memref<128x32xf32, #tpu.memory_space<vmem>>, vector<16xf32>,
    %swap3A_488 = arith.constant 61 : i32
    %swap3A_489 = arith.index_cast %swap3A_488 : i32 to index
    %swap3A_490 = arith.constant 0 : index
    %swap3A_491 = tpu.vector_load %arg7[%swap3A_489, %swap3A_490] {strides = array<i32>} : memref<128x32xf32, #tpu.memory_space<vmem>>, vector<16xf32>,
    tpu.vector_store %arg7[%swap3A_489, %swap3A_490], %broadcast_in_dim3A_0 {strides = array<i32>} : memref<128x32xf32, #tpu.memory_space<vmem>>, vector<16xf32>,
    %swap3A_492 = arith.constant 61 : i32
    %swap3A_493 = arith.index_cast %swap3A_492 : i32 to index
    %swap3A_494 = arith.constant 16 : index
    %swap3A_495 = tpu.vector_load %arg7[%swap3A_493, %swap3A_494] {strides = array<i32>} : memref<128x32xf32, #tpu.memory_space<vmem>>, vector<16xf32>,
    tpu.vector_store %arg7[%swap3A_493, %swap3A_494], %broadcast_in_dim3A_0 {strides = array<i32>} : memref<128x32xf32, #tpu.memory_space<vmem>>, vector<16xf32>,
    %swap3A_496 = arith.constant 62 : i32
    %swap3A_497 = arith.index_cast %swap3A_496 : i32 to index
    %swap3A_498 = arith.constant 0 : index
    %swap3A_499 = tpu.vector_load %arg7[%swap3A_497, %swap3A_498] {strides = array<i32>} : memref<128x32xf32, #tpu.memory_space<vmem>>, vector<16xf32>,
    tpu.vector_store %arg7[%swap3A_497, %swap3A_498], %broadcast_in_dim3A_0 {strides = array<i32>} : memref<128x32xf32, #tpu.memory_space<vmem>>, vector<16xf32>,
    %swap3A_500 = arith.constant 62 : i32
    %swap3A_501 = arith.index_cast %swap3A_500 : i32 to index
    %swap3A_502 = arith.constant 16 : index
    %swap3A_503 = tpu.vector_load %arg7[%swap3A_501, %swap3A_502] {strides = array<i32>} : memref<128x32xf32, #tpu.memory_space<vmem>>, vector<16xf32>,
    tpu.vector_store %arg7[%swap3A_501, %swap3A_502], %broadcast_in_dim3A_0 {strides = array<i32>} : memref<128x32xf32, #tpu.memory_space<vmem>>, vector<16xf32>,
    %swap3A_504 = arith.constant 63 : i32
    %swap3A_505 = arith.index_cast %swap3A_504 : i32 to index
    %swap3A_506 = arith.constant 0 : index
    %swap3A_507 = tpu.vector_load %arg7[%swap3A_505, %swap3A_506] {strides = array<i32>} : memref<128x32xf32, #tpu.memory_space<vmem>>, vector<16xf32>,
    tpu.vector_store %arg7[%swap3A_505, %swap3A_506], %broadcast_in_dim3A_0 {strides = array<i32>} : memref<128x32xf32, #tpu.memory_space<vmem>>, vector<16xf32>,
    %swap3A_508 = arith.constant 63 : i32
    %swap3A_509 = arith.index_cast %swap3A_508 : i32 to index
    %swap3A_510 = arith.constant 16 : index
    %swap3A_511 = tpu.vector_load %arg7[%swap3A_509, %swap3A_510] {strides = array<i32>} : memref<128x32xf32, #tpu.memory_space<vmem>>, vector<16xf32>,
    tpu.vector_store %arg7[%swap3A_509, %swap3A_510], %broadcast_in_dim3A_0 {strides = array<i32>} : memref<128x32xf32, #tpu.memory_space<vmem>>, vector<16xf32>,
    %swap3A_512 = arith.constant 64 : i32
    %swap3A_513 = arith.index_cast %swap3A_512 : i32 to index
    %swap3A_514 = arith.constant 0 : index
    %swap3A_515 = tpu.vector_load %arg7[%swap3A_513, %swap3A_514] {strides = array<i32>} : memref<128x32xf32, #tpu.memory_space<vmem>>, vector<16xf32>,
    tpu.vector_store %arg7[%swap3A_513, %swap3A_514], %broadcast_in_dim3A_0 {strides = array<i32>} : memref<128x32xf32, #tpu.memory_space<vmem>>, vector<16xf32>,
    %swap3A_516 = arith.constant 64 : i32
    %swap3A_517 = arith.index_cast %swap3A_516 : i32 to index
    %swap3A_518 = arith.constant 16 : index
    %swap3A_519 = tpu.vector_load %arg7[%swap3A_517, %swap3A_518] {strides = array<i32>} : memref<128x32xf32, #tpu.memory_space<vmem>>, vector<16xf32>,
    tpu.vector_store %arg7[%swap3A_517, %swap3A_518], %broadcast_in_dim3A_0 {strides = array<i32>} : memref<128x32xf32, #tpu.memory_space<vmem>>, vector<16xf32>,
    %swap3A_520 = arith.constant 65 : i32
    %swap3A_521 = arith.index_cast %swap3A_520 : i32 to index
    %swap3A_522 = arith.constant 0 : index
    %swap3A_523 = tpu.vector_load %arg7[%swap3A_521, %swap3A_522] {strides = array<i32>} : memref<128x32xf32, #tpu.memory_space<vmem>>, vector<16xf32>,
    tpu.vector_store %arg7[%swap3A_521, %swap3A_522], %broadcast_in_dim3A_0 {strides = array<i32>} : memref<128x32xf32, #tpu.memory_space<vmem>>, vector<16xf32>,
    %swap3A_524 = arith.constant 65 : i32
    %swap3A_525 = arith.index_cast %swap3A_524 : i32 to index
    %swap3A_526 = arith.constant 16 : index
    %swap3A_527 = tpu.vector_load %arg7[%swap3A_525, %swap3A_526] {strides = array<i32>} : memref<128x32xf32, #tpu.memory_space<vmem>>, vector<16xf32>,
    tpu.vector_store %arg7[%swap3A_525, %swap3A_526], %broadcast_in_dim3A_0 {strides = array<i32>} : memref<128x32xf32, #tpu.memory_space<vmem>>, vector<16xf32>,
    %swap3A_528 = arith.constant 66 : i32
    %swap3A_529 = arith.index_cast %swap3A_528 : i32 to index
    %swap3A_530 = arith.constant 0 : index
    %swap3A_531 = tpu.vector_load %arg7[%swap3A_529, %swap3A_530] {strides = array<i32>} : memref<128x32xf32, #tpu.memory_space<vmem>>, vector<16xf32>,
    tpu.vector_store %arg7[%swap3A_529, %swap3A_530], %broadcast_in_dim3A_0 {strides = array<i32>} : memref<128x32xf32, #tpu.memory_space<vmem>>, vector<16xf32>,
    %swap3A_532 = arith.constant 66 : i32
    %swap3A_533 = arith.index_cast %swap3A_532 : i32 to index
    %swap3A_534 = arith.constant 16 : index
    %swap3A_535 = tpu.vector_load %arg7[%swap3A_533, %swap3A_534] {strides = array<i32>} : memref<128x32xf32, #tpu.memory_space<vmem>>, vector<16xf32>,
    tpu.vector_store %arg7[%swap3A_533, %swap3A_534], %broadcast_in_dim3A_0 {strides = array<i32>} : memref<128x32xf32, #tpu.memory_space<vmem>>, vector<16xf32>,
    %swap3A_536 = arith.constant 67 : i32
    %swap3A_537 = arith.index_cast %swap3A_536 : i32 to index
    %swap3A_538 = arith.constant 0 : index
    %swap3A_539 = tpu.vector_load %arg7[%swap3A_537, %swap3A_538] {strides = array<i32>} : memref<128x32xf32, #tpu.memory_space<vmem>>, vector<16xf32>,
    tpu.vector_store %arg7[%swap3A_537, %swap3A_538], %broadcast_in_dim3A_0 {strides = array<i32>} : memref<128x32xf32, #tpu.memory_space<vmem>>, vector<16xf32>,
    %swap3A_540 = arith.constant 67 : i32
    %swap3A_541 = arith.index_cast %swap3A_540 : i32 to index
    %swap3A_542 = arith.constant 16 : index
    %swap3A_543 = tpu.vector_load %arg7[%swap3A_541, %swap3A_542] {strides = array<i32>} : memref<128x32xf32, #tpu.memory_space<vmem>>, vector<16xf32>,
    tpu.vector_store %arg7[%swap3A_541, %swap3A_542], %broadcast_in_dim3A_0 {strides = array<i32>} : memref<128x32xf32, #tpu.memory_space<vmem>>, vector<16xf32>,
    %swap3A_544 = arith.constant 68 : i32
    %swap3A_545 = arith.index_cast %swap3A_544 : i32 to index
    %swap3A_546 = arith.constant 0 : index
    %swap3A_547 = tpu.vector_load %arg7[%swap3A_545, %swap3A_546] {strides = array<i32>} : memref<128x32xf32, #tpu.memory_space<vmem>>, vector<16xf32>,
    tpu.vector_store %arg7[%swap3A_545, %swap3A_546], %broadcast_in_dim3A_0 {strides = array<i32>} : memref<128x32xf32, #tpu.memory_space<vmem>>, vector<16xf32>,
    %swap3A_548 = arith.constant 68 : i32
    %swap3A_549 = arith.index_cast %swap3A_548 : i32 to index
    %swap3A_550 = arith.constant 16 : index
    %swap3A_551 = tpu.vector_load %arg7[%swap3A_549, %swap3A_550] {strides = array<i32>} : memref<128x32xf32, #tpu.memory_space<vmem>>, vector<16xf32>,
    tpu.vector_store %arg7[%swap3A_549, %swap3A_550], %broadcast_in_dim3A_0 {strides = array<i32>} : memref<128x32xf32, #tpu.memory_space<vmem>>, vector<16xf32>,
    %swap3A_552 = arith.constant 69 : i32
    %swap3A_553 = arith.index_cast %swap3A_552 : i32 to index
    %swap3A_554 = arith.constant 0 : index
    %swap3A_555 = tpu.vector_load %arg7[%swap3A_553, %swap3A_554] {strides = array<i32>} : memref<128x32xf32, #tpu.memory_space<vmem>>, vector<16xf32>,
    tpu.vector_store %arg7[%swap3A_553, %swap3A_554], %broadcast_in_dim3A_0 {strides = array<i32>} : memref<128x32xf32, #tpu.memory_space<vmem>>, vector<16xf32>,
    %swap3A_556 = arith.constant 69 : i32
    %swap3A_557 = arith.index_cast %swap3A_556 : i32 to index
    %swap3A_558 = arith.constant 16 : index
    %swap3A_559 = tpu.vector_load %arg7[%swap3A_557, %swap3A_558] {strides = array<i32>} : memref<128x32xf32, #tpu.memory_space<vmem>>, vector<16xf32>,
    tpu.vector_store %arg7[%swap3A_557, %swap3A_558], %broadcast_in_dim3A_0 {strides = array<i32>} : memref<128x32xf32, #tpu.memory_space<vmem>>, vector<16xf32>,
    %swap3A_560 = arith.constant 70 : i32
    %swap3A_561 = arith.index_cast %swap3A_560 : i32 to index
    %swap3A_562 = arith.constant 0 : index
    %swap3A_563 = tpu.vector_load %arg7[%swap3A_561, %swap3A_562] {strides = array<i32>} : memref<128x32xf32, #tpu.memory_space<vmem>>, vector<16xf32>,
    tpu.vector_store %arg7[%swap3A_561, %swap3A_562], %broadcast_in_dim3A_0 {strides = array<i32>} : memref<128x32xf32, #tpu.memory_space<vmem>>, vector<16xf32>,
    %swap3A_564 = arith.constant 70 : i32
    %swap3A_565 = arith.index_cast %swap3A_564 : i32 to index
    %swap3A_566 = arith.constant 16 : index
    %swap3A_567 = tpu.vector_load %arg7[%swap3A_565, %swap3A_566] {strides = array<i32>} : memref<128x32xf32, #tpu.memory_space<vmem>>, vector<16xf32>,
    tpu.vector_store %arg7[%swap3A_565, %swap3A_566], %broadcast_in_dim3A_0 {strides = array<i32>} : memref<128x32xf32, #tpu.memory_space<vmem>>, vector<16xf32>,
    %swap3A_568 = arith.constant 71 : i32
    %swap3A_569 = arith.index_cast %swap3A_568 : i32 to index
    %swap3A_570 = arith.constant 0 : index
    %swap3A_571 = tpu.vector_load %arg7[%swap3A_569, %swap3A_570] {strides = array<i32>} : memref<128x32xf32, #tpu.memory_space<vmem>>, vector<16xf32>,
    tpu.vector_store %arg7[%swap3A_569, %swap3A_570], %broadcast_in_dim3A_0 {strides = array<i32>} : memref<128x32xf32, #tpu.memory_space<vmem>>, vector<16xf32>,
    %swap3A_572 = arith.constant 71 : i32
    %swap3A_573 = arith.index_cast %swap3A_572 : i32 to index
    %swap3A_574 = arith.constant 16 : index
    %swap3A_575 = tpu.vector_load %arg7[%swap3A_573, %swap3A_574] {strides = array<i32>} : memref<128x32xf32, #tpu.memory_space<vmem>>, vector<16xf32>,
    tpu.vector_store %arg7[%swap3A_573, %swap3A_574], %broadcast_in_dim3A_0 {strides = array<i32>} : memref<128x32xf32, #tpu.memory_space<vmem>>, vector<16xf32>,
    %swap3A_576 = arith.constant 72 : i32
    %swap3A_577 = arith.index_cast %swap3A_576 : i32 to index
    %swap3A_578 = arith.constant 0 : index
    %swap3A_579 = tpu.vector_load %arg7[%swap3A_577, %swap3A_578] {strides = array<i32>} : memref<128x32xf32, #tpu.memory_space<vmem>>, vector<16xf32>,
    tpu.vector_store %arg7[%swap3A_577, %swap3A_578], %broadcast_in_dim3A_0 {strides = array<i32>} : memref<128x32xf32, #tpu.memory_space<vmem>>, vector<16xf32>,
    %swap3A_580 = arith.constant 72 : i32
    %swap3A_581 = arith.index_cast %swap3A_580 : i32 to index
    %swap3A_582 = arith.constant 16 : index
    %swap3A_583 = tpu.vector_load %arg7[%swap3A_581, %swap3A_582] {strides = array<i32>} : memref<128x32xf32, #tpu.memory_space<vmem>>, vector<16xf32>,
    tpu.vector_store %arg7[%swap3A_581, %swap3A_582], %broadcast_in_dim3A_0 {strides = array<i32>} : memref<128x32xf32, #tpu.memory_space<vmem>>, vector<16xf32>,
    %swap3A_584 = arith.constant 73 : i32
    %swap3A_585 = arith.index_cast %swap3A_584 : i32 to index
    %swap3A_586 = arith.constant 0 : index
    %swap3A_587 = tpu.vector_load %arg7[%swap3A_585, %swap3A_586] {strides = array<i32>} : memref<128x32xf32, #tpu.memory_space<vmem>>, vector<16xf32>,
    tpu.vector_store %arg7[%swap3A_585, %swap3A_586], %broadcast_in_dim3A_0 {strides = array<i32>} : memref<128x32xf32, #tpu.memory_space<vmem>>, vector<16xf32>,
    %swap3A_588 = arith.constant 73 : i32
    %swap3A_589 = arith.index_cast %swap3A_588 : i32 to index
    %swap3A_590 = arith.constant 16 : index
    %swap3A_591 = tpu.vector_load %arg7[%swap3A_589, %swap3A_590] {strides = array<i32>} : memref<128x32xf32, #tpu.memory_space<vmem>>, vector<16xf32>,
    tpu.vector_store %arg7[%swap3A_589, %swap3A_590], %broadcast_in_dim3A_0 {strides = array<i32>} : memref<128x32xf32, #tpu.memory_space<vmem>>, vector<16xf32>,
    %swap3A_592 = arith.constant 74 : i32
    %swap3A_593 = arith.index_cast %swap3A_592 : i32 to index
    %swap3A_594 = arith.constant 0 : index
    %swap3A_595 = tpu.vector_load %arg7[%swap3A_593, %swap3A_594] {strides = array<i32>} : memref<128x32xf32, #tpu.memory_space<vmem>>, vector<16xf32>,
    tpu.vector_store %arg7[%swap3A_593, %swap3A_594], %broadcast_in_dim3A_0 {strides = array<i32>} : memref<128x32xf32, #tpu.memory_space<vmem>>, vector<16xf32>,
    %swap3A_596 = arith.constant 74 : i32
    %swap3A_597 = arith.index_cast %swap3A_596 : i32 to index
    %swap3A_598 = arith.constant 16 : index
    %swap3A_599 = tpu.vector_load %arg7[%swap3A_597, %swap3A_598] {strides = array<i32>} : memref<128x32xf32, #tpu.memory_space<vmem>>, vector<16xf32>,
    tpu.vector_store %arg7[%swap3A_597, %swap3A_598], %broadcast_in_dim3A_0 {strides = array<i32>} : memref<128x32xf32, #tpu.memory_space<vmem>>, vector<16xf32>,
    %swap3A_600 = arith.constant 75 : i32
    %swap3A_601 = arith.index_cast %swap3A_600 : i32 to index
    %swap3A_602 = arith.constant 0 : index
    %swap3A_603 = tpu.vector_load %arg7[%swap3A_601, %swap3A_602] {strides = array<i32>} : memref<128x32xf32, #tpu.memory_space<vmem>>, vector<16xf32>,
    tpu.vector_store %arg7[%swap3A_601, %swap3A_602], %broadcast_in_dim3A_0 {strides = array<i32>} : memref<128x32xf32, #tpu.memory_space<vmem>>, vector<16xf32>,
    %swap3A_604 = arith.constant 75 : i32
    %swap3A_605 = arith.index_cast %swap3A_604 : i32 to index
    %swap3A_606 = arith.constant 16 : index
    %swap3A_607 = tpu.vector_load %arg7[%swap3A_605, %swap3A_606] {strides = array<i32>} : memref<128x32xf32, #tpu.memory_space<vmem>>, vector<16xf32>,
    tpu.vector_store %arg7[%swap3A_605, %swap3A_606], %broadcast_in_dim3A_0 {strides = array<i32>} : memref<128x32xf32, #tpu.memory_space<vmem>>, vector<16xf32>,
    %swap3A_608 = arith.constant 76 : i32
    %swap3A_609 = arith.index_cast %swap3A_608 : i32 to index
    %swap3A_610 = arith.constant 0 : index
    %swap3A_611 = tpu.vector_load %arg7[%swap3A_609, %swap3A_610] {strides = array<i32>} : memref<128x32xf32, #tpu.memory_space<vmem>>, vector<16xf32>,
    tpu.vector_store %arg7[%swap3A_609, %swap3A_610], %broadcast_in_dim3A_0 {strides = array<i32>} : memref<128x32xf32, #tpu.memory_space<vmem>>, vector<16xf32>,
    %swap3A_612 = arith.constant 76 : i32
    %swap3A_613 = arith.index_cast %swap3A_612 : i32 to index
    %swap3A_614 = arith.constant 16 : index
    %swap3A_615 = tpu.vector_load %arg7[%swap3A_613, %swap3A_614] {strides = array<i32>} : memref<128x32xf32, #tpu.memory_space<vmem>>, vector<16xf32>,
    tpu.vector_store %arg7[%swap3A_613, %swap3A_614], %broadcast_in_dim3A_0 {strides = array<i32>} : memref<128x32xf32, #tpu.memory_space<vmem>>, vector<16xf32>,
    %swap3A_616 = arith.constant 77 : i32
    %swap3A_617 = arith.index_cast %swap3A_616 : i32 to index
    %swap3A_618 = arith.constant 0 : index
    %swap3A_619 = tpu.vector_load %arg7[%swap3A_617, %swap3A_618] {strides = array<i32>} : memref<128x32xf32, #tpu.memory_space<vmem>>, vector<16xf32>,
    tpu.vector_store %arg7[%swap3A_617, %swap3A_618], %broadcast_in_dim3A_0 {strides = array<i32>} : memref<128x32xf32, #tpu.memory_space<vmem>>, vector<16xf32>,
    %swap3A_620 = arith.constant 77 : i32
    %swap3A_621 = arith.index_cast %swap3A_620 : i32 to index
    %swap3A_622 = arith.constant 16 : index
    %swap3A_623 = tpu.vector_load %arg7[%swap3A_621, %swap3A_622] {strides = array<i32>} : memref<128x32xf32, #tpu.memory_space<vmem>>, vector<16xf32>,
    tpu.vector_store %arg7[%swap3A_621, %swap3A_622], %broadcast_in_dim3A_0 {strides = array<i32>} : memref<128x32xf32, #tpu.memory_space<vmem>>, vector<16xf32>,
    %swap3A_624 = arith.constant 78 : i32
    %swap3A_625 = arith.index_cast %swap3A_624 : i32 to index
    %swap3A_626 = arith.constant 0 : index
    %swap3A_627 = tpu.vector_load %arg7[%swap3A_625, %swap3A_626] {strides = array<i32>} : memref<128x32xf32, #tpu.memory_space<vmem>>, vector<16xf32>,
    tpu.vector_store %arg7[%swap3A_625, %swap3A_626], %broadcast_in_dim3A_0 {strides = array<i32>} : memref<128x32xf32, #tpu.memory_space<vmem>>, vector<16xf32>,
    %swap3A_628 = arith.constant 78 : i32
    %swap3A_629 = arith.index_cast %swap3A_628 : i32 to index
    %swap3A_630 = arith.constant 16 : index
    %swap3A_631 = tpu.vector_load %arg7[%swap3A_629, %swap3A_630] {strides = array<i32>} : memref<128x32xf32, #tpu.memory_space<vmem>>, vector<16xf32>,
    tpu.vector_store %arg7[%swap3A_629, %swap3A_630], %broadcast_in_dim3A_0 {strides = array<i32>} : memref<128x32xf32, #tpu.memory_space<vmem>>, vector<16xf32>,
    %swap3A_632 = arith.constant 79 : i32
    %swap3A_633 = arith.index_cast %swap3A_632 : i32 to index
    %swap3A_634 = arith.constant 0 : index
    %swap3A_635 = tpu.vector_load %arg7[%swap3A_633, %swap3A_634] {strides = array<i32>} : memref<128x32xf32, #tpu.memory_space<vmem>>, vector<16xf32>,
    tpu.vector_store %arg7[%swap3A_633, %swap3A_634], %broadcast_in_dim3A_0 {strides = array<i32>} : memref<128x32xf32, #tpu.memory_space<vmem>>, vector<16xf32>,
    %swap3A_636 = arith.constant 79 : i32
    %swap3A_637 = arith.index_cast %swap3A_636 : i32 to index
    %swap3A_638 = arith.constant 16 : index
    %swap3A_639 = tpu.vector_load %arg7[%swap3A_637, %swap3A_638] {strides = array<i32>} : memref<128x32xf32, #tpu.memory_space<vmem>>, vector<16xf32>,
    tpu.vector_store %arg7[%swap3A_637, %swap3A_638], %broadcast_in_dim3A_0 {strides = array<i32>} : memref<128x32xf32, #tpu.memory_space<vmem>>, vector<16xf32>,
    %swap3A_640 = arith.constant 80 : i32
    %swap3A_641 = arith.index_cast %swap3A_640 : i32 to index
    %swap3A_642 = arith.constant 0 : index
    %swap3A_643 = tpu.vector_load %arg7[%swap3A_641, %swap3A_642] {strides = array<i32>} : memref<128x32xf32, #tpu.memory_space<vmem>>, vector<16xf32>,
    tpu.vector_store %arg7[%swap3A_641, %swap3A_642], %broadcast_in_dim3A_0 {strides = array<i32>} : memref<128x32xf32, #tpu.memory_space<vmem>>, vector<16xf32>,
    %swap3A_644 = arith.constant 80 : i32
    %swap3A_645 = arith.index_cast %swap3A_644 : i32 to index
    %swap3A_646 = arith.constant 16 : index
    %swap3A_647 = tpu.vector_load %arg7[%swap3A_645, %swap3A_646] {strides = array<i32>} : memref<128x32xf32, #tpu.memory_space<vmem>>, vector<16xf32>,
    tpu.vector_store %arg7[%swap3A_645, %swap3A_646], %broadcast_in_dim3A_0 {strides = array<i32>} : memref<128x32xf32, #tpu.memory_space<vmem>>, vector<16xf32>,
    %swap3A_648 = arith.constant 81 : i32
    %swap3A_649 = arith.index_cast %swap3A_648 : i32 to index
    %swap3A_650 = arith.constant 0 : index
    %swap3A_651 = tpu.vector_load %arg7[%swap3A_649, %swap3A_650] {strides = array<i32>} : memref<128x32xf32, #tpu.memory_space<vmem>>, vector<16xf32>,
    tpu.vector_store %arg7[%swap3A_649, %swap3A_650], %broadcast_in_dim3A_0 {strides = array<i32>} : memref<128x32xf32, #tpu.memory_space<vmem>>, vector<16xf32>,
    %swap3A_652 = arith.constant 81 : i32
    %swap3A_653 = arith.index_cast %swap3A_652 : i32 to index
    %swap3A_654 = arith.constant 16 : index
    %swap3A_655 = tpu.vector_load %arg7[%swap3A_653, %swap3A_654] {strides = array<i32>} : memref<128x32xf32, #tpu.memory_space<vmem>>, vector<16xf32>,
    tpu.vector_store %arg7[%swap3A_653, %swap3A_654], %broadcast_in_dim3A_0 {strides = array<i32>} : memref<128x32xf32, #tpu.memory_space<vmem>>, vector<16xf32>,
    %swap3A_656 = arith.constant 82 : i32
    %swap3A_657 = arith.index_cast %swap3A_656 : i32 to index
    %swap3A_658 = arith.constant 0 : index
    %swap3A_659 = tpu.vector_load %arg7[%swap3A_657, %swap3A_658] {strides = array<i32>} : memref<128x32xf32, #tpu.memory_space<vmem>>, vector<16xf32>,
    tpu.vector_store %arg7[%swap3A_657, %swap3A_658], %broadcast_in_dim3A_0 {strides = array<i32>} : memref<128x32xf32, #tpu.memory_space<vmem>>, vector<16xf32>,
    %swap3A_660 = arith.constant 82 : i32
    %swap3A_661 = arith.index_cast %swap3A_660 : i32 to index
    %swap3A_662 = arith.constant 16 : index
    %swap3A_663 = tpu.vector_load %arg7[%swap3A_661, %swap3A_662] {strides = array<i32>} : memref<128x32xf32, #tpu.memory_space<vmem>>, vector<16xf32>,
    tpu.vector_store %arg7[%swap3A_661, %swap3A_662], %broadcast_in_dim3A_0 {strides = array<i32>} : memref<128x32xf32, #tpu.memory_space<vmem>>, vector<16xf32>,
    %swap3A_664 = arith.constant 83 : i32
    %swap3A_665 = arith.index_cast %swap3A_664 : i32 to index
    %swap3A_666 = arith.constant 0 : index
    %swap3A_667 = tpu.vector_load %arg7[%swap3A_665, %swap3A_666] {strides = array<i32>} : memref<128x32xf32, #tpu.memory_space<vmem>>, vector<16xf32>,
    tpu.vector_store %arg7[%swap3A_665, %swap3A_666], %broadcast_in_dim3A_0 {strides = array<i32>} : memref<128x32xf32, #tpu.memory_space<vmem>>, vector<16xf32>,
    %swap3A_668 = arith.constant 83 : i32
    %swap3A_669 = arith.index_cast %swap3A_668 : i32 to index
    %swap3A_670 = arith.constant 16 : index
    %swap3A_671 = tpu.vector_load %arg7[%swap3A_669, %swap3A_670] {strides = array<i32>} : memref<128x32xf32, #tpu.memory_space<vmem>>, vector<16xf32>,
    tpu.vector_store %arg7[%swap3A_669, %swap3A_670], %broadcast_in_dim3A_0 {strides = array<i32>} : memref<128x32xf32, #tpu.memory_space<vmem>>, vector<16xf32>,
    %swap3A_672 = arith.constant 84 : i32
    %swap3A_673 = arith.index_cast %swap3A_672 : i32 to index
    %swap3A_674 = arith.constant 0 : index
    %swap3A_675 = tpu.vector_load %arg7[%swap3A_673, %swap3A_674] {strides = array<i32>} : memref<128x32xf32, #tpu.memory_space<vmem>>, vector<16xf32>,
    tpu.vector_store %arg7[%swap3A_673, %swap3A_674], %broadcast_in_dim3A_0 {strides = array<i32>} : memref<128x32xf32, #tpu.memory_space<vmem>>, vector<16xf32>,
    %swap3A_676 = arith.constant 84 : i32
    %swap3A_677 = arith.index_cast %swap3A_676 : i32 to index
    %swap3A_678 = arith.constant 16 : index
    %swap3A_679 = tpu.vector_load %arg7[%swap3A_677, %swap3A_678] {strides = array<i32>} : memref<128x32xf32, #tpu.memory_space<vmem>>, vector<16xf32>,
    tpu.vector_store %arg7[%swap3A_677, %swap3A_678], %broadcast_in_dim3A_0 {strides = array<i32>} : memref<128x32xf32, #tpu.memory_space<vmem>>, vector<16xf32>,
    %swap3A_680 = arith.constant 85 : i32
    %swap3A_681 = arith.index_cast %swap3A_680 : i32 to index
    %swap3A_682 = arith.constant 0 : index
    %swap3A_683 = tpu.vector_load %arg7[%swap3A_681, %swap3A_682] {strides = array<i32>} : memref<128x32xf32, #tpu.memory_space<vmem>>, vector<16xf32>,
    tpu.vector_store %arg7[%swap3A_681, %swap3A_682], %broadcast_in_dim3A_0 {strides = array<i32>} : memref<128x32xf32, #tpu.memory_space<vmem>>, vector<16xf32>,
    %swap3A_684 = arith.constant 85 : i32
    %swap3A_685 = arith.index_cast %swap3A_684 : i32 to index
    %swap3A_686 = arith.constant 16 : index
    %swap3A_687 = tpu.vector_load %arg7[%swap3A_685, %swap3A_686] {strides = array<i32>} : memref<128x32xf32, #tpu.memory_space<vmem>>, vector<16xf32>,
    tpu.vector_store %arg7[%swap3A_685, %swap3A_686], %broadcast_in_dim3A_0 {strides = array<i32>} : memref<128x32xf32, #tpu.memory_space<vmem>>, vector<16xf32>,
    %swap3A_688 = arith.constant 86 : i32
    %swap3A_689 = arith.index_cast %swap3A_688 : i32 to index
    %swap3A_690 = arith.constant 0 : index
    %swap3A_691 = tpu.vector_load %arg7[%swap3A_689, %swap3A_690] {strides = array<i32>} : memref<128x32xf32, #tpu.memory_space<vmem>>, vector<16xf32>,
    tpu.vector_store %arg7[%swap3A_689, %swap3A_690], %broadcast_in_dim3A_0 {strides = array<i32>} : memref<128x32xf32, #tpu.memory_space<vmem>>, vector<16xf32>,
    %swap3A_692 = arith.constant 86 : i32
    %swap3A_693 = arith.index_cast %swap3A_692 : i32 to index
    %swap3A_694 = arith.constant 16 : index
    %swap3A_695 = tpu.vector_load %arg7[%swap3A_693, %swap3A_694] {strides = array<i32>} : memref<128x32xf32, #tpu.memory_space<vmem>>, vector<16xf32>,
    tpu.vector_store %arg7[%swap3A_693, %swap3A_694], %broadcast_in_dim3A_0 {strides = array<i32>} : memref<128x32xf32, #tpu.memory_space<vmem>>, vector<16xf32>,
    %swap3A_696 = arith.constant 87 : i32
    %swap3A_697 = arith.index_cast %swap3A_696 : i32 to index
    %swap3A_698 = arith.constant 0 : index
    %swap3A_699 = tpu.vector_load %arg7[%swap3A_697, %swap3A_698] {strides = array<i32>} : memref<128x32xf32, #tpu.memory_space<vmem>>, vector<16xf32>,
    tpu.vector_store %arg7[%swap3A_697, %swap3A_698], %broadcast_in_dim3A_0 {strides = array<i32>} : memref<128x32xf32, #tpu.memory_space<vmem>>, vector<16xf32>,
    %swap3A_700 = arith.constant 87 : i32
    %swap3A_701 = arith.index_cast %swap3A_700 : i32 to index
    %swap3A_702 = arith.constant 16 : index
    %swap3A_703 = tpu.vector_load %arg7[%swap3A_701, %swap3A_702] {strides = array<i32>} : memref<128x32xf32, #tpu.memory_space<vmem>>, vector<16xf32>,
    tpu.vector_store %arg7[%swap3A_701, %swap3A_702], %broadcast_in_dim3A_0 {strides = array<i32>} : memref<128x32xf32, #tpu.memory_space<vmem>>, vector<16xf32>,
    %swap3A_704 = arith.constant 88 : i32
    %swap3A_705 = arith.index_cast %swap3A_704 : i32 to index
    %swap3A_706 = arith.constant 0 : index
    %swap3A_707 = tpu.vector_load %arg7[%swap3A_705, %swap3A_706] {strides = array<i32>} : memref<128x32xf32, #tpu.memory_space<vmem>>, vector<16xf32>,
    tpu.vector_store %arg7[%swap3A_705, %swap3A_706], %broadcast_in_dim3A_0 {strides = array<i32>} : memref<128x32xf32, #tpu.memory_space<vmem>>, vector<16xf32>,
    %swap3A_708 = arith.constant 88 : i32
    %swap3A_709 = arith.index_cast %swap3A_708 : i32 to index
    %swap3A_710 = arith.constant 16 : index
    %swap3A_711 = tpu.vector_load %arg7[%swap3A_709, %swap3A_710] {strides = array<i32>} : memref<128x32xf32, #tpu.memory_space<vmem>>, vector<16xf32>,
    tpu.vector_store %arg7[%swap3A_709, %swap3A_710], %broadcast_in_dim3A_0 {strides = array<i32>} : memref<128x32xf32, #tpu.memory_space<vmem>>, vector<16xf32>,
    %swap3A_712 = arith.constant 89 : i32
    %swap3A_713 = arith.index_cast %swap3A_712 : i32 to index
    %swap3A_714 = arith.constant 0 : index
    %swap3A_715 = tpu.vector_load %arg7[%swap3A_713, %swap3A_714] {strides = array<i32>} : memref<128x32xf32, #tpu.memory_space<vmem>>, vector<16xf32>,
    tpu.vector_store %arg7[%swap3A_713, %swap3A_714], %broadcast_in_dim3A_0 {strides = array<i32>} : memref<128x32xf32, #tpu.memory_space<vmem>>, vector<16xf32>,
    %swap3A_716 = arith.constant 89 : i32
    %swap3A_717 = arith.index_cast %swap3A_716 : i32 to index
    %swap3A_718 = arith.constant 16 : index
    %swap3A_719 = tpu.vector_load %arg7[%swap3A_717, %swap3A_718] {strides = array<i32>} : memref<128x32xf32, #tpu.memory_space<vmem>>, vector<16xf32>,
    tpu.vector_store %arg7[%swap3A_717, %swap3A_718], %broadcast_in_dim3A_0 {strides = array<i32>} : memref<128x32xf32, #tpu.memory_space<vmem>>, vector<16xf32>,
    %swap3A_720 = arith.constant 90 : i32
    %swap3A_721 = arith.index_cast %swap3A_720 : i32 to index
    %swap3A_722 = arith.constant 0 : index
    %swap3A_723 = tpu.vector_load %arg7[%swap3A_721, %swap3A_722] {strides = array<i32>} : memref<128x32xf32, #tpu.memory_space<vmem>>, vector<16xf32>,
    tpu.vector_store %arg7[%swap3A_721, %swap3A_722], %broadcast_in_dim3A_0 {strides = array<i32>} : memref<128x32xf32, #tpu.memory_space<vmem>>, vector<16xf32>,
    %swap3A_724 = arith.constant 90 : i32
    %swap3A_725 = arith.index_cast %swap3A_724 : i32 to index
    %swap3A_726 = arith.constant 16 : index
    %swap3A_727 = tpu.vector_load %arg7[%swap3A_725, %swap3A_726] {strides = array<i32>} : memref<128x32xf32, #tpu.memory_space<vmem>>, vector<16xf32>,
    tpu.vector_store %arg7[%swap3A_725, %swap3A_726], %broadcast_in_dim3A_0 {strides = array<i32>} : memref<128x32xf32, #tpu.memory_space<vmem>>, vector<16xf32>,
    %swap3A_728 = arith.constant 91 : i32
    %swap3A_729 = arith.index_cast %swap3A_728 : i32 to index
    %swap3A_730 = arith.constant 0 : index
    %swap3A_731 = tpu.vector_load %arg7[%swap3A_729, %swap3A_730] {strides = array<i32>} : memref<128x32xf32, #tpu.memory_space<vmem>>, vector<16xf32>,
    tpu.vector_store %arg7[%swap3A_729, %swap3A_730], %broadcast_in_dim3A_0 {strides = array<i32>} : memref<128x32xf32, #tpu.memory_space<vmem>>, vector<16xf32>,
    %swap3A_732 = arith.constant 91 : i32
    %swap3A_733 = arith.index_cast %swap3A_732 : i32 to index
    %swap3A_734 = arith.constant 16 : index
    %swap3A_735 = tpu.vector_load %arg7[%swap3A_733, %swap3A_734] {strides = array<i32>} : memref<128x32xf32, #tpu.memory_space<vmem>>, vector<16xf32>,
    tpu.vector_store %arg7[%swap3A_733, %swap3A_734], %broadcast_in_dim3A_0 {strides = array<i32>} : memref<128x32xf32, #tpu.memory_space<vmem>>, vector<16xf32>,
    %swap3A_736 = arith.constant 92 : i32
    %swap3A_737 = arith.index_cast %swap3A_736 : i32 to index
    %swap3A_738 = arith.constant 0 : index
    %swap3A_739 = tpu.vector_load %arg7[%swap3A_737, %swap3A_738] {strides = array<i32>} : memref<128x32xf32, #tpu.memory_space<vmem>>, vector<16xf32>,
    tpu.vector_store %arg7[%swap3A_737, %swap3A_738], %broadcast_in_dim3A_0 {strides = array<i32>} : memref<128x32xf32, #tpu.memory_space<vmem>>, vector<16xf32>,
    %swap3A_740 = arith.constant 92 : i32
    %swap3A_741 = arith.index_cast %swap3A_740 : i32 to index
    %swap3A_742 = arith.constant 16 : index
    %swap3A_743 = tpu.vector_load %arg7[%swap3A_741, %swap3A_742] {strides = array<i32>} : memref<128x32xf32, #tpu.memory_space<vmem>>, vector<16xf32>,
    tpu.vector_store %arg7[%swap3A_741, %swap3A_742], %broadcast_in_dim3A_0 {strides = array<i32>} : memref<128x32xf32, #tpu.memory_space<vmem>>, vector<16xf32>,
    %swap3A_744 = arith.constant 93 : i32
    %swap3A_745 = arith.index_cast %swap3A_744 : i32 to index
    %swap3A_746 = arith.constant 0 : index
    %swap3A_747 = tpu.vector_load %arg7[%swap3A_745, %swap3A_746] {strides = array<i32>} : memref<128x32xf32, #tpu.memory_space<vmem>>, vector<16xf32>,
    tpu.vector_store %arg7[%swap3A_745, %swap3A_746], %broadcast_in_dim3A_0 {strides = array<i32>} : memref<128x32xf32, #tpu.memory_space<vmem>>, vector<16xf32>,
    %swap3A_748 = arith.constant 93 : i32
    %swap3A_749 = arith.index_cast %swap3A_748 : i32 to index
    %swap3A_750 = arith.constant 16 : index
    %swap3A_751 = tpu.vector_load %arg7[%swap3A_749, %swap3A_750] {strides = array<i32>} : memref<128x32xf32, #tpu.memory_space<vmem>>, vector<16xf32>,
    tpu.vector_store %arg7[%swap3A_749, %swap3A_750], %broadcast_in_dim3A_0 {strides = array<i32>} : memref<128x32xf32, #tpu.memory_space<vmem>>, vector<16xf32>,
    %swap3A_752 = arith.constant 94 : i32
    %swap3A_753 = arith.index_cast %swap3A_752 : i32 to index
    %swap3A_754 = arith.constant 0 : index
    %swap3A_755 = tpu.vector_load %arg7[%swap3A_753, %swap3A_754] {strides = array<i32>} : memref<128x32xf32, #tpu.memory_space<vmem>>, vector<16xf32>,
    tpu.vector_store %arg7[%swap3A_753, %swap3A_754], %broadcast_in_dim3A_0 {strides = array<i32>} : memref<128x32xf32, #tpu.memory_space<vmem>>, vector<16xf32>,
    %swap3A_756 = arith.constant 94 : i32
    %swap3A_757 = arith.index_cast %swap3A_756 : i32 to index
    %swap3A_758 = arith.constant 16 : index
    %swap3A_759 = tpu.vector_load %arg7[%swap3A_757, %swap3A_758] {strides = array<i32>} : memref<128x32xf32, #tpu.memory_space<vmem>>, vector<16xf32>,
    tpu.vector_store %arg7[%swap3A_757, %swap3A_758], %broadcast_in_dim3A_0 {strides = array<i32>} : memref<128x32xf32, #tpu.memory_space<vmem>>, vector<16xf32>,
    %swap3A_760 = arith.constant 95 : i32
    %swap3A_761 = arith.index_cast %swap3A_760 : i32 to index
    %swap3A_762 = arith.constant 0 : index
    %swap3A_763 = tpu.vector_load %arg7[%swap3A_761, %swap3A_762] {strides = array<i32>} : memref<128x32xf32, #tpu.memory_space<vmem>>, vector<16xf32>,
    tpu.vector_store %arg7[%swap3A_761, %swap3A_762], %broadcast_in_dim3A_0 {strides = array<i32>} : memref<128x32xf32, #tpu.memory_space<vmem>>, vector<16xf32>,
    %swap3A_764 = arith.constant 95 : i32
    %swap3A_765 = arith.index_cast %swap3A_764 : i32 to index
    %swap3A_766 = arith.constant 16 : index
    %swap3A_767 = tpu.vector_load %arg7[%swap3A_765, %swap3A_766] {strides = array<i32>} : memref<128x32xf32, #tpu.memory_space<vmem>>, vector<16xf32>,
    tpu.vector_store %arg7[%swap3A_765, %swap3A_766], %broadcast_in_dim3A_0 {strides = array<i32>} : memref<128x32xf32, #tpu.memory_space<vmem>>, vector<16xf32>,
    %swap3A_768 = arith.constant 96 : i32
    %swap3A_769 = arith.index_cast %swap3A_768 : i32 to index
    %swap3A_770 = arith.constant 0 : index
    %swap3A_771 = tpu.vector_load %arg7[%swap3A_769, %swap3A_770] {strides = array<i32>} : memref<128x32xf32, #tpu.memory_space<vmem>>, vector<16xf32>,
    tpu.vector_store %arg7[%swap3A_769, %swap3A_770], %broadcast_in_dim3A_0 {strides = array<i32>} : memref<128x32xf32, #tpu.memory_space<vmem>>, vector<16xf32>,
    %swap3A_772 = arith.constant 96 : i32
    %swap3A_773 = arith.index_cast %swap3A_772 : i32 to index
    %swap3A_774 = arith.constant 16 : index
    %swap3A_775 = tpu.vector_load %arg7[%swap3A_773, %swap3A_774] {strides = array<i32>} : memref<128x32xf32, #tpu.memory_space<vmem>>, vector<16xf32>,
    tpu.vector_store %arg7[%swap3A_773, %swap3A_774], %broadcast_in_dim3A_0 {strides = array<i32>} : memref<128x32xf32, #tpu.memory_space<vmem>>, vector<16xf32>,
    %swap3A_776 = arith.constant 97 : i32
    %swap3A_777 = arith.index_cast %swap3A_776 : i32 to index
    %swap3A_778 = arith.constant 0 : index
    %swap3A_779 = tpu.vector_load %arg7[%swap3A_777, %swap3A_778] {strides = array<i32>} : memref<128x32xf32, #tpu.memory_space<vmem>>, vector<16xf32>,
    tpu.vector_store %arg7[%swap3A_777, %swap3A_778], %broadcast_in_dim3A_0 {strides = array<i32>} : memref<128x32xf32, #tpu.memory_space<vmem>>, vector<16xf32>,
    %swap3A_780 = arith.constant 97 : i32
    %swap3A_781 = arith.index_cast %swap3A_780 : i32 to index
    %swap3A_782 = arith.constant 16 : index
    %swap3A_783 = tpu.vector_load %arg7[%swap3A_781, %swap3A_782] {strides = array<i32>} : memref<128x32xf32, #tpu.memory_space<vmem>>, vector<16xf32>,
    tpu.vector_store %arg7[%swap3A_781, %swap3A_782], %broadcast_in_dim3A_0 {strides = array<i32>} : memref<128x32xf32, #tpu.memory_space<vmem>>, vector<16xf32>,
    %swap3A_784 = arith.constant 98 : i32
    %swap3A_785 = arith.index_cast %swap3A_784 : i32 to index
    %swap3A_786 = arith.constant 0 : index
    %swap3A_787 = tpu.vector_load %arg7[%swap3A_785, %swap3A_786] {strides = array<i32>} : memref<128x32xf32, #tpu.memory_space<vmem>>, vector<16xf32>,
    tpu.vector_store %arg7[%swap3A_785, %swap3A_786], %broadcast_in_dim3A_0 {strides = array<i32>} : memref<128x32xf32, #tpu.memory_space<vmem>>, vector<16xf32>,
    %swap3A_788 = arith.constant 98 : i32
    %swap3A_789 = arith.index_cast %swap3A_788 : i32 to index
    %swap3A_790 = arith.constant 16 : index
    %swap3A_791 = tpu.vector_load %arg7[%swap3A_789, %swap3A_790] {strides = array<i32>} : memref<128x32xf32, #tpu.memory_space<vmem>>, vector<16xf32>,
    tpu.vector_store %arg7[%swap3A_789, %swap3A_790], %broadcast_in_dim3A_0 {strides = array<i32>} : memref<128x32xf32, #tpu.memory_space<vmem>>, vector<16xf32>,
    %swap3A_792 = arith.constant 99 : i32
    %swap3A_793 = arith.index_cast %swap3A_792 : i32 to index
    %swap3A_794 = arith.constant 0 : index
    %swap3A_795 = tpu.vector_load %arg7[%swap3A_793, %swap3A_794] {strides = array<i32>} : memref<128x32xf32, #tpu.memory_space<vmem>>, vector<16xf32>,
    tpu.vector_store %arg7[%swap3A_793, %swap3A_794], %broadcast_in_dim3A_0 {strides = array<i32>} : memref<128x32xf32, #tpu.memory_space<vmem>>, vector<16xf32>,
    %swap3A_796 = arith.constant 99 : i32
    %swap3A_797 = arith.index_cast %swap3A_796 : i32 to index
    %swap3A_798 = arith.constant 16 : index
    %swap3A_799 = tpu.vector_load %arg7[%swap3A_797, %swap3A_798] {strides = array<i32>} : memref<128x32xf32, #tpu.memory_space<vmem>>, vector<16xf32>,
    tpu.vector_store %arg7[%swap3A_797, %swap3A_798], %broadcast_in_dim3A_0 {strides = array<i32>} : memref<128x32xf32, #tpu.memory_space<vmem>>, vector<16xf32>,
    %swap3A_800 = arith.constant 100 : i32
    %swap3A_801 = arith.index_cast %swap3A_800 : i32 to index
    %swap3A_802 = arith.constant 0 : index
    %swap3A_803 = tpu.vector_load %arg7[%swap3A_801, %swap3A_802] {strides = array<i32>} : memref<128x32xf32, #tpu.memory_space<vmem>>, vector<16xf32>,
    tpu.vector_store %arg7[%swap3A_801, %swap3A_802], %broadcast_in_dim3A_0 {strides = array<i32>} : memref<128x32xf32, #tpu.memory_space<vmem>>, vector<16xf32>,
    %swap3A_804 = arith.constant 100 : i32
    %swap3A_805 = arith.index_cast %swap3A_804 : i32 to index
    %swap3A_806 = arith.constant 16 : index
    %swap3A_807 = tpu.vector_load %arg7[%swap3A_805, %swap3A_806] {strides = array<i32>} : memref<128x32xf32, #tpu.memory_space<vmem>>, vector<16xf32>,
    tpu.vector_store %arg7[%swap3A_805, %swap3A_806], %broadcast_in_dim3A_0 {strides = array<i32>} : memref<128x32xf32, #tpu.memory_space<vmem>>, vector<16xf32>,
    %swap3A_808 = arith.constant 101 : i32
    %swap3A_809 = arith.index_cast %swap3A_808 : i32 to index
    %swap3A_810 = arith.constant 0 : index
    %swap3A_811 = tpu.vector_load %arg7[%swap3A_809, %swap3A_810] {strides = array<i32>} : memref<128x32xf32, #tpu.memory_space<vmem>>, vector<16xf32>,
    tpu.vector_store %arg7[%swap3A_809, %swap3A_810], %broadcast_in_dim3A_0 {strides = array<i32>} : memref<128x32xf32, #tpu.memory_space<vmem>>, vector<16xf32>,
    %swap3A_812 = arith.constant 101 : i32
    %swap3A_813 = arith.index_cast %swap3A_812 : i32 to index
    %swap3A_814 = arith.constant 16 : index
    %swap3A_815 = tpu.vector_load %arg7[%swap3A_813, %swap3A_814] {strides = array<i32>} : memref<128x32xf32, #tpu.memory_space<vmem>>, vector<16xf32>,
    tpu.vector_store %arg7[%swap3A_813, %swap3A_814], %broadcast_in_dim3A_0 {strides = array<i32>} : memref<128x32xf32, #tpu.memory_space<vmem>>, vector<16xf32>,
    %swap3A_816 = arith.constant 102 : i32
    %swap3A_817 = arith.index_cast %swap3A_816 : i32 to index
    %swap3A_818 = arith.constant 0 : index
    %swap3A_819 = tpu.vector_load %arg7[%swap3A_817, %swap3A_818] {strides = array<i32>} : memref<128x32xf32, #tpu.memory_space<vmem>>, vector<16xf32>,
    tpu.vector_store %arg7[%swap3A_817, %swap3A_818], %broadcast_in_dim3A_0 {strides = array<i32>} : memref<128x32xf32, #tpu.memory_space<vmem>>, vector<16xf32>,
    %swap3A_820 = arith.constant 102 : i32
    %swap3A_821 = arith.index_cast %swap3A_820 : i32 to index
    %swap3A_822 = arith.constant 16 : index
    %swap3A_823 = tpu.vector_load %arg7[%swap3A_821, %swap3A_822] {strides = array<i32>} : memref<128x32xf32, #tpu.memory_space<vmem>>, vector<16xf32>,
    tpu.vector_store %arg7[%swap3A_821, %swap3A_822], %broadcast_in_dim3A_0 {strides = array<i32>} : memref<128x32xf32, #tpu.memory_space<vmem>>, vector<16xf32>,
    %swap3A_824 = arith.constant 103 : i32
    %swap3A_825 = arith.index_cast %swap3A_824 : i32 to index
    %swap3A_826 = arith.constant 0 : index
    %swap3A_827 = tpu.vector_load %arg7[%swap3A_825, %swap3A_826] {strides = array<i32>} : memref<128x32xf32, #tpu.memory_space<vmem>>, vector<16xf32>,
    tpu.vector_store %arg7[%swap3A_825, %swap3A_826], %broadcast_in_dim3A_0 {strides = array<i32>} : memref<128x32xf32, #tpu.memory_space<vmem>>, vector<16xf32>,
    %swap3A_828 = arith.constant 103 : i32
    %swap3A_829 = arith.index_cast %swap3A_828 : i32 to index
    %swap3A_830 = arith.constant 16 : index
    %swap3A_831 = tpu.vector_load %arg7[%swap3A_829, %swap3A_830] {strides = array<i32>} : memref<128x32xf32, #tpu.memory_space<vmem>>, vector<16xf32>,
    tpu.vector_store %arg7[%swap3A_829, %swap3A_830], %broadcast_in_dim3A_0 {strides = array<i32>} : memref<128x32xf32, #tpu.memory_space<vmem>>, vector<16xf32>,
    %swap3A_832 = arith.constant 104 : i32
    %swap3A_833 = arith.index_cast %swap3A_832 : i32 to index
    %swap3A_834 = arith.constant 0 : index
    %swap3A_835 = tpu.vector_load %arg7[%swap3A_833, %swap3A_834] {strides = array<i32>} : memref<128x32xf32, #tpu.memory_space<vmem>>, vector<16xf32>,
    tpu.vector_store %arg7[%swap3A_833, %swap3A_834], %broadcast_in_dim3A_0 {strides = array<i32>} : memref<128x32xf32, #tpu.memory_space<vmem>>, vector<16xf32>,
    %swap3A_836 = arith.constant 104 : i32
    %swap3A_837 = arith.index_cast %swap3A_836 : i32 to index
    %swap3A_838 = arith.constant 16 : index
    %swap3A_839 = tpu.vector_load %arg7[%swap3A_837, %swap3A_838] {strides = array<i32>} : memref<128x32xf32, #tpu.memory_space<vmem>>, vector<16xf32>,
    tpu.vector_store %arg7[%swap3A_837, %swap3A_838], %broadcast_in_dim3A_0 {strides = array<i32>} : memref<128x32xf32, #tpu.memory_space<vmem>>, vector<16xf32>,
    %swap3A_840 = arith.constant 105 : i32
    %swap3A_841 = arith.index_cast %swap3A_840 : i32 to index
    %swap3A_842 = arith.constant 0 : index
    %swap3A_843 = tpu.vector_load %arg7[%swap3A_841, %swap3A_842] {strides = array<i32>} : memref<128x32xf32, #tpu.memory_space<vmem>>, vector<16xf32>,
    tpu.vector_store %arg7[%swap3A_841, %swap3A_842], %broadcast_in_dim3A_0 {strides = array<i32>} : memref<128x32xf32, #tpu.memory_space<vmem>>, vector<16xf32>,
    %swap3A_844 = arith.constant 105 : i32
    %swap3A_845 = arith.index_cast %swap3A_844 : i32 to index
    %swap3A_846 = arith.constant 16 : index
    %swap3A_847 = tpu.vector_load %arg7[%swap3A_845, %swap3A_846] {strides = array<i32>} : memref<128x32xf32, #tpu.memory_space<vmem>>, vector<16xf32>,
    tpu.vector_store %arg7[%swap3A_845, %swap3A_846], %broadcast_in_dim3A_0 {strides = array<i32>} : memref<128x32xf32, #tpu.memory_space<vmem>>, vector<16xf32>,
    %swap3A_848 = arith.constant 106 : i32
    %swap3A_849 = arith.index_cast %swap3A_848 : i32 to index
    %swap3A_850 = arith.constant 0 : index
    %swap3A_851 = tpu.vector_load %arg7[%swap3A_849, %swap3A_850] {strides = array<i32>} : memref<128x32xf32, #tpu.memory_space<vmem>>, vector<16xf32>,
    tpu.vector_store %arg7[%swap3A_849, %swap3A_850], %broadcast_in_dim3A_0 {strides = array<i32>} : memref<128x32xf32, #tpu.memory_space<vmem>>, vector<16xf32>,
    %swap3A_852 = arith.constant 106 : i32
    %swap3A_853 = arith.index_cast %swap3A_852 : i32 to index
    %swap3A_854 = arith.constant 16 : index
    %swap3A_855 = tpu.vector_load %arg7[%swap3A_853, %swap3A_854] {strides = array<i32>} : memref<128x32xf32, #tpu.memory_space<vmem>>, vector<16xf32>,
    tpu.vector_store %arg7[%swap3A_853, %swap3A_854], %broadcast_in_dim3A_0 {strides = array<i32>} : memref<128x32xf32, #tpu.memory_space<vmem>>, vector<16xf32>,
    %swap3A_856 = arith.constant 107 : i32
    %swap3A_857 = arith.index_cast %swap3A_856 : i32 to index
    %swap3A_858 = arith.constant 0 : index
    %swap3A_859 = tpu.vector_load %arg7[%swap3A_857, %swap3A_858] {strides = array<i32>} : memref<128x32xf32, #tpu.memory_space<vmem>>, vector<16xf32>,
    tpu.vector_store %arg7[%swap3A_857, %swap3A_858], %broadcast_in_dim3A_0 {strides = array<i32>} : memref<128x32xf32, #tpu.memory_space<vmem>>, vector<16xf32>,
    %swap3A_860 = arith.constant 107 : i32
    %swap3A_861 = arith.index_cast %swap3A_860 : i32 to index
    %swap3A_862 = arith.constant 16 : index
    %swap3A_863 = tpu.vector_load %arg7[%swap3A_861, %swap3A_862] {strides = array<i32>} : memref<128x32xf32, #tpu.memory_space<vmem>>, vector<16xf32>,
    tpu.vector_store %arg7[%swap3A_861, %swap3A_862], %broadcast_in_dim3A_0 {strides = array<i32>} : memref<128x32xf32, #tpu.memory_space<vmem>>, vector<16xf32>,
    %swap3A_864 = arith.constant 108 : i32
    %swap3A_865 = arith.index_cast %swap3A_864 : i32 to index
    %swap3A_866 = arith.constant 0 : index
    %swap3A_867 = tpu.vector_load %arg7[%swap3A_865, %swap3A_866] {strides = array<i32>} : memref<128x32xf32, #tpu.memory_space<vmem>>, vector<16xf32>,
    tpu.vector_store %arg7[%swap3A_865, %swap3A_866], %broadcast_in_dim3A_0 {strides = array<i32>} : memref<128x32xf32, #tpu.memory_space<vmem>>, vector<16xf32>,
    %swap3A_868 = arith.constant 108 : i32
    %swap3A_869 = arith.index_cast %swap3A_868 : i32 to index
    %swap3A_870 = arith.constant 16 : index
    %swap3A_871 = tpu.vector_load %arg7[%swap3A_869, %swap3A_870] {strides = array<i32>} : memref<128x32xf32, #tpu.memory_space<vmem>>, vector<16xf32>,
    tpu.vector_store %arg7[%swap3A_869, %swap3A_870], %broadcast_in_dim3A_0 {strides = array<i32>} : memref<128x32xf32, #tpu.memory_space<vmem>>, vector<16xf32>,
    %swap3A_872 = arith.constant 109 : i32
    %swap3A_873 = arith.index_cast %swap3A_872 : i32 to index
    %swap3A_874 = arith.constant 0 : index
    %swap3A_875 = tpu.vector_load %arg7[%swap3A_873, %swap3A_874] {strides = array<i32>} : memref<128x32xf32, #tpu.memory_space<vmem>>, vector<16xf32>,
    tpu.vector_store %arg7[%swap3A_873, %swap3A_874], %broadcast_in_dim3A_0 {strides = array<i32>} : memref<128x32xf32, #tpu.memory_space<vmem>>, vector<16xf32>,
    %swap3A_876 = arith.constant 109 : i32
    %swap3A_877 = arith.index_cast %swap3A_876 : i32 to index
    %swap3A_878 = arith.constant 16 : index
    %swap3A_879 = tpu.vector_load %arg7[%swap3A_877, %swap3A_878] {strides = array<i32>} : memref<128x32xf32, #tpu.memory_space<vmem>>, vector<16xf32>,
    tpu.vector_store %arg7[%swap3A_877, %swap3A_878], %broadcast_in_dim3A_0 {strides = array<i32>} : memref<128x32xf32, #tpu.memory_space<vmem>>, vector<16xf32>,
    %swap3A_880 = arith.constant 110 : i32
    %swap3A_881 = arith.index_cast %swap3A_880 : i32 to index
    %swap3A_882 = arith.constant 0 : index
    %swap3A_883 = tpu.vector_load %arg7[%swap3A_881, %swap3A_882] {strides = array<i32>} : memref<128x32xf32, #tpu.memory_space<vmem>>, vector<16xf32>,
    tpu.vector_store %arg7[%swap3A_881, %swap3A_882], %broadcast_in_dim3A_0 {strides = array<i32>} : memref<128x32xf32, #tpu.memory_space<vmem>>, vector<16xf32>,
    %swap3A_884 = arith.constant 110 : i32
    %swap3A_885 = arith.index_cast %swap3A_884 : i32 to index
    %swap3A_886 = arith.constant 16 : index
    %swap3A_887 = tpu.vector_load %arg7[%swap3A_885, %swap3A_886] {strides = array<i32>} : memref<128x32xf32, #tpu.memory_space<vmem>>, vector<16xf32>,
    tpu.vector_store %arg7[%swap3A_885, %swap3A_886], %broadcast_in_dim3A_0 {strides = array<i32>} : memref<128x32xf32, #tpu.memory_space<vmem>>, vector<16xf32>,
    %swap3A_888 = arith.constant 111 : i32
    %swap3A_889 = arith.index_cast %swap3A_888 : i32 to index
    %swap3A_890 = arith.constant 0 : index
    %swap3A_891 = tpu.vector_load %arg7[%swap3A_889, %swap3A_890] {strides = array<i32>} : memref<128x32xf32, #tpu.memory_space<vmem>>, vector<16xf32>,
    tpu.vector_store %arg7[%swap3A_889, %swap3A_890], %broadcast_in_dim3A_0 {strides = array<i32>} : memref<128x32xf32, #tpu.memory_space<vmem>>, vector<16xf32>,
    %swap3A_892 = arith.constant 111 : i32
    %swap3A_893 = arith.index_cast %swap3A_892 : i32 to index
    %swap3A_894 = arith.constant 16 : index
    %swap3A_895 = tpu.vector_load %arg7[%swap3A_893, %swap3A_894] {strides = array<i32>} : memref<128x32xf32, #tpu.memory_space<vmem>>, vector<16xf32>,
    tpu.vector_store %arg7[%swap3A_893, %swap3A_894], %broadcast_in_dim3A_0 {strides = array<i32>} : memref<128x32xf32, #tpu.memory_space<vmem>>, vector<16xf32>,
    %swap3A_896 = arith.constant 112 : i32
    %swap3A_897 = arith.index_cast %swap3A_896 : i32 to index
    %swap3A_898 = arith.constant 0 : index
    %swap3A_899 = tpu.vector_load %arg7[%swap3A_897, %swap3A_898] {strides = array<i32>} : memref<128x32xf32, #tpu.memory_space<vmem>>, vector<16xf32>,
    tpu.vector_store %arg7[%swap3A_897, %swap3A_898], %broadcast_in_dim3A_0 {strides = array<i32>} : memref<128x32xf32, #tpu.memory_space<vmem>>, vector<16xf32>,
    %swap3A_900 = arith.constant 112 : i32
    %swap3A_901 = arith.index_cast %swap3A_900 : i32 to index
    %swap3A_902 = arith.constant 16 : index
    %swap3A_903 = tpu.vector_load %arg7[%swap3A_901, %swap3A_902] {strides = array<i32>} : memref<128x32xf32, #tpu.memory_space<vmem>>, vector<16xf32>,
    tpu.vector_store %arg7[%swap3A_901, %swap3A_902], %broadcast_in_dim3A_0 {strides = array<i32>} : memref<128x32xf32, #tpu.memory_space<vmem>>, vector<16xf32>,
    %swap3A_904 = arith.constant 113 : i32
    %swap3A_905 = arith.index_cast %swap3A_904 : i32 to index
    %swap3A_906 = arith.constant 0 : index
    %swap3A_907 = tpu.vector_load %arg7[%swap3A_905, %swap3A_906] {strides = array<i32>} : memref<128x32xf32, #tpu.memory_space<vmem>>, vector<16xf32>,
    tpu.vector_store %arg7[%swap3A_905, %swap3A_906], %broadcast_in_dim3A_0 {strides = array<i32>} : memref<128x32xf32, #tpu.memory_space<vmem>>, vector<16xf32>,
    %swap3A_908 = arith.constant 113 : i32
    %swap3A_909 = arith.index_cast %swap3A_908 : i32 to index
    %swap3A_910 = arith.constant 16 : index
    %swap3A_911 = tpu.vector_load %arg7[%swap3A_909, %swap3A_910] {strides = array<i32>} : memref<128x32xf32, #tpu.memory_space<vmem>>, vector<16xf32>,
    tpu.vector_store %arg7[%swap3A_909, %swap3A_910], %broadcast_in_dim3A_0 {strides = array<i32>} : memref<128x32xf32, #tpu.memory_space<vmem>>, vector<16xf32>,
    %swap3A_912 = arith.constant 114 : i32
    %swap3A_913 = arith.index_cast %swap3A_912 : i32 to index
    %swap3A_914 = arith.constant 0 : index
    %swap3A_915 = tpu.vector_load %arg7[%swap3A_913, %swap3A_914] {strides = array<i32>} : memref<128x32xf32, #tpu.memory_space<vmem>>, vector<16xf32>,
    tpu.vector_store %arg7[%swap3A_913, %swap3A_914], %broadcast_in_dim3A_0 {strides = array<i32>} : memref<128x32xf32, #tpu.memory_space<vmem>>, vector<16xf32>,
    %swap3A_916 = arith.constant 114 : i32
    %swap3A_917 = arith.index_cast %swap3A_916 : i32 to index
    %swap3A_918 = arith.constant 16 : index
    %swap3A_919 = tpu.vector_load %arg7[%swap3A_917, %swap3A_918] {strides = array<i32>} : memref<128x32xf32, #tpu.memory_space<vmem>>, vector<16xf32>,
    tpu.vector_store %arg7[%swap3A_917, %swap3A_918], %broadcast_in_dim3A_0 {strides = array<i32>} : memref<128x32xf32, #tpu.memory_space<vmem>>, vector<16xf32>,
    %swap3A_920 = arith.constant 115 : i32
    %swap3A_921 = arith.index_cast %swap3A_920 : i32 to index
    %swap3A_922 = arith.constant 0 : index
    %swap3A_923 = tpu.vector_load %arg7[%swap3A_921, %swap3A_922] {strides = array<i32>} : memref<128x32xf32, #tpu.memory_space<vmem>>, vector<16xf32>,
    tpu.vector_store %arg7[%swap3A_921, %swap3A_922], %broadcast_in_dim3A_0 {strides = array<i32>} : memref<128x32xf32, #tpu.memory_space<vmem>>, vector<16xf32>,
    %swap3A_924 = arith.constant 115 : i32
    %swap3A_925 = arith.index_cast %swap3A_924 : i32 to index
    %swap3A_926 = arith.constant 16 : index
    %swap3A_927 = tpu.vector_load %arg7[%swap3A_925, %swap3A_926] {strides = array<i32>} : memref<128x32xf32, #tpu.memory_space<vmem>>, vector<16xf32>,
    tpu.vector_store %arg7[%swap3A_925, %swap3A_926], %broadcast_in_dim3A_0 {strides = array<i32>} : memref<128x32xf32, #tpu.memory_space<vmem>>, vector<16xf32>,
    %swap3A_928 = arith.constant 116 : i32
    %swap3A_929 = arith.index_cast %swap3A_928 : i32 to index
    %swap3A_930 = arith.constant 0 : index
    %swap3A_931 = tpu.vector_load %arg7[%swap3A_929, %swap3A_930] {strides = array<i32>} : memref<128x32xf32, #tpu.memory_space<vmem>>, vector<16xf32>,
    tpu.vector_store %arg7[%swap3A_929, %swap3A_930], %broadcast_in_dim3A_0 {strides = array<i32>} : memref<128x32xf32, #tpu.memory_space<vmem>>, vector<16xf32>,
    %swap3A_932 = arith.constant 116 : i32
    %swap3A_933 = arith.index_cast %swap3A_932 : i32 to index
    %swap3A_934 = arith.constant 16 : index
    %swap3A_935 = tpu.vector_load %arg7[%swap3A_933, %swap3A_934] {strides = array<i32>} : memref<128x32xf32, #tpu.memory_space<vmem>>, vector<16xf32>,
    tpu.vector_store %arg7[%swap3A_933, %swap3A_934], %broadcast_in_dim3A_0 {strides = array<i32>} : memref<128x32xf32, #tpu.memory_space<vmem>>, vector<16xf32>,
    %swap3A_936 = arith.constant 117 : i32
    %swap3A_937 = arith.index_cast %swap3A_936 : i32 to index
    %swap3A_938 = arith.constant 0 : index
    %swap3A_939 = tpu.vector_load %arg7[%swap3A_937, %swap3A_938] {strides = array<i32>} : memref<128x32xf32, #tpu.memory_space<vmem>>, vector<16xf32>,
    tpu.vector_store %arg7[%swap3A_937, %swap3A_938], %broadcast_in_dim3A_0 {strides = array<i32>} : memref<128x32xf32, #tpu.memory_space<vmem>>, vector<16xf32>,
    %swap3A_940 = arith.constant 117 : i32
    %swap3A_941 = arith.index_cast %swap3A_940 : i32 to index
    %swap3A_942 = arith.constant 16 : index
    %swap3A_943 = tpu.vector_load %arg7[%swap3A_941, %swap3A_942] {strides = array<i32>} : memref<128x32xf32, #tpu.memory_space<vmem>>, vector<16xf32>,
    tpu.vector_store %arg7[%swap3A_941, %swap3A_942], %broadcast_in_dim3A_0 {strides = array<i32>} : memref<128x32xf32, #tpu.memory_space<vmem>>, vector<16xf32>,
    %swap3A_944 = arith.constant 118 : i32
    %swap3A_945 = arith.index_cast %swap3A_944 : i32 to index
    %swap3A_946 = arith.constant 0 : index
    %swap3A_947 = tpu.vector_load %arg7[%swap3A_945, %swap3A_946] {strides = array<i32>} : memref<128x32xf32, #tpu.memory_space<vmem>>, vector<16xf32>,
    tpu.vector_store %arg7[%swap3A_945, %swap3A_946], %broadcast_in_dim3A_0 {strides = array<i32>} : memref<128x32xf32, #tpu.memory_space<vmem>>, vector<16xf32>,
    %swap3A_948 = arith.constant 118 : i32
    %swap3A_949 = arith.index_cast %swap3A_948 : i32 to index
    %swap3A_950 = arith.constant 16 : index
    %swap3A_951 = tpu.vector_load %arg7[%swap3A_949, %swap3A_950] {strides = array<i32>} : memref<128x32xf32, #tpu.memory_space<vmem>>, vector<16xf32>,
    tpu.vector_store %arg7[%swap3A_949, %swap3A_950], %broadcast_in_dim3A_0 {strides = array<i32>} : memref<128x32xf32, #tpu.memory_space<vmem>>, vector<16xf32>,
    %swap3A_952 = arith.constant 119 : i32
    %swap3A_953 = arith.index_cast %swap3A_952 : i32 to index
    %swap3A_954 = arith.constant 0 : index
    %swap3A_955 = tpu.vector_load %arg7[%swap3A_953, %swap3A_954] {strides = array<i32>} : memref<128x32xf32, #tpu.memory_space<vmem>>, vector<16xf32>,
    tpu.vector_store %arg7[%swap3A_953, %swap3A_954], %broadcast_in_dim3A_0 {strides = array<i32>} : memref<128x32xf32, #tpu.memory_space<vmem>>, vector<16xf32>,
    %swap3A_956 = arith.constant 119 : i32
    %swap3A_957 = arith.index_cast %swap3A_956 : i32 to index
    %swap3A_958 = arith.constant 16 : index
    %swap3A_959 = tpu.vector_load %arg7[%swap3A_957, %swap3A_958] {strides = array<i32>} : memref<128x32xf32, #tpu.memory_space<vmem>>, vector<16xf32>,
    tpu.vector_store %arg7[%swap3A_957, %swap3A_958], %broadcast_in_dim3A_0 {strides = array<i32>} : memref<128x32xf32, #tpu.memory_space<vmem>>, vector<16xf32>,
    %swap3A_960 = arith.constant 120 : i32
    %swap3A_961 = arith.index_cast %swap3A_960 : i32 to index
    %swap3A_962 = arith.constant 0 : index
    %swap3A_963 = tpu.vector_load %arg7[%swap3A_961, %swap3A_962] {strides = array<i32>} : memref<128x32xf32, #tpu.memory_space<vmem>>, vector<16xf32>,
    tpu.vector_store %arg7[%swap3A_961, %swap3A_962], %broadcast_in_dim3A_0 {strides = array<i32>} : memref<128x32xf32, #tpu.memory_space<vmem>>, vector<16xf32>,
    %swap3A_964 = arith.constant 120 : i32
    %swap3A_965 = arith.index_cast %swap3A_964 : i32 to index
    %swap3A_966 = arith.constant 16 : index
    %swap3A_967 = tpu.vector_load %arg7[%swap3A_965, %swap3A_966] {strides = array<i32>} : memref<128x32xf32, #tpu.memory_space<vmem>>, vector<16xf32>,
    tpu.vector_store %arg7[%swap3A_965, %swap3A_966], %broadcast_in_dim3A_0 {strides = array<i32>} : memref<128x32xf32, #tpu.memory_space<vmem>>, vector<16xf32>,
    %swap3A_968 = arith.constant 121 : i32
    %swap3A_969 = arith.index_cast %swap3A_968 : i32 to index
    %swap3A_970 = arith.constant 0 : index
    %swap3A_971 = tpu.vector_load %arg7[%swap3A_969, %swap3A_970] {strides = array<i32>} : memref<128x32xf32, #tpu.memory_space<vmem>>, vector<16xf32>,
    tpu.vector_store %arg7[%swap3A_969, %swap3A_970], %broadcast_in_dim3A_0 {strides = array<i32>} : memref<128x32xf32, #tpu.memory_space<vmem>>, vector<16xf32>,
    %swap3A_972 = arith.constant 121 : i32
    %swap3A_973 = arith.index_cast %swap3A_972 : i32 to index
    %swap3A_974 = arith.constant 16 : index
    %swap3A_975 = tpu.vector_load %arg7[%swap3A_973, %swap3A_974] {strides = array<i32>} : memref<128x32xf32, #tpu.memory_space<vmem>>, vector<16xf32>,
    tpu.vector_store %arg7[%swap3A_973, %swap3A_974], %broadcast_in_dim3A_0 {strides = array<i32>} : memref<128x32xf32, #tpu.memory_space<vmem>>, vector<16xf32>,
    %swap3A_976 = arith.constant 122 : i32
    %swap3A_977 = arith.index_cast %swap3A_976 : i32 to index
    %swap3A_978 = arith.constant 0 : index
    %swap3A_979 = tpu.vector_load %arg7[%swap3A_977, %swap3A_978] {strides = array<i32>} : memref<128x32xf32, #tpu.memory_space<vmem>>, vector<16xf32>,
    tpu.vector_store %arg7[%swap3A_977, %swap3A_978], %broadcast_in_dim3A_0 {strides = array<i32>} : memref<128x32xf32, #tpu.memory_space<vmem>>, vector<16xf32>,
    %swap3A_980 = arith.constant 122 : i32
    %swap3A_981 = arith.index_cast %swap3A_980 : i32 to index
    %swap3A_982 = arith.constant 16 : index
    %swap3A_983 = tpu.vector_load %arg7[%swap3A_981, %swap3A_982] {strides = array<i32>} : memref<128x32xf32, #tpu.memory_space<vmem>>, vector<16xf32>,
    tpu.vector_store %arg7[%swap3A_981, %swap3A_982], %broadcast_in_dim3A_0 {strides = array<i32>} : memref<128x32xf32, #tpu.memory_space<vmem>>, vector<16xf32>,
    %swap3A_984 = arith.constant 123 : i32
    %swap3A_985 = arith.index_cast %swap3A_984 : i32 to index
    %swap3A_986 = arith.constant 0 : index
    %swap3A_987 = tpu.vector_load %arg7[%swap3A_985, %swap3A_986] {strides = array<i32>} : memref<128x32xf32, #tpu.memory_space<vmem>>, vector<16xf32>,
    tpu.vector_store %arg7[%swap3A_985, %swap3A_986], %broadcast_in_dim3A_0 {strides = array<i32>} : memref<128x32xf32, #tpu.memory_space<vmem>>, vector<16xf32>,
    %swap3A_988 = arith.constant 123 : i32
    %swap3A_989 = arith.index_cast %swap3A_988 : i32 to index
    %swap3A_990 = arith.constant 16 : index
    %swap3A_991 = tpu.vector_load %arg7[%swap3A_989, %swap3A_990] {strides = array<i32>} : memref<128x32xf32, #tpu.memory_space<vmem>>, vector<16xf32>,
    tpu.vector_store %arg7[%swap3A_989, %swap3A_990], %broadcast_in_dim3A_0 {strides = array<i32>} : memref<128x32xf32, #tpu.memory_space<vmem>>, vector<16xf32>,
    %swap3A_992 = arith.constant 124 : i32
    %swap3A_993 = arith.index_cast %swap3A_992 : i32 to index
    %swap3A_994 = arith.constant 0 : index
    %swap3A_995 = tpu.vector_load %arg7[%swap3A_993, %swap3A_994] {strides = array<i32>} : memref<128x32xf32, #tpu.memory_space<vmem>>, vector<16xf32>,
    tpu.vector_store %arg7[%swap3A_993, %swap3A_994], %broadcast_in_dim3A_0 {strides = array<i32>} : memref<128x32xf32, #tpu.memory_space<vmem>>, vector<16xf32>,
    %swap3A_996 = arith.constant 124 : i32
    %swap3A_997 = arith.index_cast %swap3A_996 : i32 to index
    %swap3A_998 = arith.constant 16 : index
    %swap3A_999 = tpu.vector_load %arg7[%swap3A_997, %swap3A_998] {strides = array<i32>} : memref<128x32xf32, #tpu.memory_space<vmem>>, vector<16xf32>,
    tpu.vector_store %arg7[%swap3A_997, %swap3A_998], %broadcast_in_dim3A_0 {strides = array<i32>} : memref<128x32xf32, #tpu.memory_space<vmem>>, vector<16xf32>,
    %swap3A_1000 = arith.constant 125 : i32
    %swap3A_1001 = arith.index_cast %swap3A_1000 : i32 to index
    %swap3A_1002 = arith.constant 0 : index
    %swap3A_1003 = tpu.vector_load %arg7[%swap3A_1001, %swap3A_1002] {strides = array<i32>} : memref<128x32xf32, #tpu.memory_space<vmem>>, vector<16xf32>,
    tpu.vector_store %arg7[%swap3A_1001, %swap3A_1002], %broadcast_in_dim3A_0 {strides = array<i32>} : memref<128x32xf32, #tpu.memory_space<vmem>>, vector<16xf32>,
    %swap3A_1004 = arith.constant 125 : i32
    %swap3A_1005 = arith.index_cast %swap3A_1004 : i32 to index
    %swap3A_1006 = arith.constant 16 : index
    %swap3A_1007 = tpu.vector_load %arg7[%swap3A_1005, %swap3A_1006] {strides = array<i32>} : memref<128x32xf32, #tpu.memory_space<vmem>>, vector<16xf32>,
    tpu.vector_store %arg7[%swap3A_1005, %swap3A_1006], %broadcast_in_dim3A_0 {strides = array<i32>} : memref<128x32xf32, #tpu.memory_space<vmem>>, vector<16xf32>,
    %swap3A_1008 = arith.constant 126 : i32
    %swap3A_1009 = arith.index_cast %swap3A_1008 : i32 to index
    %swap3A_1010 = arith.constant 0 : index
    %swap3A_1011 = tpu.vector_load %arg7[%swap3A_1009, %swap3A_1010] {strides = array<i32>} : memref<128x32xf32, #tpu.memory_space<vmem>>, vector<16xf32>,
    tpu.vector_store %arg7[%swap3A_1009, %swap3A_1010], %broadcast_in_dim3A_0 {strides = array<i32>} : memref<128x32xf32, #tpu.memory_space<vmem>>, vector<16xf32>,
    %swap3A_1012 = arith.constant 126 : i32
    %swap3A_1013 = arith.index_cast %swap3A_1012 : i32 to index
    %swap3A_1014 = arith.constant 16 : index
    %swap3A_1015 = tpu.vector_load %arg7[%swap3A_1013, %swap3A_1014] {strides = array<i32>} : memref<128x32xf32, #tpu.memory_space<vmem>>, vector<16xf32>,
    tpu.vector_store %arg7[%swap3A_1013, %swap3A_1014], %broadcast_in_dim3A_0 {strides = array<i32>} : memref<128x32xf32, #tpu.memory_space<vmem>>, vector<16xf32>,
    %swap3A_1016 = arith.constant 127 : i32
    %swap3A_1017 = arith.index_cast %swap3A_1016 : i32 to index
    %swap3A_1018 = arith.constant 0 : index
    %swap3A_1019 = tpu.vector_load %arg7[%swap3A_1017, %swap3A_1018] {strides = array<i32>} : memref<128x32xf32, #tpu.memory_space<vmem>>, vector<16xf32>,
    tpu.vector_store %arg7[%swap3A_1017, %swap3A_1018], %broadcast_in_dim3A_0 {strides = array<i32>} : memref<128x32xf32, #tpu.memory_space<vmem>>, vector<16xf32>,
    %swap3A_1020 = arith.constant 127 : i32
    %swap3A_1021 = arith.index_cast %swap3A_1020 : i32 to index
    %swap3A_1022 = arith.constant 16 : index
    %swap3A_1023 = tpu.vector_load %arg7[%swap3A_1021, %swap3A_1022] {strides = array<i32>} : memref<128x32xf32, #tpu.memory_space<vmem>>, vector<16xf32>,
    tpu.vector_store %arg7[%swap3A_1021, %swap3A_1022], %broadcast_in_dim3A_0 {strides = array<i32>} : memref<128x32xf32, #tpu.memory_space<vmem>>, vector<16xf32>,
    %iota3A = tpu.iota {dimensions = array<i32: 0>} : vector<16xi32>
    %scan3A = arith.constant 0 : i32
    %scan3A_1024 = arith.constant 0 : i32
    %scan3A_1025 = arith.constant 8 : i32
    %scan3A_1026 = arith.addi %scan3A_1024, %scan3A_1025 : i32
    %scan3A_1027 = arith.constant 1 : i32
    scf.for %scan3A_1029 = %scan3A_1024 to %scan3A_1026 step %scan3A_1027  : i32 {
      %mul3A = arith.constant 2 : i32
      %mul3A_1030 = arith.muli %scan3A_1029, %mul3A : i32
      %add3A = arith.addi %mul3A_1030, %arg0 : i32
      %scan3A_1031 = arith.constant 0 : i32
      %scan3A_1032 = arith.constant 0 : i32
      %scan3A_1033 = arith.constant 16 : i32
      %scan3A_1034 = arith.addi %scan3A_1032, %scan3A_1033 : i32
      %scan3A_1035 = arith.constant 1 : i32
      scf.for %scan3A_1049 = %scan3A_1032 to %scan3A_1034 step %scan3A_1035  : i32 {
        %mul3A_1050 = arith.constant 16 : i32
        %mul3A_1051 = arith.muli %arg1, %mul3A_1050 : i32
        %add3A_1052 = arith.addi %mul3A_1051, %scan3A_1049 : i32
        %mul3A_1053 = arith.constant 128 : i32
        %mul3A_1054 = arith.muli %add3A_1052, %mul3A_1053 : i32
        "tpu.region"() ({
          %run_scoped3A = tpu.sem_alloc : memref<!tpu.dma_semaphore, #tpu.memory_space<semaphore_mem>>
          %dma_start3A = arith.constant 0 : i32
          %dma_start3A_1055 = tpu.memref_slice %arg6[%mul3A_1054, %dma_start3A] : memref<32768x32xf32, #tpu.memory_space<vmem_shared>> -> memref<128x32xf32, #tpu.memory_space<vmem_shared>>
          %dma_start3A_1056 = arith.constant 0 : i32
          %dma_start3A_1057 = tpu.memref_slice %arg6[%mul3A_1054, %dma_start3A_1056] : memref<32768x32xf32, #tpu.memory_space<vmem_shared>> -> memref<128x32xf32, #tpu.memory_space<vmem_shared>>
          tpu.enqueue_dma source(%arg7 : memref<128x32xf32, #tpu.memory_space<vmem>>) target(%dma_start3A_1057 : memref<128x32xf32, #tpu.memory_space<vmem_shared>>) target_semaphore(%run_scoped3A : memref<!tpu.dma_semaphore, #tpu.memory_space<semaphore_mem>>)
          %dma_wait3A = arith.constant 0 : i32
          %dma_wait3A_1058 = tpu.memref_slice %arg6[%mul3A_1054, %dma_wait3A] : memref<32768x32xf32, #tpu.memory_space<vmem_shared>> -> memref<128x32xf32, #tpu.memory_space<vmem_shared>>
          %dma_wait3A_1059 = arith.constant 0 : i32
          %dma_wait3A_1060 = tpu.memref_slice %arg6[%mul3A_1054, %dma_wait3A_1059] : memref<32768x32xf32, #tpu.memory_space<vmem_shared>> -> memref<128x32xf32, #tpu.memory_space<vmem_shared>>
          tpu.wait_dma2 semaphore(%run_scoped3A : memref<!tpu.dma_semaphore, #tpu.memory_space<semaphore_mem>>) src(%arg7 : memref<128x32xf32, #tpu.memory_space<vmem>>) dst(%dma_wait3A_1060 : memref<128x32xf32, #tpu.memory_space<vmem_shared>>)
          tpu.yield
        }) : () -> ()
      }
      %scan3A_1036 = arith.constant 16 : i32
      %barrier3A = arith.constant 0 : index
      tpu.barrier barrier_id(%barrier3A)
      %scan3A_1037 = arith.constant 0 : i32
      %scan3A_1038 = arith.constant 0 : i32
      %scan3A_1039 = arith.constant 8 : i32
      %scan3A_1040 = arith.addi %scan3A_1038, %scan3A_1039 : i32
      %scan3A_1041 = arith.constant 1 : i32
      scf.for %scan3A_1049 = %scan3A_1038 to %scan3A_1040 step %scan3A_1041  : i32 {
        %mul3A_1050 = arith.constant 1024 : i32
        %mul3A_1051 = arith.muli %arg1, %mul3A_1050 : i32
        %mul3A_1052 = arith.constant 128 : i32
        %mul3A_1053 = arith.muli %scan3A_1049, %mul3A_1052 : i32
        %add3A_1054 = arith.addi %mul3A_1051, %mul3A_1053 : i32
        "tpu.region"() ({
          %run_scoped3A_1068 = tpu.sem_alloc : memref<!tpu.dma_semaphore, #tpu.memory_space<semaphore_mem>>
          %dma_start3A = arith.constant 0 : i32
          %dma_start3A_1069 = tpu.memref_slice %arg2[%add3A, %dma_start3A, %add3A_1054] : memref<16x32x16384xf32, #tpu.memory_space<hbm>> -> memref<1x32x128xf32, #tpu.memory_space<hbm>>
          %dma_start3A_1070 = tpu.memref_squeeze %dma_start3A_1069 : memref<1x32x128xf32, #tpu.memory_space<hbm>> -> memref<32x128xf32, #tpu.memory_space<hbm>>
          %dma_start3A_1071 = arith.constant 0 : i32
          %dma_start3A_1072 = tpu.memref_slice %arg2[%add3A, %dma_start3A_1071, %add3A_1054] : memref<16x32x16384xf32, #tpu.memory_space<hbm>> -> memref<1x32x128xf32, #tpu.memory_space<hbm>>
          %dma_start3A_1073 = tpu.memref_squeeze %dma_start3A_1072 : memref<1x32x128xf32, #tpu.memory_space<hbm>> -> memref<32x128xf32, #tpu.memory_space<hbm>>
          tpu.enqueue_dma source(%dma_start3A_1073 : memref<32x128xf32, #tpu.memory_space<hbm>>) target(%arg8 : memref<32x128xf32, #tpu.memory_space<vmem>>) target_semaphore(%run_scoped3A_1068 : memref<!tpu.dma_semaphore, #tpu.memory_space<semaphore_mem>>)
          %dma_wait3A = arith.constant 0 : i32
          %dma_wait3A_1074 = tpu.memref_slice %arg2[%add3A, %dma_wait3A, %add3A_1054] : memref<16x32x16384xf32, #tpu.memory_space<hbm>> -> memref<1x32x128xf32, #tpu.memory_space<hbm>>
          %dma_wait3A_1075 = tpu.memref_squeeze %dma_wait3A_1074 : memref<1x32x128xf32, #tpu.memory_space<hbm>> -> memref<32x128xf32, #tpu.memory_space<hbm>>
          %dma_wait3A_1076 = arith.constant 0 : i32
          %dma_wait3A_1077 = tpu.memref_slice %arg2[%add3A, %dma_wait3A_1076, %add3A_1054] : memref<16x32x16384xf32, #tpu.memory_space<hbm>> -> memref<1x32x128xf32, #tpu.memory_space<hbm>>
          %dma_wait3A_1078 = tpu.memref_squeeze %dma_wait3A_1077 : memref<1x32x128xf32, #tpu.memory_space<hbm>> -> memref<32x128xf32, #tpu.memory_space<hbm>>
          tpu.wait_dma2 semaphore(%run_scoped3A_1068 : memref<!tpu.dma_semaphore, #tpu.memory_space<semaphore_mem>>) src(%dma_wait3A_1078 : memref<32x128xf32, #tpu.memory_space<hbm>>) dst(%arg8 : memref<32x128xf32, #tpu.memory_space<vmem>>)
          tpu.yield
        }) : () -> ()
        "tpu.region"() ({
          %run_scoped3A_1068 = tpu.sem_alloc : memref<!tpu.dma_semaphore, #tpu.memory_space<semaphore_mem>>
          %dma_start3A = arith.constant 0 : i32
          %dma_start3A_1069 = tpu.memref_slice %arg3[%add3A, %dma_start3A, %add3A_1054] : memref<16x8x16384xf32, #tpu.memory_space<hbm>> -> memref<1x8x128xf32, #tpu.memory_space<hbm>>
          %dma_start3A_1070 = tpu.memref_squeeze %dma_start3A_1069 : memref<1x8x128xf32, #tpu.memory_space<hbm>> -> memref<8x128xf32, #tpu.memory_space<hbm>>
          %dma_start3A_1071 = arith.constant 0 : i32
          %dma_start3A_1072 = tpu.memref_slice %arg3[%add3A, %dma_start3A_1071, %add3A_1054] : memref<16x8x16384xf32, #tpu.memory_space<hbm>> -> memref<1x8x128xf32, #tpu.memory_space<hbm>>
          %dma_start3A_1073 = tpu.memref_squeeze %dma_start3A_1072 : memref<1x8x128xf32, #tpu.memory_space<hbm>> -> memref<8x128xf32, #tpu.memory_space<hbm>>
          tpu.enqueue_dma source(%dma_start3A_1073 : memref<8x128xf32, #tpu.memory_space<hbm>>) target(%arg9 : memref<8x128xf32, #tpu.memory_space<vmem>>) target_semaphore(%run_scoped3A_1068 : memref<!tpu.dma_semaphore, #tpu.memory_space<semaphore_mem>>)
          %dma_wait3A = arith.constant 0 : i32
          %dma_wait3A_1074 = tpu.memref_slice %arg3[%add3A, %dma_wait3A, %add3A_1054] : memref<16x8x16384xf32, #tpu.memory_space<hbm>> -> memref<1x8x128xf32, #tpu.memory_space<hbm>>
          %dma_wait3A_1075 = tpu.memref_squeeze %dma_wait3A_1074 : memref<1x8x128xf32, #tpu.memory_space<hbm>> -> memref<8x128xf32, #tpu.memory_space<hbm>>
          %dma_wait3A_1076 = arith.constant 0 : i32
          %dma_wait3A_1077 = tpu.memref_slice %arg3[%add3A, %dma_wait3A_1076, %add3A_1054] : memref<16x8x16384xf32, #tpu.memory_space<hbm>> -> memref<1x8x128xf32, #tpu.memory_space<hbm>>
          %dma_wait3A_1078 = tpu.memref_squeeze %dma_wait3A_1077 : memref<1x8x128xf32, #tpu.memory_space<hbm>> -> memref<8x128xf32, #tpu.memory_space<hbm>>
          tpu.wait_dma2 semaphore(%run_scoped3A_1068 : memref<!tpu.dma_semaphore, #tpu.memory_space<semaphore_mem>>) src(%dma_wait3A_1078 : memref<8x128xf32, #tpu.memory_space<hbm>>) dst(%arg9 : memref<8x128xf32, #tpu.memory_space<vmem>>)
          tpu.yield
        }) : () -> ()
        "tpu.region"() ({
          %run_scoped3A_1068 = tpu.sem_alloc : memref<!tpu.dma_semaphore, #tpu.memory_space<semaphore_mem>>
          %dma_start3A = arith.constant 0 : i32
          %dma_start3A_1069 = tpu.memref_slice %arg4[%add3A, %dma_start3A, %add3A_1054] : memref<16x8x16384xi32, #tpu.memory_space<hbm>> -> memref<1x8x128xi32, #tpu.memory_space<hbm>>
          %dma_start3A_1070 = tpu.memref_squeeze %dma_start3A_1069 : memref<1x8x128xi32, #tpu.memory_space<hbm>> -> memref<8x128xi32, #tpu.memory_space<hbm>>
          %dma_start3A_1071 = arith.constant 0 : i32
          %dma_start3A_1072 = tpu.memref_slice %arg4[%add3A, %dma_start3A_1071, %add3A_1054] : memref<16x8x16384xi32, #tpu.memory_space<hbm>> -> memref<1x8x128xi32, #tpu.memory_space<hbm>>
          %dma_start3A_1073 = tpu.memref_squeeze %dma_start3A_1072 : memref<1x8x128xi32, #tpu.memory_space<hbm>> -> memref<8x128xi32, #tpu.memory_space<hbm>>
          tpu.enqueue_dma source(%dma_start3A_1073 : memref<8x128xi32, #tpu.memory_space<hbm>>) target(%arg10 : memref<8x128xi32, #tpu.memory_space<vmem>>) target_semaphore(%run_scoped3A_1068 : memref<!tpu.dma_semaphore, #tpu.memory_space<semaphore_mem>>)
          %dma_wait3A = arith.constant 0 : i32
          %dma_wait3A_1074 = tpu.memref_slice %arg4[%add3A, %dma_wait3A, %add3A_1054] : memref<16x8x16384xi32, #tpu.memory_space<hbm>> -> memref<1x8x128xi32, #tpu.memory_space<hbm>>
          %dma_wait3A_1075 = tpu.memref_squeeze %dma_wait3A_1074 : memref<1x8x128xi32, #tpu.memory_space<hbm>> -> memref<8x128xi32, #tpu.memory_space<hbm>>
          %dma_wait3A_1076 = arith.constant 0 : i32
          %dma_wait3A_1077 = tpu.memref_slice %arg4[%add3A, %dma_wait3A_1076, %add3A_1054] : memref<16x8x16384xi32, #tpu.memory_space<hbm>> -> memref<1x8x128xi32, #tpu.memory_space<hbm>>
          %dma_wait3A_1078 = tpu.memref_squeeze %dma_wait3A_1077 : memref<1x8x128xi32, #tpu.memory_space<hbm>> -> memref<8x128xi32, #tpu.memory_space<hbm>>
          tpu.wait_dma2 semaphore(%run_scoped3A_1068 : memref<!tpu.dma_semaphore, #tpu.memory_space<semaphore_mem>>) src(%dma_wait3A_1078 : memref<8x128xi32, #tpu.memory_space<hbm>>) dst(%arg10 : memref<8x128xi32, #tpu.memory_space<vmem>>)
          tpu.yield
        }) : () -> ()
        %scan3A_1055 = arith.constant 0 : i32
        %scan3A_1056 = arith.constant 0 : i32
        %scan3A_1057 = arith.constant 8 : i32
        %scan3A_1058 = arith.addi %scan3A_1056, %scan3A_1057 : i32
        %scan3A_1059 = arith.constant 1 : i32
        scf.for %scan3A_1068 = %scan3A_1056 to %scan3A_1058 step %scan3A_1059  : i32 {
          %mul3A_1069 = arith.constant 16 : i32
          %mul3A_1070 = arith.muli %scan3A_1068, %mul3A_1069 : i32
          %add3A_1071 = arith.constant 0 : i32
          %add3A_1072 = arith.addi %mul3A_1070, %add3A_1071 : i32
          %add3A_1073 = vector.broadcast %add3A_1072 : i32 to vector<16xi32>
          %add3A_1074 = arith.addi %iota3A, %add3A_1073 : vector<16xi32>
          %add3A_1075 = arith.constant 128 : i32
          %add3A_1076 = arith.addi %mul3A_1070, %add3A_1075 : i32
          %add3A_1077 = vector.broadcast %add3A_1076 : i32 to vector<16xi32>
          %add3A_1078 = arith.addi %iota3A, %add3A_1077 : vector<16xi32>
          %add3A_1079 = arith.constant 256 : i32
          %add3A_1080 = arith.addi %mul3A_1070, %add3A_1079 : i32
          %add3A_1081 = vector.broadcast %add3A_1080 : i32 to vector<16xi32>
          %add3A_1082 = arith.addi %iota3A, %add3A_1081 : vector<16xi32>
          %add3A_1083 = arith.constant 384 : i32
          %add3A_1084 = arith.addi %mul3A_1070, %add3A_1083 : i32
          %add3A_1085 = vector.broadcast %add3A_1084 : i32 to vector<16xi32>
          %add3A_1086 = arith.addi %iota3A, %add3A_1085 : vector<16xi32>
          %add3A_1087 = arith.constant 512 : i32
          %add3A_1088 = arith.addi %mul3A_1070, %add3A_1087 : i32
          %add3A_1089 = vector.broadcast %add3A_1088 : i32 to vector<16xi32>
          %add3A_1090 = arith.addi %iota3A, %add3A_1089 : vector<16xi32>
          %add3A_1091 = arith.constant 640 : i32
          %add3A_1092 = arith.addi %mul3A_1070, %add3A_1091 : i32
          %add3A_1093 = vector.broadcast %add3A_1092 : i32 to vector<16xi32>
          %add3A_1094 = arith.addi %iota3A, %add3A_1093 : vector<16xi32>
          %add3A_1095 = arith.constant 768 : i32
          %add3A_1096 = arith.addi %mul3A_1070, %add3A_1095 : i32
          %add3A_1097 = vector.broadcast %add3A_1096 : i32 to vector<16xi32>
          %add3A_1098 = arith.addi %iota3A, %add3A_1097 : vector<16xi32>
          %add3A_1099 = arith.constant 896 : i32
          %add3A_1100 = arith.addi %mul3A_1070, %add3A_1099 : i32
          %add3A_1101 = vector.broadcast %add3A_1100 : i32 to vector<16xi32>
          %add3A_1102 = arith.addi %iota3A, %add3A_1101 : vector<16xi32>
          %get3A = arith.constant 0 : i32
          %get3A_1103 = arith.index_cast %get3A : i32 to index
          %get3A_1104 = arith.index_cast %mul3A_1070 : i32 to index
          %get3A_1105 = tpu.vector_load %arg9[%get3A_1103, %get3A_1104] {strides = array<i32>} : memref<8x128xf32, #tpu.memory_space<vmem>>, vector<16xf32>,
          %get3A_1106 = arith.constant 1 : i32
          %get3A_1107 = arith.index_cast %get3A_1106 : i32 to index
          %get3A_1108 = arith.index_cast %mul3A_1070 : i32 to index
          %get3A_1109 = tpu.vector_load %arg9[%get3A_1107, %get3A_1108] {strides = array<i32>} : memref<8x128xf32, #tpu.memory_space<vmem>>, vector<16xf32>,
          %get3A_1110 = arith.constant 2 : i32
          %get3A_1111 = arith.index_cast %get3A_1110 : i32 to index
          %get3A_1112 = arith.index_cast %mul3A_1070 : i32 to index
          %get3A_1113 = tpu.vector_load %arg9[%get3A_1111, %get3A_1112] {strides = array<i32>} : memref<8x128xf32, #tpu.memory_space<vmem>>, vector<16xf32>,
          %get3A_1114 = arith.constant 3 : i32
          %get3A_1115 = arith.index_cast %get3A_1114 : i32 to index
          %get3A_1116 = arith.index_cast %mul3A_1070 : i32 to index
          %get3A_1117 = tpu.vector_load %arg9[%get3A_1115, %get3A_1116] {strides = array<i32>} : memref<8x128xf32, #tpu.memory_space<vmem>>, vector<16xf32>,
          %get3A_1118 = arith.constant 4 : i32
          %get3A_1119 = arith.index_cast %get3A_1118 : i32 to index
          %get3A_1120 = arith.index_cast %mul3A_1070 : i32 to index
          %get3A_1121 = tpu.vector_load %arg9[%get3A_1119, %get3A_1120] {strides = array<i32>} : memref<8x128xf32, #tpu.memory_space<vmem>>, vector<16xf32>,
          %get3A_1122 = arith.constant 5 : i32
          %get3A_1123 = arith.index_cast %get3A_1122 : i32 to index
          %get3A_1124 = arith.index_cast %mul3A_1070 : i32 to index
          %get3A_1125 = tpu.vector_load %arg9[%get3A_1123, %get3A_1124] {strides = array<i32>} : memref<8x128xf32, #tpu.memory_space<vmem>>, vector<16xf32>,
          %get3A_1126 = arith.constant 6 : i32
          %get3A_1127 = arith.index_cast %get3A_1126 : i32 to index
          %get3A_1128 = arith.index_cast %mul3A_1070 : i32 to index
          %get3A_1129 = tpu.vector_load %arg9[%get3A_1127, %get3A_1128] {strides = array<i32>} : memref<8x128xf32, #tpu.memory_space<vmem>>, vector<16xf32>,
          %get3A_1130 = arith.constant 7 : i32
          %get3A_1131 = arith.index_cast %get3A_1130 : i32 to index
          %get3A_1132 = arith.index_cast %mul3A_1070 : i32 to index
          %get3A_1133 = tpu.vector_load %arg9[%get3A_1131, %get3A_1132] {strides = array<i32>} : memref<8x128xf32, #tpu.memory_space<vmem>>, vector<16xf32>,
          %get3A_1134 = arith.constant 0 : i32
          %get3A_1135 = arith.index_cast %get3A_1134 : i32 to index
          %get3A_1136 = arith.index_cast %mul3A_1070 : i32 to index
          %get3A_1137 = tpu.vector_load %arg8[%get3A_1135, %get3A_1136] {strides = array<i32>} : memref<32x128xf32, #tpu.memory_space<vmem>>, vector<16xf32>,
          %broadcast_in_dim3A_1138 = arith.constant 0 : i32
          %broadcast_in_dim3A_1139 = vector.broadcast %broadcast_in_dim3A_1138 : i32 to vector<16xi32>
          %mul3A_1140 = arith.mulf %get3A_1137, %get3A_1105 : vector<16xf32>
          tpu.vector_store_idx %arg11[%add3A_1074, %broadcast_in_dim3A_1139], %mul3A_1140 : memref<1024x32xf32, #tpu.memory_space<vmem>>[vector<16xi32>, vector<16xi32>], vector<16xf32>,
          %mul3A_1141 = arith.mulf %get3A_1137, %get3A_1109 : vector<16xf32>
          tpu.vector_store_idx %arg11[%add3A_1078, %broadcast_in_dim3A_1139], %mul3A_1141 : memref<1024x32xf32, #tpu.memory_space<vmem>>[vector<16xi32>, vector<16xi32>], vector<16xf32>,
          %mul3A_1142 = arith.mulf %get3A_1137, %get3A_1113 : vector<16xf32>
          tpu.vector_store_idx %arg11[%add3A_1082, %broadcast_in_dim3A_1139], %mul3A_1142 : memref<1024x32xf32, #tpu.memory_space<vmem>>[vector<16xi32>, vector<16xi32>], vector<16xf32>,
          %mul3A_1143 = arith.mulf %get3A_1137, %get3A_1117 : vector<16xf32>
          tpu.vector_store_idx %arg11[%add3A_1086, %broadcast_in_dim3A_1139], %mul3A_1143 : memref<1024x32xf32, #tpu.memory_space<vmem>>[vector<16xi32>, vector<16xi32>], vector<16xf32>,
          %mul3A_1144 = arith.mulf %get3A_1137, %get3A_1121 : vector<16xf32>
          tpu.vector_store_idx %arg11[%add3A_1090, %broadcast_in_dim3A_1139], %mul3A_1144 : memref<1024x32xf32, #tpu.memory_space<vmem>>[vector<16xi32>, vector<16xi32>], vector<16xf32>,
          %mul3A_1145 = arith.mulf %get3A_1137, %get3A_1125 : vector<16xf32>
          tpu.vector_store_idx %arg11[%add3A_1094, %broadcast_in_dim3A_1139], %mul3A_1145 : memref<1024x32xf32, #tpu.memory_space<vmem>>[vector<16xi32>, vector<16xi32>], vector<16xf32>,
          %mul3A_1146 = arith.mulf %get3A_1137, %get3A_1129 : vector<16xf32>
          tpu.vector_store_idx %arg11[%add3A_1098, %broadcast_in_dim3A_1139], %mul3A_1146 : memref<1024x32xf32, #tpu.memory_space<vmem>>[vector<16xi32>, vector<16xi32>], vector<16xf32>,
          %mul3A_1147 = arith.mulf %get3A_1137, %get3A_1133 : vector<16xf32>
          tpu.vector_store_idx %arg11[%add3A_1102, %broadcast_in_dim3A_1139], %mul3A_1147 : memref<1024x32xf32, #tpu.memory_space<vmem>>[vector<16xi32>, vector<16xi32>], vector<16xf32>,
          %get3A_1148 = arith.constant 1 : i32
          %get3A_1149 = arith.index_cast %get3A_1148 : i32 to index
          %get3A_1150 = arith.index_cast %mul3A_1070 : i32 to index
          %get3A_1151 = tpu.vector_load %arg8[%get3A_1149, %get3A_1150] {strides = array<i32>} : memref<32x128xf32, #tpu.memory_space<vmem>>, vector<16xf32>,
          %broadcast_in_dim3A_1152 = arith.constant 1 : i32
          %broadcast_in_dim3A_1153 = vector.broadcast %broadcast_in_dim3A_1152 : i32 to vector<16xi32>
          %mul3A_1154 = arith.mulf %get3A_1151, %get3A_1105 : vector<16xf32>
          tpu.vector_store_idx %arg11[%add3A_1074, %broadcast_in_dim3A_1153], %mul3A_1154 : memref<1024x32xf32, #tpu.memory_space<vmem>>[vector<16xi32>, vector<16xi32>], vector<16xf32>,
          %mul3A_1155 = arith.mulf %get3A_1151, %get3A_1109 : vector<16xf32>
          tpu.vector_store_idx %arg11[%add3A_1078, %broadcast_in_dim3A_1153], %mul3A_1155 : memref<1024x32xf32, #tpu.memory_space<vmem>>[vector<16xi32>, vector<16xi32>], vector<16xf32>,
          %mul3A_1156 = arith.mulf %get3A_1151, %get3A_1113 : vector<16xf32>
          tpu.vector_store_idx %arg11[%add3A_1082, %broadcast_in_dim3A_1153], %mul3A_1156 : memref<1024x32xf32, #tpu.memory_space<vmem>>[vector<16xi32>, vector<16xi32>], vector<16xf32>,
          %mul3A_1157 = arith.mulf %get3A_1151, %get3A_1117 : vector<16xf32>
          tpu.vector_store_idx %arg11[%add3A_1086, %broadcast_in_dim3A_1153], %mul3A_1157 : memref<1024x32xf32, #tpu.memory_space<vmem>>[vector<16xi32>, vector<16xi32>], vector<16xf32>,
          %mul3A_1158 = arith.mulf %get3A_1151, %get3A_1121 : vector<16xf32>
          tpu.vector_store_idx %arg11[%add3A_1090, %broadcast_in_dim3A_1153], %mul3A_1158 : memref<1024x32xf32, #tpu.memory_space<vmem>>[vector<16xi32>, vector<16xi32>], vector<16xf32>,
          %mul3A_1159 = arith.mulf %get3A_1151, %get3A_1125 : vector<16xf32>
          tpu.vector_store_idx %arg11[%add3A_1094, %broadcast_in_dim3A_1153], %mul3A_1159 : memref<1024x32xf32, #tpu.memory_space<vmem>>[vector<16xi32>, vector<16xi32>], vector<16xf32>,
          %mul3A_1160 = arith.mulf %get3A_1151, %get3A_1129 : vector<16xf32>
          tpu.vector_store_idx %arg11[%add3A_1098, %broadcast_in_dim3A_1153], %mul3A_1160 : memref<1024x32xf32, #tpu.memory_space<vmem>>[vector<16xi32>, vector<16xi32>], vector<16xf32>,
          %mul3A_1161 = arith.mulf %get3A_1151, %get3A_1133 : vector<16xf32>
          tpu.vector_store_idx %arg11[%add3A_1102, %broadcast_in_dim3A_1153], %mul3A_1161 : memref<1024x32xf32, #tpu.memory_space<vmem>>[vector<16xi32>, vector<16xi32>], vector<16xf32>,
          %get3A_1162 = arith.constant 2 : i32
          %get3A_1163 = arith.index_cast %get3A_1162 : i32 to index
          %get3A_1164 = arith.index_cast %mul3A_1070 : i32 to index
          %get3A_1165 = tpu.vector_load %arg8[%get3A_1163, %get3A_1164] {strides = array<i32>} : memref<32x128xf32, #tpu.memory_space<vmem>>, vector<16xf32>,
          %broadcast_in_dim3A_1166 = arith.constant 2 : i32
          %broadcast_in_dim3A_1167 = vector.broadcast %broadcast_in_dim3A_1166 : i32 to vector<16xi32>
          %mul3A_1168 = arith.mulf %get3A_1165, %get3A_1105 : vector<16xf32>
          tpu.vector_store_idx %arg11[%add3A_1074, %broadcast_in_dim3A_1167], %mul3A_1168 : memref<1024x32xf32, #tpu.memory_space<vmem>>[vector<16xi32>, vector<16xi32>], vector<16xf32>,
          %mul3A_1169 = arith.mulf %get3A_1165, %get3A_1109 : vector<16xf32>
          tpu.vector_store_idx %arg11[%add3A_1078, %broadcast_in_dim3A_1167], %mul3A_1169 : memref<1024x32xf32, #tpu.memory_space<vmem>>[vector<16xi32>, vector<16xi32>], vector<16xf32>,
          %mul3A_1170 = arith.mulf %get3A_1165, %get3A_1113 : vector<16xf32>
          tpu.vector_store_idx %arg11[%add3A_1082, %broadcast_in_dim3A_1167], %mul3A_1170 : memref<1024x32xf32, #tpu.memory_space<vmem>>[vector<16xi32>, vector<16xi32>], vector<16xf32>,
          %mul3A_1171 = arith.mulf %get3A_1165, %get3A_1117 : vector<16xf32>
          tpu.vector_store_idx %arg11[%add3A_1086, %broadcast_in_dim3A_1167], %mul3A_1171 : memref<1024x32xf32, #tpu.memory_space<vmem>>[vector<16xi32>, vector<16xi32>], vector<16xf32>,
          %mul3A_1172 = arith.mulf %get3A_1165, %get3A_1121 : vector<16xf32>
          tpu.vector_store_idx %arg11[%add3A_1090, %broadcast_in_dim3A_1167], %mul3A_1172 : memref<1024x32xf32, #tpu.memory_space<vmem>>[vector<16xi32>, vector<16xi32>], vector<16xf32>,
          %mul3A_1173 = arith.mulf %get3A_1165, %get3A_1125 : vector<16xf32>
          tpu.vector_store_idx %arg11[%add3A_1094, %broadcast_in_dim3A_1167], %mul3A_1173 : memref<1024x32xf32, #tpu.memory_space<vmem>>[vector<16xi32>, vector<16xi32>], vector<16xf32>,
          %mul3A_1174 = arith.mulf %get3A_1165, %get3A_1129 : vector<16xf32>
          tpu.vector_store_idx %arg11[%add3A_1098, %broadcast_in_dim3A_1167], %mul3A_1174 : memref<1024x32xf32, #tpu.memory_space<vmem>>[vector<16xi32>, vector<16xi32>], vector<16xf32>,
          %mul3A_1175 = arith.mulf %get3A_1165, %get3A_1133 : vector<16xf32>
          tpu.vector_store_idx %arg11[%add3A_1102, %broadcast_in_dim3A_1167], %mul3A_1175 : memref<1024x32xf32, #tpu.memory_space<vmem>>[vector<16xi32>, vector<16xi32>], vector<16xf32>,
          %get3A_1176 = arith.constant 3 : i32
          %get3A_1177 = arith.index_cast %get3A_1176 : i32 to index
          %get3A_1178 = arith.index_cast %mul3A_1070 : i32 to index
          %get3A_1179 = tpu.vector_load %arg8[%get3A_1177, %get3A_1178] {strides = array<i32>} : memref<32x128xf32, #tpu.memory_space<vmem>>, vector<16xf32>,
          %broadcast_in_dim3A_1180 = arith.constant 3 : i32
          %broadcast_in_dim3A_1181 = vector.broadcast %broadcast_in_dim3A_1180 : i32 to vector<16xi32>
          %mul3A_1182 = arith.mulf %get3A_1179, %get3A_1105 : vector<16xf32>
          tpu.vector_store_idx %arg11[%add3A_1074, %broadcast_in_dim3A_1181], %mul3A_1182 : memref<1024x32xf32, #tpu.memory_space<vmem>>[vector<16xi32>, vector<16xi32>], vector<16xf32>,
          %mul3A_1183 = arith.mulf %get3A_1179, %get3A_1109 : vector<16xf32>
          tpu.vector_store_idx %arg11[%add3A_1078, %broadcast_in_dim3A_1181], %mul3A_1183 : memref<1024x32xf32, #tpu.memory_space<vmem>>[vector<16xi32>, vector<16xi32>], vector<16xf32>,
          %mul3A_1184 = arith.mulf %get3A_1179, %get3A_1113 : vector<16xf32>
          tpu.vector_store_idx %arg11[%add3A_1082, %broadcast_in_dim3A_1181], %mul3A_1184 : memref<1024x32xf32, #tpu.memory_space<vmem>>[vector<16xi32>, vector<16xi32>], vector<16xf32>,
          %mul3A_1185 = arith.mulf %get3A_1179, %get3A_1117 : vector<16xf32>
          tpu.vector_store_idx %arg11[%add3A_1086, %broadcast_in_dim3A_1181], %mul3A_1185 : memref<1024x32xf32, #tpu.memory_space<vmem>>[vector<16xi32>, vector<16xi32>], vector<16xf32>,
          %mul3A_1186 = arith.mulf %get3A_1179, %get3A_1121 : vector<16xf32>
          tpu.vector_store_idx %arg11[%add3A_1090, %broadcast_in_dim3A_1181], %mul3A_1186 : memref<1024x32xf32, #tpu.memory_space<vmem>>[vector<16xi32>, vector<16xi32>], vector<16xf32>,
          %mul3A_1187 = arith.mulf %get3A_1179, %get3A_1125 : vector<16xf32>
          tpu.vector_store_idx %arg11[%add3A_1094, %broadcast_in_dim3A_1181], %mul3A_1187 : memref<1024x32xf32, #tpu.memory_space<vmem>>[vector<16xi32>, vector<16xi32>], vector<16xf32>,
          %mul3A_1188 = arith.mulf %get3A_1179, %get3A_1129 : vector<16xf32>
          tpu.vector_store_idx %arg11[%add3A_1098, %broadcast_in_dim3A_1181], %mul3A_1188 : memref<1024x32xf32, #tpu.memory_space<vmem>>[vector<16xi32>, vector<16xi32>], vector<16xf32>,
          %mul3A_1189 = arith.mulf %get3A_1179, %get3A_1133 : vector<16xf32>
          tpu.vector_store_idx %arg11[%add3A_1102, %broadcast_in_dim3A_1181], %mul3A_1189 : memref<1024x32xf32, #tpu.memory_space<vmem>>[vector<16xi32>, vector<16xi32>], vector<16xf32>,
          %get3A_1190 = arith.constant 4 : i32
          %get3A_1191 = arith.index_cast %get3A_1190 : i32 to index
          %get3A_1192 = arith.index_cast %mul3A_1070 : i32 to index
          %get3A_1193 = tpu.vector_load %arg8[%get3A_1191, %get3A_1192] {strides = array<i32>} : memref<32x128xf32, #tpu.memory_space<vmem>>, vector<16xf32>,
          %broadcast_in_dim3A_1194 = arith.constant 4 : i32
          %broadcast_in_dim3A_1195 = vector.broadcast %broadcast_in_dim3A_1194 : i32 to vector<16xi32>
          %mul3A_1196 = arith.mulf %get3A_1193, %get3A_1105 : vector<16xf32>
          tpu.vector_store_idx %arg11[%add3A_1074, %broadcast_in_dim3A_1195], %mul3A_1196 : memref<1024x32xf32, #tpu.memory_space<vmem>>[vector<16xi32>, vector<16xi32>], vector<16xf32>,
          %mul3A_1197 = arith.mulf %get3A_1193, %get3A_1109 : vector<16xf32>
          tpu.vector_store_idx %arg11[%add3A_1078, %broadcast_in_dim3A_1195], %mul3A_1197 : memref<1024x32xf32, #tpu.memory_space<vmem>>[vector<16xi32>, vector<16xi32>], vector<16xf32>,
          %mul3A_1198 = arith.mulf %get3A_1193, %get3A_1113 : vector<16xf32>
          tpu.vector_store_idx %arg11[%add3A_1082, %broadcast_in_dim3A_1195], %mul3A_1198 : memref<1024x32xf32, #tpu.memory_space<vmem>>[vector<16xi32>, vector<16xi32>], vector<16xf32>,
          %mul3A_1199 = arith.mulf %get3A_1193, %get3A_1117 : vector<16xf32>
          tpu.vector_store_idx %arg11[%add3A_1086, %broadcast_in_dim3A_1195], %mul3A_1199 : memref<1024x32xf32, #tpu.memory_space<vmem>>[vector<16xi32>, vector<16xi32>], vector<16xf32>,
          %mul3A_1200 = arith.mulf %get3A_1193, %get3A_1121 : vector<16xf32>
          tpu.vector_store_idx %arg11[%add3A_1090, %broadcast_in_dim3A_1195], %mul3A_1200 : memref<1024x32xf32, #tpu.memory_space<vmem>>[vector<16xi32>, vector<16xi32>], vector<16xf32>,
          %mul3A_1201 = arith.mulf %get3A_1193, %get3A_1125 : vector<16xf32>
          tpu.vector_store_idx %arg11[%add3A_1094, %broadcast_in_dim3A_1195], %mul3A_1201 : memref<1024x32xf32, #tpu.memory_space<vmem>>[vector<16xi32>, vector<16xi32>], vector<16xf32>,
          %mul3A_1202 = arith.mulf %get3A_1193, %get3A_1129 : vector<16xf32>
          tpu.vector_store_idx %arg11[%add3A_1098, %broadcast_in_dim3A_1195], %mul3A_1202 : memref<1024x32xf32, #tpu.memory_space<vmem>>[vector<16xi32>, vector<16xi32>], vector<16xf32>,
          %mul3A_1203 = arith.mulf %get3A_1193, %get3A_1133 : vector<16xf32>
          tpu.vector_store_idx %arg11[%add3A_1102, %broadcast_in_dim3A_1195], %mul3A_1203 : memref<1024x32xf32, #tpu.memory_space<vmem>>[vector<16xi32>, vector<16xi32>], vector<16xf32>,
          %get3A_1204 = arith.constant 5 : i32
          %get3A_1205 = arith.index_cast %get3A_1204 : i32 to index
          %get3A_1206 = arith.index_cast %mul3A_1070 : i32 to index
          %get3A_1207 = tpu.vector_load %arg8[%get3A_1205, %get3A_1206] {strides = array<i32>} : memref<32x128xf32, #tpu.memory_space<vmem>>, vector<16xf32>,
          %broadcast_in_dim3A_1208 = arith.constant 5 : i32
          %broadcast_in_dim3A_1209 = vector.broadcast %broadcast_in_dim3A_1208 : i32 to vector<16xi32>
          %mul3A_1210 = arith.mulf %get3A_1207, %get3A_1105 : vector<16xf32>
          tpu.vector_store_idx %arg11[%add3A_1074, %broadcast_in_dim3A_1209], %mul3A_1210 : memref<1024x32xf32, #tpu.memory_space<vmem>>[vector<16xi32>, vector<16xi32>], vector<16xf32>,
          %mul3A_1211 = arith.mulf %get3A_1207, %get3A_1109 : vector<16xf32>
          tpu.vector_store_idx %arg11[%add3A_1078, %broadcast_in_dim3A_1209], %mul3A_1211 : memref<1024x32xf32, #tpu.memory_space<vmem>>[vector<16xi32>, vector<16xi32>], vector<16xf32>,
          %mul3A_1212 = arith.mulf %get3A_1207, %get3A_1113 : vector<16xf32>
          tpu.vector_store_idx %arg11[%add3A_1082, %broadcast_in_dim3A_1209], %mul3A_1212 : memref<1024x32xf32, #tpu.memory_space<vmem>>[vector<16xi32>, vector<16xi32>], vector<16xf32>,
          %mul3A_1213 = arith.mulf %get3A_1207, %get3A_1117 : vector<16xf32>
          tpu.vector_store_idx %arg11[%add3A_1086, %broadcast_in_dim3A_1209], %mul3A_1213 : memref<1024x32xf32, #tpu.memory_space<vmem>>[vector<16xi32>, vector<16xi32>], vector<16xf32>,
          %mul3A_1214 = arith.mulf %get3A_1207, %get3A_1121 : vector<16xf32>
          tpu.vector_store_idx %arg11[%add3A_1090, %broadcast_in_dim3A_1209], %mul3A_1214 : memref<1024x32xf32, #tpu.memory_space<vmem>>[vector<16xi32>, vector<16xi32>], vector<16xf32>,
          %mul3A_1215 = arith.mulf %get3A_1207, %get3A_1125 : vector<16xf32>
          tpu.vector_store_idx %arg11[%add3A_1094, %broadcast_in_dim3A_1209], %mul3A_1215 : memref<1024x32xf32, #tpu.memory_space<vmem>>[vector<16xi32>, vector<16xi32>], vector<16xf32>,
          %mul3A_1216 = arith.mulf %get3A_1207, %get3A_1129 : vector<16xf32>
          tpu.vector_store_idx %arg11[%add3A_1098, %broadcast_in_dim3A_1209], %mul3A_1216 : memref<1024x32xf32, #tpu.memory_space<vmem>>[vector<16xi32>, vector<16xi32>], vector<16xf32>,
          %mul3A_1217 = arith.mulf %get3A_1207, %get3A_1133 : vector<16xf32>
          tpu.vector_store_idx %arg11[%add3A_1102, %broadcast_in_dim3A_1209], %mul3A_1217 : memref<1024x32xf32, #tpu.memory_space<vmem>>[vector<16xi32>, vector<16xi32>], vector<16xf32>,
          %get3A_1218 = arith.constant 6 : i32
          %get3A_1219 = arith.index_cast %get3A_1218 : i32 to index
          %get3A_1220 = arith.index_cast %mul3A_1070 : i32 to index
          %get3A_1221 = tpu.vector_load %arg8[%get3A_1219, %get3A_1220] {strides = array<i32>} : memref<32x128xf32, #tpu.memory_space<vmem>>, vector<16xf32>,
          %broadcast_in_dim3A_1222 = arith.constant 6 : i32
          %broadcast_in_dim3A_1223 = vector.broadcast %broadcast_in_dim3A_1222 : i32 to vector<16xi32>
          %mul3A_1224 = arith.mulf %get3A_1221, %get3A_1105 : vector<16xf32>
          tpu.vector_store_idx %arg11[%add3A_1074, %broadcast_in_dim3A_1223], %mul3A_1224 : memref<1024x32xf32, #tpu.memory_space<vmem>>[vector<16xi32>, vector<16xi32>], vector<16xf32>,
          %mul3A_1225 = arith.mulf %get3A_1221, %get3A_1109 : vector<16xf32>
          tpu.vector_store_idx %arg11[%add3A_1078, %broadcast_in_dim3A_1223], %mul3A_1225 : memref<1024x32xf32, #tpu.memory_space<vmem>>[vector<16xi32>, vector<16xi32>], vector<16xf32>,
          %mul3A_1226 = arith.mulf %get3A_1221, %get3A_1113 : vector<16xf32>
          tpu.vector_store_idx %arg11[%add3A_1082, %broadcast_in_dim3A_1223], %mul3A_1226 : memref<1024x32xf32, #tpu.memory_space<vmem>>[vector<16xi32>, vector<16xi32>], vector<16xf32>,
          %mul3A_1227 = arith.mulf %get3A_1221, %get3A_1117 : vector<16xf32>
          tpu.vector_store_idx %arg11[%add3A_1086, %broadcast_in_dim3A_1223], %mul3A_1227 : memref<1024x32xf32, #tpu.memory_space<vmem>>[vector<16xi32>, vector<16xi32>], vector<16xf32>,
          %mul3A_1228 = arith.mulf %get3A_1221, %get3A_1121 : vector<16xf32>
          tpu.vector_store_idx %arg11[%add3A_1090, %broadcast_in_dim3A_1223], %mul3A_1228 : memref<1024x32xf32, #tpu.memory_space<vmem>>[vector<16xi32>, vector<16xi32>], vector<16xf32>,
          %mul3A_1229 = arith.mulf %get3A_1221, %get3A_1125 : vector<16xf32>
          tpu.vector_store_idx %arg11[%add3A_1094, %broadcast_in_dim3A_1223], %mul3A_1229 : memref<1024x32xf32, #tpu.memory_space<vmem>>[vector<16xi32>, vector<16xi32>], vector<16xf32>,
          %mul3A_1230 = arith.mulf %get3A_1221, %get3A_1129 : vector<16xf32>
          tpu.vector_store_idx %arg11[%add3A_1098, %broadcast_in_dim3A_1223], %mul3A_1230 : memref<1024x32xf32, #tpu.memory_space<vmem>>[vector<16xi32>, vector<16xi32>], vector<16xf32>,
          %mul3A_1231 = arith.mulf %get3A_1221, %get3A_1133 : vector<16xf32>
          tpu.vector_store_idx %arg11[%add3A_1102, %broadcast_in_dim3A_1223], %mul3A_1231 : memref<1024x32xf32, #tpu.memory_space<vmem>>[vector<16xi32>, vector<16xi32>], vector<16xf32>,
          %get3A_1232 = arith.constant 7 : i32
          %get3A_1233 = arith.index_cast %get3A_1232 : i32 to index
          %get3A_1234 = arith.index_cast %mul3A_1070 : i32 to index
          %get3A_1235 = tpu.vector_load %arg8[%get3A_1233, %get3A_1234] {strides = array<i32>} : memref<32x128xf32, #tpu.memory_space<vmem>>, vector<16xf32>,
          %broadcast_in_dim3A_1236 = arith.constant 7 : i32
          %broadcast_in_dim3A_1237 = vector.broadcast %broadcast_in_dim3A_1236 : i32 to vector<16xi32>
          %mul3A_1238 = arith.mulf %get3A_1235, %get3A_1105 : vector<16xf32>
          tpu.vector_store_idx %arg11[%add3A_1074, %broadcast_in_dim3A_1237], %mul3A_1238 : memref<1024x32xf32, #tpu.memory_space<vmem>>[vector<16xi32>, vector<16xi32>], vector<16xf32>,
          %mul3A_1239 = arith.mulf %get3A_1235, %get3A_1109 : vector<16xf32>
          tpu.vector_store_idx %arg11[%add3A_1078, %broadcast_in_dim3A_1237], %mul3A_1239 : memref<1024x32xf32, #tpu.memory_space<vmem>>[vector<16xi32>, vector<16xi32>], vector<16xf32>,
          %mul3A_1240 = arith.mulf %get3A_1235, %get3A_1113 : vector<16xf32>
          tpu.vector_store_idx %arg11[%add3A_1082, %broadcast_in_dim3A_1237], %mul3A_1240 : memref<1024x32xf32, #tpu.memory_space<vmem>>[vector<16xi32>, vector<16xi32>], vector<16xf32>,
          %mul3A_1241 = arith.mulf %get3A_1235, %get3A_1117 : vector<16xf32>
          tpu.vector_store_idx %arg11[%add3A_1086, %broadcast_in_dim3A_1237], %mul3A_1241 : memref<1024x32xf32, #tpu.memory_space<vmem>>[vector<16xi32>, vector<16xi32>], vector<16xf32>,
          %mul3A_1242 = arith.mulf %get3A_1235, %get3A_1121 : vector<16xf32>
          tpu.vector_store_idx %arg11[%add3A_1090, %broadcast_in_dim3A_1237], %mul3A_1242 : memref<1024x32xf32, #tpu.memory_space<vmem>>[vector<16xi32>, vector<16xi32>], vector<16xf32>,
          %mul3A_1243 = arith.mulf %get3A_1235, %get3A_1125 : vector<16xf32>
          tpu.vector_store_idx %arg11[%add3A_1094, %broadcast_in_dim3A_1237], %mul3A_1243 : memref<1024x32xf32, #tpu.memory_space<vmem>>[vector<16xi32>, vector<16xi32>], vector<16xf32>,
          %mul3A_1244 = arith.mulf %get3A_1235, %get3A_1129 : vector<16xf32>
          tpu.vector_store_idx %arg11[%add3A_1098, %broadcast_in_dim3A_1237], %mul3A_1244 : memref<1024x32xf32, #tpu.memory_space<vmem>>[vector<16xi32>, vector<16xi32>], vector<16xf32>,
          %mul3A_1245 = arith.mulf %get3A_1235, %get3A_1133 : vector<16xf32>
          tpu.vector_store_idx %arg11[%add3A_1102, %broadcast_in_dim3A_1237], %mul3A_1245 : memref<1024x32xf32, #tpu.memory_space<vmem>>[vector<16xi32>, vector<16xi32>], vector<16xf32>,
          %get3A_1246 = arith.constant 8 : i32
          %get3A_1247 = arith.index_cast %get3A_1246 : i32 to index
          %get3A_1248 = arith.index_cast %mul3A_1070 : i32 to index
          %get3A_1249 = tpu.vector_load %arg8[%get3A_1247, %get3A_1248] {strides = array<i32>} : memref<32x128xf32, #tpu.memory_space<vmem>>, vector<16xf32>,
          %broadcast_in_dim3A_1250 = arith.constant 8 : i32
          %broadcast_in_dim3A_1251 = vector.broadcast %broadcast_in_dim3A_1250 : i32 to vector<16xi32>
          %mul3A_1252 = arith.mulf %get3A_1249, %get3A_1105 : vector<16xf32>
          tpu.vector_store_idx %arg11[%add3A_1074, %broadcast_in_dim3A_1251], %mul3A_1252 : memref<1024x32xf32, #tpu.memory_space<vmem>>[vector<16xi32>, vector<16xi32>], vector<16xf32>,
          %mul3A_1253 = arith.mulf %get3A_1249, %get3A_1109 : vector<16xf32>
          tpu.vector_store_idx %arg11[%add3A_1078, %broadcast_in_dim3A_1251], %mul3A_1253 : memref<1024x32xf32, #tpu.memory_space<vmem>>[vector<16xi32>, vector<16xi32>], vector<16xf32>,
          %mul3A_1254 = arith.mulf %get3A_1249, %get3A_1113 : vector<16xf32>
          tpu.vector_store_idx %arg11[%add3A_1082, %broadcast_in_dim3A_1251], %mul3A_1254 : memref<1024x32xf32, #tpu.memory_space<vmem>>[vector<16xi32>, vector<16xi32>], vector<16xf32>,
          %mul3A_1255 = arith.mulf %get3A_1249, %get3A_1117 : vector<16xf32>
          tpu.vector_store_idx %arg11[%add3A_1086, %broadcast_in_dim3A_1251], %mul3A_1255 : memref<1024x32xf32, #tpu.memory_space<vmem>>[vector<16xi32>, vector<16xi32>], vector<16xf32>,
          %mul3A_1256 = arith.mulf %get3A_1249, %get3A_1121 : vector<16xf32>
          tpu.vector_store_idx %arg11[%add3A_1090, %broadcast_in_dim3A_1251], %mul3A_1256 : memref<1024x32xf32, #tpu.memory_space<vmem>>[vector<16xi32>, vector<16xi32>], vector<16xf32>,
          %mul3A_1257 = arith.mulf %get3A_1249, %get3A_1125 : vector<16xf32>
          tpu.vector_store_idx %arg11[%add3A_1094, %broadcast_in_dim3A_1251], %mul3A_1257 : memref<1024x32xf32, #tpu.memory_space<vmem>>[vector<16xi32>, vector<16xi32>], vector<16xf32>,
          %mul3A_1258 = arith.mulf %get3A_1249, %get3A_1129 : vector<16xf32>
          tpu.vector_store_idx %arg11[%add3A_1098, %broadcast_in_dim3A_1251], %mul3A_1258 : memref<1024x32xf32, #tpu.memory_space<vmem>>[vector<16xi32>, vector<16xi32>], vector<16xf32>,
          %mul3A_1259 = arith.mulf %get3A_1249, %get3A_1133 : vector<16xf32>
          tpu.vector_store_idx %arg11[%add3A_1102, %broadcast_in_dim3A_1251], %mul3A_1259 : memref<1024x32xf32, #tpu.memory_space<vmem>>[vector<16xi32>, vector<16xi32>], vector<16xf32>,
          %get3A_1260 = arith.constant 9 : i32
          %get3A_1261 = arith.index_cast %get3A_1260 : i32 to index
          %get3A_1262 = arith.index_cast %mul3A_1070 : i32 to index
          %get3A_1263 = tpu.vector_load %arg8[%get3A_1261, %get3A_1262] {strides = array<i32>} : memref<32x128xf32, #tpu.memory_space<vmem>>, vector<16xf32>,
          %broadcast_in_dim3A_1264 = arith.constant 9 : i32
          %broadcast_in_dim3A_1265 = vector.broadcast %broadcast_in_dim3A_1264 : i32 to vector<16xi32>
          %mul3A_1266 = arith.mulf %get3A_1263, %get3A_1105 : vector<16xf32>
          tpu.vector_store_idx %arg11[%add3A_1074, %broadcast_in_dim3A_1265], %mul3A_1266 : memref<1024x32xf32, #tpu.memory_space<vmem>>[vector<16xi32>, vector<16xi32>], vector<16xf32>,
          %mul3A_1267 = arith.mulf %get3A_1263, %get3A_1109 : vector<16xf32>
          tpu.vector_store_idx %arg11[%add3A_1078, %broadcast_in_dim3A_1265], %mul3A_1267 : memref<1024x32xf32, #tpu.memory_space<vmem>>[vector<16xi32>, vector<16xi32>], vector<16xf32>,
          %mul3A_1268 = arith.mulf %get3A_1263, %get3A_1113 : vector<16xf32>
          tpu.vector_store_idx %arg11[%add3A_1082, %broadcast_in_dim3A_1265], %mul3A_1268 : memref<1024x32xf32, #tpu.memory_space<vmem>>[vector<16xi32>, vector<16xi32>], vector<16xf32>,
          %mul3A_1269 = arith.mulf %get3A_1263, %get3A_1117 : vector<16xf32>
          tpu.vector_store_idx %arg11[%add3A_1086, %broadcast_in_dim3A_1265], %mul3A_1269 : memref<1024x32xf32, #tpu.memory_space<vmem>>[vector<16xi32>, vector<16xi32>], vector<16xf32>,
          %mul3A_1270 = arith.mulf %get3A_1263, %get3A_1121 : vector<16xf32>
          tpu.vector_store_idx %arg11[%add3A_1090, %broadcast_in_dim3A_1265], %mul3A_1270 : memref<1024x32xf32, #tpu.memory_space<vmem>>[vector<16xi32>, vector<16xi32>], vector<16xf32>,
          %mul3A_1271 = arith.mulf %get3A_1263, %get3A_1125 : vector<16xf32>
          tpu.vector_store_idx %arg11[%add3A_1094, %broadcast_in_dim3A_1265], %mul3A_1271 : memref<1024x32xf32, #tpu.memory_space<vmem>>[vector<16xi32>, vector<16xi32>], vector<16xf32>,
          %mul3A_1272 = arith.mulf %get3A_1263, %get3A_1129 : vector<16xf32>
          tpu.vector_store_idx %arg11[%add3A_1098, %broadcast_in_dim3A_1265], %mul3A_1272 : memref<1024x32xf32, #tpu.memory_space<vmem>>[vector<16xi32>, vector<16xi32>], vector<16xf32>,
          %mul3A_1273 = arith.mulf %get3A_1263, %get3A_1133 : vector<16xf32>
          tpu.vector_store_idx %arg11[%add3A_1102, %broadcast_in_dim3A_1265], %mul3A_1273 : memref<1024x32xf32, #tpu.memory_space<vmem>>[vector<16xi32>, vector<16xi32>], vector<16xf32>,
          %get3A_1274 = arith.constant 10 : i32
          %get3A_1275 = arith.index_cast %get3A_1274 : i32 to index
          %get3A_1276 = arith.index_cast %mul3A_1070 : i32 to index
          %get3A_1277 = tpu.vector_load %arg8[%get3A_1275, %get3A_1276] {strides = array<i32>} : memref<32x128xf32, #tpu.memory_space<vmem>>, vector<16xf32>,
          %broadcast_in_dim3A_1278 = arith.constant 10 : i32
          %broadcast_in_dim3A_1279 = vector.broadcast %broadcast_in_dim3A_1278 : i32 to vector<16xi32>
          %mul3A_1280 = arith.mulf %get3A_1277, %get3A_1105 : vector<16xf32>
          tpu.vector_store_idx %arg11[%add3A_1074, %broadcast_in_dim3A_1279], %mul3A_1280 : memref<1024x32xf32, #tpu.memory_space<vmem>>[vector<16xi32>, vector<16xi32>], vector<16xf32>,
          %mul3A_1281 = arith.mulf %get3A_1277, %get3A_1109 : vector<16xf32>
          tpu.vector_store_idx %arg11[%add3A_1078, %broadcast_in_dim3A_1279], %mul3A_1281 : memref<1024x32xf32, #tpu.memory_space<vmem>>[vector<16xi32>, vector<16xi32>], vector<16xf32>,
          %mul3A_1282 = arith.mulf %get3A_1277, %get3A_1113 : vector<16xf32>
          tpu.vector_store_idx %arg11[%add3A_1082, %broadcast_in_dim3A_1279], %mul3A_1282 : memref<1024x32xf32, #tpu.memory_space<vmem>>[vector<16xi32>, vector<16xi32>], vector<16xf32>,
          %mul3A_1283 = arith.mulf %get3A_1277, %get3A_1117 : vector<16xf32>
          tpu.vector_store_idx %arg11[%add3A_1086, %broadcast_in_dim3A_1279], %mul3A_1283 : memref<1024x32xf32, #tpu.memory_space<vmem>>[vector<16xi32>, vector<16xi32>], vector<16xf32>,
          %mul3A_1284 = arith.mulf %get3A_1277, %get3A_1121 : vector<16xf32>
          tpu.vector_store_idx %arg11[%add3A_1090, %broadcast_in_dim3A_1279], %mul3A_1284 : memref<1024x32xf32, #tpu.memory_space<vmem>>[vector<16xi32>, vector<16xi32>], vector<16xf32>,
          %mul3A_1285 = arith.mulf %get3A_1277, %get3A_1125 : vector<16xf32>
          tpu.vector_store_idx %arg11[%add3A_1094, %broadcast_in_dim3A_1279], %mul3A_1285 : memref<1024x32xf32, #tpu.memory_space<vmem>>[vector<16xi32>, vector<16xi32>], vector<16xf32>,
          %mul3A_1286 = arith.mulf %get3A_1277, %get3A_1129 : vector<16xf32>
          tpu.vector_store_idx %arg11[%add3A_1098, %broadcast_in_dim3A_1279], %mul3A_1286 : memref<1024x32xf32, #tpu.memory_space<vmem>>[vector<16xi32>, vector<16xi32>], vector<16xf32>,
          %mul3A_1287 = arith.mulf %get3A_1277, %get3A_1133 : vector<16xf32>
          tpu.vector_store_idx %arg11[%add3A_1102, %broadcast_in_dim3A_1279], %mul3A_1287 : memref<1024x32xf32, #tpu.memory_space<vmem>>[vector<16xi32>, vector<16xi32>], vector<16xf32>,
          %get3A_1288 = arith.constant 11 : i32
          %get3A_1289 = arith.index_cast %get3A_1288 : i32 to index
          %get3A_1290 = arith.index_cast %mul3A_1070 : i32 to index
          %get3A_1291 = tpu.vector_load %arg8[%get3A_1289, %get3A_1290] {strides = array<i32>} : memref<32x128xf32, #tpu.memory_space<vmem>>, vector<16xf32>,
          %broadcast_in_dim3A_1292 = arith.constant 11 : i32
          %broadcast_in_dim3A_1293 = vector.broadcast %broadcast_in_dim3A_1292 : i32 to vector<16xi32>
          %mul3A_1294 = arith.mulf %get3A_1291, %get3A_1105 : vector<16xf32>
          tpu.vector_store_idx %arg11[%add3A_1074, %broadcast_in_dim3A_1293], %mul3A_1294 : memref<1024x32xf32, #tpu.memory_space<vmem>>[vector<16xi32>, vector<16xi32>], vector<16xf32>,
          %mul3A_1295 = arith.mulf %get3A_1291, %get3A_1109 : vector<16xf32>
          tpu.vector_store_idx %arg11[%add3A_1078, %broadcast_in_dim3A_1293], %mul3A_1295 : memref<1024x32xf32, #tpu.memory_space<vmem>>[vector<16xi32>, vector<16xi32>], vector<16xf32>,
          %mul3A_1296 = arith.mulf %get3A_1291, %get3A_1113 : vector<16xf32>
          tpu.vector_store_idx %arg11[%add3A_1082, %broadcast_in_dim3A_1293], %mul3A_1296 : memref<1024x32xf32, #tpu.memory_space<vmem>>[vector<16xi32>, vector<16xi32>], vector<16xf32>,
          %mul3A_1297 = arith.mulf %get3A_1291, %get3A_1117 : vector<16xf32>
          tpu.vector_store_idx %arg11[%add3A_1086, %broadcast_in_dim3A_1293], %mul3A_1297 : memref<1024x32xf32, #tpu.memory_space<vmem>>[vector<16xi32>, vector<16xi32>], vector<16xf32>,
          %mul3A_1298 = arith.mulf %get3A_1291, %get3A_1121 : vector<16xf32>
          tpu.vector_store_idx %arg11[%add3A_1090, %broadcast_in_dim3A_1293], %mul3A_1298 : memref<1024x32xf32, #tpu.memory_space<vmem>>[vector<16xi32>, vector<16xi32>], vector<16xf32>,
          %mul3A_1299 = arith.mulf %get3A_1291, %get3A_1125 : vector<16xf32>
          tpu.vector_store_idx %arg11[%add3A_1094, %broadcast_in_dim3A_1293], %mul3A_1299 : memref<1024x32xf32, #tpu.memory_space<vmem>>[vector<16xi32>, vector<16xi32>], vector<16xf32>,
          %mul3A_1300 = arith.mulf %get3A_1291, %get3A_1129 : vector<16xf32>
          tpu.vector_store_idx %arg11[%add3A_1098, %broadcast_in_dim3A_1293], %mul3A_1300 : memref<1024x32xf32, #tpu.memory_space<vmem>>[vector<16xi32>, vector<16xi32>], vector<16xf32>,
          %mul3A_1301 = arith.mulf %get3A_1291, %get3A_1133 : vector<16xf32>
          tpu.vector_store_idx %arg11[%add3A_1102, %broadcast_in_dim3A_1293], %mul3A_1301 : memref<1024x32xf32, #tpu.memory_space<vmem>>[vector<16xi32>, vector<16xi32>], vector<16xf32>,
          %get3A_1302 = arith.constant 12 : i32
          %get3A_1303 = arith.index_cast %get3A_1302 : i32 to index
          %get3A_1304 = arith.index_cast %mul3A_1070 : i32 to index
          %get3A_1305 = tpu.vector_load %arg8[%get3A_1303, %get3A_1304] {strides = array<i32>} : memref<32x128xf32, #tpu.memory_space<vmem>>, vector<16xf32>,
          %broadcast_in_dim3A_1306 = arith.constant 12 : i32
          %broadcast_in_dim3A_1307 = vector.broadcast %broadcast_in_dim3A_1306 : i32 to vector<16xi32>
          %mul3A_1308 = arith.mulf %get3A_1305, %get3A_1105 : vector<16xf32>
          tpu.vector_store_idx %arg11[%add3A_1074, %broadcast_in_dim3A_1307], %mul3A_1308 : memref<1024x32xf32, #tpu.memory_space<vmem>>[vector<16xi32>, vector<16xi32>], vector<16xf32>,
          %mul3A_1309 = arith.mulf %get3A_1305, %get3A_1109 : vector<16xf32>
          tpu.vector_store_idx %arg11[%add3A_1078, %broadcast_in_dim3A_1307], %mul3A_1309 : memref<1024x32xf32, #tpu.memory_space<vmem>>[vector<16xi32>, vector<16xi32>], vector<16xf32>,
          %mul3A_1310 = arith.mulf %get3A_1305, %get3A_1113 : vector<16xf32>
          tpu.vector_store_idx %arg11[%add3A_1082, %broadcast_in_dim3A_1307], %mul3A_1310 : memref<1024x32xf32, #tpu.memory_space<vmem>>[vector<16xi32>, vector<16xi32>], vector<16xf32>,
          %mul3A_1311 = arith.mulf %get3A_1305, %get3A_1117 : vector<16xf32>
          tpu.vector_store_idx %arg11[%add3A_1086, %broadcast_in_dim3A_1307], %mul3A_1311 : memref<1024x32xf32, #tpu.memory_space<vmem>>[vector<16xi32>, vector<16xi32>], vector<16xf32>,
          %mul3A_1312 = arith.mulf %get3A_1305, %get3A_1121 : vector<16xf32>
          tpu.vector_store_idx %arg11[%add3A_1090, %broadcast_in_dim3A_1307], %mul3A_1312 : memref<1024x32xf32, #tpu.memory_space<vmem>>[vector<16xi32>, vector<16xi32>], vector<16xf32>,
          %mul3A_1313 = arith.mulf %get3A_1305, %get3A_1125 : vector<16xf32>
          tpu.vector_store_idx %arg11[%add3A_1094, %broadcast_in_dim3A_1307], %mul3A_1313 : memref<1024x32xf32, #tpu.memory_space<vmem>>[vector<16xi32>, vector<16xi32>], vector<16xf32>,
          %mul3A_1314 = arith.mulf %get3A_1305, %get3A_1129 : vector<16xf32>
          tpu.vector_store_idx %arg11[%add3A_1098, %broadcast_in_dim3A_1307], %mul3A_1314 : memref<1024x32xf32, #tpu.memory_space<vmem>>[vector<16xi32>, vector<16xi32>], vector<16xf32>,
          %mul3A_1315 = arith.mulf %get3A_1305, %get3A_1133 : vector<16xf32>
          tpu.vector_store_idx %arg11[%add3A_1102, %broadcast_in_dim3A_1307], %mul3A_1315 : memref<1024x32xf32, #tpu.memory_space<vmem>>[vector<16xi32>, vector<16xi32>], vector<16xf32>,
          %get3A_1316 = arith.constant 13 : i32
          %get3A_1317 = arith.index_cast %get3A_1316 : i32 to index
          %get3A_1318 = arith.index_cast %mul3A_1070 : i32 to index
          %get3A_1319 = tpu.vector_load %arg8[%get3A_1317, %get3A_1318] {strides = array<i32>} : memref<32x128xf32, #tpu.memory_space<vmem>>, vector<16xf32>,
          %broadcast_in_dim3A_1320 = arith.constant 13 : i32
          %broadcast_in_dim3A_1321 = vector.broadcast %broadcast_in_dim3A_1320 : i32 to vector<16xi32>
          %mul3A_1322 = arith.mulf %get3A_1319, %get3A_1105 : vector<16xf32>
          tpu.vector_store_idx %arg11[%add3A_1074, %broadcast_in_dim3A_1321], %mul3A_1322 : memref<1024x32xf32, #tpu.memory_space<vmem>>[vector<16xi32>, vector<16xi32>], vector<16xf32>,
          %mul3A_1323 = arith.mulf %get3A_1319, %get3A_1109 : vector<16xf32>
          tpu.vector_store_idx %arg11[%add3A_1078, %broadcast_in_dim3A_1321], %mul3A_1323 : memref<1024x32xf32, #tpu.memory_space<vmem>>[vector<16xi32>, vector<16xi32>], vector<16xf32>,
          %mul3A_1324 = arith.mulf %get3A_1319, %get3A_1113 : vector<16xf32>
          tpu.vector_store_idx %arg11[%add3A_1082, %broadcast_in_dim3A_1321], %mul3A_1324 : memref<1024x32xf32, #tpu.memory_space<vmem>>[vector<16xi32>, vector<16xi32>], vector<16xf32>,
          %mul3A_1325 = arith.mulf %get3A_1319, %get3A_1117 : vector<16xf32>
          tpu.vector_store_idx %arg11[%add3A_1086, %broadcast_in_dim3A_1321], %mul3A_1325 : memref<1024x32xf32, #tpu.memory_space<vmem>>[vector<16xi32>, vector<16xi32>], vector<16xf32>,
          %mul3A_1326 = arith.mulf %get3A_1319, %get3A_1121 : vector<16xf32>
          tpu.vector_store_idx %arg11[%add3A_1090, %broadcast_in_dim3A_1321], %mul3A_1326 : memref<1024x32xf32, #tpu.memory_space<vmem>>[vector<16xi32>, vector<16xi32>], vector<16xf32>,
          %mul3A_1327 = arith.mulf %get3A_1319, %get3A_1125 : vector<16xf32>
          tpu.vector_store_idx %arg11[%add3A_1094, %broadcast_in_dim3A_1321], %mul3A_1327 : memref<1024x32xf32, #tpu.memory_space<vmem>>[vector<16xi32>, vector<16xi32>], vector<16xf32>,
          %mul3A_1328 = arith.mulf %get3A_1319, %get3A_1129 : vector<16xf32>
          tpu.vector_store_idx %arg11[%add3A_1098, %broadcast_in_dim3A_1321], %mul3A_1328 : memref<1024x32xf32, #tpu.memory_space<vmem>>[vector<16xi32>, vector<16xi32>], vector<16xf32>,
          %mul3A_1329 = arith.mulf %get3A_1319, %get3A_1133 : vector<16xf32>
          tpu.vector_store_idx %arg11[%add3A_1102, %broadcast_in_dim3A_1321], %mul3A_1329 : memref<1024x32xf32, #tpu.memory_space<vmem>>[vector<16xi32>, vector<16xi32>], vector<16xf32>,
          %get3A_1330 = arith.constant 14 : i32
          %get3A_1331 = arith.index_cast %get3A_1330 : i32 to index
          %get3A_1332 = arith.index_cast %mul3A_1070 : i32 to index
          %get3A_1333 = tpu.vector_load %arg8[%get3A_1331, %get3A_1332] {strides = array<i32>} : memref<32x128xf32, #tpu.memory_space<vmem>>, vector<16xf32>,
          %broadcast_in_dim3A_1334 = arith.constant 14 : i32
          %broadcast_in_dim3A_1335 = vector.broadcast %broadcast_in_dim3A_1334 : i32 to vector<16xi32>
          %mul3A_1336 = arith.mulf %get3A_1333, %get3A_1105 : vector<16xf32>
          tpu.vector_store_idx %arg11[%add3A_1074, %broadcast_in_dim3A_1335], %mul3A_1336 : memref<1024x32xf32, #tpu.memory_space<vmem>>[vector<16xi32>, vector<16xi32>], vector<16xf32>,
          %mul3A_1337 = arith.mulf %get3A_1333, %get3A_1109 : vector<16xf32>
          tpu.vector_store_idx %arg11[%add3A_1078, %broadcast_in_dim3A_1335], %mul3A_1337 : memref<1024x32xf32, #tpu.memory_space<vmem>>[vector<16xi32>, vector<16xi32>], vector<16xf32>,
          %mul3A_1338 = arith.mulf %get3A_1333, %get3A_1113 : vector<16xf32>
          tpu.vector_store_idx %arg11[%add3A_1082, %broadcast_in_dim3A_1335], %mul3A_1338 : memref<1024x32xf32, #tpu.memory_space<vmem>>[vector<16xi32>, vector<16xi32>], vector<16xf32>,
          %mul3A_1339 = arith.mulf %get3A_1333, %get3A_1117 : vector<16xf32>
          tpu.vector_store_idx %arg11[%add3A_1086, %broadcast_in_dim3A_1335], %mul3A_1339 : memref<1024x32xf32, #tpu.memory_space<vmem>>[vector<16xi32>, vector<16xi32>], vector<16xf32>,
          %mul3A_1340 = arith.mulf %get3A_1333, %get3A_1121 : vector<16xf32>
          tpu.vector_store_idx %arg11[%add3A_1090, %broadcast_in_dim3A_1335], %mul3A_1340 : memref<1024x32xf32, #tpu.memory_space<vmem>>[vector<16xi32>, vector<16xi32>], vector<16xf32>,
          %mul3A_1341 = arith.mulf %get3A_1333, %get3A_1125 : vector<16xf32>
          tpu.vector_store_idx %arg11[%add3A_1094, %broadcast_in_dim3A_1335], %mul3A_1341 : memref<1024x32xf32, #tpu.memory_space<vmem>>[vector<16xi32>, vector<16xi32>], vector<16xf32>,
          %mul3A_1342 = arith.mulf %get3A_1333, %get3A_1129 : vector<16xf32>
          tpu.vector_store_idx %arg11[%add3A_1098, %broadcast_in_dim3A_1335], %mul3A_1342 : memref<1024x32xf32, #tpu.memory_space<vmem>>[vector<16xi32>, vector<16xi32>], vector<16xf32>,
          %mul3A_1343 = arith.mulf %get3A_1333, %get3A_1133 : vector<16xf32>
          tpu.vector_store_idx %arg11[%add3A_1102, %broadcast_in_dim3A_1335], %mul3A_1343 : memref<1024x32xf32, #tpu.memory_space<vmem>>[vector<16xi32>, vector<16xi32>], vector<16xf32>,
          %get3A_1344 = arith.constant 15 : i32
          %get3A_1345 = arith.index_cast %get3A_1344 : i32 to index
          %get3A_1346 = arith.index_cast %mul3A_1070 : i32 to index
          %get3A_1347 = tpu.vector_load %arg8[%get3A_1345, %get3A_1346] {strides = array<i32>} : memref<32x128xf32, #tpu.memory_space<vmem>>, vector<16xf32>,
          %broadcast_in_dim3A_1348 = arith.constant 15 : i32
          %broadcast_in_dim3A_1349 = vector.broadcast %broadcast_in_dim3A_1348 : i32 to vector<16xi32>
          %mul3A_1350 = arith.mulf %get3A_1347, %get3A_1105 : vector<16xf32>
          tpu.vector_store_idx %arg11[%add3A_1074, %broadcast_in_dim3A_1349], %mul3A_1350 : memref<1024x32xf32, #tpu.memory_space<vmem>>[vector<16xi32>, vector<16xi32>], vector<16xf32>,
          %mul3A_1351 = arith.mulf %get3A_1347, %get3A_1109 : vector<16xf32>
          tpu.vector_store_idx %arg11[%add3A_1078, %broadcast_in_dim3A_1349], %mul3A_1351 : memref<1024x32xf32, #tpu.memory_space<vmem>>[vector<16xi32>, vector<16xi32>], vector<16xf32>,
          %mul3A_1352 = arith.mulf %get3A_1347, %get3A_1113 : vector<16xf32>
          tpu.vector_store_idx %arg11[%add3A_1082, %broadcast_in_dim3A_1349], %mul3A_1352 : memref<1024x32xf32, #tpu.memory_space<vmem>>[vector<16xi32>, vector<16xi32>], vector<16xf32>,
          %mul3A_1353 = arith.mulf %get3A_1347, %get3A_1117 : vector<16xf32>
          tpu.vector_store_idx %arg11[%add3A_1086, %broadcast_in_dim3A_1349], %mul3A_1353 : memref<1024x32xf32, #tpu.memory_space<vmem>>[vector<16xi32>, vector<16xi32>], vector<16xf32>,
          %mul3A_1354 = arith.mulf %get3A_1347, %get3A_1121 : vector<16xf32>
          tpu.vector_store_idx %arg11[%add3A_1090, %broadcast_in_dim3A_1349], %mul3A_1354 : memref<1024x32xf32, #tpu.memory_space<vmem>>[vector<16xi32>, vector<16xi32>], vector<16xf32>,
          %mul3A_1355 = arith.mulf %get3A_1347, %get3A_1125 : vector<16xf32>
          tpu.vector_store_idx %arg11[%add3A_1094, %broadcast_in_dim3A_1349], %mul3A_1355 : memref<1024x32xf32, #tpu.memory_space<vmem>>[vector<16xi32>, vector<16xi32>], vector<16xf32>,
          %mul3A_1356 = arith.mulf %get3A_1347, %get3A_1129 : vector<16xf32>
          tpu.vector_store_idx %arg11[%add3A_1098, %broadcast_in_dim3A_1349], %mul3A_1356 : memref<1024x32xf32, #tpu.memory_space<vmem>>[vector<16xi32>, vector<16xi32>], vector<16xf32>,
          %mul3A_1357 = arith.mulf %get3A_1347, %get3A_1133 : vector<16xf32>
          tpu.vector_store_idx %arg11[%add3A_1102, %broadcast_in_dim3A_1349], %mul3A_1357 : memref<1024x32xf32, #tpu.memory_space<vmem>>[vector<16xi32>, vector<16xi32>], vector<16xf32>,
          %get3A_1358 = arith.constant 16 : i32
          %get3A_1359 = arith.index_cast %get3A_1358 : i32 to index
          %get3A_1360 = arith.index_cast %mul3A_1070 : i32 to index
          %get3A_1361 = tpu.vector_load %arg8[%get3A_1359, %get3A_1360] {strides = array<i32>} : memref<32x128xf32, #tpu.memory_space<vmem>>, vector<16xf32>,
          %broadcast_in_dim3A_1362 = arith.constant 16 : i32
          %broadcast_in_dim3A_1363 = vector.broadcast %broadcast_in_dim3A_1362 : i32 to vector<16xi32>
          %mul3A_1364 = arith.mulf %get3A_1361, %get3A_1105 : vector<16xf32>
          tpu.vector_store_idx %arg11[%add3A_1074, %broadcast_in_dim3A_1363], %mul3A_1364 : memref<1024x32xf32, #tpu.memory_space<vmem>>[vector<16xi32>, vector<16xi32>], vector<16xf32>,
          %mul3A_1365 = arith.mulf %get3A_1361, %get3A_1109 : vector<16xf32>
          tpu.vector_store_idx %arg11[%add3A_1078, %broadcast_in_dim3A_1363], %mul3A_1365 : memref<1024x32xf32, #tpu.memory_space<vmem>>[vector<16xi32>, vector<16xi32>], vector<16xf32>,
          %mul3A_1366 = arith.mulf %get3A_1361, %get3A_1113 : vector<16xf32>
          tpu.vector_store_idx %arg11[%add3A_1082, %broadcast_in_dim3A_1363], %mul3A_1366 : memref<1024x32xf32, #tpu.memory_space<vmem>>[vector<16xi32>, vector<16xi32>], vector<16xf32>,
          %mul3A_1367 = arith.mulf %get3A_1361, %get3A_1117 : vector<16xf32>
          tpu.vector_store_idx %arg11[%add3A_1086, %broadcast_in_dim3A_1363], %mul3A_1367 : memref<1024x32xf32, #tpu.memory_space<vmem>>[vector<16xi32>, vector<16xi32>], vector<16xf32>,
          %mul3A_1368 = arith.mulf %get3A_1361, %get3A_1121 : vector<16xf32>
          tpu.vector_store_idx %arg11[%add3A_1090, %broadcast_in_dim3A_1363], %mul3A_1368 : memref<1024x32xf32, #tpu.memory_space<vmem>>[vector<16xi32>, vector<16xi32>], vector<16xf32>,
          %mul3A_1369 = arith.mulf %get3A_1361, %get3A_1125 : vector<16xf32>
          tpu.vector_store_idx %arg11[%add3A_1094, %broadcast_in_dim3A_1363], %mul3A_1369 : memref<1024x32xf32, #tpu.memory_space<vmem>>[vector<16xi32>, vector<16xi32>], vector<16xf32>,
          %mul3A_1370 = arith.mulf %get3A_1361, %get3A_1129 : vector<16xf32>
          tpu.vector_store_idx %arg11[%add3A_1098, %broadcast_in_dim3A_1363], %mul3A_1370 : memref<1024x32xf32, #tpu.memory_space<vmem>>[vector<16xi32>, vector<16xi32>], vector<16xf32>,
          %mul3A_1371 = arith.mulf %get3A_1361, %get3A_1133 : vector<16xf32>
          tpu.vector_store_idx %arg11[%add3A_1102, %broadcast_in_dim3A_1363], %mul3A_1371 : memref<1024x32xf32, #tpu.memory_space<vmem>>[vector<16xi32>, vector<16xi32>], vector<16xf32>,
          %get3A_1372 = arith.constant 17 : i32
          %get3A_1373 = arith.index_cast %get3A_1372 : i32 to index
          %get3A_1374 = arith.index_cast %mul3A_1070 : i32 to index
          %get3A_1375 = tpu.vector_load %arg8[%get3A_1373, %get3A_1374] {strides = array<i32>} : memref<32x128xf32, #tpu.memory_space<vmem>>, vector<16xf32>,
          %broadcast_in_dim3A_1376 = arith.constant 17 : i32
          %broadcast_in_dim3A_1377 = vector.broadcast %broadcast_in_dim3A_1376 : i32 to vector<16xi32>
          %mul3A_1378 = arith.mulf %get3A_1375, %get3A_1105 : vector<16xf32>
          tpu.vector_store_idx %arg11[%add3A_1074, %broadcast_in_dim3A_1377], %mul3A_1378 : memref<1024x32xf32, #tpu.memory_space<vmem>>[vector<16xi32>, vector<16xi32>], vector<16xf32>,
          %mul3A_1379 = arith.mulf %get3A_1375, %get3A_1109 : vector<16xf32>
          tpu.vector_store_idx %arg11[%add3A_1078, %broadcast_in_dim3A_1377], %mul3A_1379 : memref<1024x32xf32, #tpu.memory_space<vmem>>[vector<16xi32>, vector<16xi32>], vector<16xf32>,
          %mul3A_1380 = arith.mulf %get3A_1375, %get3A_1113 : vector<16xf32>
          tpu.vector_store_idx %arg11[%add3A_1082, %broadcast_in_dim3A_1377], %mul3A_1380 : memref<1024x32xf32, #tpu.memory_space<vmem>>[vector<16xi32>, vector<16xi32>], vector<16xf32>,
          %mul3A_1381 = arith.mulf %get3A_1375, %get3A_1117 : vector<16xf32>
          tpu.vector_store_idx %arg11[%add3A_1086, %broadcast_in_dim3A_1377], %mul3A_1381 : memref<1024x32xf32, #tpu.memory_space<vmem>>[vector<16xi32>, vector<16xi32>], vector<16xf32>,
          %mul3A_1382 = arith.mulf %get3A_1375, %get3A_1121 : vector<16xf32>
          tpu.vector_store_idx %arg11[%add3A_1090, %broadcast_in_dim3A_1377], %mul3A_1382 : memref<1024x32xf32, #tpu.memory_space<vmem>>[vector<16xi32>, vector<16xi32>], vector<16xf32>,
          %mul3A_1383 = arith.mulf %get3A_1375, %get3A_1125 : vector<16xf32>
          tpu.vector_store_idx %arg11[%add3A_1094, %broadcast_in_dim3A_1377], %mul3A_1383 : memref<1024x32xf32, #tpu.memory_space<vmem>>[vector<16xi32>, vector<16xi32>], vector<16xf32>,
          %mul3A_1384 = arith.mulf %get3A_1375, %get3A_1129 : vector<16xf32>
          tpu.vector_store_idx %arg11[%add3A_1098, %broadcast_in_dim3A_1377], %mul3A_1384 : memref<1024x32xf32, #tpu.memory_space<vmem>>[vector<16xi32>, vector<16xi32>], vector<16xf32>,
          %mul3A_1385 = arith.mulf %get3A_1375, %get3A_1133 : vector<16xf32>
          tpu.vector_store_idx %arg11[%add3A_1102, %broadcast_in_dim3A_1377], %mul3A_1385 : memref<1024x32xf32, #tpu.memory_space<vmem>>[vector<16xi32>, vector<16xi32>], vector<16xf32>,
          %get3A_1386 = arith.constant 18 : i32
          %get3A_1387 = arith.index_cast %get3A_1386 : i32 to index
          %get3A_1388 = arith.index_cast %mul3A_1070 : i32 to index
          %get3A_1389 = tpu.vector_load %arg8[%get3A_1387, %get3A_1388] {strides = array<i32>} : memref<32x128xf32, #tpu.memory_space<vmem>>, vector<16xf32>,
          %broadcast_in_dim3A_1390 = arith.constant 18 : i32
          %broadcast_in_dim3A_1391 = vector.broadcast %broadcast_in_dim3A_1390 : i32 to vector<16xi32>
          %mul3A_1392 = arith.mulf %get3A_1389, %get3A_1105 : vector<16xf32>
          tpu.vector_store_idx %arg11[%add3A_1074, %broadcast_in_dim3A_1391], %mul3A_1392 : memref<1024x32xf32, #tpu.memory_space<vmem>>[vector<16xi32>, vector<16xi32>], vector<16xf32>,
          %mul3A_1393 = arith.mulf %get3A_1389, %get3A_1109 : vector<16xf32>
          tpu.vector_store_idx %arg11[%add3A_1078, %broadcast_in_dim3A_1391], %mul3A_1393 : memref<1024x32xf32, #tpu.memory_space<vmem>>[vector<16xi32>, vector<16xi32>], vector<16xf32>,
          %mul3A_1394 = arith.mulf %get3A_1389, %get3A_1113 : vector<16xf32>
          tpu.vector_store_idx %arg11[%add3A_1082, %broadcast_in_dim3A_1391], %mul3A_1394 : memref<1024x32xf32, #tpu.memory_space<vmem>>[vector<16xi32>, vector<16xi32>], vector<16xf32>,
          %mul3A_1395 = arith.mulf %get3A_1389, %get3A_1117 : vector<16xf32>
          tpu.vector_store_idx %arg11[%add3A_1086, %broadcast_in_dim3A_1391], %mul3A_1395 : memref<1024x32xf32, #tpu.memory_space<vmem>>[vector<16xi32>, vector<16xi32>], vector<16xf32>,
          %mul3A_1396 = arith.mulf %get3A_1389, %get3A_1121 : vector<16xf32>
          tpu.vector_store_idx %arg11[%add3A_1090, %broadcast_in_dim3A_1391], %mul3A_1396 : memref<1024x32xf32, #tpu.memory_space<vmem>>[vector<16xi32>, vector<16xi32>], vector<16xf32>,
          %mul3A_1397 = arith.mulf %get3A_1389, %get3A_1125 : vector<16xf32>
          tpu.vector_store_idx %arg11[%add3A_1094, %broadcast_in_dim3A_1391], %mul3A_1397 : memref<1024x32xf32, #tpu.memory_space<vmem>>[vector<16xi32>, vector<16xi32>], vector<16xf32>,
          %mul3A_1398 = arith.mulf %get3A_1389, %get3A_1129 : vector<16xf32>
          tpu.vector_store_idx %arg11[%add3A_1098, %broadcast_in_dim3A_1391], %mul3A_1398 : memref<1024x32xf32, #tpu.memory_space<vmem>>[vector<16xi32>, vector<16xi32>], vector<16xf32>,
          %mul3A_1399 = arith.mulf %get3A_1389, %get3A_1133 : vector<16xf32>
          tpu.vector_store_idx %arg11[%add3A_1102, %broadcast_in_dim3A_1391], %mul3A_1399 : memref<1024x32xf32, #tpu.memory_space<vmem>>[vector<16xi32>, vector<16xi32>], vector<16xf32>,
          %get3A_1400 = arith.constant 19 : i32
          %get3A_1401 = arith.index_cast %get3A_1400 : i32 to index
          %get3A_1402 = arith.index_cast %mul3A_1070 : i32 to index
          %get3A_1403 = tpu.vector_load %arg8[%get3A_1401, %get3A_1402] {strides = array<i32>} : memref<32x128xf32, #tpu.memory_space<vmem>>, vector<16xf32>,
          %broadcast_in_dim3A_1404 = arith.constant 19 : i32
          %broadcast_in_dim3A_1405 = vector.broadcast %broadcast_in_dim3A_1404 : i32 to vector<16xi32>
          %mul3A_1406 = arith.mulf %get3A_1403, %get3A_1105 : vector<16xf32>
          tpu.vector_store_idx %arg11[%add3A_1074, %broadcast_in_dim3A_1405], %mul3A_1406 : memref<1024x32xf32, #tpu.memory_space<vmem>>[vector<16xi32>, vector<16xi32>], vector<16xf32>,
          %mul3A_1407 = arith.mulf %get3A_1403, %get3A_1109 : vector<16xf32>
          tpu.vector_store_idx %arg11[%add3A_1078, %broadcast_in_dim3A_1405], %mul3A_1407 : memref<1024x32xf32, #tpu.memory_space<vmem>>[vector<16xi32>, vector<16xi32>], vector<16xf32>,
          %mul3A_1408 = arith.mulf %get3A_1403, %get3A_1113 : vector<16xf32>
          tpu.vector_store_idx %arg11[%add3A_1082, %broadcast_in_dim3A_1405], %mul3A_1408 : memref<1024x32xf32, #tpu.memory_space<vmem>>[vector<16xi32>, vector<16xi32>], vector<16xf32>,
          %mul3A_1409 = arith.mulf %get3A_1403, %get3A_1117 : vector<16xf32>
          tpu.vector_store_idx %arg11[%add3A_1086, %broadcast_in_dim3A_1405], %mul3A_1409 : memref<1024x32xf32, #tpu.memory_space<vmem>>[vector<16xi32>, vector<16xi32>], vector<16xf32>,
          %mul3A_1410 = arith.mulf %get3A_1403, %get3A_1121 : vector<16xf32>
          tpu.vector_store_idx %arg11[%add3A_1090, %broadcast_in_dim3A_1405], %mul3A_1410 : memref<1024x32xf32, #tpu.memory_space<vmem>>[vector<16xi32>, vector<16xi32>], vector<16xf32>,
          %mul3A_1411 = arith.mulf %get3A_1403, %get3A_1125 : vector<16xf32>
          tpu.vector_store_idx %arg11[%add3A_1094, %broadcast_in_dim3A_1405], %mul3A_1411 : memref<1024x32xf32, #tpu.memory_space<vmem>>[vector<16xi32>, vector<16xi32>], vector<16xf32>,
          %mul3A_1412 = arith.mulf %get3A_1403, %get3A_1129 : vector<16xf32>
          tpu.vector_store_idx %arg11[%add3A_1098, %broadcast_in_dim3A_1405], %mul3A_1412 : memref<1024x32xf32, #tpu.memory_space<vmem>>[vector<16xi32>, vector<16xi32>], vector<16xf32>,
          %mul3A_1413 = arith.mulf %get3A_1403, %get3A_1133 : vector<16xf32>
          tpu.vector_store_idx %arg11[%add3A_1102, %broadcast_in_dim3A_1405], %mul3A_1413 : memref<1024x32xf32, #tpu.memory_space<vmem>>[vector<16xi32>, vector<16xi32>], vector<16xf32>,
          %get3A_1414 = arith.constant 20 : i32
          %get3A_1415 = arith.index_cast %get3A_1414 : i32 to index
          %get3A_1416 = arith.index_cast %mul3A_1070 : i32 to index
          %get3A_1417 = tpu.vector_load %arg8[%get3A_1415, %get3A_1416] {strides = array<i32>} : memref<32x128xf32, #tpu.memory_space<vmem>>, vector<16xf32>,
          %broadcast_in_dim3A_1418 = arith.constant 20 : i32
          %broadcast_in_dim3A_1419 = vector.broadcast %broadcast_in_dim3A_1418 : i32 to vector<16xi32>
          %mul3A_1420 = arith.mulf %get3A_1417, %get3A_1105 : vector<16xf32>
          tpu.vector_store_idx %arg11[%add3A_1074, %broadcast_in_dim3A_1419], %mul3A_1420 : memref<1024x32xf32, #tpu.memory_space<vmem>>[vector<16xi32>, vector<16xi32>], vector<16xf32>,
          %mul3A_1421 = arith.mulf %get3A_1417, %get3A_1109 : vector<16xf32>
          tpu.vector_store_idx %arg11[%add3A_1078, %broadcast_in_dim3A_1419], %mul3A_1421 : memref<1024x32xf32, #tpu.memory_space<vmem>>[vector<16xi32>, vector<16xi32>], vector<16xf32>,
          %mul3A_1422 = arith.mulf %get3A_1417, %get3A_1113 : vector<16xf32>
          tpu.vector_store_idx %arg11[%add3A_1082, %broadcast_in_dim3A_1419], %mul3A_1422 : memref<1024x32xf32, #tpu.memory_space<vmem>>[vector<16xi32>, vector<16xi32>], vector<16xf32>,
          %mul3A_1423 = arith.mulf %get3A_1417, %get3A_1117 : vector<16xf32>
          tpu.vector_store_idx %arg11[%add3A_1086, %broadcast_in_dim3A_1419], %mul3A_1423 : memref<1024x32xf32, #tpu.memory_space<vmem>>[vector<16xi32>, vector<16xi32>], vector<16xf32>,
          %mul3A_1424 = arith.mulf %get3A_1417, %get3A_1121 : vector<16xf32>
          tpu.vector_store_idx %arg11[%add3A_1090, %broadcast_in_dim3A_1419], %mul3A_1424 : memref<1024x32xf32, #tpu.memory_space<vmem>>[vector<16xi32>, vector<16xi32>], vector<16xf32>,
          %mul3A_1425 = arith.mulf %get3A_1417, %get3A_1125 : vector<16xf32>
          tpu.vector_store_idx %arg11[%add3A_1094, %broadcast_in_dim3A_1419], %mul3A_1425 : memref<1024x32xf32, #tpu.memory_space<vmem>>[vector<16xi32>, vector<16xi32>], vector<16xf32>,
          %mul3A_1426 = arith.mulf %get3A_1417, %get3A_1129 : vector<16xf32>
          tpu.vector_store_idx %arg11[%add3A_1098, %broadcast_in_dim3A_1419], %mul3A_1426 : memref<1024x32xf32, #tpu.memory_space<vmem>>[vector<16xi32>, vector<16xi32>], vector<16xf32>,
          %mul3A_1427 = arith.mulf %get3A_1417, %get3A_1133 : vector<16xf32>
          tpu.vector_store_idx %arg11[%add3A_1102, %broadcast_in_dim3A_1419], %mul3A_1427 : memref<1024x32xf32, #tpu.memory_space<vmem>>[vector<16xi32>, vector<16xi32>], vector<16xf32>,
          %get3A_1428 = arith.constant 21 : i32
          %get3A_1429 = arith.index_cast %get3A_1428 : i32 to index
          %get3A_1430 = arith.index_cast %mul3A_1070 : i32 to index
          %get3A_1431 = tpu.vector_load %arg8[%get3A_1429, %get3A_1430] {strides = array<i32>} : memref<32x128xf32, #tpu.memory_space<vmem>>, vector<16xf32>,
          %broadcast_in_dim3A_1432 = arith.constant 21 : i32
          %broadcast_in_dim3A_1433 = vector.broadcast %broadcast_in_dim3A_1432 : i32 to vector<16xi32>
          %mul3A_1434 = arith.mulf %get3A_1431, %get3A_1105 : vector<16xf32>
          tpu.vector_store_idx %arg11[%add3A_1074, %broadcast_in_dim3A_1433], %mul3A_1434 : memref<1024x32xf32, #tpu.memory_space<vmem>>[vector<16xi32>, vector<16xi32>], vector<16xf32>,
          %mul3A_1435 = arith.mulf %get3A_1431, %get3A_1109 : vector<16xf32>
          tpu.vector_store_idx %arg11[%add3A_1078, %broadcast_in_dim3A_1433], %mul3A_1435 : memref<1024x32xf32, #tpu.memory_space<vmem>>[vector<16xi32>, vector<16xi32>], vector<16xf32>,
          %mul3A_1436 = arith.mulf %get3A_1431, %get3A_1113 : vector<16xf32>
          tpu.vector_store_idx %arg11[%add3A_1082, %broadcast_in_dim3A_1433], %mul3A_1436 : memref<1024x32xf32, #tpu.memory_space<vmem>>[vector<16xi32>, vector<16xi32>], vector<16xf32>,
          %mul3A_1437 = arith.mulf %get3A_1431, %get3A_1117 : vector<16xf32>
          tpu.vector_store_idx %arg11[%add3A_1086, %broadcast_in_dim3A_1433], %mul3A_1437 : memref<1024x32xf32, #tpu.memory_space<vmem>>[vector<16xi32>, vector<16xi32>], vector<16xf32>,
          %mul3A_1438 = arith.mulf %get3A_1431, %get3A_1121 : vector<16xf32>
          tpu.vector_store_idx %arg11[%add3A_1090, %broadcast_in_dim3A_1433], %mul3A_1438 : memref<1024x32xf32, #tpu.memory_space<vmem>>[vector<16xi32>, vector<16xi32>], vector<16xf32>,
          %mul3A_1439 = arith.mulf %get3A_1431, %get3A_1125 : vector<16xf32>
          tpu.vector_store_idx %arg11[%add3A_1094, %broadcast_in_dim3A_1433], %mul3A_1439 : memref<1024x32xf32, #tpu.memory_space<vmem>>[vector<16xi32>, vector<16xi32>], vector<16xf32>,
          %mul3A_1440 = arith.mulf %get3A_1431, %get3A_1129 : vector<16xf32>
          tpu.vector_store_idx %arg11[%add3A_1098, %broadcast_in_dim3A_1433], %mul3A_1440 : memref<1024x32xf32, #tpu.memory_space<vmem>>[vector<16xi32>, vector<16xi32>], vector<16xf32>,
          %mul3A_1441 = arith.mulf %get3A_1431, %get3A_1133 : vector<16xf32>
          tpu.vector_store_idx %arg11[%add3A_1102, %broadcast_in_dim3A_1433], %mul3A_1441 : memref<1024x32xf32, #tpu.memory_space<vmem>>[vector<16xi32>, vector<16xi32>], vector<16xf32>,
          %get3A_1442 = arith.constant 22 : i32
          %get3A_1443 = arith.index_cast %get3A_1442 : i32 to index
          %get3A_1444 = arith.index_cast %mul3A_1070 : i32 to index
          %get3A_1445 = tpu.vector_load %arg8[%get3A_1443, %get3A_1444] {strides = array<i32>} : memref<32x128xf32, #tpu.memory_space<vmem>>, vector<16xf32>,
          %broadcast_in_dim3A_1446 = arith.constant 22 : i32
          %broadcast_in_dim3A_1447 = vector.broadcast %broadcast_in_dim3A_1446 : i32 to vector<16xi32>
          %mul3A_1448 = arith.mulf %get3A_1445, %get3A_1105 : vector<16xf32>
          tpu.vector_store_idx %arg11[%add3A_1074, %broadcast_in_dim3A_1447], %mul3A_1448 : memref<1024x32xf32, #tpu.memory_space<vmem>>[vector<16xi32>, vector<16xi32>], vector<16xf32>,
          %mul3A_1449 = arith.mulf %get3A_1445, %get3A_1109 : vector<16xf32>
          tpu.vector_store_idx %arg11[%add3A_1078, %broadcast_in_dim3A_1447], %mul3A_1449 : memref<1024x32xf32, #tpu.memory_space<vmem>>[vector<16xi32>, vector<16xi32>], vector<16xf32>,
          %mul3A_1450 = arith.mulf %get3A_1445, %get3A_1113 : vector<16xf32>
          tpu.vector_store_idx %arg11[%add3A_1082, %broadcast_in_dim3A_1447], %mul3A_1450 : memref<1024x32xf32, #tpu.memory_space<vmem>>[vector<16xi32>, vector<16xi32>], vector<16xf32>,
          %mul3A_1451 = arith.mulf %get3A_1445, %get3A_1117 : vector<16xf32>
          tpu.vector_store_idx %arg11[%add3A_1086, %broadcast_in_dim3A_1447], %mul3A_1451 : memref<1024x32xf32, #tpu.memory_space<vmem>>[vector<16xi32>, vector<16xi32>], vector<16xf32>,
          %mul3A_1452 = arith.mulf %get3A_1445, %get3A_1121 : vector<16xf32>
          tpu.vector_store_idx %arg11[%add3A_1090, %broadcast_in_dim3A_1447], %mul3A_1452 : memref<1024x32xf32, #tpu.memory_space<vmem>>[vector<16xi32>, vector<16xi32>], vector<16xf32>,
          %mul3A_1453 = arith.mulf %get3A_1445, %get3A_1125 : vector<16xf32>
          tpu.vector_store_idx %arg11[%add3A_1094, %broadcast_in_dim3A_1447], %mul3A_1453 : memref<1024x32xf32, #tpu.memory_space<vmem>>[vector<16xi32>, vector<16xi32>], vector<16xf32>,
          %mul3A_1454 = arith.mulf %get3A_1445, %get3A_1129 : vector<16xf32>
          tpu.vector_store_idx %arg11[%add3A_1098, %broadcast_in_dim3A_1447], %mul3A_1454 : memref<1024x32xf32, #tpu.memory_space<vmem>>[vector<16xi32>, vector<16xi32>], vector<16xf32>,
          %mul3A_1455 = arith.mulf %get3A_1445, %get3A_1133 : vector<16xf32>
          tpu.vector_store_idx %arg11[%add3A_1102, %broadcast_in_dim3A_1447], %mul3A_1455 : memref<1024x32xf32, #tpu.memory_space<vmem>>[vector<16xi32>, vector<16xi32>], vector<16xf32>,
          %get3A_1456 = arith.constant 23 : i32
          %get3A_1457 = arith.index_cast %get3A_1456 : i32 to index
          %get3A_1458 = arith.index_cast %mul3A_1070 : i32 to index
          %get3A_1459 = tpu.vector_load %arg8[%get3A_1457, %get3A_1458] {strides = array<i32>} : memref<32x128xf32, #tpu.memory_space<vmem>>, vector<16xf32>,
          %broadcast_in_dim3A_1460 = arith.constant 23 : i32
          %broadcast_in_dim3A_1461 = vector.broadcast %broadcast_in_dim3A_1460 : i32 to vector<16xi32>
          %mul3A_1462 = arith.mulf %get3A_1459, %get3A_1105 : vector<16xf32>
          tpu.vector_store_idx %arg11[%add3A_1074, %broadcast_in_dim3A_1461], %mul3A_1462 : memref<1024x32xf32, #tpu.memory_space<vmem>>[vector<16xi32>, vector<16xi32>], vector<16xf32>,
          %mul3A_1463 = arith.mulf %get3A_1459, %get3A_1109 : vector<16xf32>
          tpu.vector_store_idx %arg11[%add3A_1078, %broadcast_in_dim3A_1461], %mul3A_1463 : memref<1024x32xf32, #tpu.memory_space<vmem>>[vector<16xi32>, vector<16xi32>], vector<16xf32>,
          %mul3A_1464 = arith.mulf %get3A_1459, %get3A_1113 : vector<16xf32>
          tpu.vector_store_idx %arg11[%add3A_1082, %broadcast_in_dim3A_1461], %mul3A_1464 : memref<1024x32xf32, #tpu.memory_space<vmem>>[vector<16xi32>, vector<16xi32>], vector<16xf32>,
          %mul3A_1465 = arith.mulf %get3A_1459, %get3A_1117 : vector<16xf32>
          tpu.vector_store_idx %arg11[%add3A_1086, %broadcast_in_dim3A_1461], %mul3A_1465 : memref<1024x32xf32, #tpu.memory_space<vmem>>[vector<16xi32>, vector<16xi32>], vector<16xf32>,
          %mul3A_1466 = arith.mulf %get3A_1459, %get3A_1121 : vector<16xf32>
          tpu.vector_store_idx %arg11[%add3A_1090, %broadcast_in_dim3A_1461], %mul3A_1466 : memref<1024x32xf32, #tpu.memory_space<vmem>>[vector<16xi32>, vector<16xi32>], vector<16xf32>,
          %mul3A_1467 = arith.mulf %get3A_1459, %get3A_1125 : vector<16xf32>
          tpu.vector_store_idx %arg11[%add3A_1094, %broadcast_in_dim3A_1461], %mul3A_1467 : memref<1024x32xf32, #tpu.memory_space<vmem>>[vector<16xi32>, vector<16xi32>], vector<16xf32>,
          %mul3A_1468 = arith.mulf %get3A_1459, %get3A_1129 : vector<16xf32>
          tpu.vector_store_idx %arg11[%add3A_1098, %broadcast_in_dim3A_1461], %mul3A_1468 : memref<1024x32xf32, #tpu.memory_space<vmem>>[vector<16xi32>, vector<16xi32>], vector<16xf32>,
          %mul3A_1469 = arith.mulf %get3A_1459, %get3A_1133 : vector<16xf32>
          tpu.vector_store_idx %arg11[%add3A_1102, %broadcast_in_dim3A_1461], %mul3A_1469 : memref<1024x32xf32, #tpu.memory_space<vmem>>[vector<16xi32>, vector<16xi32>], vector<16xf32>,
          %get3A_1470 = arith.constant 24 : i32
          %get3A_1471 = arith.index_cast %get3A_1470 : i32 to index
          %get3A_1472 = arith.index_cast %mul3A_1070 : i32 to index
          %get3A_1473 = tpu.vector_load %arg8[%get3A_1471, %get3A_1472] {strides = array<i32>} : memref<32x128xf32, #tpu.memory_space<vmem>>, vector<16xf32>,
          %broadcast_in_dim3A_1474 = arith.constant 24 : i32
          %broadcast_in_dim3A_1475 = vector.broadcast %broadcast_in_dim3A_1474 : i32 to vector<16xi32>
          %mul3A_1476 = arith.mulf %get3A_1473, %get3A_1105 : vector<16xf32>
          tpu.vector_store_idx %arg11[%add3A_1074, %broadcast_in_dim3A_1475], %mul3A_1476 : memref<1024x32xf32, #tpu.memory_space<vmem>>[vector<16xi32>, vector<16xi32>], vector<16xf32>,
          %mul3A_1477 = arith.mulf %get3A_1473, %get3A_1109 : vector<16xf32>
          tpu.vector_store_idx %arg11[%add3A_1078, %broadcast_in_dim3A_1475], %mul3A_1477 : memref<1024x32xf32, #tpu.memory_space<vmem>>[vector<16xi32>, vector<16xi32>], vector<16xf32>,
          %mul3A_1478 = arith.mulf %get3A_1473, %get3A_1113 : vector<16xf32>
          tpu.vector_store_idx %arg11[%add3A_1082, %broadcast_in_dim3A_1475], %mul3A_1478 : memref<1024x32xf32, #tpu.memory_space<vmem>>[vector<16xi32>, vector<16xi32>], vector<16xf32>,
          %mul3A_1479 = arith.mulf %get3A_1473, %get3A_1117 : vector<16xf32>
          tpu.vector_store_idx %arg11[%add3A_1086, %broadcast_in_dim3A_1475], %mul3A_1479 : memref<1024x32xf32, #tpu.memory_space<vmem>>[vector<16xi32>, vector<16xi32>], vector<16xf32>,
          %mul3A_1480 = arith.mulf %get3A_1473, %get3A_1121 : vector<16xf32>
          tpu.vector_store_idx %arg11[%add3A_1090, %broadcast_in_dim3A_1475], %mul3A_1480 : memref<1024x32xf32, #tpu.memory_space<vmem>>[vector<16xi32>, vector<16xi32>], vector<16xf32>,
          %mul3A_1481 = arith.mulf %get3A_1473, %get3A_1125 : vector<16xf32>
          tpu.vector_store_idx %arg11[%add3A_1094, %broadcast_in_dim3A_1475], %mul3A_1481 : memref<1024x32xf32, #tpu.memory_space<vmem>>[vector<16xi32>, vector<16xi32>], vector<16xf32>,
          %mul3A_1482 = arith.mulf %get3A_1473, %get3A_1129 : vector<16xf32>
          tpu.vector_store_idx %arg11[%add3A_1098, %broadcast_in_dim3A_1475], %mul3A_1482 : memref<1024x32xf32, #tpu.memory_space<vmem>>[vector<16xi32>, vector<16xi32>], vector<16xf32>,
          %mul3A_1483 = arith.mulf %get3A_1473, %get3A_1133 : vector<16xf32>
          tpu.vector_store_idx %arg11[%add3A_1102, %broadcast_in_dim3A_1475], %mul3A_1483 : memref<1024x32xf32, #tpu.memory_space<vmem>>[vector<16xi32>, vector<16xi32>], vector<16xf32>,
          %get3A_1484 = arith.constant 25 : i32
          %get3A_1485 = arith.index_cast %get3A_1484 : i32 to index
          %get3A_1486 = arith.index_cast %mul3A_1070 : i32 to index
          %get3A_1487 = tpu.vector_load %arg8[%get3A_1485, %get3A_1486] {strides = array<i32>} : memref<32x128xf32, #tpu.memory_space<vmem>>, vector<16xf32>,
          %broadcast_in_dim3A_1488 = arith.constant 25 : i32
          %broadcast_in_dim3A_1489 = vector.broadcast %broadcast_in_dim3A_1488 : i32 to vector<16xi32>
          %mul3A_1490 = arith.mulf %get3A_1487, %get3A_1105 : vector<16xf32>
          tpu.vector_store_idx %arg11[%add3A_1074, %broadcast_in_dim3A_1489], %mul3A_1490 : memref<1024x32xf32, #tpu.memory_space<vmem>>[vector<16xi32>, vector<16xi32>], vector<16xf32>,
          %mul3A_1491 = arith.mulf %get3A_1487, %get3A_1109 : vector<16xf32>
          tpu.vector_store_idx %arg11[%add3A_1078, %broadcast_in_dim3A_1489], %mul3A_1491 : memref<1024x32xf32, #tpu.memory_space<vmem>>[vector<16xi32>, vector<16xi32>], vector<16xf32>,
          %mul3A_1492 = arith.mulf %get3A_1487, %get3A_1113 : vector<16xf32>
          tpu.vector_store_idx %arg11[%add3A_1082, %broadcast_in_dim3A_1489], %mul3A_1492 : memref<1024x32xf32, #tpu.memory_space<vmem>>[vector<16xi32>, vector<16xi32>], vector<16xf32>,
          %mul3A_1493 = arith.mulf %get3A_1487, %get3A_1117 : vector<16xf32>
          tpu.vector_store_idx %arg11[%add3A_1086, %broadcast_in_dim3A_1489], %mul3A_1493 : memref<1024x32xf32, #tpu.memory_space<vmem>>[vector<16xi32>, vector<16xi32>], vector<16xf32>,
          %mul3A_1494 = arith.mulf %get3A_1487, %get3A_1121 : vector<16xf32>
          tpu.vector_store_idx %arg11[%add3A_1090, %broadcast_in_dim3A_1489], %mul3A_1494 : memref<1024x32xf32, #tpu.memory_space<vmem>>[vector<16xi32>, vector<16xi32>], vector<16xf32>,
          %mul3A_1495 = arith.mulf %get3A_1487, %get3A_1125 : vector<16xf32>
          tpu.vector_store_idx %arg11[%add3A_1094, %broadcast_in_dim3A_1489], %mul3A_1495 : memref<1024x32xf32, #tpu.memory_space<vmem>>[vector<16xi32>, vector<16xi32>], vector<16xf32>,
          %mul3A_1496 = arith.mulf %get3A_1487, %get3A_1129 : vector<16xf32>
          tpu.vector_store_idx %arg11[%add3A_1098, %broadcast_in_dim3A_1489], %mul3A_1496 : memref<1024x32xf32, #tpu.memory_space<vmem>>[vector<16xi32>, vector<16xi32>], vector<16xf32>,
          %mul3A_1497 = arith.mulf %get3A_1487, %get3A_1133 : vector<16xf32>
          tpu.vector_store_idx %arg11[%add3A_1102, %broadcast_in_dim3A_1489], %mul3A_1497 : memref<1024x32xf32, #tpu.memory_space<vmem>>[vector<16xi32>, vector<16xi32>], vector<16xf32>,
          %get3A_1498 = arith.constant 26 : i32
          %get3A_1499 = arith.index_cast %get3A_1498 : i32 to index
          %get3A_1500 = arith.index_cast %mul3A_1070 : i32 to index
          %get3A_1501 = tpu.vector_load %arg8[%get3A_1499, %get3A_1500] {strides = array<i32>} : memref<32x128xf32, #tpu.memory_space<vmem>>, vector<16xf32>,
          %broadcast_in_dim3A_1502 = arith.constant 26 : i32
          %broadcast_in_dim3A_1503 = vector.broadcast %broadcast_in_dim3A_1502 : i32 to vector<16xi32>
          %mul3A_1504 = arith.mulf %get3A_1501, %get3A_1105 : vector<16xf32>
          tpu.vector_store_idx %arg11[%add3A_1074, %broadcast_in_dim3A_1503], %mul3A_1504 : memref<1024x32xf32, #tpu.memory_space<vmem>>[vector<16xi32>, vector<16xi32>], vector<16xf32>,
          %mul3A_1505 = arith.mulf %get3A_1501, %get3A_1109 : vector<16xf32>
          tpu.vector_store_idx %arg11[%add3A_1078, %broadcast_in_dim3A_1503], %mul3A_1505 : memref<1024x32xf32, #tpu.memory_space<vmem>>[vector<16xi32>, vector<16xi32>], vector<16xf32>,
          %mul3A_1506 = arith.mulf %get3A_1501, %get3A_1113 : vector<16xf32>
          tpu.vector_store_idx %arg11[%add3A_1082, %broadcast_in_dim3A_1503], %mul3A_1506 : memref<1024x32xf32, #tpu.memory_space<vmem>>[vector<16xi32>, vector<16xi32>], vector<16xf32>,
          %mul3A_1507 = arith.mulf %get3A_1501, %get3A_1117 : vector<16xf32>
          tpu.vector_store_idx %arg11[%add3A_1086, %broadcast_in_dim3A_1503], %mul3A_1507 : memref<1024x32xf32, #tpu.memory_space<vmem>>[vector<16xi32>, vector<16xi32>], vector<16xf32>,
          %mul3A_1508 = arith.mulf %get3A_1501, %get3A_1121 : vector<16xf32>
          tpu.vector_store_idx %arg11[%add3A_1090, %broadcast_in_dim3A_1503], %mul3A_1508 : memref<1024x32xf32, #tpu.memory_space<vmem>>[vector<16xi32>, vector<16xi32>], vector<16xf32>,
          %mul3A_1509 = arith.mulf %get3A_1501, %get3A_1125 : vector<16xf32>
          tpu.vector_store_idx %arg11[%add3A_1094, %broadcast_in_dim3A_1503], %mul3A_1509 : memref<1024x32xf32, #tpu.memory_space<vmem>>[vector<16xi32>, vector<16xi32>], vector<16xf32>,
          %mul3A_1510 = arith.mulf %get3A_1501, %get3A_1129 : vector<16xf32>
          tpu.vector_store_idx %arg11[%add3A_1098, %broadcast_in_dim3A_1503], %mul3A_1510 : memref<1024x32xf32, #tpu.memory_space<vmem>>[vector<16xi32>, vector<16xi32>], vector<16xf32>,
          %mul3A_1511 = arith.mulf %get3A_1501, %get3A_1133 : vector<16xf32>
          tpu.vector_store_idx %arg11[%add3A_1102, %broadcast_in_dim3A_1503], %mul3A_1511 : memref<1024x32xf32, #tpu.memory_space<vmem>>[vector<16xi32>, vector<16xi32>], vector<16xf32>,
          %get3A_1512 = arith.constant 27 : i32
          %get3A_1513 = arith.index_cast %get3A_1512 : i32 to index
          %get3A_1514 = arith.index_cast %mul3A_1070 : i32 to index
          %get3A_1515 = tpu.vector_load %arg8[%get3A_1513, %get3A_1514] {strides = array<i32>} : memref<32x128xf32, #tpu.memory_space<vmem>>, vector<16xf32>,
          %broadcast_in_dim3A_1516 = arith.constant 27 : i32
          %broadcast_in_dim3A_1517 = vector.broadcast %broadcast_in_dim3A_1516 : i32 to vector<16xi32>
          %mul3A_1518 = arith.mulf %get3A_1515, %get3A_1105 : vector<16xf32>
          tpu.vector_store_idx %arg11[%add3A_1074, %broadcast_in_dim3A_1517], %mul3A_1518 : memref<1024x32xf32, #tpu.memory_space<vmem>>[vector<16xi32>, vector<16xi32>], vector<16xf32>,
          %mul3A_1519 = arith.mulf %get3A_1515, %get3A_1109 : vector<16xf32>
          tpu.vector_store_idx %arg11[%add3A_1078, %broadcast_in_dim3A_1517], %mul3A_1519 : memref<1024x32xf32, #tpu.memory_space<vmem>>[vector<16xi32>, vector<16xi32>], vector<16xf32>,
          %mul3A_1520 = arith.mulf %get3A_1515, %get3A_1113 : vector<16xf32>
          tpu.vector_store_idx %arg11[%add3A_1082, %broadcast_in_dim3A_1517], %mul3A_1520 : memref<1024x32xf32, #tpu.memory_space<vmem>>[vector<16xi32>, vector<16xi32>], vector<16xf32>,
          %mul3A_1521 = arith.mulf %get3A_1515, %get3A_1117 : vector<16xf32>
          tpu.vector_store_idx %arg11[%add3A_1086, %broadcast_in_dim3A_1517], %mul3A_1521 : memref<1024x32xf32, #tpu.memory_space<vmem>>[vector<16xi32>, vector<16xi32>], vector<16xf32>,
          %mul3A_1522 = arith.mulf %get3A_1515, %get3A_1121 : vector<16xf32>
          tpu.vector_store_idx %arg11[%add3A_1090, %broadcast_in_dim3A_1517], %mul3A_1522 : memref<1024x32xf32, #tpu.memory_space<vmem>>[vector<16xi32>, vector<16xi32>], vector<16xf32>,
          %mul3A_1523 = arith.mulf %get3A_1515, %get3A_1125 : vector<16xf32>
          tpu.vector_store_idx %arg11[%add3A_1094, %broadcast_in_dim3A_1517], %mul3A_1523 : memref<1024x32xf32, #tpu.memory_space<vmem>>[vector<16xi32>, vector<16xi32>], vector<16xf32>,
          %mul3A_1524 = arith.mulf %get3A_1515, %get3A_1129 : vector<16xf32>
          tpu.vector_store_idx %arg11[%add3A_1098, %broadcast_in_dim3A_1517], %mul3A_1524 : memref<1024x32xf32, #tpu.memory_space<vmem>>[vector<16xi32>, vector<16xi32>], vector<16xf32>,
          %mul3A_1525 = arith.mulf %get3A_1515, %get3A_1133 : vector<16xf32>
          tpu.vector_store_idx %arg11[%add3A_1102, %broadcast_in_dim3A_1517], %mul3A_1525 : memref<1024x32xf32, #tpu.memory_space<vmem>>[vector<16xi32>, vector<16xi32>], vector<16xf32>,
          %get3A_1526 = arith.constant 28 : i32
          %get3A_1527 = arith.index_cast %get3A_1526 : i32 to index
          %get3A_1528 = arith.index_cast %mul3A_1070 : i32 to index
          %get3A_1529 = tpu.vector_load %arg8[%get3A_1527, %get3A_1528] {strides = array<i32>} : memref<32x128xf32, #tpu.memory_space<vmem>>, vector<16xf32>,
          %broadcast_in_dim3A_1530 = arith.constant 28 : i32
          %broadcast_in_dim3A_1531 = vector.broadcast %broadcast_in_dim3A_1530 : i32 to vector<16xi32>
          %mul3A_1532 = arith.mulf %get3A_1529, %get3A_1105 : vector<16xf32>
          tpu.vector_store_idx %arg11[%add3A_1074, %broadcast_in_dim3A_1531], %mul3A_1532 : memref<1024x32xf32, #tpu.memory_space<vmem>>[vector<16xi32>, vector<16xi32>], vector<16xf32>,
          %mul3A_1533 = arith.mulf %get3A_1529, %get3A_1109 : vector<16xf32>
          tpu.vector_store_idx %arg11[%add3A_1078, %broadcast_in_dim3A_1531], %mul3A_1533 : memref<1024x32xf32, #tpu.memory_space<vmem>>[vector<16xi32>, vector<16xi32>], vector<16xf32>,
          %mul3A_1534 = arith.mulf %get3A_1529, %get3A_1113 : vector<16xf32>
          tpu.vector_store_idx %arg11[%add3A_1082, %broadcast_in_dim3A_1531], %mul3A_1534 : memref<1024x32xf32, #tpu.memory_space<vmem>>[vector<16xi32>, vector<16xi32>], vector<16xf32>,
          %mul3A_1535 = arith.mulf %get3A_1529, %get3A_1117 : vector<16xf32>
          tpu.vector_store_idx %arg11[%add3A_1086, %broadcast_in_dim3A_1531], %mul3A_1535 : memref<1024x32xf32, #tpu.memory_space<vmem>>[vector<16xi32>, vector<16xi32>], vector<16xf32>,
          %mul3A_1536 = arith.mulf %get3A_1529, %get3A_1121 : vector<16xf32>
          tpu.vector_store_idx %arg11[%add3A_1090, %broadcast_in_dim3A_1531], %mul3A_1536 : memref<1024x32xf32, #tpu.memory_space<vmem>>[vector<16xi32>, vector<16xi32>], vector<16xf32>,
          %mul3A_1537 = arith.mulf %get3A_1529, %get3A_1125 : vector<16xf32>
          tpu.vector_store_idx %arg11[%add3A_1094, %broadcast_in_dim3A_1531], %mul3A_1537 : memref<1024x32xf32, #tpu.memory_space<vmem>>[vector<16xi32>, vector<16xi32>], vector<16xf32>,
          %mul3A_1538 = arith.mulf %get3A_1529, %get3A_1129 : vector<16xf32>
          tpu.vector_store_idx %arg11[%add3A_1098, %broadcast_in_dim3A_1531], %mul3A_1538 : memref<1024x32xf32, #tpu.memory_space<vmem>>[vector<16xi32>, vector<16xi32>], vector<16xf32>,
          %mul3A_1539 = arith.mulf %get3A_1529, %get3A_1133 : vector<16xf32>
          tpu.vector_store_idx %arg11[%add3A_1102, %broadcast_in_dim3A_1531], %mul3A_1539 : memref<1024x32xf32, #tpu.memory_space<vmem>>[vector<16xi32>, vector<16xi32>], vector<16xf32>,
          %get3A_1540 = arith.constant 29 : i32
          %get3A_1541 = arith.index_cast %get3A_1540 : i32 to index
          %get3A_1542 = arith.index_cast %mul3A_1070 : i32 to index
          %get3A_1543 = tpu.vector_load %arg8[%get3A_1541, %get3A_1542] {strides = array<i32>} : memref<32x128xf32, #tpu.memory_space<vmem>>, vector<16xf32>,
          %broadcast_in_dim3A_1544 = arith.constant 29 : i32
          %broadcast_in_dim3A_1545 = vector.broadcast %broadcast_in_dim3A_1544 : i32 to vector<16xi32>
          %mul3A_1546 = arith.mulf %get3A_1543, %get3A_1105 : vector<16xf32>
          tpu.vector_store_idx %arg11[%add3A_1074, %broadcast_in_dim3A_1545], %mul3A_1546 : memref<1024x32xf32, #tpu.memory_space<vmem>>[vector<16xi32>, vector<16xi32>], vector<16xf32>,
          %mul3A_1547 = arith.mulf %get3A_1543, %get3A_1109 : vector<16xf32>
          tpu.vector_store_idx %arg11[%add3A_1078, %broadcast_in_dim3A_1545], %mul3A_1547 : memref<1024x32xf32, #tpu.memory_space<vmem>>[vector<16xi32>, vector<16xi32>], vector<16xf32>,
          %mul3A_1548 = arith.mulf %get3A_1543, %get3A_1113 : vector<16xf32>
          tpu.vector_store_idx %arg11[%add3A_1082, %broadcast_in_dim3A_1545], %mul3A_1548 : memref<1024x32xf32, #tpu.memory_space<vmem>>[vector<16xi32>, vector<16xi32>], vector<16xf32>,
          %mul3A_1549 = arith.mulf %get3A_1543, %get3A_1117 : vector<16xf32>
          tpu.vector_store_idx %arg11[%add3A_1086, %broadcast_in_dim3A_1545], %mul3A_1549 : memref<1024x32xf32, #tpu.memory_space<vmem>>[vector<16xi32>, vector<16xi32>], vector<16xf32>,
          %mul3A_1550 = arith.mulf %get3A_1543, %get3A_1121 : vector<16xf32>
          tpu.vector_store_idx %arg11[%add3A_1090, %broadcast_in_dim3A_1545], %mul3A_1550 : memref<1024x32xf32, #tpu.memory_space<vmem>>[vector<16xi32>, vector<16xi32>], vector<16xf32>,
          %mul3A_1551 = arith.mulf %get3A_1543, %get3A_1125 : vector<16xf32>
          tpu.vector_store_idx %arg11[%add3A_1094, %broadcast_in_dim3A_1545], %mul3A_1551 : memref<1024x32xf32, #tpu.memory_space<vmem>>[vector<16xi32>, vector<16xi32>], vector<16xf32>,
          %mul3A_1552 = arith.mulf %get3A_1543, %get3A_1129 : vector<16xf32>
          tpu.vector_store_idx %arg11[%add3A_1098, %broadcast_in_dim3A_1545], %mul3A_1552 : memref<1024x32xf32, #tpu.memory_space<vmem>>[vector<16xi32>, vector<16xi32>], vector<16xf32>,
          %mul3A_1553 = arith.mulf %get3A_1543, %get3A_1133 : vector<16xf32>
          tpu.vector_store_idx %arg11[%add3A_1102, %broadcast_in_dim3A_1545], %mul3A_1553 : memref<1024x32xf32, #tpu.memory_space<vmem>>[vector<16xi32>, vector<16xi32>], vector<16xf32>,
          %get3A_1554 = arith.constant 30 : i32
          %get3A_1555 = arith.index_cast %get3A_1554 : i32 to index
          %get3A_1556 = arith.index_cast %mul3A_1070 : i32 to index
          %get3A_1557 = tpu.vector_load %arg8[%get3A_1555, %get3A_1556] {strides = array<i32>} : memref<32x128xf32, #tpu.memory_space<vmem>>, vector<16xf32>,
          %broadcast_in_dim3A_1558 = arith.constant 30 : i32
          %broadcast_in_dim3A_1559 = vector.broadcast %broadcast_in_dim3A_1558 : i32 to vector<16xi32>
          %mul3A_1560 = arith.mulf %get3A_1557, %get3A_1105 : vector<16xf32>
          tpu.vector_store_idx %arg11[%add3A_1074, %broadcast_in_dim3A_1559], %mul3A_1560 : memref<1024x32xf32, #tpu.memory_space<vmem>>[vector<16xi32>, vector<16xi32>], vector<16xf32>,
          %mul3A_1561 = arith.mulf %get3A_1557, %get3A_1109 : vector<16xf32>
          tpu.vector_store_idx %arg11[%add3A_1078, %broadcast_in_dim3A_1559], %mul3A_1561 : memref<1024x32xf32, #tpu.memory_space<vmem>>[vector<16xi32>, vector<16xi32>], vector<16xf32>,
          %mul3A_1562 = arith.mulf %get3A_1557, %get3A_1113 : vector<16xf32>
          tpu.vector_store_idx %arg11[%add3A_1082, %broadcast_in_dim3A_1559], %mul3A_1562 : memref<1024x32xf32, #tpu.memory_space<vmem>>[vector<16xi32>, vector<16xi32>], vector<16xf32>,
          %mul3A_1563 = arith.mulf %get3A_1557, %get3A_1117 : vector<16xf32>
          tpu.vector_store_idx %arg11[%add3A_1086, %broadcast_in_dim3A_1559], %mul3A_1563 : memref<1024x32xf32, #tpu.memory_space<vmem>>[vector<16xi32>, vector<16xi32>], vector<16xf32>,
          %mul3A_1564 = arith.mulf %get3A_1557, %get3A_1121 : vector<16xf32>
          tpu.vector_store_idx %arg11[%add3A_1090, %broadcast_in_dim3A_1559], %mul3A_1564 : memref<1024x32xf32, #tpu.memory_space<vmem>>[vector<16xi32>, vector<16xi32>], vector<16xf32>,
          %mul3A_1565 = arith.mulf %get3A_1557, %get3A_1125 : vector<16xf32>
          tpu.vector_store_idx %arg11[%add3A_1094, %broadcast_in_dim3A_1559], %mul3A_1565 : memref<1024x32xf32, #tpu.memory_space<vmem>>[vector<16xi32>, vector<16xi32>], vector<16xf32>,
          %mul3A_1566 = arith.mulf %get3A_1557, %get3A_1129 : vector<16xf32>
          tpu.vector_store_idx %arg11[%add3A_1098, %broadcast_in_dim3A_1559], %mul3A_1566 : memref<1024x32xf32, #tpu.memory_space<vmem>>[vector<16xi32>, vector<16xi32>], vector<16xf32>,
          %mul3A_1567 = arith.mulf %get3A_1557, %get3A_1133 : vector<16xf32>
          tpu.vector_store_idx %arg11[%add3A_1102, %broadcast_in_dim3A_1559], %mul3A_1567 : memref<1024x32xf32, #tpu.memory_space<vmem>>[vector<16xi32>, vector<16xi32>], vector<16xf32>,
          %get3A_1568 = arith.constant 31 : i32
          %get3A_1569 = arith.index_cast %get3A_1568 : i32 to index
          %get3A_1570 = arith.index_cast %mul3A_1070 : i32 to index
          %get3A_1571 = tpu.vector_load %arg8[%get3A_1569, %get3A_1570] {strides = array<i32>} : memref<32x128xf32, #tpu.memory_space<vmem>>, vector<16xf32>,
          %broadcast_in_dim3A_1572 = arith.constant 31 : i32
          %broadcast_in_dim3A_1573 = vector.broadcast %broadcast_in_dim3A_1572 : i32 to vector<16xi32>
          %mul3A_1574 = arith.mulf %get3A_1571, %get3A_1105 : vector<16xf32>
          tpu.vector_store_idx %arg11[%add3A_1074, %broadcast_in_dim3A_1573], %mul3A_1574 : memref<1024x32xf32, #tpu.memory_space<vmem>>[vector<16xi32>, vector<16xi32>], vector<16xf32>,
          %mul3A_1575 = arith.mulf %get3A_1571, %get3A_1109 : vector<16xf32>
          tpu.vector_store_idx %arg11[%add3A_1078, %broadcast_in_dim3A_1573], %mul3A_1575 : memref<1024x32xf32, #tpu.memory_space<vmem>>[vector<16xi32>, vector<16xi32>], vector<16xf32>,
          %mul3A_1576 = arith.mulf %get3A_1571, %get3A_1113 : vector<16xf32>
          tpu.vector_store_idx %arg11[%add3A_1082, %broadcast_in_dim3A_1573], %mul3A_1576 : memref<1024x32xf32, #tpu.memory_space<vmem>>[vector<16xi32>, vector<16xi32>], vector<16xf32>,
          %mul3A_1577 = arith.mulf %get3A_1571, %get3A_1117 : vector<16xf32>
          tpu.vector_store_idx %arg11[%add3A_1086, %broadcast_in_dim3A_1573], %mul3A_1577 : memref<1024x32xf32, #tpu.memory_space<vmem>>[vector<16xi32>, vector<16xi32>], vector<16xf32>,
          %mul3A_1578 = arith.mulf %get3A_1571, %get3A_1121 : vector<16xf32>
          tpu.vector_store_idx %arg11[%add3A_1090, %broadcast_in_dim3A_1573], %mul3A_1578 : memref<1024x32xf32, #tpu.memory_space<vmem>>[vector<16xi32>, vector<16xi32>], vector<16xf32>,
          %mul3A_1579 = arith.mulf %get3A_1571, %get3A_1125 : vector<16xf32>
          tpu.vector_store_idx %arg11[%add3A_1094, %broadcast_in_dim3A_1573], %mul3A_1579 : memref<1024x32xf32, #tpu.memory_space<vmem>>[vector<16xi32>, vector<16xi32>], vector<16xf32>,
          %mul3A_1580 = arith.mulf %get3A_1571, %get3A_1129 : vector<16xf32>
          tpu.vector_store_idx %arg11[%add3A_1098, %broadcast_in_dim3A_1573], %mul3A_1580 : memref<1024x32xf32, #tpu.memory_space<vmem>>[vector<16xi32>, vector<16xi32>], vector<16xf32>,
          %mul3A_1581 = arith.mulf %get3A_1571, %get3A_1133 : vector<16xf32>
          tpu.vector_store_idx %arg11[%add3A_1102, %broadcast_in_dim3A_1573], %mul3A_1581 : memref<1024x32xf32, #tpu.memory_space<vmem>>[vector<16xi32>, vector<16xi32>], vector<16xf32>,
        }
        %scan3A_1060 = arith.constant 8 : i32
        %run_scoped3A = arith.constant 0 : i32
        "tpu.region"() ({
          %run_scoped3A_1068 = tpu.sem_alloc : memref<!tpu.dma_semaphore, #tpu.memory_space<semaphore_mem>>
          %dma_start3A = arith.constant 0 : i32
          %dma_start3A_1069 = arith.constant 0 : i32
          %dma_start3A_1070 = tpu.memref_slice %arg11[%dma_start3A, %dma_start3A_1069] : memref<1024x32xf32, #tpu.memory_space<vmem>> -> memref<128x32xf32, #tpu.memory_space<vmem>>
          %dma_start3A_1071 = arith.constant 0 : i32
          %dma_start3A_1072 = tpu.memref_slice %arg10[%run_scoped3A, %dma_start3A_1071] : memref<8x128xi32, #tpu.memory_space<vmem>> -> memref<1x128xi32, #tpu.memory_space<vmem>>
          %dma_start3A_1073 = tpu.memref_squeeze %dma_start3A_1072 : memref<1x128xi32, #tpu.memory_space<vmem>> -> memref<128xi32, #tpu.memory_space<vmem>>
          %dma_start3A_1074 = arith.constant 0 : i32
          %dma_start3A_1075 = arith.constant 0 : i32
          %dma_start3A_1076 = tpu.memref_slice %arg6[%dma_start3A_1074, %dma_start3A_1075] : memref<32768x32xf32, #tpu.memory_space<vmem_shared>> -> memref<32768x32xf32, #tpu.memory_space<vmem_shared>>
          tpu.enqueue_indirect_dma source(%dma_start3A_1070 : memref<128x32xf32, #tpu.memory_space<vmem>>) target(%dma_start3A_1076 : memref<32768x32xf32, #tpu.memory_space<vmem_shared>>) offsets(%dma_start3A_1073 : memref<128xi32, #tpu.memory_space<vmem>>) semaphore(%run_scoped3A_1068 : memref<!tpu.dma_semaphore, #tpu.memory_space<semaphore_mem>>) {add = true}
          %dma_wait3A = arith.constant 0 : i32
          %dma_wait3A_1077 = arith.constant 0 : i32
          %dma_wait3A_1078 = tpu.memref_slice %arg11[%dma_wait3A, %dma_wait3A_1077] : memref<1024x32xf32, #tpu.memory_space<vmem>> -> memref<128x32xf32, #tpu.memory_space<vmem>>
          %dma_wait3A_1079 = arith.constant 0 : i32
          %dma_wait3A_1080 = tpu.memref_slice %arg10[%run_scoped3A, %dma_wait3A_1079] : memref<8x128xi32, #tpu.memory_space<vmem>> -> memref<1x128xi32, #tpu.memory_space<vmem>>
          %dma_wait3A_1081 = tpu.memref_squeeze %dma_wait3A_1080 : memref<1x128xi32, #tpu.memory_space<vmem>> -> memref<128xi32, #tpu.memory_space<vmem>>
          %dma_wait3A_1082 = arith.constant 0 : i32
          %dma_wait3A_1083 = arith.constant 0 : i32
          %dma_wait3A_1084 = tpu.memref_slice %arg6[%dma_wait3A_1082, %dma_wait3A_1083] : memref<32768x32xf32, #tpu.memory_space<vmem_shared>> -> memref<32768x32xf32, #tpu.memory_space<vmem_shared>>
          tpu.wait_indirect_dma semaphore(%run_scoped3A_1068 : memref<!tpu.dma_semaphore, #tpu.memory_space<semaphore_mem>>) src(%dma_wait3A_1078 : memref<128x32xf32, #tpu.memory_space<vmem>>) dst(%dma_wait3A_1084 : memref<32768x32xf32, #tpu.memory_space<vmem_shared>>)
          tpu.yield
        }) : () -> ()
        %run_scoped3A_1061 = arith.constant 1 : i32
        "tpu.region"() ({
          %run_scoped3A_1068 = tpu.sem_alloc : memref<!tpu.dma_semaphore, #tpu.memory_space<semaphore_mem>>
          %dma_start3A = arith.constant 128 : i32
          %dma_start3A_1069 = arith.constant 0 : i32
          %dma_start3A_1070 = tpu.memref_slice %arg11[%dma_start3A, %dma_start3A_1069] : memref<1024x32xf32, #tpu.memory_space<vmem>> -> memref<128x32xf32, #tpu.memory_space<vmem>>
          %dma_start3A_1071 = arith.constant 0 : i32
          %dma_start3A_1072 = tpu.memref_slice %arg10[%run_scoped3A_1061, %dma_start3A_1071] : memref<8x128xi32, #tpu.memory_space<vmem>> -> memref<1x128xi32, #tpu.memory_space<vmem>>
          %dma_start3A_1073 = tpu.memref_squeeze %dma_start3A_1072 : memref<1x128xi32, #tpu.memory_space<vmem>> -> memref<128xi32, #tpu.memory_space<vmem>>
          %dma_start3A_1074 = arith.constant 0 : i32
          %dma_start3A_1075 = arith.constant 0 : i32
          %dma_start3A_1076 = tpu.memref_slice %arg6[%dma_start3A_1074, %dma_start3A_1075] : memref<32768x32xf32, #tpu.memory_space<vmem_shared>> -> memref<32768x32xf32, #tpu.memory_space<vmem_shared>>
          tpu.enqueue_indirect_dma source(%dma_start3A_1070 : memref<128x32xf32, #tpu.memory_space<vmem>>) target(%dma_start3A_1076 : memref<32768x32xf32, #tpu.memory_space<vmem_shared>>) offsets(%dma_start3A_1073 : memref<128xi32, #tpu.memory_space<vmem>>) semaphore(%run_scoped3A_1068 : memref<!tpu.dma_semaphore, #tpu.memory_space<semaphore_mem>>) {add = true}
          %dma_wait3A = arith.constant 128 : i32
          %dma_wait3A_1077 = arith.constant 0 : i32
          %dma_wait3A_1078 = tpu.memref_slice %arg11[%dma_wait3A, %dma_wait3A_1077] : memref<1024x32xf32, #tpu.memory_space<vmem>> -> memref<128x32xf32, #tpu.memory_space<vmem>>
          %dma_wait3A_1079 = arith.constant 0 : i32
          %dma_wait3A_1080 = tpu.memref_slice %arg10[%run_scoped3A_1061, %dma_wait3A_1079] : memref<8x128xi32, #tpu.memory_space<vmem>> -> memref<1x128xi32, #tpu.memory_space<vmem>>
          %dma_wait3A_1081 = tpu.memref_squeeze %dma_wait3A_1080 : memref<1x128xi32, #tpu.memory_space<vmem>> -> memref<128xi32, #tpu.memory_space<vmem>>
          %dma_wait3A_1082 = arith.constant 0 : i32
          %dma_wait3A_1083 = arith.constant 0 : i32
          %dma_wait3A_1084 = tpu.memref_slice %arg6[%dma_wait3A_1082, %dma_wait3A_1083] : memref<32768x32xf32, #tpu.memory_space<vmem_shared>> -> memref<32768x32xf32, #tpu.memory_space<vmem_shared>>
          tpu.wait_indirect_dma semaphore(%run_scoped3A_1068 : memref<!tpu.dma_semaphore, #tpu.memory_space<semaphore_mem>>) src(%dma_wait3A_1078 : memref<128x32xf32, #tpu.memory_space<vmem>>) dst(%dma_wait3A_1084 : memref<32768x32xf32, #tpu.memory_space<vmem_shared>>)
          tpu.yield
        }) : () -> ()
        %run_scoped3A_1062 = arith.constant 2 : i32
        "tpu.region"() ({
          %run_scoped3A_1068 = tpu.sem_alloc : memref<!tpu.dma_semaphore, #tpu.memory_space<semaphore_mem>>
          %dma_start3A = arith.constant 256 : i32
          %dma_start3A_1069 = arith.constant 0 : i32
          %dma_start3A_1070 = tpu.memref_slice %arg11[%dma_start3A, %dma_start3A_1069] : memref<1024x32xf32, #tpu.memory_space<vmem>> -> memref<128x32xf32, #tpu.memory_space<vmem>>
          %dma_start3A_1071 = arith.constant 0 : i32
          %dma_start3A_1072 = tpu.memref_slice %arg10[%run_scoped3A_1062, %dma_start3A_1071] : memref<8x128xi32, #tpu.memory_space<vmem>> -> memref<1x128xi32, #tpu.memory_space<vmem>>
          %dma_start3A_1073 = tpu.memref_squeeze %dma_start3A_1072 : memref<1x128xi32, #tpu.memory_space<vmem>> -> memref<128xi32, #tpu.memory_space<vmem>>
          %dma_start3A_1074 = arith.constant 0 : i32
          %dma_start3A_1075 = arith.constant 0 : i32
          %dma_start3A_1076 = tpu.memref_slice %arg6[%dma_start3A_1074, %dma_start3A_1075] : memref<32768x32xf32, #tpu.memory_space<vmem_shared>> -> memref<32768x32xf32, #tpu.memory_space<vmem_shared>>
          tpu.enqueue_indirect_dma source(%dma_start3A_1070 : memref<128x32xf32, #tpu.memory_space<vmem>>) target(%dma_start3A_1076 : memref<32768x32xf32, #tpu.memory_space<vmem_shared>>) offsets(%dma_start3A_1073 : memref<128xi32, #tpu.memory_space<vmem>>) semaphore(%run_scoped3A_1068 : memref<!tpu.dma_semaphore, #tpu.memory_space<semaphore_mem>>) {add = true}
          %dma_wait3A = arith.constant 256 : i32
          %dma_wait3A_1077 = arith.constant 0 : i32
          %dma_wait3A_1078 = tpu.memref_slice %arg11[%dma_wait3A, %dma_wait3A_1077] : memref<1024x32xf32, #tpu.memory_space<vmem>> -> memref<128x32xf32, #tpu.memory_space<vmem>>
          %dma_wait3A_1079 = arith.constant 0 : i32
          %dma_wait3A_1080 = tpu.memref_slice %arg10[%run_scoped3A_1062, %dma_wait3A_1079] : memref<8x128xi32, #tpu.memory_space<vmem>> -> memref<1x128xi32, #tpu.memory_space<vmem>>
          %dma_wait3A_1081 = tpu.memref_squeeze %dma_wait3A_1080 : memref<1x128xi32, #tpu.memory_space<vmem>> -> memref<128xi32, #tpu.memory_space<vmem>>
          %dma_wait3A_1082 = arith.constant 0 : i32
          %dma_wait3A_1083 = arith.constant 0 : i32
          %dma_wait3A_1084 = tpu.memref_slice %arg6[%dma_wait3A_1082, %dma_wait3A_1083] : memref<32768x32xf32, #tpu.memory_space<vmem_shared>> -> memref<32768x32xf32, #tpu.memory_space<vmem_shared>>
          tpu.wait_indirect_dma semaphore(%run_scoped3A_1068 : memref<!tpu.dma_semaphore, #tpu.memory_space<semaphore_mem>>) src(%dma_wait3A_1078 : memref<128x32xf32, #tpu.memory_space<vmem>>) dst(%dma_wait3A_1084 : memref<32768x32xf32, #tpu.memory_space<vmem_shared>>)
          tpu.yield
        }) : () -> ()
        %run_scoped3A_1063 = arith.constant 3 : i32
        "tpu.region"() ({
          %run_scoped3A_1068 = tpu.sem_alloc : memref<!tpu.dma_semaphore, #tpu.memory_space<semaphore_mem>>
          %dma_start3A = arith.constant 384 : i32
          %dma_start3A_1069 = arith.constant 0 : i32
          %dma_start3A_1070 = tpu.memref_slice %arg11[%dma_start3A, %dma_start3A_1069] : memref<1024x32xf32, #tpu.memory_space<vmem>> -> memref<128x32xf32, #tpu.memory_space<vmem>>
          %dma_start3A_1071 = arith.constant 0 : i32
          %dma_start3A_1072 = tpu.memref_slice %arg10[%run_scoped3A_1063, %dma_start3A_1071] : memref<8x128xi32, #tpu.memory_space<vmem>> -> memref<1x128xi32, #tpu.memory_space<vmem>>
          %dma_start3A_1073 = tpu.memref_squeeze %dma_start3A_1072 : memref<1x128xi32, #tpu.memory_space<vmem>> -> memref<128xi32, #tpu.memory_space<vmem>>
          %dma_start3A_1074 = arith.constant 0 : i32
          %dma_start3A_1075 = arith.constant 0 : i32
          %dma_start3A_1076 = tpu.memref_slice %arg6[%dma_start3A_1074, %dma_start3A_1075] : memref<32768x32xf32, #tpu.memory_space<vmem_shared>> -> memref<32768x32xf32, #tpu.memory_space<vmem_shared>>
          tpu.enqueue_indirect_dma source(%dma_start3A_1070 : memref<128x32xf32, #tpu.memory_space<vmem>>) target(%dma_start3A_1076 : memref<32768x32xf32, #tpu.memory_space<vmem_shared>>) offsets(%dma_start3A_1073 : memref<128xi32, #tpu.memory_space<vmem>>) semaphore(%run_scoped3A_1068 : memref<!tpu.dma_semaphore, #tpu.memory_space<semaphore_mem>>) {add = true}
          %dma_wait3A = arith.constant 384 : i32
          %dma_wait3A_1077 = arith.constant 0 : i32
          %dma_wait3A_1078 = tpu.memref_slice %arg11[%dma_wait3A, %dma_wait3A_1077] : memref<1024x32xf32, #tpu.memory_space<vmem>> -> memref<128x32xf32, #tpu.memory_space<vmem>>
          %dma_wait3A_1079 = arith.constant 0 : i32
          %dma_wait3A_1080 = tpu.memref_slice %arg10[%run_scoped3A_1063, %dma_wait3A_1079] : memref<8x128xi32, #tpu.memory_space<vmem>> -> memref<1x128xi32, #tpu.memory_space<vmem>>
          %dma_wait3A_1081 = tpu.memref_squeeze %dma_wait3A_1080 : memref<1x128xi32, #tpu.memory_space<vmem>> -> memref<128xi32, #tpu.memory_space<vmem>>
          %dma_wait3A_1082 = arith.constant 0 : i32
          %dma_wait3A_1083 = arith.constant 0 : i32
          %dma_wait3A_1084 = tpu.memref_slice %arg6[%dma_wait3A_1082, %dma_wait3A_1083] : memref<32768x32xf32, #tpu.memory_space<vmem_shared>> -> memref<32768x32xf32, #tpu.memory_space<vmem_shared>>
          tpu.wait_indirect_dma semaphore(%run_scoped3A_1068 : memref<!tpu.dma_semaphore, #tpu.memory_space<semaphore_mem>>) src(%dma_wait3A_1078 : memref<128x32xf32, #tpu.memory_space<vmem>>) dst(%dma_wait3A_1084 : memref<32768x32xf32, #tpu.memory_space<vmem_shared>>)
          tpu.yield
        }) : () -> ()
        %run_scoped3A_1064 = arith.constant 4 : i32
        "tpu.region"() ({
          %run_scoped3A_1068 = tpu.sem_alloc : memref<!tpu.dma_semaphore, #tpu.memory_space<semaphore_mem>>
          %dma_start3A = arith.constant 512 : i32
          %dma_start3A_1069 = arith.constant 0 : i32
          %dma_start3A_1070 = tpu.memref_slice %arg11[%dma_start3A, %dma_start3A_1069] : memref<1024x32xf32, #tpu.memory_space<vmem>> -> memref<128x32xf32, #tpu.memory_space<vmem>>
          %dma_start3A_1071 = arith.constant 0 : i32
          %dma_start3A_1072 = tpu.memref_slice %arg10[%run_scoped3A_1064, %dma_start3A_1071] : memref<8x128xi32, #tpu.memory_space<vmem>> -> memref<1x128xi32, #tpu.memory_space<vmem>>
          %dma_start3A_1073 = tpu.memref_squeeze %dma_start3A_1072 : memref<1x128xi32, #tpu.memory_space<vmem>> -> memref<128xi32, #tpu.memory_space<vmem>>
          %dma_start3A_1074 = arith.constant 0 : i32
          %dma_start3A_1075 = arith.constant 0 : i32
          %dma_start3A_1076 = tpu.memref_slice %arg6[%dma_start3A_1074, %dma_start3A_1075] : memref<32768x32xf32, #tpu.memory_space<vmem_shared>> -> memref<32768x32xf32, #tpu.memory_space<vmem_shared>>
          tpu.enqueue_indirect_dma source(%dma_start3A_1070 : memref<128x32xf32, #tpu.memory_space<vmem>>) target(%dma_start3A_1076 : memref<32768x32xf32, #tpu.memory_space<vmem_shared>>) offsets(%dma_start3A_1073 : memref<128xi32, #tpu.memory_space<vmem>>) semaphore(%run_scoped3A_1068 : memref<!tpu.dma_semaphore, #tpu.memory_space<semaphore_mem>>) {add = true}
          %dma_wait3A = arith.constant 512 : i32
          %dma_wait3A_1077 = arith.constant 0 : i32
          %dma_wait3A_1078 = tpu.memref_slice %arg11[%dma_wait3A, %dma_wait3A_1077] : memref<1024x32xf32, #tpu.memory_space<vmem>> -> memref<128x32xf32, #tpu.memory_space<vmem>>
          %dma_wait3A_1079 = arith.constant 0 : i32
          %dma_wait3A_1080 = tpu.memref_slice %arg10[%run_scoped3A_1064, %dma_wait3A_1079] : memref<8x128xi32, #tpu.memory_space<vmem>> -> memref<1x128xi32, #tpu.memory_space<vmem>>
          %dma_wait3A_1081 = tpu.memref_squeeze %dma_wait3A_1080 : memref<1x128xi32, #tpu.memory_space<vmem>> -> memref<128xi32, #tpu.memory_space<vmem>>
          %dma_wait3A_1082 = arith.constant 0 : i32
          %dma_wait3A_1083 = arith.constant 0 : i32
          %dma_wait3A_1084 = tpu.memref_slice %arg6[%dma_wait3A_1082, %dma_wait3A_1083] : memref<32768x32xf32, #tpu.memory_space<vmem_shared>> -> memref<32768x32xf32, #tpu.memory_space<vmem_shared>>
          tpu.wait_indirect_dma semaphore(%run_scoped3A_1068 : memref<!tpu.dma_semaphore, #tpu.memory_space<semaphore_mem>>) src(%dma_wait3A_1078 : memref<128x32xf32, #tpu.memory_space<vmem>>) dst(%dma_wait3A_1084 : memref<32768x32xf32, #tpu.memory_space<vmem_shared>>)
          tpu.yield
        }) : () -> ()
        %run_scoped3A_1065 = arith.constant 5 : i32
        "tpu.region"() ({
          %run_scoped3A_1068 = tpu.sem_alloc : memref<!tpu.dma_semaphore, #tpu.memory_space<semaphore_mem>>
          %dma_start3A = arith.constant 640 : i32
          %dma_start3A_1069 = arith.constant 0 : i32
          %dma_start3A_1070 = tpu.memref_slice %arg11[%dma_start3A, %dma_start3A_1069] : memref<1024x32xf32, #tpu.memory_space<vmem>> -> memref<128x32xf32, #tpu.memory_space<vmem>>
          %dma_start3A_1071 = arith.constant 0 : i32
          %dma_start3A_1072 = tpu.memref_slice %arg10[%run_scoped3A_1065, %dma_start3A_1071] : memref<8x128xi32, #tpu.memory_space<vmem>> -> memref<1x128xi32, #tpu.memory_space<vmem>>
          %dma_start3A_1073 = tpu.memref_squeeze %dma_start3A_1072 : memref<1x128xi32, #tpu.memory_space<vmem>> -> memref<128xi32, #tpu.memory_space<vmem>>
          %dma_start3A_1074 = arith.constant 0 : i32
          %dma_start3A_1075 = arith.constant 0 : i32
          %dma_start3A_1076 = tpu.memref_slice %arg6[%dma_start3A_1074, %dma_start3A_1075] : memref<32768x32xf32, #tpu.memory_space<vmem_shared>> -> memref<32768x32xf32, #tpu.memory_space<vmem_shared>>
          tpu.enqueue_indirect_dma source(%dma_start3A_1070 : memref<128x32xf32, #tpu.memory_space<vmem>>) target(%dma_start3A_1076 : memref<32768x32xf32, #tpu.memory_space<vmem_shared>>) offsets(%dma_start3A_1073 : memref<128xi32, #tpu.memory_space<vmem>>) semaphore(%run_scoped3A_1068 : memref<!tpu.dma_semaphore, #tpu.memory_space<semaphore_mem>>) {add = true}
          %dma_wait3A = arith.constant 640 : i32
          %dma_wait3A_1077 = arith.constant 0 : i32
          %dma_wait3A_1078 = tpu.memref_slice %arg11[%dma_wait3A, %dma_wait3A_1077] : memref<1024x32xf32, #tpu.memory_space<vmem>> -> memref<128x32xf32, #tpu.memory_space<vmem>>
          %dma_wait3A_1079 = arith.constant 0 : i32
          %dma_wait3A_1080 = tpu.memref_slice %arg10[%run_scoped3A_1065, %dma_wait3A_1079] : memref<8x128xi32, #tpu.memory_space<vmem>> -> memref<1x128xi32, #tpu.memory_space<vmem>>
          %dma_wait3A_1081 = tpu.memref_squeeze %dma_wait3A_1080 : memref<1x128xi32, #tpu.memory_space<vmem>> -> memref<128xi32, #tpu.memory_space<vmem>>
          %dma_wait3A_1082 = arith.constant 0 : i32
          %dma_wait3A_1083 = arith.constant 0 : i32
          %dma_wait3A_1084 = tpu.memref_slice %arg6[%dma_wait3A_1082, %dma_wait3A_1083] : memref<32768x32xf32, #tpu.memory_space<vmem_shared>> -> memref<32768x32xf32, #tpu.memory_space<vmem_shared>>
          tpu.wait_indirect_dma semaphore(%run_scoped3A_1068 : memref<!tpu.dma_semaphore, #tpu.memory_space<semaphore_mem>>) src(%dma_wait3A_1078 : memref<128x32xf32, #tpu.memory_space<vmem>>) dst(%dma_wait3A_1084 : memref<32768x32xf32, #tpu.memory_space<vmem_shared>>)
          tpu.yield
        }) : () -> ()
        %run_scoped3A_1066 = arith.constant 6 : i32
        "tpu.region"() ({
          %run_scoped3A_1068 = tpu.sem_alloc : memref<!tpu.dma_semaphore, #tpu.memory_space<semaphore_mem>>
          %dma_start3A = arith.constant 768 : i32
          %dma_start3A_1069 = arith.constant 0 : i32
          %dma_start3A_1070 = tpu.memref_slice %arg11[%dma_start3A, %dma_start3A_1069] : memref<1024x32xf32, #tpu.memory_space<vmem>> -> memref<128x32xf32, #tpu.memory_space<vmem>>
          %dma_start3A_1071 = arith.constant 0 : i32
          %dma_start3A_1072 = tpu.memref_slice %arg10[%run_scoped3A_1066, %dma_start3A_1071] : memref<8x128xi32, #tpu.memory_space<vmem>> -> memref<1x128xi32, #tpu.memory_space<vmem>>
          %dma_start3A_1073 = tpu.memref_squeeze %dma_start3A_1072 : memref<1x128xi32, #tpu.memory_space<vmem>> -> memref<128xi32, #tpu.memory_space<vmem>>
          %dma_start3A_1074 = arith.constant 0 : i32
          %dma_start3A_1075 = arith.constant 0 : i32
          %dma_start3A_1076 = tpu.memref_slice %arg6[%dma_start3A_1074, %dma_start3A_1075] : memref<32768x32xf32, #tpu.memory_space<vmem_shared>> -> memref<32768x32xf32, #tpu.memory_space<vmem_shared>>
          tpu.enqueue_indirect_dma source(%dma_start3A_1070 : memref<128x32xf32, #tpu.memory_space<vmem>>) target(%dma_start3A_1076 : memref<32768x32xf32, #tpu.memory_space<vmem_shared>>) offsets(%dma_start3A_1073 : memref<128xi32, #tpu.memory_space<vmem>>) semaphore(%run_scoped3A_1068 : memref<!tpu.dma_semaphore, #tpu.memory_space<semaphore_mem>>) {add = true}
          %dma_wait3A = arith.constant 768 : i32
          %dma_wait3A_1077 = arith.constant 0 : i32
          %dma_wait3A_1078 = tpu.memref_slice %arg11[%dma_wait3A, %dma_wait3A_1077] : memref<1024x32xf32, #tpu.memory_space<vmem>> -> memref<128x32xf32, #tpu.memory_space<vmem>>
          %dma_wait3A_1079 = arith.constant 0 : i32
          %dma_wait3A_1080 = tpu.memref_slice %arg10[%run_scoped3A_1066, %dma_wait3A_1079] : memref<8x128xi32, #tpu.memory_space<vmem>> -> memref<1x128xi32, #tpu.memory_space<vmem>>
          %dma_wait3A_1081 = tpu.memref_squeeze %dma_wait3A_1080 : memref<1x128xi32, #tpu.memory_space<vmem>> -> memref<128xi32, #tpu.memory_space<vmem>>
          %dma_wait3A_1082 = arith.constant 0 : i32
          %dma_wait3A_1083 = arith.constant 0 : i32
          %dma_wait3A_1084 = tpu.memref_slice %arg6[%dma_wait3A_1082, %dma_wait3A_1083] : memref<32768x32xf32, #tpu.memory_space<vmem_shared>> -> memref<32768x32xf32, #tpu.memory_space<vmem_shared>>
          tpu.wait_indirect_dma semaphore(%run_scoped3A_1068 : memref<!tpu.dma_semaphore, #tpu.memory_space<semaphore_mem>>) src(%dma_wait3A_1078 : memref<128x32xf32, #tpu.memory_space<vmem>>) dst(%dma_wait3A_1084 : memref<32768x32xf32, #tpu.memory_space<vmem_shared>>)
          tpu.yield
        }) : () -> ()
        %run_scoped3A_1067 = arith.constant 7 : i32
        "tpu.region"() ({
          %run_scoped3A_1068 = tpu.sem_alloc : memref<!tpu.dma_semaphore, #tpu.memory_space<semaphore_mem>>
          %dma_start3A = arith.constant 896 : i32
          %dma_start3A_1069 = arith.constant 0 : i32
          %dma_start3A_1070 = tpu.memref_slice %arg11[%dma_start3A, %dma_start3A_1069] : memref<1024x32xf32, #tpu.memory_space<vmem>> -> memref<128x32xf32, #tpu.memory_space<vmem>>
          %dma_start3A_1071 = arith.constant 0 : i32
          %dma_start3A_1072 = tpu.memref_slice %arg10[%run_scoped3A_1067, %dma_start3A_1071] : memref<8x128xi32, #tpu.memory_space<vmem>> -> memref<1x128xi32, #tpu.memory_space<vmem>>
          %dma_start3A_1073 = tpu.memref_squeeze %dma_start3A_1072 : memref<1x128xi32, #tpu.memory_space<vmem>> -> memref<128xi32, #tpu.memory_space<vmem>>
          %dma_start3A_1074 = arith.constant 0 : i32
          %dma_start3A_1075 = arith.constant 0 : i32
          %dma_start3A_1076 = tpu.memref_slice %arg6[%dma_start3A_1074, %dma_start3A_1075] : memref<32768x32xf32, #tpu.memory_space<vmem_shared>> -> memref<32768x32xf32, #tpu.memory_space<vmem_shared>>
          tpu.enqueue_indirect_dma source(%dma_start3A_1070 : memref<128x32xf32, #tpu.memory_space<vmem>>) target(%dma_start3A_1076 : memref<32768x32xf32, #tpu.memory_space<vmem_shared>>) offsets(%dma_start3A_1073 : memref<128xi32, #tpu.memory_space<vmem>>) semaphore(%run_scoped3A_1068 : memref<!tpu.dma_semaphore, #tpu.memory_space<semaphore_mem>>) {add = true}
          %dma_wait3A = arith.constant 896 : i32
          %dma_wait3A_1077 = arith.constant 0 : i32
          %dma_wait3A_1078 = tpu.memref_slice %arg11[%dma_wait3A, %dma_wait3A_1077] : memref<1024x32xf32, #tpu.memory_space<vmem>> -> memref<128x32xf32, #tpu.memory_space<vmem>>
          %dma_wait3A_1079 = arith.constant 0 : i32
          %dma_wait3A_1080 = tpu.memref_slice %arg10[%run_scoped3A_1067, %dma_wait3A_1079] : memref<8x128xi32, #tpu.memory_space<vmem>> -> memref<1x128xi32, #tpu.memory_space<vmem>>
          %dma_wait3A_1081 = tpu.memref_squeeze %dma_wait3A_1080 : memref<1x128xi32, #tpu.memory_space<vmem>> -> memref<128xi32, #tpu.memory_space<vmem>>
          %dma_wait3A_1082 = arith.constant 0 : i32
          %dma_wait3A_1083 = arith.constant 0 : i32
          %dma_wait3A_1084 = tpu.memref_slice %arg6[%dma_wait3A_1082, %dma_wait3A_1083] : memref<32768x32xf32, #tpu.memory_space<vmem_shared>> -> memref<32768x32xf32, #tpu.memory_space<vmem_shared>>
          tpu.wait_indirect_dma semaphore(%run_scoped3A_1068 : memref<!tpu.dma_semaphore, #tpu.memory_space<semaphore_mem>>) src(%dma_wait3A_1078 : memref<128x32xf32, #tpu.memory_space<vmem>>) dst(%dma_wait3A_1084 : memref<32768x32xf32, #tpu.memory_space<vmem_shared>>)
          tpu.yield
        }) : () -> ()
      }
      %scan3A_1042 = arith.constant 8 : i32
      %barrier3A_1043 = arith.constant 0 : index
      tpu.barrier barrier_id(%barrier3A_1043)
      %mul3A_1044 = arith.constant 2048 : i32
      %mul3A_1045 = arith.muli %arg1, %mul3A_1044 : i32
      %mul3A_1046 = arith.constant 2048 : i32
      %mul3A_1047 = arith.muli %arg1, %mul3A_1046 : i32
      "tpu.region"() ({
        %run_scoped3A = tpu.sem_alloc : memref<!tpu.dma_semaphore, #tpu.memory_space<semaphore_mem>>
        %dma_start3A = arith.constant 0 : i32
        %dma_start3A_1049 = tpu.memref_slice %arg5[%add3A, %mul3A_1047, %dma_start3A] : memref<16x32768x32xf32, #tpu.memory_space<hbm>> -> memref<1x2048x32xf32, #tpu.memory_space<hbm>>
        %dma_start3A_1050 = tpu.memref_squeeze %dma_start3A_1049 : memref<1x2048x32xf32, #tpu.memory_space<hbm>> -> memref<2048x32xf32, #tpu.memory_space<hbm>>
        %dma_start3A_1051 = arith.constant 0 : i32
        %dma_start3A_1052 = tpu.memref_slice %arg6[%mul3A_1045, %dma_start3A_1051] : memref<32768x32xf32, #tpu.memory_space<vmem_shared>> -> memref<2048x32xf32, #tpu.memory_space<vmem_shared>>
        tpu.enqueue_dma source(%dma_start3A_1052 : memref<2048x32xf32, #tpu.memory_space<vmem_shared>>) target(%dma_start3A_1050 : memref<2048x32xf32, #tpu.memory_space<hbm>>) target_semaphore(%run_scoped3A : memref<!tpu.dma_semaphore, #tpu.memory_space<semaphore_mem>>)
        %dma_wait3A = arith.constant 0 : i32
        %dma_wait3A_1053 = tpu.memref_slice %arg5[%add3A, %mul3A_1047, %dma_wait3A] : memref<16x32768x32xf32, #tpu.memory_space<hbm>> -> memref<1x2048x32xf32, #tpu.memory_space<hbm>>
        %dma_wait3A_1054 = tpu.memref_squeeze %dma_wait3A_1053 : memref<1x2048x32xf32, #tpu.memory_space<hbm>> -> memref<2048x32xf32, #tpu.memory_space<hbm>>
        %dma_wait3A_1055 = arith.constant 0 : i32
        %dma_wait3A_1056 = tpu.memref_slice %arg6[%mul3A_1045, %dma_wait3A_1055] : memref<32768x32xf32, #tpu.memory_space<vmem_shared>> -> memref<2048x32xf32, #tpu.memory_space<vmem_shared>>
        tpu.wait_dma2 semaphore(%run_scoped3A : memref<!tpu.dma_semaphore, #tpu.memory_space<semaphore_mem>>) src(%dma_wait3A_1056 : memref<2048x32xf32, #tpu.memory_space<vmem_shared>>) dst(%dma_wait3A_1054 : memref<2048x32xf32, #tpu.memory_space<hbm>>)
        tpu.yield
      }) : () -> ()
      %barrier3A_1048 = arith.constant 0 : index
      tpu.barrier barrier_id(%barrier3A_1048)
    }
    %scan3A_1028 = arith.constant 8 : i32
    return
  }
}

module attributes {stable_mosaic.version = 14 : i64} {
  func.func @_stats_body(%arg0: i32, %arg1: i32, %arg2: memref<1x128x2048xf32, #tpu.memory_space<vmem>>, %arg3: memref<144x128xf32, #tpu.memory_space<vmem>>, %arg4: memref<144x1xf32, #tpu.memory_space<vmem>>, %arg5: memref<144x1xf32, #tpu.memory_space<vmem>>) attributes {dimension_semantics = [#tpu.dimension_semantics<arbitrary>, #tpu.dimension_semantics<arbitrary>], iteration_bounds = array<i64: 4, 8>, scalar_prefetch = 0 : i64, scratch_operands = 0 : i64, tpu.core_type = #tpu.core_type<tc>, window_params = [{transform_indices = @transform_0, window_bounds = array<i64: 1, 128, 2048>}, {pipeline_mode = #tpu.pipeline_mode<synchronous>, transform_indices = @transform_1, window_bounds = array<i64: 144, 128>}, {pipeline_mode = #tpu.pipeline_mode<synchronous>, transform_indices = @transform_2, window_bounds = array<i64: 144, 1>}, {pipeline_mode = #tpu.pipeline_mode<synchronous>, transform_indices = @transform_3, window_bounds = array<i64: 144, 1>}]} {
    %eq3A = arith.constant 0 : i32
    %eq3A_0 = arith.cmpi eq, %arg0, %eq3A : i32
    %eq3A_1 = arith.constant 0 : i32
    %eq3A_2 = arith.cmpi eq, %arg1, %eq3A_1 : i32
    %and3A = arith.andi %eq3A_0, %eq3A_2 : i1
    %convert_element_type3A = arith.extui %and3A : i1 to i32
    %cond3A = arith.constant 0 : i32
    %cond3A_3 = arith.cmpi ne, %convert_element_type3A, %cond3A : i32
    scf.if %cond3A_3 {
      %broadcast_in_dim3A_28 = arith.constant 0.000000e+00 : f32
      %broadcast_in_dim3A_29 = vector.broadcast %broadcast_in_dim3A_28 : f32 to vector<144x1xf32>
      %swap3A_30 = arith.constant 0 : index
      %swap3A_31 = arith.constant 0 : index
      %swap3A_32 = vector.load %arg4[%swap3A_30, %swap3A_31] : memref<144x1xf32, #tpu.memory_space<vmem>>, vector<144x1xf32>
      tpu.vector_store %arg4[%swap3A_30, %swap3A_31], %broadcast_in_dim3A_29 {strides = array<i32>} : memref<144x1xf32, #tpu.memory_space<vmem>>, vector<144x1xf32>,
      %broadcast_in_dim3A_33 = arith.constant 0.000000e+00 : f32
      %broadcast_in_dim3A_34 = vector.broadcast %broadcast_in_dim3A_33 : f32 to vector<144x1xf32>
      %swap3A_35 = arith.constant 0 : index
      %swap3A_36 = arith.constant 0 : index
      %swap3A_37 = vector.load %arg5[%swap3A_35, %swap3A_36] : memref<144x1xf32, #tpu.memory_space<vmem>>, vector<144x1xf32>
      tpu.vector_store %arg5[%swap3A_35, %swap3A_36], %broadcast_in_dim3A_34 {strides = array<i32>} : memref<144x1xf32, #tpu.memory_space<vmem>>, vector<144x1xf32>,
    } else {
    }
    %get3A = arith.constant 0 : index
    %get3A_4 = arith.constant 0 : index
    %get3A_5 = arith.constant 0 : index
    %get3A_6 = vector.load %arg2[%get3A, %get3A_4, %get3A_5] : memref<1x128x2048xf32, #tpu.memory_space<vmem>>, vector<1x128x2048xf32>
    %get3A_7 = vector.shape_cast %get3A_6 : vector<1x128x2048xf32> to vector<128x2048xf32>
    %get3A_8 = arith.constant 0 : index
    %get3A_9 = arith.constant 0 : index
    %get3A_10 = vector.load %arg3[%get3A_8, %get3A_9] : memref<144x128xf32, #tpu.memory_space<vmem>>, vector<144x128xf32>
    %dot_general3A = arith.constant dense<0.000000e+00> : vector<144x2048xf32>
    %dot_general3A_11 = tpu.matmul %get3A_10, %get3A_7, %dot_general3A {dimension_numbers = #tpu.dot_dimension_numbers<[1], [0], [0], [1], [0, 0, 1, 1], [], []>, transpose_lhs_hint = false} : vector<144x128xf32>, vector<128x2048xf32>, vector<144x2048xf32> -> vector<144x2048xf32>
    %get3A_12 = arith.constant 0 : index
    %get3A_13 = arith.constant 0 : index
    %get3A_14 = vector.load %arg4[%get3A_12, %get3A_13] : memref<144x1xf32, #tpu.memory_space<vmem>>, vector<144x1xf32>
    %reduce_sum3A = arith.constant dense<0.000000e+00> : vector<144xf32>
    %reduce_sum3A_15 = vector.multi_reduction <add>, %dot_general3A_11, %reduce_sum3A [1] : vector<144x2048xf32> to vector<144xf32>
    %broadcast_in_dim3A = vector.shape_cast %reduce_sum3A_15 : vector<144xf32> to vector<144x1xf32>
    %add3A = arith.addf %get3A_14, %broadcast_in_dim3A : vector<144x1xf32>
    %swap3A = arith.constant 0 : index
    %swap3A_16 = arith.constant 0 : index
    %swap3A_17 = vector.load %arg4[%swap3A, %swap3A_16] : memref<144x1xf32, #tpu.memory_space<vmem>>, vector<144x1xf32>
    tpu.vector_store %arg4[%swap3A, %swap3A_16], %add3A {strides = array<i32>} : memref<144x1xf32, #tpu.memory_space<vmem>>, vector<144x1xf32>,
    %get3A_18 = arith.constant 0 : index
    %get3A_19 = arith.constant 0 : index
    %get3A_20 = vector.load %arg5[%get3A_18, %get3A_19] : memref<144x1xf32, #tpu.memory_space<vmem>>, vector<144x1xf32>
    %mul3A = arith.mulf %dot_general3A_11, %dot_general3A_11 : vector<144x2048xf32>
    %reduce_sum3A_21 = arith.constant dense<0.000000e+00> : vector<144xf32>
    %reduce_sum3A_22 = vector.multi_reduction <add>, %mul3A, %reduce_sum3A_21 [1] : vector<144x2048xf32> to vector<144xf32>
    %broadcast_in_dim3A_23 = vector.shape_cast %reduce_sum3A_22 : vector<144xf32> to vector<144x1xf32>
    %add3A_24 = arith.addf %get3A_20, %broadcast_in_dim3A_23 : vector<144x1xf32>
    %swap3A_25 = arith.constant 0 : index
    %swap3A_26 = arith.constant 0 : index
    %swap3A_27 = vector.load %arg5[%swap3A_25, %swap3A_26] : memref<144x1xf32, #tpu.memory_space<vmem>>, vector<144x1xf32>
    tpu.vector_store %arg5[%swap3A_25, %swap3A_26], %add3A_24 {strides = array<i32>} : memref<144x1xf32, #tpu.memory_space<vmem>>, vector<144x1xf32>,
    return
  }
  func.func @transform_0(%arg0: i32, %arg1: i32) -> (i32, i32, i32) {
    %c0_i32 = arith.constant 0 : i32
    %c0_i32_0 = arith.constant 0 : i32
    return %arg0, %c0_i32, %arg1 : i32, i32, i32
  }
  func.func @transform_1(%arg0: i32, %arg1: i32) -> (i32, i32) {
    %c0_i32 = arith.constant 0 : i32
    %c0_i32_0 = arith.constant 0 : i32
    %c0_i32_1 = arith.constant 0 : i32
    return %c0_i32, %c0_i32_0 : i32, i32
  }
  func.func @transform_2(%arg0: i32, %arg1: i32) -> (i32, i32) {
    %c0_i32 = arith.constant 0 : i32
    %c0_i32_0 = arith.constant 0 : i32
    %c0_i32_1 = arith.constant 0 : i32
    return %c0_i32, %c0_i32_0 : i32, i32
  }
  func.func @transform_3(%arg0: i32, %arg1: i32) -> (i32, i32) {
    %c0_i32 = arith.constant 0 : i32
    %c0_i32_0 = arith.constant 0 : i32
    %c0_i32_1 = arith.constant 0 : i32
    return %c0_i32, %c0_i32_0 : i32, i32
  }
}

module attributes {stable_mosaic.version = 14 : i64} {
  func.func @_dense_body(%arg0: i32, %arg1: i32, %arg2: memref<1x128x512xf32, #tpu.memory_space<vmem>>, %arg3: memref<1x8x512xf32, #tpu.memory_space<vmem>>, %arg4: memref<144x128xf32, #tpu.memory_space<vmem>>, %arg5: memref<144x1xf32, #tpu.memory_space<vmem>>, %arg6: memref<144x1xf32, #tpu.memory_space<vmem>>, %arg7: memref<144x1xf32, #tpu.memory_space<vmem>>, %arg8: memref<16x16xf32, #tpu.memory_space<vmem>>, %arg9: memref<1x128x512xf32, #tpu.memory_space<vmem>>, %arg10: memref<1x32x512xf32, #tpu.memory_space<vmem>>, %arg11: memref<1x32x512xi32, #tpu.memory_space<vmem>>, %arg12: memref<1x1xf32, #tpu.memory_space<smem>>, %arg13: memref<1x1xf32, #tpu.memory_space<smem>>) attributes {dimension_semantics = [#tpu.dimension_semantics<arbitrary>, #tpu.dimension_semantics<arbitrary>], iteration_bounds = array<i64: 4, 32>, scalar_prefetch = 0 : i64, scratch_operands = 0 : i64, tpu.core_type = #tpu.core_type<tc>, window_params = [{transform_indices = @transform_0, window_bounds = array<i64: 1, 128, 512>}, {transform_indices = @transform_1, window_bounds = array<i64: 1, 8, 512>}, {pipeline_mode = #tpu.pipeline_mode<synchronous>, transform_indices = @transform_2, window_bounds = array<i64: 144, 128>}, {pipeline_mode = #tpu.pipeline_mode<synchronous>, transform_indices = @transform_3, window_bounds = array<i64: 144, 1>}, {pipeline_mode = #tpu.pipeline_mode<synchronous>, transform_indices = @transform_4, window_bounds = array<i64: 144, 1>}, {pipeline_mode = #tpu.pipeline_mode<synchronous>, transform_indices = @transform_5, window_bounds = array<i64: 144, 1>}, {pipeline_mode = #tpu.pipeline_mode<synchronous>, transform_indices = @transform_6, window_bounds = array<i64: 16, 16>}, {transform_indices = @transform_7, window_bounds = array<i64: 1, 128, 512>}, {transform_indices = @transform_8, window_bounds = array<i64: 1, 32, 512>}, {transform_indices = @transform_9, window_bounds = array<i64: 1, 32, 512>}, {transform_indices = @transform_10, window_bounds = array<i64: 1, 1>}, {transform_indices = @transform_11, window_bounds = array<i64: 1, 1>}]} {
    %eq3A = arith.constant 0 : i32
    %eq3A_0 = arith.cmpi eq, %arg0, %eq3A : i32
    %eq3A_1 = arith.constant 0 : i32
    %eq3A_2 = arith.cmpi eq, %arg1, %eq3A_1 : i32
    %and3A = arith.andi %eq3A_0, %eq3A_2 : i1
    %convert_element_type3A = arith.extui %and3A : i1 to i32
    %cond3A = arith.constant 0 : i32
    %cond3A_3 = arith.cmpi ne, %convert_element_type3A, %cond3A : i32
    scf.if %cond3A_3 {
      %swap3A_471 = arith.constant 0.000000e+00 : f32
      %swap3A_472 = arith.constant 0 : index
      %swap3A_473 = arith.constant 0 : index
      %swap3A_474 = memref.load %arg12[%swap3A_472, %swap3A_473] : memref<1x1xf32, #tpu.memory_space<smem>>
      memref.store %swap3A_471, %arg12[%swap3A_472, %swap3A_473] : memref<1x1xf32, #tpu.memory_space<smem>>
      %swap3A_475 = arith.constant 0.000000e+00 : f32
      %swap3A_476 = arith.constant 0 : index
      %swap3A_477 = arith.constant 0 : index
      %swap3A_478 = memref.load %arg13[%swap3A_476, %swap3A_477] : memref<1x1xf32, #tpu.memory_space<smem>>
      memref.store %swap3A_475, %arg13[%swap3A_476, %swap3A_477] : memref<1x1xf32, #tpu.memory_space<smem>>
    } else {
    }
    %get3A = arith.constant 0 : index
    %get3A_4 = arith.constant 0 : index
    %get3A_5 = arith.constant 0 : index
    %get3A_6 = vector.load %arg2[%get3A, %get3A_4, %get3A_5] : memref<1x128x512xf32, #tpu.memory_space<vmem>>, vector<1x128x512xf32>
    %get3A_7 = vector.shape_cast %get3A_6 : vector<1x128x512xf32> to vector<128x512xf32>
    %get3A_8 = arith.constant 0 : index
    %get3A_9 = arith.constant 0 : index
    %get3A_10 = vector.load %arg4[%get3A_8, %get3A_9] : memref<144x128xf32, #tpu.memory_space<vmem>>, vector<144x128xf32>
    %dot_general3A = arith.constant dense<0.000000e+00> : vector<144x512xf32>
    %dot_general3A_11 = tpu.matmul %get3A_10, %get3A_7, %dot_general3A {dimension_numbers = #tpu.dot_dimension_numbers<[1], [0], [0], [1], [0, 0, 1, 1], [], []>, transpose_lhs_hint = false} : vector<144x128xf32>, vector<128x512xf32>, vector<144x512xf32> -> vector<144x512xf32>
    %get3A_12 = arith.constant 0 : index
    %get3A_13 = arith.constant 0 : index
    %get3A_14 = vector.load %arg5[%get3A_12, %get3A_13] : memref<144x1xf32, #tpu.memory_space<vmem>>, vector<144x1xf32>
    %sub3A = vector.broadcast %get3A_14 : vector<144x1xf32> to vector<144x512xf32>
    %sub3A_15 = arith.subf %dot_general3A_11, %sub3A : vector<144x512xf32>
    %get3A_16 = arith.constant 0 : index
    %get3A_17 = arith.constant 0 : index
    %get3A_18 = vector.load %arg6[%get3A_16, %get3A_17] : memref<144x1xf32, #tpu.memory_space<vmem>>, vector<144x1xf32>
    %mul3A = vector.broadcast %get3A_18 : vector<144x1xf32> to vector<144x512xf32>
    %mul3A_19 = arith.mulf %sub3A_15, %mul3A : vector<144x512xf32>
    %get3A_20 = arith.constant 0 : index
    %get3A_21 = arith.constant 0 : index
    %get3A_22 = vector.load %arg7[%get3A_20, %get3A_21] : memref<144x1xf32, #tpu.memory_space<vmem>>, vector<144x1xf32>
    %add3A = vector.broadcast %get3A_22 : vector<144x1xf32> to vector<144x512xf32>
    %add3A_23 = arith.addf %mul3A_19, %add3A : vector<144x512xf32>
    %get3A_24 = arith.constant 0 : index
    %get3A_25 = arith.constant 0 : index
    %get3A_26 = arith.constant 0 : index
    %get3A_27 = vector.load %arg3[%get3A_24, %get3A_25, %get3A_26] : memref<1x8x512xf32, #tpu.memory_space<vmem>>, vector<1x8x512xf32>
    %get3A_28 = vector.shape_cast %get3A_27 : vector<1x8x512xf32> to vector<8x512xf32>
    %slice3A = vector.extract_strided_slice %get3A_28 {offsets = [0, 0], sizes = [3, 512], strides = [1, 1]} : vector<8x512xf32> to vector<3x512xf32>
    %slice3A_29 = vector.extract_strided_slice %get3A_28 {offsets = [3, 0], sizes = [4, 512], strides = [1, 1]} : vector<8x512xf32> to vector<4x512xf32>
    %concatenate3A = tpu.concatenate %slice3A, %slice3A, %slice3A, %slice3A, %slice3A_29 in 0 : vector<3x512xf32>, vector<3x512xf32>, vector<3x512xf32>, vector<3x512xf32>, vector<4x512xf32> -> vector<16x512xf32>
    %slice3A_30 = vector.extract_strided_slice %add3A_23 {offsets = [0, 0], sizes = [16, 512], strides = [1, 1]} : vector<144x512xf32> to vector<16x512xf32>
    %add3A_31 = arith.addf %slice3A_30, %concatenate3A : vector<16x512xf32>
    %get3A_32 = arith.constant 0 : index
    %get3A_33 = arith.constant 0 : index
    %get3A_34 = vector.load %arg8[%get3A_32, %get3A_33] : memref<16x16xf32, #tpu.memory_space<vmem>>, vector<16x16xf32>
    %dot_general3A_35 = arith.constant dense<0.000000e+00> : vector<16x512xf32>
    %dot_general3A_36 = tpu.matmul %get3A_34, %add3A_31, %dot_general3A_35 {dimension_numbers = #tpu.dot_dimension_numbers<[1], [0], [0], [1], [0, 0, 1, 1], [], []>, transpose_lhs_hint = false} : vector<16x16xf32>, vector<16x512xf32>, vector<16x512xf32> -> vector<16x512xf32>
    %slice3A_37 = vector.extract_strided_slice %dot_general3A_36 {offsets = [0, 0], sizes = [12, 512], strides = [1, 1]} : vector<16x512xf32> to vector<12x512xf32>
    %reduce_sum3A = vector.shape_cast %slice3A_37 : vector<12x512xf32> to vector<1x12x512xf32>
    %reduce_sum3A_38 = arith.constant dense<0.000000e+00> : vector<1xf32>
    %reduce_sum3A_39 = vector.multi_reduction <add>, %reduce_sum3A, %reduce_sum3A_38 [1, 2] : vector<1x12x512xf32> to vector<1xf32>
    %reduce_sum3A_40 = vector.shape_cast %reduce_sum3A_39 : vector<1xf32> to vector<1x1x1xf32>
    %reduce_sum3A_41 = vector.extract %reduce_sum3A_40[0, 0, 0] : f32 from vector<1x1x1xf32>
    %slice3A_42 = vector.extract_strided_slice %dot_general3A_36 {offsets = [0, 0], sizes = [12, 512], strides = [1, 1]} : vector<16x512xf32> to vector<12x512xf32>
    %slice3A_43 = vector.extract_strided_slice %dot_general3A_36 {offsets = [0, 0], sizes = [12, 512], strides = [1, 1]} : vector<16x512xf32> to vector<12x512xf32>
    %mul3A_44 = arith.mulf %slice3A_42, %slice3A_43 : vector<12x512xf32>
    %reduce_sum3A_45 = vector.shape_cast %mul3A_44 : vector<12x512xf32> to vector<1x12x512xf32>
    %reduce_sum3A_46 = arith.constant dense<0.000000e+00> : vector<1xf32>
    %reduce_sum3A_47 = vector.multi_reduction <add>, %reduce_sum3A_45, %reduce_sum3A_46 [1, 2] : vector<1x12x512xf32> to vector<1xf32>
    %reduce_sum3A_48 = vector.shape_cast %reduce_sum3A_47 : vector<1xf32> to vector<1x1x1xf32>
    %reduce_sum3A_49 = vector.extract %reduce_sum3A_48[0, 0, 0] : f32 from vector<1x1x1xf32>
    %slice3A_50 = vector.extract_strided_slice %dot_general3A_36 {offsets = [0, 0], sizes = [3, 512], strides = [1, 1]} : vector<16x512xf32> to vector<3x512xf32>
    %tanh3A = math.tanh %slice3A_50 : vector<3x512xf32>
    %add3A_51 = arith.constant 1.000000e+00 : f32
    %add3A_52 = vector.broadcast %add3A_51 : f32 to vector<3x512xf32>
    %add3A_53 = arith.addf %tanh3A, %add3A_52 : vector<3x512xf32>
    %mul3A_54 = arith.constant 5.000000e-01 : f32
    %mul3A_55 = vector.broadcast %mul3A_54 : f32 to vector<3x512xf32>
    %mul3A_56 = arith.mulf %add3A_53, %mul3A_55 : vector<3x512xf32>
    %mul3A_57 = arith.constant 3.100000e+01 : f32
    %mul3A_58 = vector.broadcast %mul3A_57 : f32 to vector<3x512xf32>
    %mul3A_59 = arith.mulf %mul3A_56, %mul3A_58 : vector<3x512xf32>
    %floor3A = math.floor %mul3A_59 : vector<3x512xf32>
    %jit3A = arith.constant 0.000000e+00 : f32
    %jit3A_60 = arith.constant 30 : i32
    %max3A = vector.broadcast %jit3A : f32 to vector<3x512xf32>
    %max3A_61 = arith.maximumf %max3A, %floor3A : vector<3x512xf32>
    %convert_element_type3A_62 = arith.sitofp %jit3A_60 : i32 to f32
    %min3A = vector.broadcast %convert_element_type3A_62 : f32 to vector<3x512xf32>
    %min3A_63 = arith.minimumf %min3A, %max3A_61 : vector<3x512xf32>
    %sub3A_64 = arith.subf %mul3A_59, %min3A_63 : vector<3x512xf32>
    %convert_element_type3A_65 = arith.fptosi %min3A_63 : vector<3x512xf32> to vector<3x512xi32>
    %slice3A_66 = vector.extract_strided_slice %sub3A_64 {offsets = [0, 0], sizes = [1, 512], strides = [1, 1]} : vector<3x512xf32> to vector<1x512xf32>
    %slice3A_67 = vector.extract_strided_slice %sub3A_64 {offsets = [1, 0], sizes = [1, 512], strides = [1, 1]} : vector<3x512xf32> to vector<1x512xf32>
    %slice3A_68 = vector.extract_strided_slice %sub3A_64 {offsets = [2, 0], sizes = [1, 512], strides = [1, 1]} : vector<3x512xf32> to vector<1x512xf32>
    %slice3A_69 = vector.extract_strided_slice %convert_element_type3A_65 {offsets = [0, 0], sizes = [1, 512], strides = [1, 1]} : vector<3x512xi32> to vector<1x512xi32>
    %mul3A_70 = arith.constant 32 : i32
    %mul3A_71 = vector.broadcast %mul3A_70 : i32 to vector<1x512xi32>
    %mul3A_72 = arith.muli %slice3A_69, %mul3A_71 : vector<1x512xi32>
    %slice3A_73 = vector.extract_strided_slice %convert_element_type3A_65 {offsets = [1, 0], sizes = [1, 512], strides = [1, 1]} : vector<3x512xi32> to vector<1x512xi32>
    %add3A_74 = arith.addi %mul3A_72, %slice3A_73 : vector<1x512xi32>
    %mul3A_75 = arith.constant 32 : i32
    %mul3A_76 = vector.broadcast %mul3A_75 : i32 to vector<1x512xi32>
    %mul3A_77 = arith.muli %add3A_74, %mul3A_76 : vector<1x512xi32>
    %slice3A_78 = vector.extract_strided_slice %convert_element_type3A_65 {offsets = [2, 0], sizes = [1, 512], strides = [1, 1]} : vector<3x512xi32> to vector<1x512xi32>
    %add3A_79 = arith.addi %mul3A_77, %slice3A_78 : vector<1x512xi32>
    %sub3A_80 = arith.constant 1.000000e+00 : f32
    %sub3A_81 = vector.broadcast %sub3A_80 : f32 to vector<1x512xf32>
    %sub3A_82 = arith.subf %sub3A_81, %slice3A_66 : vector<1x512xf32>
    %sub3A_83 = arith.constant 1.000000e+00 : f32
    %sub3A_84 = vector.broadcast %sub3A_83 : f32 to vector<1x512xf32>
    %sub3A_85 = arith.subf %sub3A_84, %slice3A_67 : vector<1x512xf32>
    %sub3A_86 = arith.constant 1.000000e+00 : f32
    %sub3A_87 = vector.broadcast %sub3A_86 : f32 to vector<1x512xf32>
    %sub3A_88 = arith.subf %sub3A_87, %slice3A_68 : vector<1x512xf32>
    %mul3A_89 = arith.mulf %sub3A_82, %sub3A_85 : vector<1x512xf32>
    %mul3A_90 = arith.mulf %mul3A_89, %sub3A_88 : vector<1x512xf32>
    %add3A_91 = arith.constant 0 : i32
    %add3A_92 = vector.broadcast %add3A_91 : i32 to vector<1x512xi32>
    %add3A_93 = arith.addi %add3A_79, %add3A_92 : vector<1x512xi32>
    %mul3A_94 = arith.mulf %sub3A_82, %sub3A_85 : vector<1x512xf32>
    %mul3A_95 = arith.mulf %mul3A_94, %slice3A_68 : vector<1x512xf32>
    %add3A_96 = arith.constant 1 : i32
    %add3A_97 = vector.broadcast %add3A_96 : i32 to vector<1x512xi32>
    %add3A_98 = arith.addi %add3A_79, %add3A_97 : vector<1x512xi32>
    %sub3A_99 = arith.constant 1.000000e+00 : f32
    %sub3A_100 = vector.broadcast %sub3A_99 : f32 to vector<1x512xf32>
    %sub3A_101 = arith.subf %sub3A_100, %slice3A_68 : vector<1x512xf32>
    %mul3A_102 = arith.mulf %sub3A_82, %slice3A_67 : vector<1x512xf32>
    %mul3A_103 = arith.mulf %mul3A_102, %sub3A_101 : vector<1x512xf32>
    %add3A_104 = arith.constant 32 : i32
    %add3A_105 = vector.broadcast %add3A_104 : i32 to vector<1x512xi32>
    %add3A_106 = arith.addi %add3A_79, %add3A_105 : vector<1x512xi32>
    %mul3A_107 = arith.mulf %sub3A_82, %slice3A_67 : vector<1x512xf32>
    %mul3A_108 = arith.mulf %mul3A_107, %slice3A_68 : vector<1x512xf32>
    %add3A_109 = arith.constant 33 : i32
    %add3A_110 = vector.broadcast %add3A_109 : i32 to vector<1x512xi32>
    %add3A_111 = arith.addi %add3A_79, %add3A_110 : vector<1x512xi32>
    %sub3A_112 = arith.constant 1.000000e+00 : f32
    %sub3A_113 = vector.broadcast %sub3A_112 : f32 to vector<1x512xf32>
    %sub3A_114 = arith.subf %sub3A_113, %slice3A_67 : vector<1x512xf32>
    %sub3A_115 = arith.constant 1.000000e+00 : f32
    %sub3A_116 = vector.broadcast %sub3A_115 : f32 to vector<1x512xf32>
    %sub3A_117 = arith.subf %sub3A_116, %slice3A_68 : vector<1x512xf32>
    %mul3A_118 = arith.mulf %slice3A_66, %sub3A_114 : vector<1x512xf32>
    %mul3A_119 = arith.mulf %mul3A_118, %sub3A_117 : vector<1x512xf32>
    %add3A_120 = arith.constant 1024 : i32
    %add3A_121 = vector.broadcast %add3A_120 : i32 to vector<1x512xi32>
    %add3A_122 = arith.addi %add3A_79, %add3A_121 : vector<1x512xi32>
    %mul3A_123 = arith.mulf %slice3A_66, %sub3A_114 : vector<1x512xf32>
    %mul3A_124 = arith.mulf %mul3A_123, %slice3A_68 : vector<1x512xf32>
    %add3A_125 = arith.constant 1025 : i32
    %add3A_126 = vector.broadcast %add3A_125 : i32 to vector<1x512xi32>
    %add3A_127 = arith.addi %add3A_79, %add3A_126 : vector<1x512xi32>
    %sub3A_128 = arith.constant 1.000000e+00 : f32
    %sub3A_129 = vector.broadcast %sub3A_128 : f32 to vector<1x512xf32>
    %sub3A_130 = arith.subf %sub3A_129, %slice3A_68 : vector<1x512xf32>
    %mul3A_131 = arith.mulf %slice3A_66, %slice3A_67 : vector<1x512xf32>
    %mul3A_132 = arith.mulf %mul3A_131, %sub3A_130 : vector<1x512xf32>
    %add3A_133 = arith.constant 1056 : i32
    %add3A_134 = vector.broadcast %add3A_133 : i32 to vector<1x512xi32>
    %add3A_135 = arith.addi %add3A_79, %add3A_134 : vector<1x512xi32>
    %mul3A_136 = arith.mulf %slice3A_66, %slice3A_67 : vector<1x512xf32>
    %mul3A_137 = arith.mulf %mul3A_136, %slice3A_68 : vector<1x512xf32>
    %add3A_138 = arith.constant 1057 : i32
    %add3A_139 = vector.broadcast %add3A_138 : i32 to vector<1x512xi32>
    %add3A_140 = arith.addi %add3A_79, %add3A_139 : vector<1x512xi32>
    %concatenate3A_141 = tpu.concatenate %mul3A_90, %mul3A_95, %mul3A_103, %mul3A_108, %mul3A_119, %mul3A_124, %mul3A_132, %mul3A_137 in 0 : vector<1x512xf32>, vector<1x512xf32>, vector<1x512xf32>, vector<1x512xf32>, vector<1x512xf32>, vector<1x512xf32>, vector<1x512xf32>, vector<1x512xf32> -> vector<8x512xf32>
    %concatenate3A_142 = tpu.concatenate %add3A_93, %add3A_98, %add3A_106, %add3A_111, %add3A_122, %add3A_127, %add3A_135, %add3A_140 in 0 : vector<1x512xi32>, vector<1x512xi32>, vector<1x512xi32>, vector<1x512xi32>, vector<1x512xi32>, vector<1x512xi32>, vector<1x512xi32>, vector<1x512xi32> -> vector<8x512xi32>
    %slice3A_143 = vector.extract_strided_slice %dot_general3A_36 {offsets = [3, 0], sizes = [3, 512], strides = [1, 1]} : vector<16x512xf32> to vector<3x512xf32>
    %tanh3A_144 = math.tanh %slice3A_143 : vector<3x512xf32>
    %add3A_145 = arith.constant 1.000000e+00 : f32
    %add3A_146 = vector.broadcast %add3A_145 : f32 to vector<3x512xf32>
    %add3A_147 = arith.addf %tanh3A_144, %add3A_146 : vector<3x512xf32>
    %mul3A_148 = arith.constant 5.000000e-01 : f32
    %mul3A_149 = vector.broadcast %mul3A_148 : f32 to vector<3x512xf32>
    %mul3A_150 = arith.mulf %add3A_147, %mul3A_149 : vector<3x512xf32>
    %mul3A_151 = arith.constant 3.100000e+01 : f32
    %mul3A_152 = vector.broadcast %mul3A_151 : f32 to vector<3x512xf32>
    %mul3A_153 = arith.mulf %mul3A_150, %mul3A_152 : vector<3x512xf32>
    %floor3A_154 = math.floor %mul3A_153 : vector<3x512xf32>
    %jit3A_155 = arith.constant 0.000000e+00 : f32
    %jit3A_156 = arith.constant 30 : i32
    %max3A_157 = vector.broadcast %jit3A_155 : f32 to vector<3x512xf32>
    %max3A_158 = arith.maximumf %max3A_157, %floor3A_154 : vector<3x512xf32>
    %convert_element_type3A_159 = arith.sitofp %jit3A_156 : i32 to f32
    %min3A_160 = vector.broadcast %convert_element_type3A_159 : f32 to vector<3x512xf32>
    %min3A_161 = arith.minimumf %min3A_160, %max3A_158 : vector<3x512xf32>
    %sub3A_162 = arith.subf %mul3A_153, %min3A_161 : vector<3x512xf32>
    %convert_element_type3A_163 = arith.fptosi %min3A_161 : vector<3x512xf32> to vector<3x512xi32>
    %slice3A_164 = vector.extract_strided_slice %sub3A_162 {offsets = [0, 0], sizes = [1, 512], strides = [1, 1]} : vector<3x512xf32> to vector<1x512xf32>
    %slice3A_165 = vector.extract_strided_slice %sub3A_162 {offsets = [1, 0], sizes = [1, 512], strides = [1, 1]} : vector<3x512xf32> to vector<1x512xf32>
    %slice3A_166 = vector.extract_strided_slice %sub3A_162 {offsets = [2, 0], sizes = [1, 512], strides = [1, 1]} : vector<3x512xf32> to vector<1x512xf32>
    %slice3A_167 = vector.extract_strided_slice %convert_element_type3A_163 {offsets = [0, 0], sizes = [1, 512], strides = [1, 1]} : vector<3x512xi32> to vector<1x512xi32>
    %mul3A_168 = arith.constant 32 : i32
    %mul3A_169 = vector.broadcast %mul3A_168 : i32 to vector<1x512xi32>
    %mul3A_170 = arith.muli %slice3A_167, %mul3A_169 : vector<1x512xi32>
    %slice3A_171 = vector.extract_strided_slice %convert_element_type3A_163 {offsets = [1, 0], sizes = [1, 512], strides = [1, 1]} : vector<3x512xi32> to vector<1x512xi32>
    %add3A_172 = arith.addi %mul3A_170, %slice3A_171 : vector<1x512xi32>
    %mul3A_173 = arith.constant 32 : i32
    %mul3A_174 = vector.broadcast %mul3A_173 : i32 to vector<1x512xi32>
    %mul3A_175 = arith.muli %add3A_172, %mul3A_174 : vector<1x512xi32>
    %slice3A_176 = vector.extract_strided_slice %convert_element_type3A_163 {offsets = [2, 0], sizes = [1, 512], strides = [1, 1]} : vector<3x512xi32> to vector<1x512xi32>
    %add3A_177 = arith.addi %mul3A_175, %slice3A_176 : vector<1x512xi32>
    %sub3A_178 = arith.constant 1.000000e+00 : f32
    %sub3A_179 = vector.broadcast %sub3A_178 : f32 to vector<1x512xf32>
    %sub3A_180 = arith.subf %sub3A_179, %slice3A_164 : vector<1x512xf32>
    %sub3A_181 = arith.constant 1.000000e+00 : f32
    %sub3A_182 = vector.broadcast %sub3A_181 : f32 to vector<1x512xf32>
    %sub3A_183 = arith.subf %sub3A_182, %slice3A_165 : vector<1x512xf32>
    %sub3A_184 = arith.constant 1.000000e+00 : f32
    %sub3A_185 = vector.broadcast %sub3A_184 : f32 to vector<1x512xf32>
    %sub3A_186 = arith.subf %sub3A_185, %slice3A_166 : vector<1x512xf32>
    %mul3A_187 = arith.mulf %sub3A_180, %sub3A_183 : vector<1x512xf32>
    %mul3A_188 = arith.mulf %mul3A_187, %sub3A_186 : vector<1x512xf32>
    %add3A_189 = arith.constant 0 : i32
    %add3A_190 = vector.broadcast %add3A_189 : i32 to vector<1x512xi32>
    %add3A_191 = arith.addi %add3A_177, %add3A_190 : vector<1x512xi32>
    %mul3A_192 = arith.mulf %sub3A_180, %sub3A_183 : vector<1x512xf32>
    %mul3A_193 = arith.mulf %mul3A_192, %slice3A_166 : vector<1x512xf32>
    %add3A_194 = arith.constant 1 : i32
    %add3A_195 = vector.broadcast %add3A_194 : i32 to vector<1x512xi32>
    %add3A_196 = arith.addi %add3A_177, %add3A_195 : vector<1x512xi32>
    %sub3A_197 = arith.constant 1.000000e+00 : f32
    %sub3A_198 = vector.broadcast %sub3A_197 : f32 to vector<1x512xf32>
    %sub3A_199 = arith.subf %sub3A_198, %slice3A_166 : vector<1x512xf32>
    %mul3A_200 = arith.mulf %sub3A_180, %slice3A_165 : vector<1x512xf32>
    %mul3A_201 = arith.mulf %mul3A_200, %sub3A_199 : vector<1x512xf32>
    %add3A_202 = arith.constant 32 : i32
    %add3A_203 = vector.broadcast %add3A_202 : i32 to vector<1x512xi32>
    %add3A_204 = arith.addi %add3A_177, %add3A_203 : vector<1x512xi32>
    %mul3A_205 = arith.mulf %sub3A_180, %slice3A_165 : vector<1x512xf32>
    %mul3A_206 = arith.mulf %mul3A_205, %slice3A_166 : vector<1x512xf32>
    %add3A_207 = arith.constant 33 : i32
    %add3A_208 = vector.broadcast %add3A_207 : i32 to vector<1x512xi32>
    %add3A_209 = arith.addi %add3A_177, %add3A_208 : vector<1x512xi32>
    %sub3A_210 = arith.constant 1.000000e+00 : f32
    %sub3A_211 = vector.broadcast %sub3A_210 : f32 to vector<1x512xf32>
    %sub3A_212 = arith.subf %sub3A_211, %slice3A_165 : vector<1x512xf32>
    %sub3A_213 = arith.constant 1.000000e+00 : f32
    %sub3A_214 = vector.broadcast %sub3A_213 : f32 to vector<1x512xf32>
    %sub3A_215 = arith.subf %sub3A_214, %slice3A_166 : vector<1x512xf32>
    %mul3A_216 = arith.mulf %slice3A_164, %sub3A_212 : vector<1x512xf32>
    %mul3A_217 = arith.mulf %mul3A_216, %sub3A_215 : vector<1x512xf32>
    %add3A_218 = arith.constant 1024 : i32
    %add3A_219 = vector.broadcast %add3A_218 : i32 to vector<1x512xi32>
    %add3A_220 = arith.addi %add3A_177, %add3A_219 : vector<1x512xi32>
    %mul3A_221 = arith.mulf %slice3A_164, %sub3A_212 : vector<1x512xf32>
    %mul3A_222 = arith.mulf %mul3A_221, %slice3A_166 : vector<1x512xf32>
    %add3A_223 = arith.constant 1025 : i32
    %add3A_224 = vector.broadcast %add3A_223 : i32 to vector<1x512xi32>
    %add3A_225 = arith.addi %add3A_177, %add3A_224 : vector<1x512xi32>
    %sub3A_226 = arith.constant 1.000000e+00 : f32
    %sub3A_227 = vector.broadcast %sub3A_226 : f32 to vector<1x512xf32>
    %sub3A_228 = arith.subf %sub3A_227, %slice3A_166 : vector<1x512xf32>
    %mul3A_229 = arith.mulf %slice3A_164, %slice3A_165 : vector<1x512xf32>
    %mul3A_230 = arith.mulf %mul3A_229, %sub3A_228 : vector<1x512xf32>
    %add3A_231 = arith.constant 1056 : i32
    %add3A_232 = vector.broadcast %add3A_231 : i32 to vector<1x512xi32>
    %add3A_233 = arith.addi %add3A_177, %add3A_232 : vector<1x512xi32>
    %mul3A_234 = arith.mulf %slice3A_164, %slice3A_165 : vector<1x512xf32>
    %mul3A_235 = arith.mulf %mul3A_234, %slice3A_166 : vector<1x512xf32>
    %add3A_236 = arith.constant 1057 : i32
    %add3A_237 = vector.broadcast %add3A_236 : i32 to vector<1x512xi32>
    %add3A_238 = arith.addi %add3A_177, %add3A_237 : vector<1x512xi32>
    %concatenate3A_239 = tpu.concatenate %mul3A_188, %mul3A_193, %mul3A_201, %mul3A_206, %mul3A_217, %mul3A_222, %mul3A_230, %mul3A_235 in 0 : vector<1x512xf32>, vector<1x512xf32>, vector<1x512xf32>, vector<1x512xf32>, vector<1x512xf32>, vector<1x512xf32>, vector<1x512xf32>, vector<1x512xf32> -> vector<8x512xf32>
    %concatenate3A_240 = tpu.concatenate %add3A_191, %add3A_196, %add3A_204, %add3A_209, %add3A_220, %add3A_225, %add3A_233, %add3A_238 in 0 : vector<1x512xi32>, vector<1x512xi32>, vector<1x512xi32>, vector<1x512xi32>, vector<1x512xi32>, vector<1x512xi32>, vector<1x512xi32>, vector<1x512xi32> -> vector<8x512xi32>
    %slice3A_241 = vector.extract_strided_slice %dot_general3A_36 {offsets = [6, 0], sizes = [3, 512], strides = [1, 1]} : vector<16x512xf32> to vector<3x512xf32>
    %tanh3A_242 = math.tanh %slice3A_241 : vector<3x512xf32>
    %add3A_243 = arith.constant 1.000000e+00 : f32
    %add3A_244 = vector.broadcast %add3A_243 : f32 to vector<3x512xf32>
    %add3A_245 = arith.addf %tanh3A_242, %add3A_244 : vector<3x512xf32>
    %mul3A_246 = arith.constant 5.000000e-01 : f32
    %mul3A_247 = vector.broadcast %mul3A_246 : f32 to vector<3x512xf32>
    %mul3A_248 = arith.mulf %add3A_245, %mul3A_247 : vector<3x512xf32>
    %mul3A_249 = arith.constant 3.100000e+01 : f32
    %mul3A_250 = vector.broadcast %mul3A_249 : f32 to vector<3x512xf32>
    %mul3A_251 = arith.mulf %mul3A_248, %mul3A_250 : vector<3x512xf32>
    %floor3A_252 = math.floor %mul3A_251 : vector<3x512xf32>
    %jit3A_253 = arith.constant 0.000000e+00 : f32
    %jit3A_254 = arith.constant 30 : i32
    %max3A_255 = vector.broadcast %jit3A_253 : f32 to vector<3x512xf32>
    %max3A_256 = arith.maximumf %max3A_255, %floor3A_252 : vector<3x512xf32>
    %convert_element_type3A_257 = arith.sitofp %jit3A_254 : i32 to f32
    %min3A_258 = vector.broadcast %convert_element_type3A_257 : f32 to vector<3x512xf32>
    %min3A_259 = arith.minimumf %min3A_258, %max3A_256 : vector<3x512xf32>
    %sub3A_260 = arith.subf %mul3A_251, %min3A_259 : vector<3x512xf32>
    %convert_element_type3A_261 = arith.fptosi %min3A_259 : vector<3x512xf32> to vector<3x512xi32>
    %slice3A_262 = vector.extract_strided_slice %sub3A_260 {offsets = [0, 0], sizes = [1, 512], strides = [1, 1]} : vector<3x512xf32> to vector<1x512xf32>
    %slice3A_263 = vector.extract_strided_slice %sub3A_260 {offsets = [1, 0], sizes = [1, 512], strides = [1, 1]} : vector<3x512xf32> to vector<1x512xf32>
    %slice3A_264 = vector.extract_strided_slice %sub3A_260 {offsets = [2, 0], sizes = [1, 512], strides = [1, 1]} : vector<3x512xf32> to vector<1x512xf32>
    %slice3A_265 = vector.extract_strided_slice %convert_element_type3A_261 {offsets = [0, 0], sizes = [1, 512], strides = [1, 1]} : vector<3x512xi32> to vector<1x512xi32>
    %mul3A_266 = arith.constant 32 : i32
    %mul3A_267 = vector.broadcast %mul3A_266 : i32 to vector<1x512xi32>
    %mul3A_268 = arith.muli %slice3A_265, %mul3A_267 : vector<1x512xi32>
    %slice3A_269 = vector.extract_strided_slice %convert_element_type3A_261 {offsets = [1, 0], sizes = [1, 512], strides = [1, 1]} : vector<3x512xi32> to vector<1x512xi32>
    %add3A_270 = arith.addi %mul3A_268, %slice3A_269 : vector<1x512xi32>
    %mul3A_271 = arith.constant 32 : i32
    %mul3A_272 = vector.broadcast %mul3A_271 : i32 to vector<1x512xi32>
    %mul3A_273 = arith.muli %add3A_270, %mul3A_272 : vector<1x512xi32>
    %slice3A_274 = vector.extract_strided_slice %convert_element_type3A_261 {offsets = [2, 0], sizes = [1, 512], strides = [1, 1]} : vector<3x512xi32> to vector<1x512xi32>
    %add3A_275 = arith.addi %mul3A_273, %slice3A_274 : vector<1x512xi32>
    %sub3A_276 = arith.constant 1.000000e+00 : f32
    %sub3A_277 = vector.broadcast %sub3A_276 : f32 to vector<1x512xf32>
    %sub3A_278 = arith.subf %sub3A_277, %slice3A_262 : vector<1x512xf32>
    %sub3A_279 = arith.constant 1.000000e+00 : f32
    %sub3A_280 = vector.broadcast %sub3A_279 : f32 to vector<1x512xf32>
    %sub3A_281 = arith.subf %sub3A_280, %slice3A_263 : vector<1x512xf32>
    %sub3A_282 = arith.constant 1.000000e+00 : f32
    %sub3A_283 = vector.broadcast %sub3A_282 : f32 to vector<1x512xf32>
    %sub3A_284 = arith.subf %sub3A_283, %slice3A_264 : vector<1x512xf32>
    %mul3A_285 = arith.mulf %sub3A_278, %sub3A_281 : vector<1x512xf32>
    %mul3A_286 = arith.mulf %mul3A_285, %sub3A_284 : vector<1x512xf32>
    %add3A_287 = arith.constant 0 : i32
    %add3A_288 = vector.broadcast %add3A_287 : i32 to vector<1x512xi32>
    %add3A_289 = arith.addi %add3A_275, %add3A_288 : vector<1x512xi32>
    %mul3A_290 = arith.mulf %sub3A_278, %sub3A_281 : vector<1x512xf32>
    %mul3A_291 = arith.mulf %mul3A_290, %slice3A_264 : vector<1x512xf32>
    %add3A_292 = arith.constant 1 : i32
    %add3A_293 = vector.broadcast %add3A_292 : i32 to vector<1x512xi32>
    %add3A_294 = arith.addi %add3A_275, %add3A_293 : vector<1x512xi32>
    %sub3A_295 = arith.constant 1.000000e+00 : f32
    %sub3A_296 = vector.broadcast %sub3A_295 : f32 to vector<1x512xf32>
    %sub3A_297 = arith.subf %sub3A_296, %slice3A_264 : vector<1x512xf32>
    %mul3A_298 = arith.mulf %sub3A_278, %slice3A_263 : vector<1x512xf32>
    %mul3A_299 = arith.mulf %mul3A_298, %sub3A_297 : vector<1x512xf32>
    %add3A_300 = arith.constant 32 : i32
    %add3A_301 = vector.broadcast %add3A_300 : i32 to vector<1x512xi32>
    %add3A_302 = arith.addi %add3A_275, %add3A_301 : vector<1x512xi32>
    %mul3A_303 = arith.mulf %sub3A_278, %slice3A_263 : vector<1x512xf32>
    %mul3A_304 = arith.mulf %mul3A_303, %slice3A_264 : vector<1x512xf32>
    %add3A_305 = arith.constant 33 : i32
    %add3A_306 = vector.broadcast %add3A_305 : i32 to vector<1x512xi32>
    %add3A_307 = arith.addi %add3A_275, %add3A_306 : vector<1x512xi32>
    %sub3A_308 = arith.constant 1.000000e+00 : f32
    %sub3A_309 = vector.broadcast %sub3A_308 : f32 to vector<1x512xf32>
    %sub3A_310 = arith.subf %sub3A_309, %slice3A_263 : vector<1x512xf32>
    %sub3A_311 = arith.constant 1.000000e+00 : f32
    %sub3A_312 = vector.broadcast %sub3A_311 : f32 to vector<1x512xf32>
    %sub3A_313 = arith.subf %sub3A_312, %slice3A_264 : vector<1x512xf32>
    %mul3A_314 = arith.mulf %slice3A_262, %sub3A_310 : vector<1x512xf32>
    %mul3A_315 = arith.mulf %mul3A_314, %sub3A_313 : vector<1x512xf32>
    %add3A_316 = arith.constant 1024 : i32
    %add3A_317 = vector.broadcast %add3A_316 : i32 to vector<1x512xi32>
    %add3A_318 = arith.addi %add3A_275, %add3A_317 : vector<1x512xi32>
    %mul3A_319 = arith.mulf %slice3A_262, %sub3A_310 : vector<1x512xf32>
    %mul3A_320 = arith.mulf %mul3A_319, %slice3A_264 : vector<1x512xf32>
    %add3A_321 = arith.constant 1025 : i32
    %add3A_322 = vector.broadcast %add3A_321 : i32 to vector<1x512xi32>
    %add3A_323 = arith.addi %add3A_275, %add3A_322 : vector<1x512xi32>
    %sub3A_324 = arith.constant 1.000000e+00 : f32
    %sub3A_325 = vector.broadcast %sub3A_324 : f32 to vector<1x512xf32>
    %sub3A_326 = arith.subf %sub3A_325, %slice3A_264 : vector<1x512xf32>
    %mul3A_327 = arith.mulf %slice3A_262, %slice3A_263 : vector<1x512xf32>
    %mul3A_328 = arith.mulf %mul3A_327, %sub3A_326 : vector<1x512xf32>
    %add3A_329 = arith.constant 1056 : i32
    %add3A_330 = vector.broadcast %add3A_329 : i32 to vector<1x512xi32>
    %add3A_331 = arith.addi %add3A_275, %add3A_330 : vector<1x512xi32>
    %mul3A_332 = arith.mulf %slice3A_262, %slice3A_263 : vector<1x512xf32>
    %mul3A_333 = arith.mulf %mul3A_332, %slice3A_264 : vector<1x512xf32>
    %add3A_334 = arith.constant 1057 : i32
    %add3A_335 = vector.broadcast %add3A_334 : i32 to vector<1x512xi32>
    %add3A_336 = arith.addi %add3A_275, %add3A_335 : vector<1x512xi32>
    %concatenate3A_337 = tpu.concatenate %mul3A_286, %mul3A_291, %mul3A_299, %mul3A_304, %mul3A_315, %mul3A_320, %mul3A_328, %mul3A_333 in 0 : vector<1x512xf32>, vector<1x512xf32>, vector<1x512xf32>, vector<1x512xf32>, vector<1x512xf32>, vector<1x512xf32>, vector<1x512xf32>, vector<1x512xf32> -> vector<8x512xf32>
    %concatenate3A_338 = tpu.concatenate %add3A_289, %add3A_294, %add3A_302, %add3A_307, %add3A_318, %add3A_323, %add3A_331, %add3A_336 in 0 : vector<1x512xi32>, vector<1x512xi32>, vector<1x512xi32>, vector<1x512xi32>, vector<1x512xi32>, vector<1x512xi32>, vector<1x512xi32>, vector<1x512xi32> -> vector<8x512xi32>
    %slice3A_339 = vector.extract_strided_slice %dot_general3A_36 {offsets = [9, 0], sizes = [3, 512], strides = [1, 1]} : vector<16x512xf32> to vector<3x512xf32>
    %tanh3A_340 = math.tanh %slice3A_339 : vector<3x512xf32>
    %add3A_341 = arith.constant 1.000000e+00 : f32
    %add3A_342 = vector.broadcast %add3A_341 : f32 to vector<3x512xf32>
    %add3A_343 = arith.addf %tanh3A_340, %add3A_342 : vector<3x512xf32>
    %mul3A_344 = arith.constant 5.000000e-01 : f32
    %mul3A_345 = vector.broadcast %mul3A_344 : f32 to vector<3x512xf32>
    %mul3A_346 = arith.mulf %add3A_343, %mul3A_345 : vector<3x512xf32>
    %mul3A_347 = arith.constant 3.100000e+01 : f32
    %mul3A_348 = vector.broadcast %mul3A_347 : f32 to vector<3x512xf32>
    %mul3A_349 = arith.mulf %mul3A_346, %mul3A_348 : vector<3x512xf32>
    %floor3A_350 = math.floor %mul3A_349 : vector<3x512xf32>
    %jit3A_351 = arith.constant 0.000000e+00 : f32
    %jit3A_352 = arith.constant 30 : i32
    %max3A_353 = vector.broadcast %jit3A_351 : f32 to vector<3x512xf32>
    %max3A_354 = arith.maximumf %max3A_353, %floor3A_350 : vector<3x512xf32>
    %convert_element_type3A_355 = arith.sitofp %jit3A_352 : i32 to f32
    %min3A_356 = vector.broadcast %convert_element_type3A_355 : f32 to vector<3x512xf32>
    %min3A_357 = arith.minimumf %min3A_356, %max3A_354 : vector<3x512xf32>
    %sub3A_358 = arith.subf %mul3A_349, %min3A_357 : vector<3x512xf32>
    %convert_element_type3A_359 = arith.fptosi %min3A_357 : vector<3x512xf32> to vector<3x512xi32>
    %slice3A_360 = vector.extract_strided_slice %sub3A_358 {offsets = [0, 0], sizes = [1, 512], strides = [1, 1]} : vector<3x512xf32> to vector<1x512xf32>
    %slice3A_361 = vector.extract_strided_slice %sub3A_358 {offsets = [1, 0], sizes = [1, 512], strides = [1, 1]} : vector<3x512xf32> to vector<1x512xf32>
    %slice3A_362 = vector.extract_strided_slice %sub3A_358 {offsets = [2, 0], sizes = [1, 512], strides = [1, 1]} : vector<3x512xf32> to vector<1x512xf32>
    %slice3A_363 = vector.extract_strided_slice %convert_element_type3A_359 {offsets = [0, 0], sizes = [1, 512], strides = [1, 1]} : vector<3x512xi32> to vector<1x512xi32>
    %mul3A_364 = arith.constant 32 : i32
    %mul3A_365 = vector.broadcast %mul3A_364 : i32 to vector<1x512xi32>
    %mul3A_366 = arith.muli %slice3A_363, %mul3A_365 : vector<1x512xi32>
    %slice3A_367 = vector.extract_strided_slice %convert_element_type3A_359 {offsets = [1, 0], sizes = [1, 512], strides = [1, 1]} : vector<3x512xi32> to vector<1x512xi32>
    %add3A_368 = arith.addi %mul3A_366, %slice3A_367 : vector<1x512xi32>
    %mul3A_369 = arith.constant 32 : i32
    %mul3A_370 = vector.broadcast %mul3A_369 : i32 to vector<1x512xi32>
    %mul3A_371 = arith.muli %add3A_368, %mul3A_370 : vector<1x512xi32>
    %slice3A_372 = vector.extract_strided_slice %convert_element_type3A_359 {offsets = [2, 0], sizes = [1, 512], strides = [1, 1]} : vector<3x512xi32> to vector<1x512xi32>
    %add3A_373 = arith.addi %mul3A_371, %slice3A_372 : vector<1x512xi32>
    %sub3A_374 = arith.constant 1.000000e+00 : f32
    %sub3A_375 = vector.broadcast %sub3A_374 : f32 to vector<1x512xf32>
    %sub3A_376 = arith.subf %sub3A_375, %slice3A_360 : vector<1x512xf32>
    %sub3A_377 = arith.constant 1.000000e+00 : f32
    %sub3A_378 = vector.broadcast %sub3A_377 : f32 to vector<1x512xf32>
    %sub3A_379 = arith.subf %sub3A_378, %slice3A_361 : vector<1x512xf32>
    %sub3A_380 = arith.constant 1.000000e+00 : f32
    %sub3A_381 = vector.broadcast %sub3A_380 : f32 to vector<1x512xf32>
    %sub3A_382 = arith.subf %sub3A_381, %slice3A_362 : vector<1x512xf32>
    %mul3A_383 = arith.mulf %sub3A_376, %sub3A_379 : vector<1x512xf32>
    %mul3A_384 = arith.mulf %mul3A_383, %sub3A_382 : vector<1x512xf32>
    %add3A_385 = arith.constant 0 : i32
    %add3A_386 = vector.broadcast %add3A_385 : i32 to vector<1x512xi32>
    %add3A_387 = arith.addi %add3A_373, %add3A_386 : vector<1x512xi32>
    %mul3A_388 = arith.mulf %sub3A_376, %sub3A_379 : vector<1x512xf32>
    %mul3A_389 = arith.mulf %mul3A_388, %slice3A_362 : vector<1x512xf32>
    %add3A_390 = arith.constant 1 : i32
    %add3A_391 = vector.broadcast %add3A_390 : i32 to vector<1x512xi32>
    %add3A_392 = arith.addi %add3A_373, %add3A_391 : vector<1x512xi32>
    %sub3A_393 = arith.constant 1.000000e+00 : f32
    %sub3A_394 = vector.broadcast %sub3A_393 : f32 to vector<1x512xf32>
    %sub3A_395 = arith.subf %sub3A_394, %slice3A_362 : vector<1x512xf32>
    %mul3A_396 = arith.mulf %sub3A_376, %slice3A_361 : vector<1x512xf32>
    %mul3A_397 = arith.mulf %mul3A_396, %sub3A_395 : vector<1x512xf32>
    %add3A_398 = arith.constant 32 : i32
    %add3A_399 = vector.broadcast %add3A_398 : i32 to vector<1x512xi32>
    %add3A_400 = arith.addi %add3A_373, %add3A_399 : vector<1x512xi32>
    %mul3A_401 = arith.mulf %sub3A_376, %slice3A_361 : vector<1x512xf32>
    %mul3A_402 = arith.mulf %mul3A_401, %slice3A_362 : vector<1x512xf32>
    %add3A_403 = arith.constant 33 : i32
    %add3A_404 = vector.broadcast %add3A_403 : i32 to vector<1x512xi32>
    %add3A_405 = arith.addi %add3A_373, %add3A_404 : vector<1x512xi32>
    %sub3A_406 = arith.constant 1.000000e+00 : f32
    %sub3A_407 = vector.broadcast %sub3A_406 : f32 to vector<1x512xf32>
    %sub3A_408 = arith.subf %sub3A_407, %slice3A_361 : vector<1x512xf32>
    %sub3A_409 = arith.constant 1.000000e+00 : f32
    %sub3A_410 = vector.broadcast %sub3A_409 : f32 to vector<1x512xf32>
    %sub3A_411 = arith.subf %sub3A_410, %slice3A_362 : vector<1x512xf32>
    %mul3A_412 = arith.mulf %slice3A_360, %sub3A_408 : vector<1x512xf32>
    %mul3A_413 = arith.mulf %mul3A_412, %sub3A_411 : vector<1x512xf32>
    %add3A_414 = arith.constant 1024 : i32
    %add3A_415 = vector.broadcast %add3A_414 : i32 to vector<1x512xi32>
    %add3A_416 = arith.addi %add3A_373, %add3A_415 : vector<1x512xi32>
    %mul3A_417 = arith.mulf %slice3A_360, %sub3A_408 : vector<1x512xf32>
    %mul3A_418 = arith.mulf %mul3A_417, %slice3A_362 : vector<1x512xf32>
    %add3A_419 = arith.constant 1025 : i32
    %add3A_420 = vector.broadcast %add3A_419 : i32 to vector<1x512xi32>
    %add3A_421 = arith.addi %add3A_373, %add3A_420 : vector<1x512xi32>
    %sub3A_422 = arith.constant 1.000000e+00 : f32
    %sub3A_423 = vector.broadcast %sub3A_422 : f32 to vector<1x512xf32>
    %sub3A_424 = arith.subf %sub3A_423, %slice3A_362 : vector<1x512xf32>
    %mul3A_425 = arith.mulf %slice3A_360, %slice3A_361 : vector<1x512xf32>
    %mul3A_426 = arith.mulf %mul3A_425, %sub3A_424 : vector<1x512xf32>
    %add3A_427 = arith.constant 1056 : i32
    %add3A_428 = vector.broadcast %add3A_427 : i32 to vector<1x512xi32>
    %add3A_429 = arith.addi %add3A_373, %add3A_428 : vector<1x512xi32>
    %mul3A_430 = arith.mulf %slice3A_360, %slice3A_361 : vector<1x512xf32>
    %mul3A_431 = arith.mulf %mul3A_430, %slice3A_362 : vector<1x512xf32>
    %add3A_432 = arith.constant 1057 : i32
    %add3A_433 = vector.broadcast %add3A_432 : i32 to vector<1x512xi32>
    %add3A_434 = arith.addi %add3A_373, %add3A_433 : vector<1x512xi32>
    %concatenate3A_435 = tpu.concatenate %mul3A_384, %mul3A_389, %mul3A_397, %mul3A_402, %mul3A_413, %mul3A_418, %mul3A_426, %mul3A_431 in 0 : vector<1x512xf32>, vector<1x512xf32>, vector<1x512xf32>, vector<1x512xf32>, vector<1x512xf32>, vector<1x512xf32>, vector<1x512xf32>, vector<1x512xf32> -> vector<8x512xf32>
    %concatenate3A_436 = tpu.concatenate %add3A_387, %add3A_392, %add3A_400, %add3A_405, %add3A_416, %add3A_421, %add3A_429, %add3A_434 in 0 : vector<1x512xi32>, vector<1x512xi32>, vector<1x512xi32>, vector<1x512xi32>, vector<1x512xi32>, vector<1x512xi32>, vector<1x512xi32>, vector<1x512xi32> -> vector<8x512xi32>
    %get3A_437 = arith.constant 0 : index
    %get3A_438 = arith.constant 0 : index
    %get3A_439 = memref.load %arg12[%get3A_437, %get3A_438] : memref<1x1xf32, #tpu.memory_space<smem>>
    %add3A_440 = arith.addf %get3A_439, %reduce_sum3A_41 : f32
    %swap3A = arith.constant 0 : index
    %swap3A_441 = arith.constant 0 : index
    %swap3A_442 = memref.load %arg12[%swap3A, %swap3A_441] : memref<1x1xf32, #tpu.memory_space<smem>>
    memref.store %add3A_440, %arg12[%swap3A, %swap3A_441] : memref<1x1xf32, #tpu.memory_space<smem>>
    %get3A_443 = arith.constant 0 : index
    %get3A_444 = arith.constant 0 : index
    %get3A_445 = memref.load %arg13[%get3A_443, %get3A_444] : memref<1x1xf32, #tpu.memory_space<smem>>
    %add3A_446 = arith.addf %get3A_445, %reduce_sum3A_49 : f32
    %swap3A_447 = arith.constant 0 : index
    %swap3A_448 = arith.constant 0 : index
    %swap3A_449 = memref.load %arg13[%swap3A_447, %swap3A_448] : memref<1x1xf32, #tpu.memory_space<smem>>
    memref.store %add3A_446, %arg13[%swap3A_447, %swap3A_448] : memref<1x1xf32, #tpu.memory_space<smem>>
    %concatenate3A_450 = tpu.concatenate %concatenate3A_141, %concatenate3A_239, %concatenate3A_337, %concatenate3A_435 in 0 : vector<8x512xf32>, vector<8x512xf32>, vector<8x512xf32>, vector<8x512xf32> -> vector<32x512xf32>
    %swap3A_451 = arith.constant 0 : index
    %swap3A_452 = arith.constant 0 : index
    %swap3A_453 = arith.constant 0 : index
    %swap3A_454 = vector.load %arg10[%swap3A_451, %swap3A_452, %swap3A_453] : memref<1x32x512xf32, #tpu.memory_space<vmem>>, vector<1x32x512xf32>
    %swap3A_455 = vector.shape_cast %swap3A_454 : vector<1x32x512xf32> to vector<32x512xf32>
    %swap3A_456 = vector.shape_cast %concatenate3A_450 : vector<32x512xf32> to vector<1x32x512xf32>
    tpu.vector_store %arg10[%swap3A_451, %swap3A_452, %swap3A_453], %swap3A_456 {strides = array<i32>} : memref<1x32x512xf32, #tpu.memory_space<vmem>>, vector<1x32x512xf32>,
    %concatenate3A_457 = tpu.concatenate %concatenate3A_142, %concatenate3A_240, %concatenate3A_338, %concatenate3A_436 in 0 : vector<8x512xi32>, vector<8x512xi32>, vector<8x512xi32>, vector<8x512xi32> -> vector<32x512xi32>
    %swap3A_458 = arith.constant 0 : index
    %swap3A_459 = arith.constant 0 : index
    %swap3A_460 = arith.constant 0 : index
    %swap3A_461 = vector.load %arg11[%swap3A_458, %swap3A_459, %swap3A_460] : memref<1x32x512xi32, #tpu.memory_space<vmem>>, vector<1x32x512xi32>
    %swap3A_462 = vector.shape_cast %swap3A_461 : vector<1x32x512xi32> to vector<32x512xi32>
    %swap3A_463 = vector.shape_cast %concatenate3A_457 : vector<32x512xi32> to vector<1x32x512xi32>
    tpu.vector_store %arg11[%swap3A_458, %swap3A_459, %swap3A_460], %swap3A_463 {strides = array<i32>} : memref<1x32x512xi32, #tpu.memory_space<vmem>>, vector<1x32x512xi32>,
    %slice3A_464 = vector.extract_strided_slice %add3A_23 {offsets = [12, 0], sizes = [128, 512], strides = [1, 1]} : vector<144x512xf32> to vector<128x512xf32>
    %swap3A_465 = arith.constant 0 : index
    %swap3A_466 = arith.constant 0 : index
    %swap3A_467 = arith.constant 0 : index
    %swap3A_468 = vector.load %arg9[%swap3A_465, %swap3A_466, %swap3A_467] : memref<1x128x512xf32, #tpu.memory_space<vmem>>, vector<1x128x512xf32>
    %swap3A_469 = vector.shape_cast %swap3A_468 : vector<1x128x512xf32> to vector<128x512xf32>
    %swap3A_470 = vector.shape_cast %slice3A_464 : vector<128x512xf32> to vector<1x128x512xf32>
    tpu.vector_store %arg9[%swap3A_465, %swap3A_466, %swap3A_467], %swap3A_470 {strides = array<i32>} : memref<1x128x512xf32, #tpu.memory_space<vmem>>, vector<1x128x512xf32>,
    return
  }
  func.func @transform_0(%arg0: i32, %arg1: i32) -> (i32, i32, i32) {
    %c0_i32 = arith.constant 0 : i32
    %c0_i32_0 = arith.constant 0 : i32
    return %arg0, %c0_i32, %arg1 : i32, i32, i32
  }
  func.func @transform_1(%arg0: i32, %arg1: i32) -> (i32, i32, i32) {
    %c0_i32 = arith.constant 0 : i32
    %c0_i32_0 = arith.constant 0 : i32
    return %arg0, %c0_i32, %arg1 : i32, i32, i32
  }
  func.func @transform_2(%arg0: i32, %arg1: i32) -> (i32, i32) {
    %c0_i32 = arith.constant 0 : i32
    %c0_i32_0 = arith.constant 0 : i32
    %c0_i32_1 = arith.constant 0 : i32
    return %c0_i32, %c0_i32_0 : i32, i32
  }
  func.func @transform_3(%arg0: i32, %arg1: i32) -> (i32, i32) {
    %c0_i32 = arith.constant 0 : i32
    %c0_i32_0 = arith.constant 0 : i32
    %c0_i32_1 = arith.constant 0 : i32
    return %c0_i32, %c0_i32_0 : i32, i32
  }
  func.func @transform_4(%arg0: i32, %arg1: i32) -> (i32, i32) {
    %c0_i32 = arith.constant 0 : i32
    %c0_i32_0 = arith.constant 0 : i32
    %c0_i32_1 = arith.constant 0 : i32
    return %c0_i32, %c0_i32_0 : i32, i32
  }
  func.func @transform_5(%arg0: i32, %arg1: i32) -> (i32, i32) {
    %c0_i32 = arith.constant 0 : i32
    %c0_i32_0 = arith.constant 0 : i32
    %c0_i32_1 = arith.constant 0 : i32
    return %c0_i32, %c0_i32_0 : i32, i32
  }
  func.func @transform_6(%arg0: i32, %arg1: i32) -> (i32, i32) {
    %c0_i32 = arith.constant 0 : i32
    %c0_i32_0 = arith.constant 0 : i32
    %c0_i32_1 = arith.constant 0 : i32
    return %c0_i32, %c0_i32_0 : i32, i32
  }
  func.func @transform_7(%arg0: i32, %arg1: i32) -> (i32, i32, i32) {
    %c0_i32 = arith.constant 0 : i32
    %c0_i32_0 = arith.constant 0 : i32
    return %arg0, %c0_i32, %arg1 : i32, i32, i32
  }
  func.func @transform_8(%arg0: i32, %arg1: i32) -> (i32, i32, i32) {
    %c0_i32 = arith.constant 0 : i32
    %c0_i32_0 = arith.constant 0 : i32
    return %arg0, %c0_i32, %arg1 : i32, i32, i32
  }
  func.func @transform_9(%arg0: i32, %arg1: i32) -> (i32, i32, i32) {
    %c0_i32 = arith.constant 0 : i32
    %c0_i32_0 = arith.constant 0 : i32
    return %arg0, %c0_i32, %arg1 : i32, i32, i32
  }
  func.func @transform_10(%arg0: i32, %arg1: i32) -> (i32, i32) {
    %c0_i32 = arith.constant 0 : i32
    %c0_i32_0 = arith.constant 0 : i32
    %c0_i32_1 = arith.constant 0 : i32
    return %c0_i32, %c0_i32_0 : i32, i32
  }
  func.func @transform_11(%arg0: i32, %arg1: i32) -> (i32, i32) {
    %c0_i32 = arith.constant 0 : i32
    %c0_i32_0 = arith.constant 0 : i32
    %c0_i32_1 = arith.constant 0 : i32
    return %c0_i32, %c0_i32_0 : i32, i32
  }
}

module attributes {stable_mosaic.version = 14 : i64} {
  func.func @_final_body(%arg0: i32, %arg1: i32, %arg2: memref<1x2048x32xf32, #tpu.memory_space<vmem>>, %arg3: memref<1x32x2048xf32, #tpu.memory_space<vmem>>, %arg4: memref<1x1xi32, #tpu.memory_space<smem>>) attributes {dimension_semantics = [#tpu.dimension_semantics<arbitrary>, #tpu.dimension_semantics<arbitrary>], iteration_bounds = array<i64: 16, 16>, scalar_prefetch = 0 : i64, scratch_operands = 0 : i64, tpu.core_type = #tpu.core_type<tc>, window_params = [{transform_indices = @transform_0, window_bounds = array<i64: 1, 2048, 32>}, {transform_indices = @transform_1, window_bounds = array<i64: 1, 32, 2048>}, {transform_indices = @transform_2, window_bounds = array<i64: 1, 1>}]} {
    %eq3A = arith.constant 0 : i32
    %eq3A_0 = arith.cmpi eq, %arg0, %eq3A : i32
    %eq3A_1 = arith.constant 0 : i32
    %eq3A_2 = arith.cmpi eq, %arg1, %eq3A_1 : i32
    %and3A = arith.andi %eq3A_0, %eq3A_2 : i1
    %convert_element_type3A = arith.extui %and3A : i1 to i32
    %cond3A = arith.constant 0 : i32
    %cond3A_3 = arith.cmpi ne, %convert_element_type3A, %cond3A : i32
    scf.if %cond3A_3 {
      %swap3A_26 = arith.constant 0 : i32
      %swap3A_27 = arith.constant 0 : index
      %swap3A_28 = arith.constant 0 : index
      %swap3A_29 = memref.load %arg4[%swap3A_27, %swap3A_28] : memref<1x1xi32, #tpu.memory_space<smem>>
      memref.store %swap3A_26, %arg4[%swap3A_27, %swap3A_28] : memref<1x1xi32, #tpu.memory_space<smem>>
    } else {
    }
    %get3A = arith.constant 0 : index
    %get3A_4 = arith.constant 0 : index
    %get3A_5 = arith.constant 0 : index
    %get3A_6 = vector.load %arg2[%get3A, %get3A_4, %get3A_5] : memref<1x2048x32xf32, #tpu.memory_space<vmem>>, vector<1x2048x32xf32>
    %get3A_7 = vector.shape_cast %get3A_6 : vector<1x2048x32xf32> to vector<2048x32xf32>
    %transpose3A = tpu.transpose %get3A_7, [1, 0] : vector<2048x32xf32> -> vector<32x2048xf32>
    %swap3A = arith.constant 0 : index
    %swap3A_8 = arith.constant 0 : index
    %swap3A_9 = arith.constant 0 : index
    %swap3A_10 = vector.load %arg3[%swap3A, %swap3A_8, %swap3A_9] : memref<1x32x2048xf32, #tpu.memory_space<vmem>>, vector<1x32x2048xf32>
    %swap3A_11 = vector.shape_cast %swap3A_10 : vector<1x32x2048xf32> to vector<32x2048xf32>
    %swap3A_12 = vector.shape_cast %transpose3A : vector<32x2048xf32> to vector<1x32x2048xf32>
    tpu.vector_store %arg3[%swap3A, %swap3A_8, %swap3A_9], %swap3A_12 {strides = array<i32>} : memref<1x32x2048xf32, #tpu.memory_space<vmem>>, vector<1x32x2048xf32>,
    %get3A_13 = arith.constant 0 : index
    %get3A_14 = arith.constant 0 : index
    %get3A_15 = memref.load %arg4[%get3A_13, %get3A_14] : memref<1x1xi32, #tpu.memory_space<smem>>
    %abs3A = math.absf %get3A_7 : vector<2048x32xf32>
    %gt3A = arith.constant 9.99999971E-10 : f32
    %gt3A_16 = vector.broadcast %gt3A : f32 to vector<2048x32xf32>
    %gt3A_17 = arith.cmpf ogt, %abs3A, %gt3A_16 : vector<2048x32xf32>
    %convert_element_type3A_18 = arith.extui %gt3A_17 : vector<2048x32xi1> to vector<2048x32xi32>
    %reduce_sum3A = vector.shape_cast %convert_element_type3A_18 : vector<2048x32xi32> to vector<1x2048x32xi32>
    %reduce_sum3A_19 = arith.constant dense<0> : vector<1xi32>
    %reduce_sum3A_20 = vector.multi_reduction <add>, %reduce_sum3A, %reduce_sum3A_19 [1, 2] : vector<1x2048x32xi32> to vector<1xi32>
    %reduce_sum3A_21 = vector.shape_cast %reduce_sum3A_20 : vector<1xi32> to vector<1x1x1xi32>
    %reduce_sum3A_22 = vector.extract %reduce_sum3A_21[0, 0, 0] : i32 from vector<1x1x1xi32>
    %add3A = arith.addi %get3A_15, %reduce_sum3A_22 : i32
    %swap3A_23 = arith.constant 0 : index
    %swap3A_24 = arith.constant 0 : index
    %swap3A_25 = memref.load %arg4[%swap3A_23, %swap3A_24] : memref<1x1xi32, #tpu.memory_space<smem>>
    memref.store %add3A, %arg4[%swap3A_23, %swap3A_24] : memref<1x1xi32, #tpu.memory_space<smem>>
    return
  }
  func.func @transform_0(%arg0: i32, %arg1: i32) -> (i32, i32, i32) {
    %c0_i32 = arith.constant 0 : i32
    %c0_i32_0 = arith.constant 0 : i32
    return %arg0, %arg1, %c0_i32 : i32, i32, i32
  }
  func.func @transform_1(%arg0: i32, %arg1: i32) -> (i32, i32, i32) {
    %c0_i32 = arith.constant 0 : i32
    %c0_i32_0 = arith.constant 0 : i32
    return %arg0, %c0_i32, %arg1 : i32, i32, i32
  }
  func.func @transform_2(%arg0: i32, %arg1: i32) -> (i32, i32) {
    %c0_i32 = arith.constant 0 : i32
    %c0_i32_0 = arith.constant 0 : i32
    %c0_i32_1 = arith.constant 0 : i32
    return %c0_i32, %c0_i32_0 : i32, i32
  }
}

</mosaic_0001>

<sc_bundles>
// kernel: kernel.6.cloned.1.call-start
scs
__scs_entry_jumppad:
0x0: {  	(pc) =	sbr.rel $0x88, $3  }
0x1: {  	(tag) =	ssettag $0x0;
	lr =	simm.s32 $0x1  }
0x2: {  	[smem:$0x3F99] =	sst lr;
	_ =	strace $0xD0000000  }
0x3: {  	_ = 	snop  }
0x4: {  	_ = 	snop  }
0x5: {  	_ = 	snop  }
0x6: {  	_ = 	snop  }
0x7: {  	_ = 	snop  }
__scs_overlays_trampoline_lowered:
0x8: {  	[smem:$0x3FA8] =	sst s0  }
0x9: {  	[smem:$0x3FA9] =	sst s1  }
0xa: {  	[smem:$0x3FAA] =	sst s2  }
0xb: {  	[smem:$0x3FAB] =	sst s3  }
0xc: {  	[smem:$0x3FAC] =	sst s4  }
0xd: {  	[smem:$0x3FAD] =	sst s5  }
0xe: {  	[smem:$0x3FAE] =	sst s6  }
0xf: {  	[smem:$0x3FAF] =	sst s7  }
0x10: {  	[smem:$0x3FB0] =	sst s8  }
0x11: {  	[smem:$0x3FB1] =	sst s9;
	s0 =	simm.s32 @!p0 $0x0  }
0x12: {  	s1 =	sld [smem:$0x3F97];
	s0 =	simm.s32 @p0 $0x1  }
0x13: {  	[smem:$0x3FB2] =	sst s0;
	s0 =	simm.s32 @!p1 $0x0  }
0x14: {  	s2 =	sld [smem:$0x3F96];
	s0 =	simm.s32 @p1 $0x1  }
0x15: {  	[smem:$0x3FB3] =	sst s0;
	s0 =	simm.s32 @!p2 $0x0  }
0x16: {  	s3 =	sld [smem:$0x3FDB];
	s0 =	simm.s32 @p2 $0x1  }
0x17: {  	s4 =	simm.s32 $0x1BF5;
	[smem:$0x3FB5] =	sst s0  }
0x18: {  	s0 =	sld [smem:$0x3F98];
	_ =	swait.ge [sflag:s4], $0x0  }
0x19: {  	s7 =	sld [smem:$0x3F99]  }
0x1a: {  	s8 =	sadd.s32 $0xFFFFE003, lr  }
0x1b: {  	s9 =	sadd.s32 $0xFFFFFEF7, lr;
	s5 =	simm.s32 $0xFFFFFFFF;
	p2 =	slt.u32 s8, $0xFFFFF086  }
0x1c: {  	p1 =	slt.u32 s9, $0xF7A;
	s5 =	simm.s32 @!p2 $0x0  }
0x1d: {  	s5 =	simm.s32 @p1 $0x1;
	p0 =	seq.s32 s7, s2  }
0x1e: {  	s7 =	smul.u32 @!p0 $0xF7A, s2;
	p2 =	seq.s32 @!p0 s5, $0x0  }
0x1f: {  	s9 =	smul.u32 $0xF7A, s1;
	s8 =	simm.s32 @!p0 $0x1BF5;
	p2 =	por !p2, p0  }
0x20: {  	[sflag:s8] =	ssyncset.s32 @!p0 $0xFFFFF086;
	s6 =	sadd.s32 @!p0 s3, s7;
	s7 =	simm.s32 @!p0 $0x108  }
0x21: {  	s3 =	sadd.s32 s3, s9;
	s6 =	sadd.s32 @!p0 $0x88, s6;
	s7 =	simm.s32 @p2 $0x1082  }
0x22: {  	[simem:s7], [sflag:s8] =	dma.local @!p0 [hbm:s6], $0xF7A  }
0x23: {  	s9 =	sor.u32 $0xD0000000, s2;
	s6 =	simm.s32 $0x108;
	_ =	swait.ge @!p0 [sflag:s8], $0x0  }
0x24: {  	s3 =	sadd.s32 $0x88, s3;
	s6 =	simm.s32 @!p1 $0x1082;
	[sflag:s4] =	ssyncset.s32 $0xFFFFF086  }
0x25: {  	[simem:s6], [sflag:s4] =	dma.local [hbm:s3], $0xF7A  }
0x26: {  	[smem:$0x3F99] =	sst s1;
	(tag) =	ssettag s2;
	_ =	strace s9  }
0x27: {  	s1 =	sld [smem:$0x3FA9]  }
0x28: {  	s2 =	sld [smem:$0x3FAA]  }
0x29: {  	s4 =	sld [smem:$0x3FAC]  }
0x2a: {  	p0 =	seq.s32 s5, $0x0;
	s5 =	sld [smem:$0x3FAD]  }
0x2b: {  	s6 =	sld [smem:$0x3FAE]  }
0x2c: {  	s7 =	sld [smem:$0x3FAF]  }
0x2d: {  	s3 =	simm.s32 $0x108;
	s8 =	sld [smem:$0x3FB0]  }
0x2e: {  	s3 =	simm.s32 @!p0 $0x1082;
	s9 =	sld [smem:$0x3FB1]  }
0x2f: {  	lr =	sadd.s32 s0, s3;
	s0 =	sld [smem:$0x3FA8]  }
0x30: {  	s3 =	sld [smem:$0x3FAB]  }
0x31: {  	[smem:$0x3FB4] =	sst s10  }
0x32: {  	s10 =	sld [smem:$0x3FB2];
	_ =	sdelay $0x3  }
0x33: {  	p0 =	seq.s32 s10, $0x1;
	s10 =	sld [smem:$0x3FB4];
	_ =	sdelay $0x3  }
0x34: {  	[smem:$0x3FB4] =	sst s10  }
0x35: {  	s10 =	sld [smem:$0x3FB3];
	_ =	sdelay $0x3  }
0x36: {  	p1 =	seq.s32 s10, $0x1;
	s10 =	sld [smem:$0x3FB4];
	_ =	sdelay $0x3  }
0x37: {  	[smem:$0x3FB4] =	sst s10  }
0x38: {  	s10 =	sld [smem:$0x3FB5]  }
0x39: {  	_ = 	snop;
	(pc) =	sbr.ind lr, $3  }
0x3a: {  	_ = 	snop  }
0x3b: {  	_ = 	snop  }
0x3c: {  	p2 =	seq.s32 s10, $0x1;
	s10 =	sld [smem:$0x3FB4]  }
0x3d: {  	_ =	shalt  }
0x3e: {  	_ =	shalt  }
0x3f: {  	_ =	shalt  }
0x40: {  	_ =	shalt  }
0x41: {  	_ =	shalt  }
0x42: {  	_ =	shalt  }
0x43: {  	_ =	shalt  }
0x44: {  	_ =	shalt  }
0x45: {  	_ =	shalt  }
0x46: {  	_ =	shalt  }
0x47: {  	_ =	shalt  }
0x48: {  	_ =	shalt  }
0x49: {  	_ =	shalt  }
0x4a: {  	_ =	shalt  }
0x4b: {  	_ =	shalt  }
0x4c: {  	_ =	shalt  }
0x4d: {  	_ =	shalt  }
0x4e: {  	_ =	shalt  }
0x4f: {  	_ =	shalt  }
0x50: {  	_ =	shalt  }
0x51: {  	_ =	shalt  }
0x52: {  	_ =	shalt  }
0x53: {  	_ =	shalt  }
0x54: {  	_ =	shalt  }
0x55: {  	_ =	shalt  }
0x56: {  	_ =	shalt  }
0x57: {  	_ =	shalt  }
0x58: {  	_ =	shalt  }
0x59: {  	_ =	shalt  }
0x5a: {  	_ =	shalt  }
0x5b: {  	_ =	shalt  }
0x5c: {  	_ =	shalt  }
0x5d: {  	_ =	shalt  }
0x5e: {  	_ =	shalt  }
0x5f: {  	_ =	shalt  }
0x60: {  	_ =	shalt  }
0x61: {  	_ =	shalt  }
0x62: {  	_ =	shalt  }
0x63: {  	_ =	shalt  }
0x64: {  	_ =	shalt  }
0x65: {  	_ =	shalt  }
0x66: {  	_ =	shalt  }
0x67: {  	_ =	shalt  }
0x68: {  	_ =	shalt  }
0x69: {  	_ =	shalt  }
0x6a: {  	_ =	shalt  }
0x6b: {  	_ =	shalt  }
0x6c: {  	_ =	shalt  }
0x6d: {  	_ =	shalt  }
0x6e: {  	_ =	shalt  }
0x6f: {  	_ =	shalt  }
0x70: {  	_ =	shalt  }
0x71: {  	_ =	shalt  }
0x72: {  	_ =	shalt  }
0x73: {  	_ =	shalt  }
0x74: {  	_ =	shalt  }
0x75: {  	_ =	shalt  }
0x76: {  	_ =	shalt  }
0x77: {  	_ =	shalt  }
0x78: {  	_ =	shalt  }
0x79: {  	_ =	shalt  }
0x7a: {  	_ =	shalt  }
0x7b: {  	_ =	shalt  }
0x7c: {  	_ =	shalt  }
0x7d: {  	_ =	shalt  }
0x7e: {  	_ =	shalt  }
0x7f: {  	_ =	shalt  }
0x80: {  	_ =	shalt  }
0x81: {  	_ =	shalt  }
0x82: {  	_ =	shalt  }
0x83: {  	_ =	shalt  }
0x84: {  	_ =	shalt  }
0x85: {  	_ =	shalt  }
0x86: {  	_ =	shalt  }
0x87: {  	_ =	shalt  }
.Lfunc_end0:
.L_simem_size_0:
called_computation.1_lowered:
.L_overlay_start_0:
0x88: {  	s2 =	sld [smem:$0x3FD9]  }
0x89: {  	s3 =	sld [smem:$0x3FFE];
	_ =	sdelay $0x1  }
0x8a: {  	s1 =	srdreg.scid  }
0x8b: {  	s0 =	sand.u32 $0x1, s1  }
0x8c: {  	s14 =	sshll.u32 s0, $0xA;
	s2 =	sadd.s32 s3, s2  }
0x8d: {  	s2 =	sadd.s32 s2, s14  }
0x8e: {  	[smem:$0x3FC0] =	sst s2  }
0x8f: {  	_ = 	snop  }
0x90: {  	s2 =	sld [smem:$0x3FD0];
	_ =	sdelay $0x2  }
0x91: {  	s15 =	simm.s32 $0xA;
	s4 =	simm.s32 $0x10  }
0x92: {  	[smem:s4], [sflag:s15] =	dma.local [hbm:s2], $0x1  }
0x93: {  	_ =	swait.eq [sflag:s15], $0x1  }
0x94: {  	[sflag:s15] =	ssyncset.done $0x0  }
0x95: {  	[sflag:s15] =	ssyncadd.s32 $0xFFFFFFFF  }
0x96: {  	s16 =	sld [smem:$0x10];
	(tm) =	ssettm $0x1  }
0x97: {  	s17 =	sld [smem:$0x3FFB];
	_ =	sdelay $0x3  }
0x98: {  	_ =	strace s17  }
0x99: {  	s3 =	sld [smem:$0x3FFC];
	_ =	sdelay $0x3  }
0x9a: {  	_ =	strace s3  }
0x9b: {  	s3 =	sld [smem:$0x3FFD];
	_ =	sdelay $0x3  }
0x9c: {  	_ =	strace s3  }
0x9d: {  	_ =	strace $0x8FFFFFFF  }
0x9e: {  	s18 =	sld [smem:$0x3FDB];
	_ =	sdelay $0x1  }
0x9f: {  	s19 =	simm.s32 $_scs_section_size  }
0xa0: {  	s5 =	simm.s32 $_size__tile_overlayer_lowered;
	s6 =	simm.s32 $_tile_overlayer_lowered  }
0xa1: {  	s22 =	simm.s32 $0x1BFF;
	s21 =	sshll.u32 s6, $0x1;
	s3 =	sadd.s32 s19, s18  }
0xa2: {  	s7 =	simm.s32 $0x0;
	s20 =	sshll.u32 s5, $0x1;
	s5 =	sadd.s32 s21, s3  }
0xa3: {  	[timem:s7], [sflag:s22] =	dma.local [hbm:s5], s20  }
0xa4: {  	_ =	swait.ge [sflag:s22], s20  }
0xa5: {  	s4 =	ssub.s32 $0x0, s20;
	[sflag:s22] =	ssyncset.done $0x0  }
0xa6: {  	[sflag:s22] =	ssyncadd.s32 s4;
	_ =	sdelay $0x1  }
0xa7: {  	s23 =	simm.s32 $0x1B8B  }
0xa8: {  	_ =	swait.ge [sflag:s23], $0x1  }
0xa9: {  	[sflag:s23] =	ssyncset.done $0x0  }
0xaa: {  	s25 =	simm.s32 $0x1B8E;
	s24 =	sld [smem:$0x3FFE];
	[sflag:s23] =	ssyncadd.s32 $0xFFFFFFFF  }
0xab: {  	s26 =	simm.s32 $execute0_lowered;
	[smem:$0x3FD2] =	sst s25  }
0xac: {  	s5 =	sshll.u32 s26, $0x1;
	_ =	strace $0x80000049;
	[dreg:$0x1] =	wrdreg $0xFFFFFFFF  }
0xad: {  	s28 =	simm.s32 $_size_execute0_lowered;
	s3 =	sadd.s32 s3, s5;
	[dreg:$0x0] =	wrdreg $0x0  }
0xae: {  	s5 =	sshll.u32 s28, $0x1;
	[dreg:$0x2] =	wrdreg s3  }
0xaf: {  	[dreg:$0x3] =	wrdreg s5  }
0xb0: {  	[dreg:$0x4] =	wrdreg $0xC0  }
0xb1: {  	_ =	task [dreg:s7], $0x5FFFF  }
0xb2: {  	[dreg:$0x1] =	wrdreg $0xFFFFFFFF  }
0xb3: {  	[dreg:$0x0] =	wrdreg $0x60  }
0xb4: {  	[dreg:$0x2] =	wrdreg s24  }
0xb5: {  	[dreg:$0x3] =	wrdreg s16  }
0xb6: {  	[dreg:$0x4] =	wrdreg $0x0  }
0xb7: {  	[dreg:$0x5] =	wrdreg $0x9  }
0xb8: {  	_ =	task.clear_ibuf [dreg:s7], $0x6FFFF;
	_ =	strace $0x90000049  }
0xb9: {  	s29 =	simm.s32 $0x9;
	_ =	strace $0x8000004B  }
0xba: {  	_ =	swait.ge [sflag:s29], $0x1  }
0xbb: {  	[sflag:s29] =	ssyncadd.s32 $0xFFFFFFFF  }
0xbc: {  	_ =	strace $0x9000004B  }
0xbd: {  	_ =	sfence  }
0xbe: {  	s30 =	sld [smem:$0x0];
	_ =	sdelay $0x2  }
0xbf: {  	s31 =	sshll.u32 s1, $0xD;
	s1 =	sshrl.u32 s1, $0x2  }
0xc0: {  	s3 =	sand.u32 $0x4000, s31;
	s1 =	sadd.s32 s1, s30  }
0xc1: {  	s0 =	sor.u32 s3, s0;
	s1 =	sshll.u32 s1, $0x11  }
0xc2: {  	s0 =	sor.u32 s1, s0  }
0xc3: {  	s0 =	sadd.s32 $0x8F2B, s0  }
0xc4: {  	[sflag:s0] =	ssyncadd.remote.s32 $0x1  }
0xc5: {  	_ =	sfence.sel $0xFFFF  }
0xc6: {  	[dreg:$0x0] =	wrdreg $0xFFFFFFFF;
	(pc) =	sbr.abs _section_cstart, $3  }
0xc7: {  	[dreg:$0x1] =	wrdreg $0xFFFFFFFF  }
0xc8: {  	_ =	task.clear_ibuf [dreg:s7], $0x2FFFF;
	_ =	strace $0x9FFFFFFF  }
0xc9: {  	(tm) =	ssettm $0x7FFFFFFF  }
tec
execute0_lowered:
.L_overlay_start_1:
0x0: {  	(tag) =	ssettag $0x1  }
0x1: {  	s0 =	rddreg [dreg:$0x0]  }
0x2: {  	s2 =	rddreg [dreg:$0x2];
	s5 =	simm.s32 $0x0;
	s1 =	srdreg.scid  }
0x3: {  	s4 =	stileid.u32;
	[smem:$0x7FF] =	sst s5;
	s1 =	sand.u32 $0x1, s1  }
0x4: {  	s8 =	sshll.u32 s4, $0x10;
	_ =	strace $0x8000004A;
	[dreg:$0x5] =	wrdreg s1  }
0x5: {  	[dreg:$0x6] =	wrdreg s8;
	s10 =	sadd.s32 s8, s2  }
0x6: {  	s14 =	sadd.s32 $0x1000, s10;
	[dreg:$0x7] =	wrdreg s10  }
0x7: {  	s15 =	sadd.s32 $0x2000, s10;
	[dreg:$0x9] =	wrdreg s14  }
0x8: {  	s16 =	sadd.s32 $0x3000, s10;
	[dreg:$0xa] =	wrdreg s15  }
0x9: {  	s17 =	sadd.s32 $0x4000, s10;
	[dreg:$0xb] =	wrdreg s16  }
0xa: {  	s18 =	sadd.s32 $0x5000, s10;
	[dreg:$0xc] =	wrdreg s17  }
0xb: {  	s19 =	sadd.s32 $0x6000, s10;
	[dreg:$0xd] =	wrdreg s18  }
0xc: {  	s30 =	simm.s32 $0x1;
	s20 =	sadd.s32 $0x7000, s10;
	[dreg:$0xe] =	wrdreg s19  }
0xd: {  	s31 =	simm.s32 $0x80;
	s21 =	sadd.s32 $0x8000, s10;
	[dreg:$0xf] =	wrdreg s20  }
0xe: {  	s6 =	sadd.s32 $0x1600, s0;
	s22 =	sadd.s32 $0x9000, s10;
	[dreg:$0x10] =	wrdreg s21  }
0xf: {  	s7 =	sadd.s32 $0x101600, s0;
	s23 =	sadd.s32 $0xA000, s10;
	[dreg:$0x11] =	wrdreg s22  }
0x10: {  	s9 =	sadd.s32 $0x141600, s0;
	s24 =	sadd.s32 $0xB000, s10;
	[dreg:$0x12] =	wrdreg s23  }
0x11: {  	s11 =	sshll.u32 s4, $0xA;
	s25 =	sadd.s32 $0xC000, s10;
	[dreg:$0x13] =	wrdreg s24  }
0x12: {  	s4 =	simm.s32 $0x12800;
	s26 =	sadd.s32 $0xD000, s10;
	[dreg:$0x14] =	wrdreg s25  }
0x13: {  	s1 =	ssub.s32 $0x2, s1;
	s28 =	sadd.s32 $0xE000, s10;
	[dreg:$0x15] =	wrdreg s26  }
0x14: {  	s3 =	sshrl.u32 s1, $0x1;
	s29 =	sadd.s32 $0xF000, s10;
	[dreg:$0x16] =	wrdreg s28  }
0x15: {  	s13 =	ssub.s32 s1, s3;
	[dreg:$0x17] =	wrdreg s29;
	s1 =	simm.s32 $0x12400  }
0x16: {  	s14 =	simm.s32 $0x14800;
	s15 =	simm.s32 $0x12580;
	s16 =	simm.s32 $0x15800  }
0x17: {  	s17 =	simm.s32 $0x12600;
	s18 =	simm.s32 $0x16800;
	s19 =	simm.s32 $0x12680  }
0x18: {  	s20 =	simm.s32 $0x17800;
	s21 =	simm.s32 $0x12700;
	s22 =	simm.s32 $0x18800  }
0x19: {  	v1 =	vlaneseq.u32;
	s23 =	simm.s32 $0x12780;
	s24 =	simm.s32 $0x19800;
	s0 =	smax.u32 s13, $0x1  }
0x1a: {  	v0 =	vimm.f32 $0.0e+00;
	v1 =	vmul.u32 $0x20, v1;
	s13 =	simm.s32 $0x12500;
	[dreg:$0x8] =	wrdreg s0;
	s0 =	simm.s32 $0x4000  }
.LBB2_1:
0x1b: {  	[tilespmem:$0x10000] =	vst v0  }
0x1c: {  	[tilespmem:$0x10010] =	vst v0  }
0x1d: {  	[tilespmem:$0x10020] =	vst v0  }
0x1e: {  	[tilespmem:$0x10030] =	vst v0  }
0x1f: {  	[tilespmem:$0x10040] =	vst v0  }
0x20: {  	[tilespmem:$0x10050] =	vst v0  }
0x21: {  	[tilespmem:$0x10060] =	vst v0  }
0x22: {  	[tilespmem:$0x10070] =	vst v0  }
0x23: {  	[tilespmem:$0x10080] =	vst v0  }
0x24: {  	[tilespmem:$0x10090] =	vst v0  }
0x25: {  	[tilespmem:$0x100A0] =	vst v0  }
0x26: {  	[tilespmem:$0x100B0] =	vst v0  }
0x27: {  	[tilespmem:$0x100C0] =	vst v0  }
0x28: {  	[tilespmem:$0x100D0] =	vst v0  }
0x29: {  	[tilespmem:$0x100E0] =	vst v0  }
0x2a: {  	[tilespmem:$0x100F0] =	vst v0  }
0x2b: {  	[tilespmem:$0x10100] =	vst v0  }
0x2c: {  	[tilespmem:$0x10110] =	vst v0  }
0x2d: {  	[tilespmem:$0x10120] =	vst v0  }
0x2e: {  	[tilespmem:$0x10130] =	vst v0  }
0x2f: {  	[tilespmem:$0x10140] =	vst v0  }
0x30: {  	[tilespmem:$0x10150] =	vst v0  }
0x31: {  	[tilespmem:$0x10160] =	vst v0  }
0x32: {  	[tilespmem:$0x10170] =	vst v0  }
0x33: {  	[tilespmem:$0x10180] =	vst v0  }
0x34: {  	[tilespmem:$0x10190] =	vst v0  }
0x35: {  	[tilespmem:$0x101A0] =	vst v0  }
0x36: {  	[tilespmem:$0x101B0] =	vst v0  }
0x37: {  	[tilespmem:$0x101C0] =	vst v0  }
0x38: {  	[tilespmem:$0x101D0] =	vst v0  }
0x39: {  	[tilespmem:$0x101E0] =	vst v0  }
0x3a: {  	[tilespmem:$0x101F0] =	vst v0  }
0x3b: {  	[tilespmem:$0x10200] =	vst v0  }
0x3c: {  	[tilespmem:$0x10210] =	vst v0  }
0x3d: {  	[tilespmem:$0x10220] =	vst v0  }
0x3e: {  	[tilespmem:$0x10230] =	vst v0  }
0x3f: {  	[tilespmem:$0x10240] =	vst v0  }
0x40: {  	[tilespmem:$0x10250] =	vst v0  }
0x41: {  	[tilespmem:$0x10260] =	vst v0  }
0x42: {  	[tilespmem:$0x10270] =	vst v0  }
0x43: {  	[tilespmem:$0x10280] =	vst v0  }
0x44: {  	[tilespmem:$0x10290] =	vst v0  }
0x45: {  	[tilespmem:$0x102A0] =	vst v0  }
0x46: {  	[tilespmem:$0x102B0] =	vst v0  }
0x47: {  	[tilespmem:$0x102C0] =	vst v0  }
0x48: {  	[tilespmem:$0x102D0] =	vst v0  }
0x49: {  	[tilespmem:$0x102E0] =	vst v0  }
0x4a: {  	[tilespmem:$0x102F0] =	vst v0  }
0x4b: {  	[tilespmem:$0x10300] =	vst v0  }
0x4c: {  	[tilespmem:$0x10310] =	vst v0  }
0x4d: {  	[tilespmem:$0x10320] =	vst v0  }
0x4e: {  	[tilespmem:$0x10330] =	vst v0  }
0x4f: {  	[tilespmem:$0x10340] =	vst v0  }
0x50: {  	[tilespmem:$0x10350] =	vst v0  }
0x51: {  	[tilespmem:$0x10360] =	vst v0  }
0x52: {  	[tilespmem:$0x10370] =	vst v0  }
0x53: {  	[tilespmem:$0x10380] =	vst v0  }
0x54: {  	[tilespmem:$0x10390] =	vst v0  }
0x55: {  	[tilespmem:$0x103A0] =	vst v0  }
0x56: {  	[tilespmem:$0x103B0] =	vst v0  }
0x57: {  	[tilespmem:$0x103C0] =	vst v0  }
0x58: {  	[tilespmem:$0x103D0] =	vst v0  }
0x59: {  	[tilespmem:$0x103E0] =	vst v0  }
0x5a: {  	[tilespmem:$0x103F0] =	vst v0  }
0x5b: {  	[tilespmem:$0x10400] =	vst v0  }
0x5c: {  	[tilespmem:$0x10410] =	vst v0  }
0x5d: {  	[tilespmem:$0x10420] =	vst v0  }
0x5e: {  	[tilespmem:$0x10430] =	vst v0  }
0x5f: {  	[tilespmem:$0x10440] =	vst v0  }
0x60: {  	[tilespmem:$0x10450] =	vst v0  }
0x61: {  	[tilespmem:$0x10460] =	vst v0  }
0x62: {  	[tilespmem:$0x10470] =	vst v0  }
0x63: {  	[tilespmem:$0x10480] =	vst v0  }
0x64: {  	[tilespmem:$0x10490] =	vst v0  }
0x65: {  	[tilespmem:$0x104A0] =	vst v0  }
0x66: {  	[tilespmem:$0x104B0] =	vst v0  }
0x67: {  	[tilespmem:$0x104C0] =	vst v0  }
0x68: {  	[tilespmem:$0x104D0] =	vst v0  }
0x69: {  	[tilespmem:$0x104E0] =	vst v0  }
0x6a: {  	[tilespmem:$0x104F0] =	vst v0  }
0x6b: {  	[tilespmem:$0x10500] =	vst v0  }
0x6c: {  	[tilespmem:$0x10510] =	vst v0  }
0x6d: {  	[tilespmem:$0x10520] =	vst v0  }
0x6e: {  	[tilespmem:$0x10530] =	vst v0  }
0x6f: {  	[tilespmem:$0x10540] =	vst v0  }
0x70: {  	[tilespmem:$0x10550] =	vst v0  }
0x71: {  	[tilespmem:$0x10560] =	vst v0  }
0x72: {  	[tilespmem:$0x10570] =	vst v0  }
0x73: {  	[tilespmem:$0x10580] =	vst v0  }
0x74: {  	[tilespmem:$0x10590] =	vst v0  }
0x75: {  	[tilespmem:$0x105A0] =	vst v0  }
0x76: {  	[tilespmem:$0x105B0] =	vst v0  }
0x77: {  	[tilespmem:$0x105C0] =	vst v0  }
0x78: {  	[tilespmem:$0x105D0] =	vst v0  }
0x79: {  	[tilespmem:$0x105E0] =	vst v0  }
0x7a: {  	[tilespmem:$0x105F0] =	vst v0  }
0x7b: {  	[tilespmem:$0x10600] =	vst v0  }
0x7c: {  	[tilespmem:$0x10610] =	vst v0  }
0x7d: {  	[tilespmem:$0x10620] =	vst v0  }
0x7e: {  	[tilespmem:$0x10630] =	vst v0  }
0x7f: {  	[tilespmem:$0x10640] =	vst v0  }
0x80: {  	[tilespmem:$0x10650] =	vst v0  }
0x81: {  	[tilespmem:$0x10660] =	vst v0  }
0x82: {  	[tilespmem:$0x10670] =	vst v0  }
0x83: {  	[tilespmem:$0x10680] =	vst v0  }
0x84: {  	[tilespmem:$0x10690] =	vst v0  }
0x85: {  	[tilespmem:$0x106A0] =	vst v0  }
0x86: {  	[tilespmem:$0x106B0] =	vst v0  }
0x87: {  	[tilespmem:$0x106C0] =	vst v0  }
0x88: {  	[tilespmem:$0x106D0] =	vst v0  }
0x89: {  	[tilespmem:$0x106E0] =	vst v0  }
0x8a: {  	[tilespmem:$0x106F0] =	vst v0  }
0x8b: {  	[tilespmem:$0x10700] =	vst v0  }
0x8c: {  	[tilespmem:$0x10710] =	vst v0  }
0x8d: {  	[tilespmem:$0x10720] =	vst v0  }
0x8e: {  	[tilespmem:$0x10730] =	vst v0  }
0x8f: {  	[tilespmem:$0x10740] =	vst v0  }
0x90: {  	[tilespmem:$0x10750] =	vst v0  }
0x91: {  	[tilespmem:$0x10760] =	vst v0  }
0x92: {  	[tilespmem:$0x10770] =	vst v0  }
0x93: {  	[tilespmem:$0x10780] =	vst v0  }
0x94: {  	[tilespmem:$0x10790] =	vst v0  }
0x95: {  	[tilespmem:$0x107A0] =	vst v0  }
0x96: {  	[tilespmem:$0x107B0] =	vst v0  }
0x97: {  	[tilespmem:$0x107C0] =	vst v0  }
0x98: {  	[tilespmem:$0x107D0] =	vst v0  }
0x99: {  	[tilespmem:$0x107E0] =	vst v0  }
0x9a: {  	[tilespmem:$0x107F0] =	vst v0  }
0x9b: {  	[tilespmem:$0x10800] =	vst v0  }
0x9c: {  	[tilespmem:$0x10810] =	vst v0  }
0x9d: {  	[tilespmem:$0x10820] =	vst v0  }
0x9e: {  	[tilespmem:$0x10830] =	vst v0  }
0x9f: {  	[tilespmem:$0x10840] =	vst v0  }
0xa0: {  	[tilespmem:$0x10850] =	vst v0  }
0xa1: {  	[tilespmem:$0x10860] =	vst v0  }
0xa2: {  	[tilespmem:$0x10870] =	vst v0  }
0xa3: {  	[tilespmem:$0x10880] =	vst v0  }
0xa4: {  	[tilespmem:$0x10890] =	vst v0  }
0xa5: {  	[tilespmem:$0x108A0] =	vst v0  }
0xa6: {  	[tilespmem:$0x108B0] =	vst v0  }
0xa7: {  	[tilespmem:$0x108C0] =	vst v0  }
0xa8: {  	[tilespmem:$0x108D0] =	vst v0  }
0xa9: {  	[tilespmem:$0x108E0] =	vst v0  }
0xaa: {  	[tilespmem:$0x108F0] =	vst v0  }
0xab: {  	[tilespmem:$0x10900] =	vst v0  }
0xac: {  	[tilespmem:$0x10910] =	vst v0  }
0xad: {  	[tilespmem:$0x10920] =	vst v0  }
0xae: {  	[tilespmem:$0x10930] =	vst v0  }
0xaf: {  	[tilespmem:$0x10940] =	vst v0  }
0xb0: {  	[tilespmem:$0x10950] =	vst v0  }
0xb1: {  	[tilespmem:$0x10960] =	vst v0  }
0xb2: {  	[tilespmem:$0x10970] =	vst v0  }
0xb3: {  	[tilespmem:$0x10980] =	vst v0  }
0xb4: {  	[tilespmem:$0x10990] =	vst v0  }
0xb5: {  	[tilespmem:$0x109A0] =	vst v0  }
0xb6: {  	[tilespmem:$0x109B0] =	vst v0  }
0xb7: {  	[tilespmem:$0x109C0] =	vst v0  }
0xb8: {  	[tilespmem:$0x109D0] =	vst v0  }
0xb9: {  	[tilespmem:$0x109E0] =	vst v0  }
0xba: {  	[tilespmem:$0x109F0] =	vst v0  }
0xbb: {  	[tilespmem:$0x10A00] =	vst v0  }
0xbc: {  	[tilespmem:$0x10A10] =	vst v0  }
0xbd: {  	[tilespmem:$0x10A20] =	vst v0  }
0xbe: {  	[tilespmem:$0x10A30] =	vst v0  }
0xbf: {  	[tilespmem:$0x10A40] =	vst v0  }
0xc0: {  	[tilespmem:$0x10A50] =	vst v0  }
0xc1: {  	[tilespmem:$0x10A60] =	vst v0  }
0xc2: {  	[tilespmem:$0x10A70] =	vst v0  }
0xc3: {  	[tilespmem:$0x10A80] =	vst v0  }
0xc4: {  	[tilespmem:$0x10A90] =	vst v0  }
0xc5: {  	[tilespmem:$0x10AA0] =	vst v0  }
0xc6: {  	[tilespmem:$0x10AB0] =	vst v0  }
0xc7: {  	[tilespmem:$0x10AC0] =	vst v0  }
0xc8: {  	[tilespmem:$0x10AD0] =	vst v0  }
0xc9: {  	[tilespmem:$0x10AE0] =	vst v0  }
0xca: {  	[tilespmem:$0x10AF0] =	vst v0  }
0xcb: {  	[tilespmem:$0x10B00] =	vst v0  }
0xcc: {  	[tilespmem:$0x10B10] =	vst v0  }
0xcd: {  	[tilespmem:$0x10B20] =	vst v0  }
0xce: {  	[tilespmem:$0x10B30] =	vst v0  }
0xcf: {  	[tilespmem:$0x10B40] =	vst v0  }
0xd0: {  	[tilespmem:$0x10B50] =	vst v0  }
0xd1: {  	[tilespmem:$0x10B60] =	vst v0  }
0xd2: {  	[tilespmem:$0x10B70] =	vst v0  }
0xd3: {  	[tilespmem:$0x10B80] =	vst v0  }
0xd4: {  	[tilespmem:$0x10B90] =	vst v0  }
0xd5: {  	[tilespmem:$0x10BA0] =	vst v0  }
0xd6: {  	[tilespmem:$0x10BB0] =	vst v0  }
0xd7: {  	[tilespmem:$0x10BC0] =	vst v0  }
0xd8: {  	[tilespmem:$0x10BD0] =	vst v0  }
0xd9: {  	[tilespmem:$0x10BE0] =	vst v0  }
0xda: {  	[tilespmem:$0x10BF0] =	vst v0  }
0xdb: {  	[tilespmem:$0x10C00] =	vst v0  }
0xdc: {  	[tilespmem:$0x10C10] =	vst v0  }
0xdd: {  	[tilespmem:$0x10C20] =	vst v0  }
0xde: {  	[tilespmem:$0x10C30] =	vst v0  }
0xdf: {  	[tilespmem:$0x10C40] =	vst v0  }
0xe0: {  	[tilespmem:$0x10C50] =	vst v0  }
0xe1: {  	[tilespmem:$0x10C60] =	vst v0  }
0xe2: {  	[tilespmem:$0x10C70] =	vst v0  }
0xe3: {  	[tilespmem:$0x10C80] =	vst v0  }
0xe4: {  	[tilespmem:$0x10C90] =	vst v0  }
0xe5: {  	[tilespmem:$0x10CA0] =	vst v0  }
0xe6: {  	[tilespmem:$0x10CB0] =	vst v0  }
0xe7: {  	[tilespmem:$0x10CC0] =	vst v0  }
0xe8: {  	[tilespmem:$0x10CD0] =	vst v0  }
0xe9: {  	[tilespmem:$0x10CE0] =	vst v0  }
0xea: {  	[tilespmem:$0x10CF0] =	vst v0  }
0xeb: {  	[tilespmem:$0x10D00] =	vst v0  }
0xec: {  	[tilespmem:$0x10D10] =	vst v0  }
0xed: {  	[tilespmem:$0x10D20] =	vst v0  }
0xee: {  	[tilespmem:$0x10D30] =	vst v0  }
0xef: {  	[tilespmem:$0x10D40] =	vst v0  }
0xf0: {  	[tilespmem:$0x10D50] =	vst v0  }
0xf1: {  	[tilespmem:$0x10D60] =	vst v0  }
0xf2: {  	[tilespmem:$0x10D70] =	vst v0  }
0xf3: {  	[tilespmem:$0x10D80] =	vst v0  }
0xf4: {  	[tilespmem:$0x10D90] =	vst v0  }
0xf5: {  	[tilespmem:$0x10DA0] =	vst v0  }
0xf6: {  	[tilespmem:$0x10DB0] =	vst v0  }
0xf7: {  	[tilespmem:$0x10DC0] =	vst v0  }
0xf8: {  	[tilespmem:$0x10DD0] =	vst v0  }
0xf9: {  	[tilespmem:$0x10DE0] =	vst v0  }
0xfa: {  	[tilespmem:$0x10DF0] =	vst v0  }
0xfb: {  	[tilespmem:$0x10E00] =	vst v0  }
0xfc: {  	[tilespmem:$0x10E10] =	vst v0  }
0xfd: {  	[tilespmem:$0x10E20] =	vst v0  }
0xfe: {  	[tilespmem:$0x10E30] =	vst v0  }
0xff: {  	[tilespmem:$0x10E40] =	vst v0  }
0x100: {  	[tilespmem:$0x10E50] =	vst v0  }
0x101: {  	[tilespmem:$0x10E60] =	vst v0  }
0x102: {  	[tilespmem:$0x10E70] =	vst v0  }
0x103: {  	[tilespmem:$0x10E80] =	vst v0  }
0x104: {  	[tilespmem:$0x10E90] =	vst v0  }
0x105: {  	[tilespmem:$0x10EA0] =	vst v0  }
0x106: {  	[tilespmem:$0x10EB0] =	vst v0  }
0x107: {  	[tilespmem:$0x10EC0] =	vst v0  }
0x108: {  	[tilespmem:$0x10ED0] =	vst v0  }
0x109: {  	[tilespmem:$0x10EE0] =	vst v0  }
0x10a: {  	[tilespmem:$0x10EF0] =	vst v0  }
0x10b: {  	[tilespmem:$0x10F00] =	vst v0  }
0x10c: {  	[tilespmem:$0x10F10] =	vst v0  }
0x10d: {  	[tilespmem:$0x10F20] =	vst v0  }
0x10e: {  	[tilespmem:$0x10F30] =	vst v0  }
0x10f: {  	[tilespmem:$0x10F40] =	vst v0  }
0x110: {  	[tilespmem:$0x10F50] =	vst v0  }
0x111: {  	[tilespmem:$0x10F60] =	vst v0  }
0x112: {  	[tilespmem:$0x10F70] =	vst v0  }
0x113: {  	[tilespmem:$0x10F80] =	vst v0  }
0x114: {  	[tilespmem:$0x10F90] =	vst v0  }
0x115: {  	[tilespmem:$0x10FA0] =	vst v0  }
0x116: {  	[tilespmem:$0x10FB0] =	vst v0  }
0x117: {  	[tilespmem:$0x10FC0] =	vst v0  }
0x118: {  	[tilespmem:$0x10FD0] =	vst v0  }
0x119: {  	[tilespmem:$0x10FE0] =	vst v0  }
0x11a: {  	[dreg:$0x4] =	wrdreg s5;
	[tilespmem:$0x10FF0] =	vst v0;
	s8 =	simm.s32 $0x0  }
.LBB2_2:
0x11b: {  	s5 =	simm.s32 $0x10000  }
0x11c: {  	[spmem:s10] =	stream.linear.scatter [tilespmem:s5], [sflag:$0x1], $0x1000, $0x38;
	[tilespmem:$0x1A800] =	vst v63  }
0x11d: {  	_ =	swait.ge [sflag:s30], $0x1000  }
0x11e: {  	[sflag:s30] =	ssyncset.done $0x0  }
0x11f: {  	s3 =	rddreg [dreg:$0x9];
	[sflag:s30] =	ssyncadd.s32 $0xFFFFF000  }
0x120: {  	[spmem:s3] =	stream.linear.scatter [tilespmem:s5], [sflag:$0x1], $0x1000, $0x38;
	[tilespmem:$0x1A800] =	vst v63  }
0x121: {  	_ =	swait.ge [sflag:s30], $0x1000  }
0x122: {  	[sflag:s30] =	ssyncset.done $0x0  }
0x123: {  	s29 =	rddreg [dreg:$0xa];
	[sflag:s30] =	ssyncadd.s32 $0xFFFFF000  }
0x124: {  	[spmem:s29] =	stream.linear.scatter [tilespmem:s5], [sflag:$0x1], $0x1000, $0x38;
	[tilespmem:$0x1A800] =	vst v63  }
0x125: {  	_ =	swait.ge [sflag:s30], $0x1000  }
0x126: {  	[sflag:s30] =	ssyncset.done $0x0  }
0x127: {  	s10 =	rddreg [dreg:$0xb];
	[sflag:s30] =	ssyncadd.s32 $0xFFFFF000  }
0x128: {  	[spmem:s10] =	stream.linear.scatter [tilespmem:s5], [sflag:$0x1], $0x1000, $0x38;
	[tilespmem:$0x1A800] =	vst v63  }
0x129: {  	_ =	swait.ge [sflag:s30], $0x1000  }
0x12a: {  	[sflag:s30] =	ssyncset.done $0x0  }
0x12b: {  	s12 =	rddreg [dreg:$0xc];
	[sflag:s30] =	ssyncadd.s32 $0xFFFFF000  }
0x12c: {  	[spmem:s12] =	stream.linear.scatter [tilespmem:s5], [sflag:$0x1], $0x1000, $0x38;
	[tilespmem:$0x1A800] =	vst v63  }
0x12d: {  	_ =	swait.ge [sflag:s30], $0x1000  }
0x12e: {  	[sflag:s30] =	ssyncset.done $0x0  }
0x12f: {  	s25 =	rddreg [dreg:$0xd];
	[sflag:s30] =	ssyncadd.s32 $0xFFFFF000  }
0x130: {  	[spmem:s25] =	stream.linear.scatter [tilespmem:s5], [sflag:$0x1], $0x1000, $0x38;
	[tilespmem:$0x1A800] =	vst v63  }
0x131: {  	_ =	swait.ge [sflag:s30], $0x1000  }
0x132: {  	[sflag:s30] =	ssyncset.done $0x0  }
0x133: {  	s26 =	rddreg [dreg:$0xe];
	[sflag:s30] =	ssyncadd.s32 $0xFFFFF000  }
0x134: {  	[spmem:s26] =	stream.linear.scatter [tilespmem:s5], [sflag:$0x1], $0x1000, $0x38;
	[tilespmem:$0x1A800] =	vst v63  }
0x135: {  	_ =	swait.ge [sflag:s30], $0x1000  }
0x136: {  	[sflag:s30] =	ssyncset.done $0x0  }
0x137: {  	s29 =	rddreg [dreg:$0xf];
	[sflag:s30] =	ssyncadd.s32 $0xFFFFF000  }
0x138: {  	[spmem:s29] =	stream.linear.scatter [tilespmem:s5], [sflag:$0x1], $0x1000, $0x38;
	[tilespmem:$0x1A800] =	vst v63  }
0x139: {  	_ =	swait.ge [sflag:s30], $0x1000  }
0x13a: {  	[sflag:s30] =	ssyncset.done $0x0  }
0x13b: {  	s10 =	rddreg [dreg:$0x10];
	[sflag:s30] =	ssyncadd.s32 $0xFFFFF000  }
0x13c: {  	[spmem:s10] =	stream.linear.scatter [tilespmem:s5], [sflag:$0x1], $0x1000, $0x38;
	[tilespmem:$0x1A800] =	vst v63  }
0x13d: {  	_ =	swait.ge [sflag:s30], $0x1000  }
0x13e: {  	[sflag:s30] =	ssyncset.done $0x0  }
0x13f: {  	s12 =	rddreg [dreg:$0x11];
	[sflag:s30] =	ssyncadd.s32 $0xFFFFF000  }
0x140: {  	[spmem:s12] =	stream.linear.scatter [tilespmem:s5], [sflag:$0x1], $0x1000, $0x38;
	[tilespmem:$0x1A800] =	vst v63  }
0x141: {  	_ =	swait.ge [sflag:s30], $0x1000  }
0x142: {  	[sflag:s30] =	ssyncset.done $0x0  }
0x143: {  	s25 =	rddreg [dreg:$0x12];
	[sflag:s30] =	ssyncadd.s32 $0xFFFFF000  }
0x144: {  	[spmem:s25] =	stream.linear.scatter [tilespmem:s5], [sflag:$0x1], $0x1000, $0x38;
	[tilespmem:$0x1A800] =	vst v63  }
0x145: {  	_ =	swait.ge [sflag:s30], $0x1000  }
0x146: {  	[sflag:s30] =	ssyncset.done $0x0  }
0x147: {  	s26 =	rddreg [dreg:$0x13];
	[sflag:s30] =	ssyncadd.s32 $0xFFFFF000  }
0x148: {  	[spmem:s26] =	stream.linear.scatter [tilespmem:s5], [sflag:$0x1], $0x1000, $0x38;
	[tilespmem:$0x1A800] =	vst v63  }
0x149: {  	_ =	swait.ge [sflag:s30], $0x1000  }
0x14a: {  	[sflag:s30] =	ssyncset.done $0x0  }
0x14b: {  	s29 =	rddreg [dreg:$0x14];
	[sflag:s30] =	ssyncadd.s32 $0xFFFFF000  }
0x14c: {  	[spmem:s29] =	stream.linear.scatter [tilespmem:s5], [sflag:$0x1], $0x1000, $0x38;
	[tilespmem:$0x1A800] =	vst v63  }
0x14d: {  	_ =	swait.ge [sflag:s30], $0x1000  }
0x14e: {  	[sflag:s30] =	ssyncset.done $0x0  }
0x14f: {  	s10 =	rddreg [dreg:$0x15];
	[sflag:s30] =	ssyncadd.s32 $0xFFFFF000  }
0x150: {  	[spmem:s10] =	stream.linear.scatter [tilespmem:s5], [sflag:$0x1], $0x1000, $0x38;
	[tilespmem:$0x1A800] =	vst v63  }
0x151: {  	_ =	swait.ge [sflag:s30], $0x1000  }
0x152: {  	[sflag:s30] =	ssyncset.done $0x0  }
0x153: {  	s12 =	rddreg [dreg:$0x16];
	[sflag:s30] =	ssyncadd.s32 $0xFFFFF000  }
0x154: {  	[spmem:s12] =	stream.linear.scatter [tilespmem:s5], [sflag:$0x1], $0x1000, $0x38;
	[tilespmem:$0x1A800] =	vst v63  }
0x155: {  	_ =	swait.ge [sflag:s30], $0x1000  }
0x156: {  	[sflag:s30] =	ssyncset.done $0x0  }
0x157: {  	s25 =	rddreg [dreg:$0x17];
	[sflag:s30] =	ssyncadd.s32 $0xFFFFF000  }
0x158: {  	[spmem:s25] =	stream.linear.scatter [tilespmem:s5], [sflag:$0x1], $0x1000, $0x38;
	[tilespmem:$0x1A800] =	vst v63  }
0x159: {  	_ =	swait.ge [sflag:s30], $0x1000  }
0x15a: {  	[dreg:$0x18] =	wrdreg s8;
	[sflag:s30] =	ssyncset.done $0x0  }
0x15b: {  	s26 =	sshll.u32 s8, $0x1;
	s29 =	rddreg [dreg:$0x5];
	[sflag:s30] =	ssyncadd.s32 $0xFFFFF000  }
0x15c: {  	s3 =	sor.u32 s29, s26;
	s26 =	simm.s32 $0x0;
	[bflag:$0x0] =	sbarrier.arrive $0xFFFF  }
0x15d: {  	s28 =	sshll.u32 s3, $0x13;
	s10 =	sshll.u32 s3, $0x11;
	[dreg:$0x19] =	wrdreg s3  }
.LBB2_3:
0x15e: {  	s12 =	sshll.u32 s26, $0x7  }
0x15f: {  	s12 =	sadd.s32 s11, s12  }
0x160: {  	s25 =	sadd.s32 s28, s12  }
0x161: {  	s25 =	sshrl.u32 s25, $0x3  }
0x162: {  	s3 =	simm.s32 $0x11000;
	s25 =	sadd.s32 s6, s25  }
0x163: {  	[tilespmem:s3], [sflag:$0x1] =	stream.strided.gather [hbm4b:s25+s31], $0x1000, s0, s31, $0x38;
	[tilespmem:$0x1A800] =	vst v63  }
0x164: {  	s12 =	sadd.s32 s10, s12;
	_ =	swait.ge [sflag:s30], $0x1000  }
0x165: {  	s12 =	sshrl.u32 s12, $0x3;
	[sflag:s30] =	ssyncset.done $0x0  }
0x166: {  	s5 =	simm.s32 $0x12000;
	s3 =	sadd.s32 s7, s12;
	[sflag:s30] =	ssyncadd.s32 $0xFFFFF000  }
0x167: {  	[tilespmem:s5], [sflag:$0x1] =	stream.strided.gather [hbm4b:s3+s31], $0x400, s0, s31, $0x38;
	[tilespmem:$0x1A800] =	vst v63  }
0x168: {  	_ =	swait.ge [sflag:s30], $0x400  }
0x169: {  	[sflag:s30] =	ssyncset.done $0x0  }
0x16a: {  	s12 =	sadd.s32 s9, s12;
	[sflag:s30] =	ssyncadd.s32 $0xFFFFFC00  }
0x16b: {  	[tilespmem:s1], [sflag:$0x1] =	stream.strided.gather [hbm4b:s12+s31], $0x400, s0, s31, $0x38;
	[tilespmem:$0x1A800] =	vst v63  }
0x16c: {  	_ =	swait.ge [sflag:s30], $0x400  }
0x16d: {  	[sflag:s30] =	ssyncset.done $0x0  }
0x16e: {  	s29 =	simm.s32 $0x12200;
	s8 =	simm.s32 $0x0;
	[sflag:s30] =	ssyncadd.s32 $0xFFFFFC00  }
0x16f: {  	v4 =	vmov s8;
	s8 =	simm.s32 $0x180;
	s25 =	simm.s32 $0x11800;
	v3 =	vld [tilespmem:s29+$0xFFFFFE00]  }
0x170: {  	v5 =	vshll.u32 v4, $0x5;
	v9 =	vmov s8;
	s3 =	simm.s32 $0x80;
	v18 =	vld [tilespmem:s25+$0xFFFFF800]  }
0x171: {  	s8 =	simm.s32 $0x280;
	v7 =	vor.u32 v1, v5;
	v9 =	vshll.u32 v9, $0x5;
	s5 =	simm.s32 $0x100;
	v4 =	vmov s3;
	v2 =	vld [tilespmem:s29+$0xFFFFFE80]  }
0x172: {  	v45 =	vmov s8;
	v8 =	vmov s5;
	v6 =	vshll.u32 v4, $0x5;
	v4 =	vld [tilespmem:s29+$0xFFFFFF00]  }
0x173: {  	v13 =	vor.u32 v1, v9;
	s3 =	simm.s32 $0x200;
	v8 =	vshll.u32 v8, $0x5;
	v10 =	vor.u32 v1, v6;
	v5 =	vld [tilespmem:s29+$0xFFFFFF80]  }
0x174: {  	v19 =	vshll.u32 v45, $0x5;
	s5 =	simm.s32 $0x300;
	v11 =	vmov s3;
	v12 =	vor.u32 v1, v8;
	v6 =	vld [tilespmem:s29+$0x0]  }
0x175: {  	v14 =	vmov s5;
	v11 =	vshll.u32 v11, $0x5;
	v8 =	vld [tilespmem:s29+$0x80];
	v16 =	vmul.f32 v18, v3  }
0x176: {  	v14 =	vshll.u32 v14, $0x5;
	v15 =	vor.u32 v1, v11;
	s12 =	simm.s32 $0x380;
	v9 =	vld [tilespmem:s29+$0x100];
	v17 =	vmul.f32 v18, v2  }
0x177: {  	v21 =	vmov s12;
	v11 =	vld [tilespmem:s29+$0x180];
	v20 =	vmul.f32 v18, v4;
	[tilespmem:v7+s4+$0x0] =	vst.idx.msk $0xffff, v16;
	v16 =	vor.u32 v1, v19  }
0x178: {  	v14 =	vor.u32 v1, v14;
	v21 =	vshll.u32 v21, $0x5;
	v46 =	vmul.f32 v18, v5;
	[tilespmem:v10+s4+$0x0] =	vst.idx.msk $0xffff, v17  }
0x179: {  	v22 =	vmul.f32 v18, v6;
	v17 =	vor.u32 v1, v21;
	[tilespmem:v12+s4+$0x0] =	vst.idx.msk $0xffff, v20  }
0x17a: {  	v47 =	vmul.f32 v18, v8;
	[tilespmem:v13+s4+$0x0] =	vst.idx.msk $0xffff, v46  }
0x17b: {  	v48 =	vmul.f32 v18, v9;
	[tilespmem:v15+s4+$0x0] =	vst.idx.msk $0xffff, v22  }
0x17c: {  	v18 =	vmul.f32 v18, v11;
	[tilespmem:v16+s4+$0x0] =	vst.idx.msk $0xffff, v47  }
0x17d: {  	[tilespmem:v14+s4+$0x0] =	vst.idx.msk $0xffff, v48  }
0x17e: {  	[tilespmem:v17+s4+$0x0] =	vst.idx.msk $0xffff, v18  }
0x17f: {  	v18 =	vld [tilespmem:s25+$0xFFFFF880];
	_ =	sdelay $0x1  }
0x180: {  	v49 =	vor.u32 $0x1, v7  }
0x181: {  	v50 =	vor.u32 $0x1, v10  }
0x182: {  	v51 =	vor.u32 $0x1, v12  }
0x183: {  	v23 =	vor.u32 $0x1, v13;
	v52 =	vmul.f32 v18, v3  }
0x184: {  	v25 =	vor.u32 $0x1, v15;
	v24 =	vmul.f32 v18, v2  }
0x185: {  	v53 =	vor.u32 $0x1, v16;
	v26 =	vmul.f32 v18, v4;
	[tilespmem:v49+s4+$0x0] =	vst.idx.msk $0xffff, v52  }
0x186: {  	v55 =	vor.u32 $0x1, v14;
	v54 =	vmul.f32 v18, v5;
	[tilespmem:v50+s4+$0x0] =	vst.idx.msk $0xffff, v24  }
0x187: {  	v57 =	vor.u32 $0x1, v17;
	v56 =	vmul.f32 v18, v6;
	[tilespmem:v51+s4+$0x0] =	vst.idx.msk $0xffff, v26  }
0x188: {  	v58 =	vmul.f32 v18, v8;
	[tilespmem:v23+s4+$0x0] =	vst.idx.msk $0xffff, v54  }
0x189: {  	v59 =	vmul.f32 v18, v9;
	[tilespmem:v25+s4+$0x0] =	vst.idx.msk $0xffff, v56  }
0x18a: {  	v18 =	vmul.f32 v18, v11;
	[tilespmem:v53+s4+$0x0] =	vst.idx.msk $0xffff, v58  }
0x18b: {  	[tilespmem:v55+s4+$0x0] =	vst.idx.msk $0xffff, v59  }
0x18c: {  	[tilespmem:v57+s4+$0x0] =	vst.idx.msk $0xffff, v18  }
0x18d: {  	v18 =	vld [tilespmem:s25+$0xFFFFF900];
	_ =	sdelay $0x1  }
0x18e: {  	v60 =	vor.u32 $0x2, v7  }
0x18f: {  	v61 =	vor.u32 $0x2, v10  }
0x190: {  	v62 =	vor.u32 $0x2, v12  }
0x191: {  	v28 =	vor.u32 $0x2, v13;
	v63 =	vmul.f32 v18, v3  }
0x192: {  	v30 =	vor.u32 $0x2, v15;
	v29 =	vmul.f32 v18, v2  }
0x193: {  	v32 =	vor.u32 $0x2, v16;
	v31 =	vmul.f32 v18, v4;
	[tilespmem:v60+s4+$0x0] =	vst.idx.msk $0xffff, v63  }
0x194: {  	v34 =	vor.u32 $0x2, v14;
	v33 =	vmul.f32 v18, v5;
	[tilespmem:v61+s4+$0x0] =	vst.idx.msk $0xffff, v29  }
0x195: {  	v36 =	vor.u32 $0x2, v17;
	v35 =	vmul.f32 v18, v6;
	[tilespmem:v62+s4+$0x0] =	vst.idx.msk $0xffff, v31  }
0x196: {  	v37 =	vmul.f32 v18, v8;
	[tilespmem:v28+s4+$0x0] =	vst.idx.msk $0xffff, v33  }
0x197: {  	v38 =	vmul.f32 v18, v9;
	[tilespmem:v30+s4+$0x0] =	vst.idx.msk $0xffff, v35  }
0x198: {  	v18 =	vmul.f32 v18, v11;
	[tilespmem:v32+s4+$0x0] =	vst.idx.msk $0xffff, v37  }
0x199: {  	[tilespmem:v34+s4+$0x0] =	vst.idx.msk $0xffff, v38  }
0x19a: {  	[tilespmem:v36+s4+$0x0] =	vst.idx.msk $0xffff, v18  }
0x19b: {  	v18 =	vld [tilespmem:s25+$0xFFFFF980];
	_ =	sdelay $0x1  }
0x19c: {  	v39 =	vor.u32 $0x3, v7  }
0x19d: {  	v40 =	vor.u32 $0x3, v10  }
0x19e: {  	v41 =	vor.u32 $0x3, v12  }
0x19f: {  	v43 =	vor.u32 $0x3, v13;
	v42 =	vmul.f32 v18, v3  }
0x1a0: {  	v45 =	vor.u32 $0x3, v15;
	v44 =	vmul.f32 v18, v2  }
0x1a1: {  	v47 =	vor.u32 $0x3, v16;
	v46 =	vmul.f32 v18, v4;
	[tilespmem:v39+s4+$0x0] =	vst.idx.msk $0xffff, v42  }
0x1a2: {  	v49 =	vor.u32 $0x3, v14;
	v48 =	vmul.f32 v18, v5;
	[tilespmem:v40+s4+$0x0] =	vst.idx.msk $0xffff, v44  }
0x1a3: {  	v51 =	vor.u32 $0x3, v17;
	v50 =	vmul.f32 v18, v6;
	[tilespmem:v41+s4+$0x0] =	vst.idx.msk $0xffff, v46  }
0x1a4: {  	v52 =	vmul.f32 v18, v8;
	[tilespmem:v43+s4+$0x0] =	vst.idx.msk $0xffff, v48  }
0x1a5: {  	v53 =	vmul.f32 v18, v9;
	[tilespmem:v45+s4+$0x0] =	vst.idx.msk $0xffff, v50  }
0x1a6: {  	v18 =	vmul.f32 v18, v11;
	[tilespmem:v47+s4+$0x0] =	vst.idx.msk $0xffff, v52  }
0x1a7: {  	[tilespmem:v49+s4+$0x0] =	vst.idx.msk $0xffff, v53  }
0x1a8: {  	[tilespmem:v51+s4+$0x0] =	vst.idx.msk $0xffff, v18  }
0x1a9: {  	v18 =	vld [tilespmem:s25+$0xFFFFFA00];
	_ =	sdelay $0x1  }
0x1aa: {  	v54 =	vor.u32 $0x4, v7  }
0x1ab: {  	v55 =	vor.u32 $0x4, v10  }
0x1ac: {  	v56 =	vor.u32 $0x4, v12  }
0x1ad: {  	v58 =	vor.u32 $0x4, v13;
	v57 =	vmul.f32 v18, v3  }
0x1ae: {  	v60 =	vor.u32 $0x4, v15;
	v59 =	vmul.f32 v18, v2  }
0x1af: {  	v62 =	vor.u32 $0x4, v16;
	v61 =	vmul.f32 v18, v4;
	[tilespmem:v54+s4+$0x0] =	vst.idx.msk $0xffff, v57  }
0x1b0: {  	v28 =	vor.u32 $0x4, v14;
	v63 =	vmul.f32 v18, v5;
	[tilespmem:v55+s4+$0x0] =	vst.idx.msk $0xffff, v59  }
0x1b1: {  	v30 =	vor.u32 $0x4, v17;
	v29 =	vmul.f32 v18, v6;
	[tilespmem:v56+s4+$0x0] =	vst.idx.msk $0xffff, v61  }
0x1b2: {  	v31 =	vmul.f32 v18, v8;
	[tilespmem:v58+s4+$0x0] =	vst.idx.msk $0xffff, v63  }
0x1b3: {  	v32 =	vmul.f32 v18, v9;
	[tilespmem:v60+s4+$0x0] =	vst.idx.msk $0xffff, v29  }
0x1b4: {  	v18 =	vmul.f32 v18, v11;
	[tilespmem:v62+s4+$0x0] =	vst.idx.msk $0xffff, v31  }
0x1b5: {  	[tilespmem:v28+s4+$0x0] =	vst.idx.msk $0xffff, v32  }
0x1b6: {  	[tilespmem:v30+s4+$0x0] =	vst.idx.msk $0xffff, v18  }
0x1b7: {  	v18 =	vld [tilespmem:s25+$0xFFFFFA80];
	_ =	sdelay $0x1  }
0x1b8: {  	v33 =	vor.u32 $0x5, v7  }
0x1b9: {  	v34 =	vor.u32 $0x5, v10  }
0x1ba: {  	v35 =	vor.u32 $0x5, v12  }
0x1bb: {  	v37 =	vor.u32 $0x5, v13;
	v36 =	vmul.f32 v18, v3  }
0x1bc: {  	v39 =	vor.u32 $0x5, v15;
	v38 =	vmul.f32 v18, v2  }
0x1bd: {  	v41 =	vor.u32 $0x5, v16;
	v40 =	vmul.f32 v18, v4;
	[tilespmem:v33+s4+$0x0] =	vst.idx.msk $0xffff, v36  }
0x1be: {  	v43 =	vor.u32 $0x5, v14;
	v42 =	vmul.f32 v18, v5;
	[tilespmem:v34+s4+$0x0] =	vst.idx.msk $0xffff, v38  }
0x1bf: {  	v45 =	vor.u32 $0x5, v17;
	v44 =	vmul.f32 v18, v6;
	[tilespmem:v35+s4+$0x0] =	vst.idx.msk $0xffff, v40  }
0x1c0: {  	v46 =	vmul.f32 v18, v8;
	[tilespmem:v37+s4+$0x0] =	vst.idx.msk $0xffff, v42  }
0x1c1: {  	v47 =	vmul.f32 v18, v9;
	[tilespmem:v39+s4+$0x0] =	vst.idx.msk $0xffff, v44  }
0x1c2: {  	v18 =	vmul.f32 v18, v11;
	[tilespmem:v41+s4+$0x0] =	vst.idx.msk $0xffff, v46  }
0x1c3: {  	[tilespmem:v43+s4+$0x0] =	vst.idx.msk $0xffff, v47  }
0x1c4: {  	[tilespmem:v45+s4+$0x0] =	vst.idx.msk $0xffff, v18  }
0x1c5: {  	v18 =	vld [tilespmem:s25+$0xFFFFFB00];
	_ =	sdelay $0x1  }
0x1c6: {  	v48 =	vor.u32 $0x6, v7  }
0x1c7: {  	v49 =	vor.u32 $0x6, v10  }
0x1c8: {  	v50 =	vor.u32 $0x6, v12  }
0x1c9: {  	v52 =	vor.u32 $0x6, v13;
	v51 =	vmul.f32 v18, v3  }
0x1ca: {  	v54 =	vor.u32 $0x6, v15;
	v53 =	vmul.f32 v18, v2  }
0x1cb: {  	v56 =	vor.u32 $0x6, v16;
	v55 =	vmul.f32 v18, v4;
	[tilespmem:v48+s4+$0x0] =	vst.idx.msk $0xffff, v51  }
0x1cc: {  	v58 =	vor.u32 $0x6, v14;
	v57 =	vmul.f32 v18, v5;
	[tilespmem:v49+s4+$0x0] =	vst.idx.msk $0xffff, v53  }
0x1cd: {  	v60 =	vor.u32 $0x6, v17;
	v59 =	vmul.f32 v18, v6;
	[tilespmem:v50+s4+$0x0] =	vst.idx.msk $0xffff, v55  }
0x1ce: {  	v61 =	vmul.f32 v18, v8;
	[tilespmem:v52+s4+$0x0] =	vst.idx.msk $0xffff, v57  }
0x1cf: {  	v62 =	vmul.f32 v18, v9;
	[tilespmem:v54+s4+$0x0] =	vst.idx.msk $0xffff, v59  }
0x1d0: {  	v18 =	vmul.f32 v18, v11;
	[tilespmem:v56+s4+$0x0] =	vst.idx.msk $0xffff, v61  }
0x1d1: {  	[tilespmem:v58+s4+$0x0] =	vst.idx.msk $0xffff, v62  }
0x1d2: {  	[tilespmem:v60+s4+$0x0] =	vst.idx.msk $0xffff, v18  }
0x1d3: {  	v18 =	vld [tilespmem:s25+$0xFFFFFB80];
	_ =	sdelay $0x1  }
0x1d4: {  	v63 =	vor.u32 $0x7, v7  }
0x1d5: {  	v28 =	vor.u32 $0x7, v10  }
0x1d6: {  	v29 =	vor.u32 $0x7, v12  }
0x1d7: {  	v31 =	vor.u32 $0x7, v13;
	v30 =	vmul.f32 v18, v3  }
0x1d8: {  	v33 =	vor.u32 $0x7, v15;
	v32 =	vmul.f32 v18, v2  }
0x1d9: {  	v35 =	vor.u32 $0x7, v16;
	v34 =	vmul.f32 v18, v4;
	[tilespmem:v63+s4+$0x0] =	vst.idx.msk $0xffff, v30  }
0x1da: {  	v37 =	vor.u32 $0x7, v14;
	v36 =	vmul.f32 v18, v5;
	[tilespmem:v28+s4+$0x0] =	vst.idx.msk $0xffff, v32  }
0x1db: {  	v39 =	vor.u32 $0x7, v17;
	v38 =	vmul.f32 v18, v6;
	[tilespmem:v29+s4+$0x0] =	vst.idx.msk $0xffff, v34  }
0x1dc: {  	v40 =	vmul.f32 v18, v8;
	[tilespmem:v31+s4+$0x0] =	vst.idx.msk $0xffff, v36  }
0x1dd: {  	v41 =	vmul.f32 v18, v9;
	[tilespmem:v33+s4+$0x0] =	vst.idx.msk $0xffff, v38  }
0x1de: {  	v18 =	vmul.f32 v18, v11;
	[tilespmem:v35+s4+$0x0] =	vst.idx.msk $0xffff, v40  }
0x1df: {  	[tilespmem:v37+s4+$0x0] =	vst.idx.msk $0xffff, v41  }
0x1e0: {  	[tilespmem:v39+s4+$0x0] =	vst.idx.msk $0xffff, v18  }
0x1e1: {  	v18 =	vld [tilespmem:s25+$0xFFFFFC00];
	_ =	sdelay $0x1  }
0x1e2: {  	v42 =	vor.u32 $0x8, v7  }
0x1e3: {  	v43 =	vor.u32 $0x8, v10  }
0x1e4: {  	v44 =	vor.u32 $0x8, v12  }
0x1e5: {  	v46 =	vor.u32 $0x8, v13;
	v45 =	vmul.f32 v18, v3  }
0x1e6: {  	v48 =	vor.u32 $0x8, v15;
	v47 =	vmul.f32 v18, v2  }
0x1e7: {  	v50 =	vor.u32 $0x8, v16;
	v49 =	vmul.f32 v18, v4;
	[tilespmem:v42+s4+$0x0] =	vst.idx.msk $0xffff, v45  }
0x1e8: {  	v52 =	vor.u32 $0x8, v14;
	v51 =	vmul.f32 v18, v5;
	[tilespmem:v43+s4+$0x0] =	vst.idx.msk $0xffff, v47  }
0x1e9: {  	v54 =	vor.u32 $0x8, v17;
	v53 =	vmul.f32 v18, v6;
	[tilespmem:v44+s4+$0x0] =	vst.idx.msk $0xffff, v49  }
0x1ea: {  	v55 =	vmul.f32 v18, v8;
	[tilespmem:v46+s4+$0x0] =	vst.idx.msk $0xffff, v51  }
0x1eb: {  	v56 =	vmul.f32 v18, v9;
	[tilespmem:v48+s4+$0x0] =	vst.idx.msk $0xffff, v53  }
0x1ec: {  	v18 =	vmul.f32 v18, v11;
	[tilespmem:v50+s4+$0x0] =	vst.idx.msk $0xffff, v55  }
0x1ed: {  	[tilespmem:v52+s4+$0x0] =	vst.idx.msk $0xffff, v56  }
0x1ee: {  	[tilespmem:v54+s4+$0x0] =	vst.idx.msk $0xffff, v18  }
0x1ef: {  	v18 =	vld [tilespmem:s25+$0xFFFFFC80];
	_ =	sdelay $0x1  }
0x1f0: {  	v57 =	vor.u32 $0x9, v7  }
0x1f1: {  	v58 =	vor.u32 $0x9, v10  }
0x1f2: {  	v59 =	vor.u32 $0x9, v12  }
0x1f3: {  	v61 =	vor.u32 $0x9, v13;
	v60 =	vmul.f32 v18, v3  }
0x1f4: {  	v63 =	vor.u32 $0x9, v15;
	v62 =	vmul.f32 v18, v2  }
0x1f5: {  	v29 =	vor.u32 $0x9, v16;
	v28 =	vmul.f32 v18, v4;
	[tilespmem:v57+s4+$0x0] =	vst.idx.msk $0xffff, v60  }
0x1f6: {  	v31 =	vor.u32 $0x9, v14;
	v30 =	vmul.f32 v18, v5;
	[tilespmem:v58+s4+$0x0] =	vst.idx.msk $0xffff, v62  }
0x1f7: {  	v33 =	vor.u32 $0x9, v17;
	v32 =	vmul.f32 v18, v6;
	[tilespmem:v59+s4+$0x0] =	vst.idx.msk $0xffff, v28  }
0x1f8: {  	v34 =	vmul.f32 v18, v8;
	[tilespmem:v61+s4+$0x0] =	vst.idx.msk $0xffff, v30  }
0x1f9: {  	v35 =	vmul.f32 v18, v9;
	[tilespmem:v63+s4+$0x0] =	vst.idx.msk $0xffff, v32  }
0x1fa: {  	v18 =	vmul.f32 v18, v11;
	[tilespmem:v29+s4+$0x0] =	vst.idx.msk $0xffff, v34  }
0x1fb: {  	[tilespmem:v31+s4+$0x0] =	vst.idx.msk $0xffff, v35  }
0x1fc: {  	[tilespmem:v33+s4+$0x0] =	vst.idx.msk $0xffff, v18  }
0x1fd: {  	v18 =	vld [tilespmem:s25+$0xFFFFFD00];
	_ =	sdelay $0x1  }
0x1fe: {  	v36 =	vor.u32 $0xA, v7  }
0x1ff: {  	v37 =	vor.u32 $0xA, v10  }
0x200: {  	v38 =	vor.u32 $0xA, v12  }
0x201: {  	v40 =	vor.u32 $0xA, v13;
	v39 =	vmul.f32 v18, v3  }
0x202: {  	v42 =	vor.u32 $0xA, v15;
	v41 =	vmul.f32 v18, v2  }
0x203: {  	v44 =	vor.u32 $0xA, v16;
	v43 =	vmul.f32 v18, v4;
	[tilespmem:v36+s4+$0x0] =	vst.idx.msk $0xffff, v39  }
0x204: {  	v46 =	vor.u32 $0xA, v14;
	v45 =	vmul.f32 v18, v5;
	[tilespmem:v37+s4+$0x0] =	vst.idx.msk $0xffff, v41  }
0x205: {  	v48 =	vor.u32 $0xA, v17;
	v47 =	vmul.f32 v18, v6;
	[tilespmem:v38+s4+$0x0] =	vst.idx.msk $0xffff, v43  }
0x206: {  	v49 =	vmul.f32 v18, v8;
	[tilespmem:v40+s4+$0x0] =	vst.idx.msk $0xffff, v45  }
0x207: {  	v50 =	vmul.f32 v18, v9;
	[tilespmem:v42+s4+$0x0] =	vst.idx.msk $0xffff, v47  }
0x208: {  	v18 =	vmul.f32 v18, v11;
	[tilespmem:v44+s4+$0x0] =	vst.idx.msk $0xffff, v49  }
0x209: {  	[tilespmem:v46+s4+$0x0] =	vst.idx.msk $0xffff, v50  }
0x20a: {  	[tilespmem:v48+s4+$0x0] =	vst.idx.msk $0xffff, v18  }
0x20b: {  	v18 =	vld [tilespmem:s25+$0xFFFFFD80];
	_ =	sdelay $0x1  }
0x20c: {  	v51 =	vor.u32 $0xB, v7  }
0x20d: {  	v52 =	vor.u32 $0xB, v10  }
0x20e: {  	v53 =	vor.u32 $0xB, v12  }
0x20f: {  	v55 =	vor.u32 $0xB, v13;
	v54 =	vmul.f32 v18, v3  }
0x210: {  	v57 =	vor.u32 $0xB, v15;
	v56 =	vmul.f32 v18, v2  }
0x211: {  	v59 =	vor.u32 $0xB, v16;
	v58 =	vmul.f32 v18, v4;
	[tilespmem:v51+s4+$0x0] =	vst.idx.msk $0xffff, v54  }
0x212: {  	v61 =	vor.u32 $0xB, v14;
	v60 =	vmul.f32 v18, v5;
	[tilespmem:v52+s4+$0x0] =	vst.idx.msk $0xffff, v56  }
0x213: {  	v63 =	vor.u32 $0xB, v17;
	v62 =	vmul.f32 v18, v6;
	[tilespmem:v53+s4+$0x0] =	vst.idx.msk $0xffff, v58  }
0x214: {  	v28 =	vmul.f32 v18, v8;
	[tilespmem:v55+s4+$0x0] =	vst.idx.msk $0xffff, v60  }
0x215: {  	v29 =	vmul.f32 v18, v9;
	[tilespmem:v57+s4+$0x0] =	vst.idx.msk $0xffff, v62  }
0x216: {  	v18 =	vmul.f32 v18, v11;
	[tilespmem:v59+s4+$0x0] =	vst.idx.msk $0xffff, v28  }
0x217: {  	[tilespmem:v61+s4+$0x0] =	vst.idx.msk $0xffff, v29  }
0x218: {  	[tilespmem:v63+s4+$0x0] =	vst.idx.msk $0xffff, v18  }
0x219: {  	v18 =	vld [tilespmem:s25+$0xFFFFFE00];
	_ =	sdelay $0x1  }
0x21a: {  	v30 =	vor.u32 $0xC, v7  }
0x21b: {  	v31 =	vor.u32 $0xC, v10  }
0x21c: {  	v32 =	vor.u32 $0xC, v12  }
0x21d: {  	v34 =	vor.u32 $0xC, v13;
	v33 =	vmul.f32 v18, v3  }
0x21e: {  	v36 =	vor.u32 $0xC, v15;
	v35 =	vmul.f32 v18, v2  }
0x21f: {  	v38 =	vor.u32 $0xC, v16;
	v37 =	vmul.f32 v18, v4;
	[tilespmem:v30+s4+$0x0] =	vst.idx.msk $0xffff, v33  }
0x220: {  	v40 =	vor.u32 $0xC, v14;
	v39 =	vmul.f32 v18, v5;
	[tilespmem:v31+s4+$0x0] =	vst.idx.msk $0xffff, v35  }
0x221: {  	v42 =	vor.u32 $0xC, v17;
	v41 =	vmul.f32 v18, v6;
	[tilespmem:v32+s4+$0x0] =	vst.idx.msk $0xffff, v37  }
0x222: {  	v43 =	vmul.f32 v18, v8;
	[tilespmem:v34+s4+$0x0] =	vst.idx.msk $0xffff, v39  }
0x223: {  	v44 =	vmul.f32 v18, v9;
	[tilespmem:v36+s4+$0x0] =	vst.idx.msk $0xffff, v41  }
0x224: {  	v18 =	vmul.f32 v18, v11;
	[tilespmem:v38+s4+$0x0] =	vst.idx.msk $0xffff, v43  }
0x225: {  	[tilespmem:v40+s4+$0x0] =	vst.idx.msk $0xffff, v44  }
0x226: {  	[tilespmem:v42+s4+$0x0] =	vst.idx.msk $0xffff, v18  }
0x227: {  	v18 =	vld [tilespmem:s25+$0xFFFFFE80];
	_ =	sdelay $0x1  }
0x228: {  	v45 =	vor.u32 $0xD, v7  }
0x229: {  	v46 =	vor.u32 $0xD, v10  }
0x22a: {  	v47 =	vor.u32 $0xD, v12  }
0x22b: {  	v49 =	vor.u32 $0xD, v13;
	v48 =	vmul.f32 v18, v3  }
0x22c: {  	v51 =	vor.u32 $0xD, v15;
	v50 =	vmul.f32 v18, v2  }
0x22d: {  	v53 =	vor.u32 $0xD, v16;
	v52 =	vmul.f32 v18, v4;
	[tilespmem:v45+s4+$0x0] =	vst.idx.msk $0xffff, v48  }
0x22e: {  	v55 =	vor.u32 $0xD, v14;
	v54 =	vmul.f32 v18, v5;
	[tilespmem:v46+s4+$0x0] =	vst.idx.msk $0xffff, v50  }
0x22f: {  	v57 =	vor.u32 $0xD, v17;
	v56 =	vmul.f32 v18, v6;
	[tilespmem:v47+s4+$0x0] =	vst.idx.msk $0xffff, v52  }
0x230: {  	v58 =	vmul.f32 v18, v8;
	[tilespmem:v49+s4+$0x0] =	vst.idx.msk $0xffff, v54  }
0x231: {  	v59 =	vmul.f32 v18, v9;
	[tilespmem:v51+s4+$0x0] =	vst.idx.msk $0xffff, v56  }
0x232: {  	v18 =	vmul.f32 v18, v11;
	[tilespmem:v53+s4+$0x0] =	vst.idx.msk $0xffff, v58  }
0x233: {  	[tilespmem:v55+s4+$0x0] =	vst.idx.msk $0xffff, v59  }
0x234: {  	[tilespmem:v57+s4+$0x0] =	vst.idx.msk $0xffff, v18  }
0x235: {  	v18 =	vld [tilespmem:s25+$0xFFFFFF00];
	_ =	sdelay $0x1  }
0x236: {  	v60 =	vor.u32 $0xE, v7  }
0x237: {  	v61 =	vor.u32 $0xE, v10  }
0x238: {  	v62 =	vor.u32 $0xE, v12  }
0x239: {  	v28 =	vor.u32 $0xE, v13;
	v63 =	vmul.f32 v18, v3  }
0x23a: {  	v30 =	vor.u32 $0xE, v15;
	v29 =	vmul.f32 v18, v2  }
0x23b: {  	v32 =	vor.u32 $0xE, v16;
	v31 =	vmul.f32 v18, v4;
	[tilespmem:v60+s4+$0x0] =	vst.idx.msk $0xffff, v63  }
0x23c: {  	v34 =	vor.u32 $0xE, v14;
	v33 =	vmul.f32 v18, v5;
	[tilespmem:v61+s4+$0x0] =	vst.idx.msk $0xffff, v29  }
0x23d: {  	v36 =	vor.u32 $0xE, v17;
	v35 =	vmul.f32 v18, v6;
	[tilespmem:v62+s4+$0x0] =	vst.idx.msk $0xffff, v31  }
0x23e: {  	v37 =	vmul.f32 v18, v8;
	[tilespmem:v28+s4+$0x0] =	vst.idx.msk $0xffff, v33  }
0x23f: {  	v38 =	vmul.f32 v18, v9;
	[tilespmem:v30+s4+$0x0] =	vst.idx.msk $0xffff, v35  }
0x240: {  	v18 =	vmul.f32 v18, v11;
	[tilespmem:v32+s4+$0x0] =	vst.idx.msk $0xffff, v37  }
0x241: {  	[tilespmem:v34+s4+$0x0] =	vst.idx.msk $0xffff, v38  }
0x242: {  	[tilespmem:v36+s4+$0x0] =	vst.idx.msk $0xffff, v18  }
0x243: {  	v18 =	vld [tilespmem:s25+$0xFFFFFF80];
	_ =	sdelay $0x1  }
0x244: {  	v39 =	vor.u32 $0xF, v7  }
0x245: {  	v40 =	vor.u32 $0xF, v10  }
0x246: {  	v41 =	vor.u32 $0xF, v12  }
0x247: {  	v43 =	vor.u32 $0xF, v13;
	v42 =	vmul.f32 v18, v3  }
0x248: {  	v45 =	vor.u32 $0xF, v15;
	v44 =	vmul.f32 v18, v2  }
0x249: {  	v47 =	vor.u32 $0xF, v16;
	v46 =	vmul.f32 v18, v4;
	[tilespmem:v39+s4+$0x0] =	vst.idx.msk $0xffff, v42  }
0x24a: {  	v49 =	vor.u32 $0xF, v14;
	v48 =	vmul.f32 v18, v5;
	[tilespmem:v40+s4+$0x0] =	vst.idx.msk $0xffff, v44  }
0x24b: {  	v51 =	vor.u32 $0xF, v17;
	v50 =	vmul.f32 v18, v6;
	[tilespmem:v41+s4+$0x0] =	vst.idx.msk $0xffff, v46  }
0x24c: {  	v52 =	vmul.f32 v18, v8;
	[tilespmem:v43+s4+$0x0] =	vst.idx.msk $0xffff, v48  }
0x24d: {  	v53 =	vmul.f32 v18, v9;
	[tilespmem:v45+s4+$0x0] =	vst.idx.msk $0xffff, v50  }
0x24e: {  	v18 =	vmul.f32 v18, v11;
	[tilespmem:v47+s4+$0x0] =	vst.idx.msk $0xffff, v52  }
0x24f: {  	[tilespmem:v49+s4+$0x0] =	vst.idx.msk $0xffff, v53  }
0x250: {  	[tilespmem:v51+s4+$0x0] =	vst.idx.msk $0xffff, v18  }
0x251: {  	v18 =	vld [tilespmem:s25+$0x0];
	_ =	sdelay $0x1  }
0x252: {  	v54 =	vor.u32 $0x10, v7  }
0x253: {  	v55 =	vor.u32 $0x10, v10  }
0x254: {  	v56 =	vor.u32 $0x10, v12  }
0x255: {  	v58 =	vor.u32 $0x10, v13;
	v57 =	vmul.f32 v18, v3  }
0x256: {  	v60 =	vor.u32 $0x10, v15;
	v59 =	vmul.f32 v18, v2  }
0x257: {  	v62 =	vor.u32 $0x10, v16;
	v61 =	vmul.f32 v18, v4;
	[tilespmem:v54+s4+$0x0] =	vst.idx.msk $0xffff, v57  }
0x258: {  	v28 =	vor.u32 $0x10, v14;
	v63 =	vmul.f32 v18, v5;
	[tilespmem:v55+s4+$0x0] =	vst.idx.msk $0xffff, v59  }
0x259: {  	v30 =	vor.u32 $0x10, v17;
	v29 =	vmul.f32 v18, v6;
	[tilespmem:v56+s4+$0x0] =	vst.idx.msk $0xffff, v61  }
0x25a: {  	v31 =	vmul.f32 v18, v8;
	[tilespmem:v58+s4+$0x0] =	vst.idx.msk $0xffff, v63  }
0x25b: {  	v32 =	vmul.f32 v18, v9;
	[tilespmem:v60+s4+$0x0] =	vst.idx.msk $0xffff, v29  }
0x25c: {  	v18 =	vmul.f32 v18, v11;
	[tilespmem:v62+s4+$0x0] =	vst.idx.msk $0xffff, v31  }
0x25d: {  	[tilespmem:v28+s4+$0x0] =	vst.idx.msk $0xffff, v32  }
0x25e: {  	[tilespmem:v30+s4+$0x0] =	vst.idx.msk $0xffff, v18  }
0x25f: {  	v18 =	vld [tilespmem:s25+$0x80];
	_ =	sdelay $0x1  }
0x260: {  	v33 =	vor.u32 $0x11, v7  }
0x261: {  	v34 =	vor.u32 $0x11, v10  }
0x262: {  	v35 =	vor.u32 $0x11, v12  }
0x263: {  	v37 =	vor.u32 $0x11, v13;
	v36 =	vmul.f32 v18, v3  }
0x264: {  	v39 =	vor.u32 $0x11, v15;
	v38 =	vmul.f32 v18, v2  }
0x265: {  	v41 =	vor.u32 $0x11, v16;
	v40 =	vmul.f32 v18, v4;
	[tilespmem:v33+s4+$0x0] =	vst.idx.msk $0xffff, v36  }
0x266: {  	v43 =	vor.u32 $0x11, v14;
	v42 =	vmul.f32 v18, v5;
	[tilespmem:v34+s4+$0x0] =	vst.idx.msk $0xffff, v38  }
0x267: {  	v45 =	vor.u32 $0x11, v17;
	v44 =	vmul.f32 v18, v6;
	[tilespmem:v35+s4+$0x0] =	vst.idx.msk $0xffff, v40  }
0x268: {  	v46 =	vmul.f32 v18, v8;
	[tilespmem:v37+s4+$0x0] =	vst.idx.msk $0xffff, v42  }
0x269: {  	v47 =	vmul.f32 v18, v9;
	[tilespmem:v39+s4+$0x0] =	vst.idx.msk $0xffff, v44  }
0x26a: {  	v18 =	vmul.f32 v18, v11;
	[tilespmem:v41+s4+$0x0] =	vst.idx.msk $0xffff, v46  }
0x26b: {  	[tilespmem:v43+s4+$0x0] =	vst.idx.msk $0xffff, v47  }
0x26c: {  	[tilespmem:v45+s4+$0x0] =	vst.idx.msk $0xffff, v18  }
0x26d: {  	v18 =	vld [tilespmem:s25+$0x100];
	_ =	sdelay $0x1  }
0x26e: {  	v48 =	vor.u32 $0x12, v7  }
0x26f: {  	v49 =	vor.u32 $0x12, v10  }
0x270: {  	v50 =	vor.u32 $0x12, v12  }
0x271: {  	v52 =	vor.u32 $0x12, v13;
	v51 =	vmul.f32 v18, v3  }
0x272: {  	v54 =	vor.u32 $0x12, v15;
	v53 =	vmul.f32 v18, v2  }
0x273: {  	v56 =	vor.u32 $0x12, v16;
	v55 =	vmul.f32 v18, v4;
	[tilespmem:v48+s4+$0x0] =	vst.idx.msk $0xffff, v51  }
0x274: {  	v58 =	vor.u32 $0x12, v14;
	v57 =	vmul.f32 v18, v5;
	[tilespmem:v49+s4+$0x0] =	vst.idx.msk $0xffff, v53  }
0x275: {  	v60 =	vor.u32 $0x12, v17;
	v59 =	vmul.f32 v18, v6;
	[tilespmem:v50+s4+$0x0] =	vst.idx.msk $0xffff, v55  }
0x276: {  	v61 =	vmul.f32 v18, v8;
	[tilespmem:v52+s4+$0x0] =	vst.idx.msk $0xffff, v57  }
0x277: {  	v62 =	vmul.f32 v18, v9;
	[tilespmem:v54+s4+$0x0] =	vst.idx.msk $0xffff, v59  }
0x278: {  	v18 =	vmul.f32 v18, v11;
	[tilespmem:v56+s4+$0x0] =	vst.idx.msk $0xffff, v61  }
0x279: {  	[tilespmem:v58+s4+$0x0] =	vst.idx.msk $0xffff, v62  }
0x27a: {  	[tilespmem:v60+s4+$0x0] =	vst.idx.msk $0xffff, v18  }
0x27b: {  	v18 =	vld [tilespmem:s25+$0x180];
	_ =	sdelay $0x1  }
0x27c: {  	v63 =	vor.u32 $0x13, v7  }
0x27d: {  	v28 =	vor.u32 $0x13, v10  }
0x27e: {  	v29 =	vor.u32 $0x13, v12  }
0x27f: {  	v31 =	vor.u32 $0x13, v13;
	v30 =	vmul.f32 v18, v3  }
0x280: {  	v33 =	vor.u32 $0x13, v15;
	v32 =	vmul.f32 v18, v2  }
0x281: {  	v35 =	vor.u32 $0x13, v16;
	v34 =	vmul.f32 v18, v4;
	[tilespmem:v63+s4+$0x0] =	vst.idx.msk $0xffff, v30  }
0x282: {  	v37 =	vor.u32 $0x13, v14;
	v36 =	vmul.f32 v18, v5;
	[tilespmem:v28+s4+$0x0] =	vst.idx.msk $0xffff, v32  }
0x283: {  	v39 =	vor.u32 $0x13, v17;
	v38 =	vmul.f32 v18, v6;
	[tilespmem:v29+s4+$0x0] =	vst.idx.msk $0xffff, v34  }
0x284: {  	v40 =	vmul.f32 v18, v8;
	[tilespmem:v31+s4+$0x0] =	vst.idx.msk $0xffff, v36  }
0x285: {  	v41 =	vmul.f32 v18, v9;
	[tilespmem:v33+s4+$0x0] =	vst.idx.msk $0xffff, v38  }
0x286: {  	v18 =	vmul.f32 v18, v11;
	[tilespmem:v35+s4+$0x0] =	vst.idx.msk $0xffff, v40  }
0x287: {  	[tilespmem:v37+s4+$0x0] =	vst.idx.msk $0xffff, v41  }
0x288: {  	[tilespmem:v39+s4+$0x0] =	vst.idx.msk $0xffff, v18  }
0x289: {  	v18 =	vld [tilespmem:s25+$0x200];
	_ =	sdelay $0x1  }
0x28a: {  	v42 =	vor.u32 $0x14, v7  }
0x28b: {  	v43 =	vor.u32 $0x14, v10  }
0x28c: {  	v44 =	vor.u32 $0x14, v12  }
0x28d: {  	v46 =	vor.u32 $0x14, v13;
	v45 =	vmul.f32 v18, v3  }
0x28e: {  	v48 =	vor.u32 $0x14, v15;
	v47 =	vmul.f32 v18, v2  }
0x28f: {  	v50 =	vor.u32 $0x14, v16;
	v49 =	vmul.f32 v18, v4;
	[tilespmem:v42+s4+$0x0] =	vst.idx.msk $0xffff, v45  }
0x290: {  	v52 =	vor.u32 $0x14, v14;
	v51 =	vmul.f32 v18, v5;
	[tilespmem:v43+s4+$0x0] =	vst.idx.msk $0xffff, v47  }
0x291: {  	v54 =	vor.u32 $0x14, v17;
	v53 =	vmul.f32 v18, v6;
	[tilespmem:v44+s4+$0x0] =	vst.idx.msk $0xffff, v49  }
0x292: {  	v55 =	vmul.f32 v18, v8;
	[tilespmem:v46+s4+$0x0] =	vst.idx.msk $0xffff, v51  }
0x293: {  	v56 =	vmul.f32 v18, v9;
	[tilespmem:v48+s4+$0x0] =	vst.idx.msk $0xffff, v53  }
0x294: {  	v18 =	vmul.f32 v18, v11;
	[tilespmem:v50+s4+$0x0] =	vst.idx.msk $0xffff, v55  }
0x295: {  	[tilespmem:v52+s4+$0x0] =	vst.idx.msk $0xffff, v56  }
0x296: {  	[tilespmem:v54+s4+$0x0] =	vst.idx.msk $0xffff, v18  }
0x297: {  	v18 =	vld [tilespmem:s25+$0x280];
	_ =	sdelay $0x1  }
0x298: {  	v57 =	vor.u32 $0x15, v7  }
0x299: {  	v58 =	vor.u32 $0x15, v10  }
0x29a: {  	v59 =	vor.u32 $0x15, v12  }
0x29b: {  	v61 =	vor.u32 $0x15, v13;
	v60 =	vmul.f32 v18, v3  }
0x29c: {  	v63 =	vor.u32 $0x15, v15;
	v62 =	vmul.f32 v18, v2  }
0x29d: {  	v29 =	vor.u32 $0x15, v16;
	v28 =	vmul.f32 v18, v4;
	[tilespmem:v57+s4+$0x0] =	vst.idx.msk $0xffff, v60  }
0x29e: {  	v31 =	vor.u32 $0x15, v14;
	v30 =	vmul.f32 v18, v5;
	[tilespmem:v58+s4+$0x0] =	vst.idx.msk $0xffff, v62  }
0x29f: {  	v33 =	vor.u32 $0x15, v17;
	v32 =	vmul.f32 v18, v6;
	[tilespmem:v59+s4+$0x0] =	vst.idx.msk $0xffff, v28  }
0x2a0: {  	v34 =	vmul.f32 v18, v8;
	[tilespmem:v61+s4+$0x0] =	vst.idx.msk $0xffff, v30  }
0x2a1: {  	v35 =	vmul.f32 v18, v9;
	[tilespmem:v63+s4+$0x0] =	vst.idx.msk $0xffff, v32  }
0x2a2: {  	v18 =	vmul.f32 v18, v11;
	[tilespmem:v29+s4+$0x0] =	vst.idx.msk $0xffff, v34  }
0x2a3: {  	[tilespmem:v31+s4+$0x0] =	vst.idx.msk $0xffff, v35  }
0x2a4: {  	[tilespmem:v33+s4+$0x0] =	vst.idx.msk $0xffff, v18  }
0x2a5: {  	v18 =	vld [tilespmem:s25+$0x300];
	_ =	sdelay $0x1  }
0x2a6: {  	v36 =	vor.u32 $0x16, v7  }
0x2a7: {  	v37 =	vor.u32 $0x16, v10  }
0x2a8: {  	v38 =	vor.u32 $0x16, v12  }
0x2a9: {  	v40 =	vor.u32 $0x16, v13;
	v39 =	vmul.f32 v18, v3  }
0x2aa: {  	v42 =	vor.u32 $0x16, v15;
	v41 =	vmul.f32 v18, v2  }
0x2ab: {  	v44 =	vor.u32 $0x16, v16;
	v43 =	vmul.f32 v18, v4;
	[tilespmem:v36+s4+$0x0] =	vst.idx.msk $0xffff, v39  }
0x2ac: {  	v46 =	vor.u32 $0x16, v14;
	v45 =	vmul.f32 v18, v5;
	[tilespmem:v37+s4+$0x0] =	vst.idx.msk $0xffff, v41  }
0x2ad: {  	v48 =	vor.u32 $0x16, v17;
	v47 =	vmul.f32 v18, v6;
	[tilespmem:v38+s4+$0x0] =	vst.idx.msk $0xffff, v43  }
0x2ae: {  	v49 =	vmul.f32 v18, v8;
	[tilespmem:v40+s4+$0x0] =	vst.idx.msk $0xffff, v45  }
0x2af: {  	v50 =	vmul.f32 v18, v9;
	[tilespmem:v42+s4+$0x0] =	vst.idx.msk $0xffff, v47  }
0x2b0: {  	v18 =	vmul.f32 v18, v11;
	[tilespmem:v44+s4+$0x0] =	vst.idx.msk $0xffff, v49  }
0x2b1: {  	[tilespmem:v46+s4+$0x0] =	vst.idx.msk $0xffff, v50  }
0x2b2: {  	[tilespmem:v48+s4+$0x0] =	vst.idx.msk $0xffff, v18  }
0x2b3: {  	v18 =	vld [tilespmem:s25+$0x380];
	_ =	sdelay $0x1  }
0x2b4: {  	v51 =	vor.u32 $0x17, v7  }
0x2b5: {  	v52 =	vor.u32 $0x17, v10  }
0x2b6: {  	v53 =	vor.u32 $0x17, v12  }
0x2b7: {  	v55 =	vor.u32 $0x17, v13;
	v54 =	vmul.f32 v18, v3  }
0x2b8: {  	v57 =	vor.u32 $0x17, v15;
	v56 =	vmul.f32 v18, v2  }
0x2b9: {  	v59 =	vor.u32 $0x17, v16;
	v58 =	vmul.f32 v18, v4;
	[tilespmem:v51+s4+$0x0] =	vst.idx.msk $0xffff, v54  }
0x2ba: {  	v61 =	vor.u32 $0x17, v14;
	v60 =	vmul.f32 v18, v5;
	[tilespmem:v52+s4+$0x0] =	vst.idx.msk $0xffff, v56  }
0x2bb: {  	v63 =	vor.u32 $0x17, v17;
	v62 =	vmul.f32 v18, v6;
	[tilespmem:v53+s4+$0x0] =	vst.idx.msk $0xffff, v58  }
0x2bc: {  	v28 =	vmul.f32 v18, v8;
	[tilespmem:v55+s4+$0x0] =	vst.idx.msk $0xffff, v60  }
0x2bd: {  	v29 =	vmul.f32 v18, v9;
	[tilespmem:v57+s4+$0x0] =	vst.idx.msk $0xffff, v62  }
0x2be: {  	v18 =	vmul.f32 v18, v11;
	[tilespmem:v59+s4+$0x0] =	vst.idx.msk $0xffff, v28  }
0x2bf: {  	[tilespmem:v61+s4+$0x0] =	vst.idx.msk $0xffff, v29  }
0x2c0: {  	[tilespmem:v63+s4+$0x0] =	vst.idx.msk $0xffff, v18  }
0x2c1: {  	v18 =	vld [tilespmem:s25+$0x400];
	_ =	sdelay $0x1  }
0x2c2: {  	v30 =	vor.u32 $0x18, v7  }
0x2c3: {  	v31 =	vor.u32 $0x18, v10  }
0x2c4: {  	v32 =	vor.u32 $0x18, v12  }
0x2c5: {  	v34 =	vor.u32 $0x18, v13;
	v33 =	vmul.f32 v18, v3  }
0x2c6: {  	v36 =	vor.u32 $0x18, v15;
	v35 =	vmul.f32 v18, v2  }
0x2c7: {  	v38 =	vor.u32 $0x18, v16;
	v37 =	vmul.f32 v18, v4;
	[tilespmem:v30+s4+$0x0] =	vst.idx.msk $0xffff, v33  }
0x2c8: {  	v40 =	vor.u32 $0x18, v14;
	v39 =	vmul.f32 v18, v5;
	[tilespmem:v31+s4+$0x0] =	vst.idx.msk $0xffff, v35  }
0x2c9: {  	v42 =	vor.u32 $0x18, v17;
	v41 =	vmul.f32 v18, v6;
	[tilespmem:v32+s4+$0x0] =	vst.idx.msk $0xffff, v37  }
0x2ca: {  	v43 =	vmul.f32 v18, v8;
	[tilespmem:v34+s4+$0x0] =	vst.idx.msk $0xffff, v39  }
0x2cb: {  	v44 =	vmul.f32 v18, v9;
	[tilespmem:v36+s4+$0x0] =	vst.idx.msk $0xffff, v41  }
0x2cc: {  	v18 =	vmul.f32 v18, v11;
	[tilespmem:v38+s4+$0x0] =	vst.idx.msk $0xffff, v43  }
0x2cd: {  	[tilespmem:v40+s4+$0x0] =	vst.idx.msk $0xffff, v44  }
0x2ce: {  	[tilespmem:v42+s4+$0x0] =	vst.idx.msk $0xffff, v18  }
0x2cf: {  	v18 =	vld [tilespmem:s25+$0x480];
	_ =	sdelay $0x1  }
0x2d0: {  	v45 =	vor.u32 $0x19, v7  }
0x2d1: {  	v46 =	vor.u32 $0x19, v10  }
0x2d2: {  	v47 =	vor.u32 $0x19, v12  }
0x2d3: {  	v49 =	vor.u32 $0x19, v13;
	v48 =	vmul.f32 v18, v3  }
0x2d4: {  	v51 =	vor.u32 $0x19, v15;
	v50 =	vmul.f32 v18, v2  }
0x2d5: {  	v53 =	vor.u32 $0x19, v16;
	v52 =	vmul.f32 v18, v4;
	[tilespmem:v45+s4+$0x0] =	vst.idx.msk $0xffff, v48  }
0x2d6: {  	v55 =	vor.u32 $0x19, v14;
	v54 =	vmul.f32 v18, v5;
	[tilespmem:v46+s4+$0x0] =	vst.idx.msk $0xffff, v50  }
0x2d7: {  	v57 =	vor.u32 $0x19, v17;
	v56 =	vmul.f32 v18, v6;
	[tilespmem:v47+s4+$0x0] =	vst.idx.msk $0xffff, v52  }
0x2d8: {  	v58 =	vmul.f32 v18, v8;
	[tilespmem:v49+s4+$0x0] =	vst.idx.msk $0xffff, v54  }
0x2d9: {  	v59 =	vmul.f32 v18, v9;
	[tilespmem:v51+s4+$0x0] =	vst.idx.msk $0xffff, v56  }
0x2da: {  	v18 =	vmul.f32 v18, v11;
	[tilespmem:v53+s4+$0x0] =	vst.idx.msk $0xffff, v58  }
0x2db: {  	[tilespmem:v55+s4+$0x0] =	vst.idx.msk $0xffff, v59  }
0x2dc: {  	[tilespmem:v57+s4+$0x0] =	vst.idx.msk $0xffff, v18  }
0x2dd: {  	v18 =	vld [tilespmem:s25+$0x500];
	_ =	sdelay $0x1  }
0x2de: {  	v60 =	vor.u32 $0x1A, v7  }
0x2df: {  	v61 =	vor.u32 $0x1A, v10  }
0x2e0: {  	v62 =	vor.u32 $0x1A, v12  }
0x2e1: {  	v28 =	vor.u32 $0x1A, v13;
	v63 =	vmul.f32 v18, v3  }
0x2e2: {  	v30 =	vor.u32 $0x1A, v15;
	v29 =	vmul.f32 v18, v2  }
0x2e3: {  	v32 =	vor.u32 $0x1A, v16;
	v31 =	vmul.f32 v18, v4;
	[tilespmem:v60+s4+$0x0] =	vst.idx.msk $0xffff, v63  }
0x2e4: {  	v34 =	vor.u32 $0x1A, v14;
	v33 =	vmul.f32 v18, v5;
	[tilespmem:v61+s4+$0x0] =	vst.idx.msk $0xffff, v29  }
0x2e5: {  	v36 =	vor.u32 $0x1A, v17;
	v35 =	vmul.f32 v18, v6;
	[tilespmem:v62+s4+$0x0] =	vst.idx.msk $0xffff, v31  }
0x2e6: {  	v37 =	vmul.f32 v18, v8;
	[tilespmem:v28+s4+$0x0] =	vst.idx.msk $0xffff, v33  }
0x2e7: {  	v38 =	vmul.f32 v18, v9;
	[tilespmem:v30+s4+$0x0] =	vst.idx.msk $0xffff, v35  }
0x2e8: {  	v18 =	vmul.f32 v18, v11;
	[tilespmem:v32+s4+$0x0] =	vst.idx.msk $0xffff, v37  }
0x2e9: {  	[tilespmem:v34+s4+$0x0] =	vst.idx.msk $0xffff, v38  }
0x2ea: {  	[tilespmem:v36+s4+$0x0] =	vst.idx.msk $0xffff, v18  }
0x2eb: {  	v18 =	vld [tilespmem:s25+$0x580];
	_ =	sdelay $0x1  }
0x2ec: {  	v39 =	vor.u32 $0x1B, v7  }
0x2ed: {  	v40 =	vor.u32 $0x1B, v10  }
0x2ee: {  	v41 =	vor.u32 $0x1B, v12  }
0x2ef: {  	v43 =	vor.u32 $0x1B, v13;
	v42 =	vmul.f32 v18, v3  }
0x2f0: {  	v45 =	vor.u32 $0x1B, v15;
	v44 =	vmul.f32 v18, v2  }
0x2f1: {  	v47 =	vor.u32 $0x1B, v16;
	v46 =	vmul.f32 v18, v4;
	[tilespmem:v39+s4+$0x0] =	vst.idx.msk $0xffff, v42  }
0x2f2: {  	v49 =	vor.u32 $0x1B, v14;
	v48 =	vmul.f32 v18, v5;
	[tilespmem:v40+s4+$0x0] =	vst.idx.msk $0xffff, v44  }
0x2f3: {  	v51 =	vor.u32 $0x1B, v17;
	v50 =	vmul.f32 v18, v6;
	[tilespmem:v41+s4+$0x0] =	vst.idx.msk $0xffff, v46  }
0x2f4: {  	v52 =	vmul.f32 v18, v8;
	[tilespmem:v43+s4+$0x0] =	vst.idx.msk $0xffff, v48  }
0x2f5: {  	v53 =	vmul.f32 v18, v9;
	[tilespmem:v45+s4+$0x0] =	vst.idx.msk $0xffff, v50  }
0x2f6: {  	v18 =	vmul.f32 v18, v11;
	[tilespmem:v47+s4+$0x0] =	vst.idx.msk $0xffff, v52  }
0x2f7: {  	[tilespmem:v49+s4+$0x0] =	vst.idx.msk $0xffff, v53  }
0x2f8: {  	[tilespmem:v51+s4+$0x0] =	vst.idx.msk $0xffff, v18  }
0x2f9: {  	v18 =	vld [tilespmem:s25+$0x600];
	_ =	sdelay $0x1  }
0x2fa: {  	v54 =	vor.u32 $0x1C, v7  }
0x2fb: {  	v55 =	vor.u32 $0x1C, v10  }
0x2fc: {  	v56 =	vor.u32 $0x1C, v12  }
0x2fd: {  	v58 =	vor.u32 $0x1C, v13;
	v57 =	vmul.f32 v18, v3  }
0x2fe: {  	v60 =	vor.u32 $0x1C, v15;
	v59 =	vmul.f32 v18, v2  }
0x2ff: {  	v62 =	vor.u32 $0x1C, v16;
	v61 =	vmul.f32 v18, v4;
	[tilespmem:v54+s4+$0x0] =	vst.idx.msk $0xffff, v57  }
0x300: {  	v28 =	vor.u32 $0x1C, v14;
	v63 =	vmul.f32 v18, v5;
	[tilespmem:v55+s4+$0x0] =	vst.idx.msk $0xffff, v59  }
0x301: {  	v30 =	vor.u32 $0x1C, v17;
	v29 =	vmul.f32 v18, v6;
	[tilespmem:v56+s4+$0x0] =	vst.idx.msk $0xffff, v61  }
0x302: {  	v31 =	vmul.f32 v18, v8;
	[tilespmem:v58+s4+$0x0] =	vst.idx.msk $0xffff, v63  }
0x303: {  	v32 =	vmul.f32 v18, v9;
	[tilespmem:v60+s4+$0x0] =	vst.idx.msk $0xffff, v29  }
0x304: {  	v18 =	vmul.f32 v18, v11;
	[tilespmem:v62+s4+$0x0] =	vst.idx.msk $0xffff, v31  }
0x305: {  	[tilespmem:v28+s4+$0x0] =	vst.idx.msk $0xffff, v32  }
0x306: {  	[tilespmem:v30+s4+$0x0] =	vst.idx.msk $0xffff, v18  }
0x307: {  	v18 =	vld [tilespmem:s25+$0x680];
	_ =	sdelay $0x1  }
0x308: {  	v33 =	vor.u32 $0x1D, v7  }
0x309: {  	v34 =	vor.u32 $0x1D, v10  }
0x30a: {  	v35 =	vor.u32 $0x1D, v12  }
0x30b: {  	v37 =	vor.u32 $0x1D, v13;
	v36 =	vmul.f32 v18, v3  }
0x30c: {  	v39 =	vor.u32 $0x1D, v15;
	v38 =	vmul.f32 v18, v2  }
0x30d: {  	v41 =	vor.u32 $0x1D, v16;
	v40 =	vmul.f32 v18, v4;
	[tilespmem:v33+s4+$0x0] =	vst.idx.msk $0xffff, v36  }
0x30e: {  	v43 =	vor.u32 $0x1D, v14;
	v42 =	vmul.f32 v18, v5;
	[tilespmem:v34+s4+$0x0] =	vst.idx.msk $0xffff, v38  }
0x30f: {  	v45 =	vor.u32 $0x1D, v17;
	v44 =	vmul.f32 v18, v6;
	[tilespmem:v35+s4+$0x0] =	vst.idx.msk $0xffff, v40  }
0x310: {  	v46 =	vmul.f32 v18, v8;
	[tilespmem:v37+s4+$0x0] =	vst.idx.msk $0xffff, v42  }
0x311: {  	v47 =	vmul.f32 v18, v9;
	[tilespmem:v39+s4+$0x0] =	vst.idx.msk $0xffff, v44  }
0x312: {  	v18 =	vmul.f32 v18, v11;
	[tilespmem:v41+s4+$0x0] =	vst.idx.msk $0xffff, v46  }
0x313: {  	[tilespmem:v43+s4+$0x0] =	vst.idx.msk $0xffff, v47  }
0x314: {  	[tilespmem:v45+s4+$0x0] =	vst.idx.msk $0xffff, v18  }
0x315: {  	v18 =	vld [tilespmem:s25+$0x700];
	_ =	sdelay $0x1  }
0x316: {  	v48 =	vor.u32 $0x1E, v7  }
0x317: {  	v49 =	vor.u32 $0x1E, v10  }
0x318: {  	v50 =	vor.u32 $0x1E, v12  }
0x319: {  	v52 =	vor.u32 $0x1E, v13;
	v51 =	vmul.f32 v18, v3  }
0x31a: {  	v54 =	vor.u32 $0x1E, v15;
	v53 =	vmul.f32 v18, v2  }
0x31b: {  	v56 =	vor.u32 $0x1E, v16;
	v55 =	vmul.f32 v18, v4;
	[tilespmem:v48+s4+$0x0] =	vst.idx.msk $0xffff, v51  }
0x31c: {  	v58 =	vor.u32 $0x1E, v14;
	v57 =	vmul.f32 v18, v5;
	[tilespmem:v49+s4+$0x0] =	vst.idx.msk $0xffff, v53  }
0x31d: {  	v60 =	vor.u32 $0x1E, v17;
	v59 =	vmul.f32 v18, v6;
	[tilespmem:v50+s4+$0x0] =	vst.idx.msk $0xffff, v55  }
0x31e: {  	v61 =	vmul.f32 v18, v8;
	[tilespmem:v52+s4+$0x0] =	vst.idx.msk $0xffff, v57  }
0x31f: {  	v62 =	vmul.f32 v18, v9;
	[tilespmem:v54+s4+$0x0] =	vst.idx.msk $0xffff, v59  }
0x320: {  	v18 =	vmul.f32 v18, v11;
	[tilespmem:v56+s4+$0x0] =	vst.idx.msk $0xffff, v61  }
0x321: {  	[tilespmem:v58+s4+$0x0] =	vst.idx.msk $0xffff, v62  }
0x322: {  	[tilespmem:v60+s4+$0x0] =	vst.idx.msk $0xffff, v18  }
0x323: {  	v18 =	vld [tilespmem:s25+$0x780];
	_ =	sdelay $0x1  }
0x324: {  	v7 =	vor.u32 $0x1F, v7  }
0x325: {  	v10 =	vor.u32 $0x1F, v10  }
0x326: {  	v12 =	vor.u32 $0x1F, v12  }
0x327: {  	v3 =	vmul.f32 v18, v3  }
0x328: {  	v2 =	vmul.f32 v18, v2  }
0x329: {  	v13 =	vor.u32 $0x1F, v13;
	v4 =	vmul.f32 v18, v4;
	[tilespmem:v7+s4+$0x0] =	vst.idx.msk $0xffff, v3  }
0x32a: {  	v15 =	vor.u32 $0x1F, v15;
	[tilespmem:v10+s4+$0x0] =	vst.idx.msk $0xffff, v2  }
0x32b: {  	[tilespmem:v12+s4+$0x0] =	vst.idx.msk $0xffff, v4;
	v4 =	vor.u32 $0x1F, v16  }
0x32c: {  	v5 =	vmul.f32 v18, v5;
	v63 =	vmul.f32 v18, v6;
	v6 =	vor.u32 $0x1F, v14  }
0x32d: {  	v7 =	vor.u32 $0x1F, v17  }
0x32e: {  	v2 =	vmul.f32 v18, v8;
	[tilespmem:v13+s4+$0x0] =	vst.idx.msk $0xffff, v5  }
0x32f: {  	s12 =	simm.s32 $0x390;
	v3 =	vmul.f32 v18, v9;
	v5 =	vmul.f32 v18, v11;
	[tilespmem:v15+s4+$0x0] =	vst.idx.msk $0xffff, v63  }
.LBB2_4:
0x330: {  	p0 =	sne.s32 s12, $0x3F0;
	[tilespmem:v4+s4+$0x0] =	vst.idx.msk $0xffff, v2;
	s25 =	sadd.s32 $0x10, s25;
	s29 =	sadd.s32 $0x10, s29  }
0x331: {  	s3 =	smov.u32 s12;
	s12 =	sadd.s32 $0x10, s12;
	[tilespmem:v6+s4+$0x0] =	vst.idx.msk $0xffff, v3  }
0x332: {  	[tilespmem:v7+s4+$0x0] =	vst.idx.msk $0xffff, v5  }
0x333: {  	s5 =	sadd.s32 $0xFFFFFC80, s3;
	v2 =	vld [tilespmem:s29+$0xFFFFFE80]  }
0x334: {  	v4 =	vmov s5;
	s5 =	sadd.s32 $0xFFFFFD00, s3;
	v3 =	vld [tilespmem:s29+$0xFFFFFE00]  }
0x335: {  	v5 =	vshll.u32 v4, $0x5;
	v4 =	vmov s5;
	s5 =	sadd.s32 $0xFFFFFD80, s3;
	v18 =	vld [tilespmem:s25+$0xFFFFF800]  }
0x336: {  	v6 =	vshll.u32 v4, $0x5;
	v7 =	vmov s5;
	s5 =	sadd.s32 $0xFFFFFE00, s3;
	v9 =	vor.u32 v1, v5;
	v4 =	vld [tilespmem:s29+$0xFFFFFF00]  }
0x337: {  	v7 =	vshll.u32 v7, $0x5;
	v8 =	vmov s5;
	s5 =	sadd.s32 $0xFFFFFE80, s3;
	v10 =	vor.u32 v1, v6;
	v5 =	vld [tilespmem:s29+$0xFFFFFF80]  }
0x338: {  	v8 =	vshll.u32 v8, $0x5;
	v11 =	vmov s5;
	s5 =	sadd.s32 $0xFFFFFF00, s3;
	v12 =	vor.u32 v1, v7;
	v6 =	vld [tilespmem:s29+$0x0]  }
0x339: {  	s8 =	sadd.s32 $0xFFFFFF80, s3;
	v11 =	vshll.u32 v11, $0x5;
	v13 =	vor.u32 v1, v8;
	v7 =	vld [tilespmem:s29+$0x80]  }
0x33a: {  	v15 =	vmov s8;
	v14 =	vor.u32 v1, v11;
	v8 =	vld [tilespmem:s29+$0x100];
	v16 =	vmul.f32 v18, v3  }
0x33b: {  	v15 =	vshll.u32 v15, $0x5;
	v11 =	vmov s5;
	v17 =	vmul.f32 v18, v2  }
0x33c: {  	v15 =	vor.u32 v1, v15;
	v19 =	vshll.u32 v11, $0x5;
	v20 =	vmul.f32 v18, v4;
	v11 =	vld [tilespmem:s29+$0x180]  }
0x33d: {  	v21 =	vmov s3;
	v22 =	vmul.f32 v18, v5;
	[tilespmem:v9+s4+$0x0] =	vst.idx.msk $0xffff, v16;
	v16 =	vor.u32 v1, v19  }
0x33e: {  	v19 =	vshll.u32 v21, $0x5;
	v21 =	vmul.f32 v18, v6;
	[tilespmem:v10+s4+$0x0] =	vst.idx.msk $0xffff, v17;
	v23 =	vmul.f32 v18, v7  }
0x33f: {  	v17 =	vor.u32 v1, v19;
	[tilespmem:v12+s4+$0x0] =	vst.idx.msk $0xffff, v20;
	v20 =	vmul.f32 v18, v8  }
0x340: {  	[tilespmem:v13+s4+$0x0] =	vst.idx.msk $0xffff, v22  }
0x341: {  	[tilespmem:v14+s4+$0x0] =	vst.idx.msk $0xffff, v21  }
0x342: {  	v18 =	vmul.f32 v18, v11;
	[tilespmem:v16+s4+$0x0] =	vst.idx.msk $0xffff, v23  }
0x343: {  	[tilespmem:v15+s4+$0x0] =	vst.idx.msk $0xffff, v20  }
0x344: {  	[tilespmem:v17+s4+$0x0] =	vst.idx.msk $0xffff, v18  }
0x345: {  	v18 =	vld [tilespmem:s25+$0xFFFFF880];
	_ =	sdelay $0x1  }
0x346: {  	v19 =	vor.u32 $0x1, v9  }
0x347: {  	v20 =	vor.u32 $0x1, v10  }
0x348: {  	v21 =	vor.u32 $0x1, v12  }
0x349: {  	v24 =	vor.u32 $0x1, v13;
	v22 =	vmul.f32 v18, v3;
	v23 =	vmul.f32 v18, v2  }
0x34a: {  	v27 =	vor.u32 $0x1, v14;
	v25 =	vmul.f32 v18, v4;
	v26 =	vmul.f32 v18, v5  }
0x34b: {  	v28 =	vor.u32 $0x1, v16;
	[tilespmem:v19+s4+$0x0] =	vst.idx.msk $0xffff, v22;
	v19 =	vmul.f32 v18, v6;
	v22 =	vmul.f32 v18, v7  }
0x34c: {  	[tilespmem:v20+s4+$0x0] =	vst.idx.msk $0xffff, v23;
	v20 =	vmul.f32 v18, v8;
	v23 =	vor.u32 $0x1, v15  }
0x34d: {  	[tilespmem:v21+s4+$0x0] =	vst.idx.msk $0xffff, v25;
	v21 =	vor.u32 $0x1, v17  }
0x34e: {  	[tilespmem:v24+s4+$0x0] =	vst.idx.msk $0xffff, v26  }
0x34f: {  	[tilespmem:v27+s4+$0x0] =	vst.idx.msk $0xffff, v19  }
0x350: {  	v18 =	vmul.f32 v18, v11;
	[tilespmem:v28+s4+$0x0] =	vst.idx.msk $0xffff, v22  }
0x351: {  	[tilespmem:v23+s4+$0x0] =	vst.idx.msk $0xffff, v20  }
0x352: {  	[tilespmem:v21+s4+$0x0] =	vst.idx.msk $0xffff, v18  }
0x353: {  	v18 =	vld [tilespmem:s25+$0xFFFFF900];
	_ =	sdelay $0x1  }
0x354: {  	v19 =	vor.u32 $0x2, v9  }
0x355: {  	v20 =	vor.u32 $0x2, v10  }
0x356: {  	v21 =	vor.u32 $0x2, v12  }
0x357: {  	v24 =	vor.u32 $0x2, v13;
	v22 =	vmul.f32 v18, v3;
	v23 =	vmul.f32 v18, v2  }
0x358: {  	v27 =	vor.u32 $0x2, v14;
	v25 =	vmul.f32 v18, v4;
	v26 =	vmul.f32 v18, v5  }
0x359: {  	v28 =	vor.u32 $0x2, v16;
	[tilespmem:v19+s4+$0x0] =	vst.idx.msk $0xffff, v22;
	v19 =	vmul.f32 v18, v6;
	v22 =	vmul.f32 v18, v7  }
0x35a: {  	[tilespmem:v20+s4+$0x0] =	vst.idx.msk $0xffff, v23;
	v20 =	vmul.f32 v18, v8;
	v23 =	vor.u32 $0x2, v15  }
0x35b: {  	[tilespmem:v21+s4+$0x0] =	vst.idx.msk $0xffff, v25;
	v21 =	vor.u32 $0x2, v17  }
0x35c: {  	[tilespmem:v24+s4+$0x0] =	vst.idx.msk $0xffff, v26  }
0x35d: {  	[tilespmem:v27+s4+$0x0] =	vst.idx.msk $0xffff, v19  }
0x35e: {  	v18 =	vmul.f32 v18, v11;
	[tilespmem:v28+s4+$0x0] =	vst.idx.msk $0xffff, v22  }
0x35f: {  	[tilespmem:v23+s4+$0x0] =	vst.idx.msk $0xffff, v20  }
0x360: {  	[tilespmem:v21+s4+$0x0] =	vst.idx.msk $0xffff, v18  }
0x361: {  	v18 =	vld [tilespmem:s25+$0xFFFFF980];
	_ =	sdelay $0x1  }
0x362: {  	v19 =	vor.u32 $0x3, v9  }
0x363: {  	v20 =	vor.u32 $0x3, v10  }
0x364: {  	v21 =	vor.u32 $0x3, v12  }
0x365: {  	v24 =	vor.u32 $0x3, v13;
	v22 =	vmul.f32 v18, v3;
	v23 =	vmul.f32 v18, v2  }
0x366: {  	v27 =	vor.u32 $0x3, v14;
	v25 =	vmul.f32 v18, v4;
	v26 =	vmul.f32 v18, v5  }
0x367: {  	v28 =	vor.u32 $0x3, v16;
	[tilespmem:v19+s4+$0x0] =	vst.idx.msk $0xffff, v22;
	v19 =	vmul.f32 v18, v6;
	v22 =	vmul.f32 v18, v7  }
0x368: {  	[tilespmem:v20+s4+$0x0] =	vst.idx.msk $0xffff, v23;
	v20 =	vmul.f32 v18, v8;
	v23 =	vor.u32 $0x3, v15  }
0x369: {  	[tilespmem:v21+s4+$0x0] =	vst.idx.msk $0xffff, v25;
	v21 =	vor.u32 $0x3, v17  }
0x36a: {  	[tilespmem:v24+s4+$0x0] =	vst.idx.msk $0xffff, v26  }
0x36b: {  	[tilespmem:v27+s4+$0x0] =	vst.idx.msk $0xffff, v19  }
0x36c: {  	v18 =	vmul.f32 v18, v11;
	[tilespmem:v28+s4+$0x0] =	vst.idx.msk $0xffff, v22  }
0x36d: {  	[tilespmem:v23+s4+$0x0] =	vst.idx.msk $0xffff, v20  }
0x36e: {  	[tilespmem:v21+s4+$0x0] =	vst.idx.msk $0xffff, v18  }
0x36f: {  	v18 =	vld [tilespmem:s25+$0xFFFFFA00];
	_ =	sdelay $0x1  }
0x370: {  	v19 =	vor.u32 $0x4, v9  }
0x371: {  	v20 =	vor.u32 $0x4, v10  }
0x372: {  	v21 =	vor.u32 $0x4, v12  }
0x373: {  	v24 =	vor.u32 $0x4, v13;
	v22 =	vmul.f32 v18, v3;
	v23 =	vmul.f32 v18, v2  }
0x374: {  	v27 =	vor.u32 $0x4, v14;
	v25 =	vmul.f32 v18, v4;
	v26 =	vmul.f32 v18, v5  }
0x375: {  	v28 =	vor.u32 $0x4, v16;
	[tilespmem:v19+s4+$0x0] =	vst.idx.msk $0xffff, v22;
	v19 =	vmul.f32 v18, v6;
	v22 =	vmul.f32 v18, v7  }
0x376: {  	[tilespmem:v20+s4+$0x0] =	vst.idx.msk $0xffff, v23;
	v20 =	vmul.f32 v18, v8;
	v23 =	vor.u32 $0x4, v15  }
0x377: {  	[tilespmem:v21+s4+$0x0] =	vst.idx.msk $0xffff, v25;
	v21 =	vor.u32 $0x4, v17  }
0x378: {  	[tilespmem:v24+s4+$0x0] =	vst.idx.msk $0xffff, v26  }
0x379: {  	[tilespmem:v27+s4+$0x0] =	vst.idx.msk $0xffff, v19  }
0x37a: {  	v18 =	vmul.f32 v18, v11;
	[tilespmem:v28+s4+$0x0] =	vst.idx.msk $0xffff, v22  }
0x37b: {  	[tilespmem:v23+s4+$0x0] =	vst.idx.msk $0xffff, v20  }
0x37c: {  	[tilespmem:v21+s4+$0x0] =	vst.idx.msk $0xffff, v18  }
0x37d: {  	v18 =	vld [tilespmem:s25+$0xFFFFFA80];
	_ =	sdelay $0x1  }
0x37e: {  	v19 =	vor.u32 $0x5, v9  }
0x37f: {  	v20 =	vor.u32 $0x5, v10  }
0x380: {  	v21 =	vor.u32 $0x5, v12  }
0x381: {  	v24 =	vor.u32 $0x5, v13;
	v22 =	vmul.f32 v18, v3;
	v23 =	vmul.f32 v18, v2  }
0x382: {  	v27 =	vor.u32 $0x5, v14;
	v25 =	vmul.f32 v18, v4;
	v26 =	vmul.f32 v18, v5  }
0x383: {  	v28 =	vor.u32 $0x5, v16;
	[tilespmem:v19+s4+$0x0] =	vst.idx.msk $0xffff, v22;
	v19 =	vmul.f32 v18, v6;
	v22 =	vmul.f32 v18, v7  }
0x384: {  	[tilespmem:v20+s4+$0x0] =	vst.idx.msk $0xffff, v23;
	v20 =	vmul.f32 v18, v8;
	v23 =	vor.u32 $0x5, v15  }
0x385: {  	[tilespmem:v21+s4+$0x0] =	vst.idx.msk $0xffff, v25;
	v21 =	vor.u32 $0x5, v17  }
0x386: {  	[tilespmem:v24+s4+$0x0] =	vst.idx.msk $0xffff, v26  }
0x387: {  	[tilespmem:v27+s4+$0x0] =	vst.idx.msk $0xffff, v19  }
0x388: {  	v18 =	vmul.f32 v18, v11;
	[tilespmem:v28+s4+$0x0] =	vst.idx.msk $0xffff, v22  }
0x389: {  	[tilespmem:v23+s4+$0x0] =	vst.idx.msk $0xffff, v20  }
0x38a: {  	[tilespmem:v21+s4+$0x0] =	vst.idx.msk $0xffff, v18  }
0x38b: {  	v18 =	vld [tilespmem:s25+$0xFFFFFB00];
	_ =	sdelay $0x1  }
0x38c: {  	v19 =	vor.u32 $0x6, v9  }
0x38d: {  	v20 =	vor.u32 $0x6, v10  }
0x38e: {  	v21 =	vor.u32 $0x6, v12  }
0x38f: {  	v24 =	vor.u32 $0x6, v13;
	v22 =	vmul.f32 v18, v3;
	v23 =	vmul.f32 v18, v2  }
0x390: {  	v27 =	vor.u32 $0x6, v14;
	v25 =	vmul.f32 v18, v4;
	v26 =	vmul.f32 v18, v5  }
0x391: {  	v28 =	vor.u32 $0x6, v16;
	[tilespmem:v19+s4+$0x0] =	vst.idx.msk $0xffff, v22;
	v19 =	vmul.f32 v18, v6;
	v22 =	vmul.f32 v18, v7  }
0x392: {  	[tilespmem:v20+s4+$0x0] =	vst.idx.msk $0xffff, v23;
	v20 =	vmul.f32 v18, v8;
	v23 =	vor.u32 $0x6, v15  }
0x393: {  	[tilespmem:v21+s4+$0x0] =	vst.idx.msk $0xffff, v25;
	v21 =	vor.u32 $0x6, v17  }
0x394: {  	[tilespmem:v24+s4+$0x0] =	vst.idx.msk $0xffff, v26  }
0x395: {  	[tilespmem:v27+s4+$0x0] =	vst.idx.msk $0xffff, v19  }
0x396: {  	v18 =	vmul.f32 v18, v11;
	[tilespmem:v28+s4+$0x0] =	vst.idx.msk $0xffff, v22  }
0x397: {  	[tilespmem:v23+s4+$0x0] =	vst.idx.msk $0xffff, v20  }
0x398: {  	[tilespmem:v21+s4+$0x0] =	vst.idx.msk $0xffff, v18  }
0x399: {  	v18 =	vld [tilespmem:s25+$0xFFFFFB80];
	_ =	sdelay $0x1  }
0x39a: {  	v19 =	vor.u32 $0x7, v9  }
0x39b: {  	v20 =	vor.u32 $0x7, v10  }
0x39c: {  	v21 =	vor.u32 $0x7, v12  }
0x39d: {  	v24 =	vor.u32 $0x7, v13;
	v22 =	vmul.f32 v18, v3;
	v23 =	vmul.f32 v18, v2  }
0x39e: {  	v27 =	vor.u32 $0x7, v14;
	v25 =	vmul.f32 v18, v4;
	v26 =	vmul.f32 v18, v5  }
0x39f: {  	v28 =	vor.u32 $0x7, v16;
	[tilespmem:v19+s4+$0x0] =	vst.idx.msk $0xffff, v22;
	v19 =	vmul.f32 v18, v6;
	v22 =	vmul.f32 v18, v7  }
0x3a0: {  	[tilespmem:v20+s4+$0x0] =	vst.idx.msk $0xffff, v23;
	v20 =	vmul.f32 v18, v8;
	v23 =	vor.u32 $0x7, v15  }
0x3a1: {  	[tilespmem:v21+s4+$0x0] =	vst.idx.msk $0xffff, v25;
	v21 =	vor.u32 $0x7, v17  }
0x3a2: {  	[tilespmem:v24+s4+$0x0] =	vst.idx.msk $0xffff, v26  }
0x3a3: {  	[tilespmem:v27+s4+$0x0] =	vst.idx.msk $0xffff, v19  }
0x3a4: {  	v18 =	vmul.f32 v18, v11;
	[tilespmem:v28+s4+$0x0] =	vst.idx.msk $0xffff, v22  }
0x3a5: {  	[tilespmem:v23+s4+$0x0] =	vst.idx.msk $0xffff, v20  }
0x3a6: {  	[tilespmem:v21+s4+$0x0] =	vst.idx.msk $0xffff, v18  }
0x3a7: {  	v18 =	vld [tilespmem:s25+$0xFFFFFC00];
	_ =	sdelay $0x1  }
0x3a8: {  	v19 =	vor.u32 $0x8, v9  }
0x3a9: {  	v20 =	vor.u32 $0x8, v10  }
0x3aa: {  	v21 =	vor.u32 $0x8, v12  }
0x3ab: {  	v24 =	vor.u32 $0x8, v13;
	v22 =	vmul.f32 v18, v3;
	v23 =	vmul.f32 v18, v2  }
0x3ac: {  	v27 =	vor.u32 $0x8, v14;
	v25 =	vmul.f32 v18, v4;
	v26 =	vmul.f32 v18, v5  }
0x3ad: {  	v28 =	vor.u32 $0x8, v16;
	[tilespmem:v19+s4+$0x0] =	vst.idx.msk $0xffff, v22;
	v19 =	vmul.f32 v18, v6;
	v22 =	vmul.f32 v18, v7  }
0x3ae: {  	[tilespmem:v20+s4+$0x0] =	vst.idx.msk $0xffff, v23;
	v20 =	vmul.f32 v18, v8;
	v23 =	vor.u32 $0x8, v15  }
0x3af: {  	[tilespmem:v21+s4+$0x0] =	vst.idx.msk $0xffff, v25;
	v21 =	vor.u32 $0x8, v17  }
0x3b0: {  	[tilespmem:v24+s4+$0x0] =	vst.idx.msk $0xffff, v26  }
0x3b1: {  	[tilespmem:v27+s4+$0x0] =	vst.idx.msk $0xffff, v19  }
0x3b2: {  	v18 =	vmul.f32 v18, v11;
	[tilespmem:v28+s4+$0x0] =	vst.idx.msk $0xffff, v22  }
0x3b3: {  	[tilespmem:v23+s4+$0x0] =	vst.idx.msk $0xffff, v20  }
0x3b4: {  	[tilespmem:v21+s4+$0x0] =	vst.idx.msk $0xffff, v18  }
0x3b5: {  	v18 =	vld [tilespmem:s25+$0xFFFFFC80];
	_ =	sdelay $0x1  }
0x3b6: {  	v19 =	vor.u32 $0x9, v9  }
0x3b7: {  	v20 =	vor.u32 $0x9, v10  }
0x3b8: {  	v21 =	vor.u32 $0x9, v12  }
0x3b9: {  	v24 =	vor.u32 $0x9, v13;
	v22 =	vmul.f32 v18, v3;
	v23 =	vmul.f32 v18, v2  }
0x3ba: {  	v27 =	vor.u32 $0x9, v14;
	v25 =	vmul.f32 v18, v4;
	v26 =	vmul.f32 v18, v5  }
0x3bb: {  	v28 =	vor.u32 $0x9, v16;
	[tilespmem:v19+s4+$0x0] =	vst.idx.msk $0xffff, v22;
	v19 =	vmul.f32 v18, v6;
	v22 =	vmul.f32 v18, v7  }
0x3bc: {  	[tilespmem:v20+s4+$0x0] =	vst.idx.msk $0xffff, v23;
	v20 =	vmul.f32 v18, v8;
	v23 =	vor.u32 $0x9, v15  }
0x3bd: {  	[tilespmem:v21+s4+$0x0] =	vst.idx.msk $0xffff, v25;
	v21 =	vor.u32 $0x9, v17  }
0x3be: {  	[tilespmem:v24+s4+$0x0] =	vst.idx.msk $0xffff, v26  }
0x3bf: {  	[tilespmem:v27+s4+$0x0] =	vst.idx.msk $0xffff, v19  }
0x3c0: {  	v18 =	vmul.f32 v18, v11;
	[tilespmem:v28+s4+$0x0] =	vst.idx.msk $0xffff, v22  }
0x3c1: {  	[tilespmem:v23+s4+$0x0] =	vst.idx.msk $0xffff, v20  }
0x3c2: {  	[tilespmem:v21+s4+$0x0] =	vst.idx.msk $0xffff, v18  }
0x3c3: {  	v18 =	vld [tilespmem:s25+$0xFFFFFD00];
	_ =	sdelay $0x1  }
0x3c4: {  	v19 =	vor.u32 $0xA, v9  }
0x3c5: {  	v20 =	vor.u32 $0xA, v10  }
0x3c6: {  	v21 =	vor.u32 $0xA, v12  }
0x3c7: {  	v24 =	vor.u32 $0xA, v13;
	v22 =	vmul.f32 v18, v3;
	v23 =	vmul.f32 v18, v2  }
0x3c8: {  	v27 =	vor.u32 $0xA, v14;
	v25 =	vmul.f32 v18, v4;
	v26 =	vmul.f32 v18, v5  }
0x3c9: {  	v28 =	vor.u32 $0xA, v16;
	[tilespmem:v19+s4+$0x0] =	vst.idx.msk $0xffff, v22;
	v19 =	vmul.f32 v18, v6;
	v22 =	vmul.f32 v18, v7  }
0x3ca: {  	[tilespmem:v20+s4+$0x0] =	vst.idx.msk $0xffff, v23;
	v20 =	vmul.f32 v18, v8;
	v23 =	vor.u32 $0xA, v15  }
0x3cb: {  	[tilespmem:v21+s4+$0x0] =	vst.idx.msk $0xffff, v25;
	v21 =	vor.u32 $0xA, v17  }
0x3cc: {  	[tilespmem:v24+s4+$0x0] =	vst.idx.msk $0xffff, v26  }
0x3cd: {  	[tilespmem:v27+s4+$0x0] =	vst.idx.msk $0xffff, v19  }
0x3ce: {  	v18 =	vmul.f32 v18, v11;
	[tilespmem:v28+s4+$0x0] =	vst.idx.msk $0xffff, v22  }
0x3cf: {  	[tilespmem:v23+s4+$0x0] =	vst.idx.msk $0xffff, v20  }
0x3d0: {  	[tilespmem:v21+s4+$0x0] =	vst.idx.msk $0xffff, v18  }
0x3d1: {  	v18 =	vld [tilespmem:s25+$0xFFFFFD80];
	_ =	sdelay $0x1  }
0x3d2: {  	v19 =	vor.u32 $0xB, v9  }
0x3d3: {  	v20 =	vor.u32 $0xB, v10  }
0x3d4: {  	v21 =	vor.u32 $0xB, v12  }
0x3d5: {  	v24 =	vor.u32 $0xB, v13;
	v22 =	vmul.f32 v18, v3;
	v23 =	vmul.f32 v18, v2  }
0x3d6: {  	v27 =	vor.u32 $0xB, v14;
	v25 =	vmul.f32 v18, v4;
	v26 =	vmul.f32 v18, v5  }
0x3d7: {  	v28 =	vor.u32 $0xB, v16;
	[tilespmem:v19+s4+$0x0] =	vst.idx.msk $0xffff, v22;
	v19 =	vmul.f32 v18, v6;
	v22 =	vmul.f32 v18, v7  }
0x3d8: {  	[tilespmem:v20+s4+$0x0] =	vst.idx.msk $0xffff, v23;
	v20 =	vmul.f32 v18, v8;
	v23 =	vor.u32 $0xB, v15  }
0x3d9: {  	[tilespmem:v21+s4+$0x0] =	vst.idx.msk $0xffff, v25;
	v21 =	vor.u32 $0xB, v17  }
0x3da: {  	[tilespmem:v24+s4+$0x0] =	vst.idx.msk $0xffff, v26  }
0x3db: {  	[tilespmem:v27+s4+$0x0] =	vst.idx.msk $0xffff, v19  }
0x3dc: {  	v18 =	vmul.f32 v18, v11;
	[tilespmem:v28+s4+$0x0] =	vst.idx.msk $0xffff, v22  }
0x3dd: {  	[tilespmem:v23+s4+$0x0] =	vst.idx.msk $0xffff, v20  }
0x3de: {  	[tilespmem:v21+s4+$0x0] =	vst.idx.msk $0xffff, v18  }
0x3df: {  	v18 =	vld [tilespmem:s25+$0xFFFFFE00];
	_ =	sdelay $0x1  }
0x3e0: {  	v19 =	vor.u32 $0xC, v9  }
0x3e1: {  	v20 =	vor.u32 $0xC, v10  }
0x3e2: {  	v21 =	vor.u32 $0xC, v12  }
0x3e3: {  	v24 =	vor.u32 $0xC, v13;
	v22 =	vmul.f32 v18, v3;
	v23 =	vmul.f32 v18, v2  }
0x3e4: {  	v27 =	vor.u32 $0xC, v14;
	v25 =	vmul.f32 v18, v4;
	v26 =	vmul.f32 v18, v5  }
0x3e5: {  	v28 =	vor.u32 $0xC, v16;
	[tilespmem:v19+s4+$0x0] =	vst.idx.msk $0xffff, v22;
	v19 =	vmul.f32 v18, v6;
	v22 =	vmul.f32 v18, v7  }
0x3e6: {  	[tilespmem:v20+s4+$0x0] =	vst.idx.msk $0xffff, v23;
	v20 =	vmul.f32 v18, v8;
	v23 =	vor.u32 $0xC, v15  }
0x3e7: {  	[tilespmem:v21+s4+$0x0] =	vst.idx.msk $0xffff, v25;
	v21 =	vor.u32 $0xC, v17  }
0x3e8: {  	[tilespmem:v24+s4+$0x0] =	vst.idx.msk $0xffff, v26  }
0x3e9: {  	[tilespmem:v27+s4+$0x0] =	vst.idx.msk $0xffff, v19  }
0x3ea: {  	v18 =	vmul.f32 v18, v11;
	[tilespmem:v28+s4+$0x0] =	vst.idx.msk $0xffff, v22  }
0x3eb: {  	[tilespmem:v23+s4+$0x0] =	vst.idx.msk $0xffff, v20  }
0x3ec: {  	[tilespmem:v21+s4+$0x0] =	vst.idx.msk $0xffff, v18  }
0x3ed: {  	v18 =	vld [tilespmem:s25+$0xFFFFFE80];
	_ =	sdelay $0x1  }
0x3ee: {  	v19 =	vor.u32 $0xD, v9  }
0x3ef: {  	v20 =	vor.u32 $0xD, v10  }
0x3f0: {  	v21 =	vor.u32 $0xD, v12  }
0x3f1: {  	v24 =	vor.u32 $0xD, v13;
	v22 =	vmul.f32 v18, v3;
	v23 =	vmul.f32 v18, v2  }
0x3f2: {  	v27 =	vor.u32 $0xD, v14;
	v25 =	vmul.f32 v18, v4;
	v26 =	vmul.f32 v18, v5  }
0x3f3: {  	v28 =	vor.u32 $0xD, v16;
	[tilespmem:v19+s4+$0x0] =	vst.idx.msk $0xffff, v22;
	v19 =	vmul.f32 v18, v6;
	v22 =	vmul.f32 v18, v7  }
0x3f4: {  	[tilespmem:v20+s4+$0x0] =	vst.idx.msk $0xffff, v23;
	v20 =	vmul.f32 v18, v8;
	v23 =	vor.u32 $0xD, v15  }
0x3f5: {  	[tilespmem:v21+s4+$0x0] =	vst.idx.msk $0xffff, v25;
	v21 =	vor.u32 $0xD, v17  }
0x3f6: {  	[tilespmem:v24+s4+$0x0] =	vst.idx.msk $0xffff, v26  }
0x3f7: {  	[tilespmem:v27+s4+$0x0] =	vst.idx.msk $0xffff, v19  }
0x3f8: {  	v18 =	vmul.f32 v18, v11;
	[tilespmem:v28+s4+$0x0] =	vst.idx.msk $0xffff, v22  }
0x3f9: {  	[tilespmem:v23+s4+$0x0] =	vst.idx.msk $0xffff, v20  }
0x3fa: {  	[tilespmem:v21+s4+$0x0] =	vst.idx.msk $0xffff, v18  }
0x3fb: {  	v18 =	vld [tilespmem:s25+$0xFFFFFF00];
	_ =	sdelay $0x1  }
0x3fc: {  	v19 =	vor.u32 $0xE, v9  }
0x3fd: {  	v20 =	vor.u32 $0xE, v10  }
0x3fe: {  	v21 =	vor.u32 $0xE, v12  }
0x3ff: {  	v24 =	vor.u32 $0xE, v13;
	v22 =	vmul.f32 v18, v3;
	v23 =	vmul.f32 v18, v2  }
0x400: {  	v27 =	vor.u32 $0xE, v14;
	v25 =	vmul.f32 v18, v4;
	v26 =	vmul.f32 v18, v5  }
0x401: {  	v28 =	vor.u32 $0xE, v16;
	[tilespmem:v19+s4+$0x0] =	vst.idx.msk $0xffff, v22;
	v19 =	vmul.f32 v18, v6;
	v22 =	vmul.f32 v18, v7  }
0x402: {  	[tilespmem:v20+s4+$0x0] =	vst.idx.msk $0xffff, v23;
	v20 =	vmul.f32 v18, v8;
	v23 =	vor.u32 $0xE, v15  }
0x403: {  	[tilespmem:v21+s4+$0x0] =	vst.idx.msk $0xffff, v25;
	v21 =	vor.u32 $0xE, v17  }
0x404: {  	[tilespmem:v24+s4+$0x0] =	vst.idx.msk $0xffff, v26  }
0x405: {  	[tilespmem:v27+s4+$0x0] =	vst.idx.msk $0xffff, v19  }
0x406: {  	v18 =	vmul.f32 v18, v11;
	[tilespmem:v28+s4+$0x0] =	vst.idx.msk $0xffff, v22  }
0x407: {  	[tilespmem:v23+s4+$0x0] =	vst.idx.msk $0xffff, v20  }
0x408: {  	[tilespmem:v21+s4+$0x0] =	vst.idx.msk $0xffff, v18  }
0x409: {  	v18 =	vld [tilespmem:s25+$0xFFFFFF80];
	_ =	sdelay $0x1  }
0x40a: {  	v19 =	vor.u32 $0xF, v9  }
0x40b: {  	v20 =	vor.u32 $0xF, v10  }
0x40c: {  	v21 =	vor.u32 $0xF, v12  }
0x40d: {  	v24 =	vor.u32 $0xF, v13;
	v22 =	vmul.f32 v18, v3;
	v23 =	vmul.f32 v18, v2  }
0x40e: {  	v27 =	vor.u32 $0xF, v14;
	v25 =	vmul.f32 v18, v4;
	v26 =	vmul.f32 v18, v5  }
0x40f: {  	v28 =	vor.u32 $0xF, v16;
	[tilespmem:v19+s4+$0x0] =	vst.idx.msk $0xffff, v22;
	v19 =	vmul.f32 v18, v6;
	v22 =	vmul.f32 v18, v7  }
0x410: {  	[tilespmem:v20+s4+$0x0] =	vst.idx.msk $0xffff, v23;
	v20 =	vmul.f32 v18, v8;
	v23 =	vor.u32 $0xF, v15  }
0x411: {  	[tilespmem:v21+s4+$0x0] =	vst.idx.msk $0xffff, v25;
	v21 =	vor.u32 $0xF, v17  }
0x412: {  	[tilespmem:v24+s4+$0x0] =	vst.idx.msk $0xffff, v26  }
0x413: {  	[tilespmem:v27+s4+$0x0] =	vst.idx.msk $0xffff, v19  }
0x414: {  	v18 =	vmul.f32 v18, v11;
	[tilespmem:v28+s4+$0x0] =	vst.idx.msk $0xffff, v22  }
0x415: {  	[tilespmem:v23+s4+$0x0] =	vst.idx.msk $0xffff, v20  }
0x416: {  	[tilespmem:v21+s4+$0x0] =	vst.idx.msk $0xffff, v18  }
0x417: {  	v18 =	vld [tilespmem:s25+$0x0];
	_ =	sdelay $0x1  }
0x418: {  	v19 =	vor.u32 $0x10, v9  }
0x419: {  	v20 =	vor.u32 $0x10, v10  }
0x41a: {  	v21 =	vor.u32 $0x10, v12  }
0x41b: {  	v24 =	vor.u32 $0x10, v13;
	v22 =	vmul.f32 v18, v3;
	v23 =	vmul.f32 v18, v2  }
0x41c: {  	v27 =	vor.u32 $0x10, v14;
	v25 =	vmul.f32 v18, v4;
	v26 =	vmul.f32 v18, v5  }
0x41d: {  	v28 =	vor.u32 $0x10, v16;
	[tilespmem:v19+s4+$0x0] =	vst.idx.msk $0xffff, v22;
	v19 =	vmul.f32 v18, v6;
	v22 =	vmul.f32 v18, v7  }
0x41e: {  	[tilespmem:v20+s4+$0x0] =	vst.idx.msk $0xffff, v23;
	v20 =	vmul.f32 v18, v8;
	v23 =	vor.u32 $0x10, v15  }
0x41f: {  	[tilespmem:v21+s4+$0x0] =	vst.idx.msk $0xffff, v25;
	v21 =	vor.u32 $0x10, v17  }
0x420: {  	[tilespmem:v24+s4+$0x0] =	vst.idx.msk $0xffff, v26  }
0x421: {  	[tilespmem:v27+s4+$0x0] =	vst.idx.msk $0xffff, v19  }
0x422: {  	v18 =	vmul.f32 v18, v11;
	[tilespmem:v28+s4+$0x0] =	vst.idx.msk $0xffff, v22  }
0x423: {  	[tilespmem:v23+s4+$0x0] =	vst.idx.msk $0xffff, v20  }
0x424: {  	[tilespmem:v21+s4+$0x0] =	vst.idx.msk $0xffff, v18  }
0x425: {  	v18 =	vld [tilespmem:s25+$0x80];
	_ =	sdelay $0x1  }
0x426: {  	v19 =	vor.u32 $0x11, v9  }
0x427: {  	v20 =	vor.u32 $0x11, v10  }
0x428: {  	v21 =	vor.u32 $0x11, v12  }
0x429: {  	v24 =	vor.u32 $0x11, v13;
	v22 =	vmul.f32 v18, v3;
	v23 =	vmul.f32 v18, v2  }
0x42a: {  	v27 =	vor.u32 $0x11, v14;
	v25 =	vmul.f32 v18, v4;
	v26 =	vmul.f32 v18, v5  }
0x42b: {  	v28 =	vor.u32 $0x11, v16;
	[tilespmem:v19+s4+$0x0] =	vst.idx.msk $0xffff, v22;
	v19 =	vmul.f32 v18, v6;
	v22 =	vmul.f32 v18, v7  }
0x42c: {  	[tilespmem:v20+s4+$0x0] =	vst.idx.msk $0xffff, v23;
	v20 =	vmul.f32 v18, v8;
	v23 =	vor.u32 $0x11, v15  }
0x42d: {  	[tilespmem:v21+s4+$0x0] =	vst.idx.msk $0xffff, v25;
	v21 =	vor.u32 $0x11, v17  }
0x42e: {  	[tilespmem:v24+s4+$0x0] =	vst.idx.msk $0xffff, v26  }
0x42f: {  	[tilespmem:v27+s4+$0x0] =	vst.idx.msk $0xffff, v19  }
0x430: {  	v18 =	vmul.f32 v18, v11;
	[tilespmem:v28+s4+$0x0] =	vst.idx.msk $0xffff, v22  }
0x431: {  	[tilespmem:v23+s4+$0x0] =	vst.idx.msk $0xffff, v20  }
0x432: {  	[tilespmem:v21+s4+$0x0] =	vst.idx.msk $0xffff, v18  }
0x433: {  	v18 =	vld [tilespmem:s25+$0x100];
	_ =	sdelay $0x1  }
0x434: {  	v19 =	vor.u32 $0x12, v9  }
0x435: {  	v20 =	vor.u32 $0x12, v10  }
0x436: {  	v21 =	vor.u32 $0x12, v12  }
0x437: {  	v24 =	vor.u32 $0x12, v13;
	v22 =	vmul.f32 v18, v3;
	v23 =	vmul.f32 v18, v2  }
0x438: {  	v27 =	vor.u32 $0x12, v14;
	v25 =	vmul.f32 v18, v4;
	v26 =	vmul.f32 v18, v5  }
0x439: {  	v28 =	vor.u32 $0x12, v16;
	[tilespmem:v19+s4+$0x0] =	vst.idx.msk $0xffff, v22;
	v19 =	vmul.f32 v18, v6;
	v22 =	vmul.f32 v18, v7  }
0x43a: {  	[tilespmem:v20+s4+$0x0] =	vst.idx.msk $0xffff, v23;
	v20 =	vmul.f32 v18, v8;
	v23 =	vor.u32 $0x12, v15  }
0x43b: {  	[tilespmem:v21+s4+$0x0] =	vst.idx.msk $0xffff, v25;
	v21 =	vor.u32 $0x12, v17  }
0x43c: {  	[tilespmem:v24+s4+$0x0] =	vst.idx.msk $0xffff, v26  }
0x43d: {  	[tilespmem:v27+s4+$0x0] =	vst.idx.msk $0xffff, v19  }
0x43e: {  	v18 =	vmul.f32 v18, v11;
	[tilespmem:v28+s4+$0x0] =	vst.idx.msk $0xffff, v22  }
0x43f: {  	[tilespmem:v23+s4+$0x0] =	vst.idx.msk $0xffff, v20  }
0x440: {  	[tilespmem:v21+s4+$0x0] =	vst.idx.msk $0xffff, v18  }
0x441: {  	v18 =	vld [tilespmem:s25+$0x180];
	_ =	sdelay $0x1  }
0x442: {  	v19 =	vor.u32 $0x13, v9  }
0x443: {  	v20 =	vor.u32 $0x13, v10  }
0x444: {  	v21 =	vor.u32 $0x13, v12  }
0x445: {  	v24 =	vor.u32 $0x13, v13;
	v22 =	vmul.f32 v18, v3;
	v23 =	vmul.f32 v18, v2  }
0x446: {  	v27 =	vor.u32 $0x13, v14;
	v25 =	vmul.f32 v18, v4;
	v26 =	vmul.f32 v18, v5  }
0x447: {  	v28 =	vor.u32 $0x13, v16;
	[tilespmem:v19+s4+$0x0] =	vst.idx.msk $0xffff, v22;
	v19 =	vmul.f32 v18, v6;
	v22 =	vmul.f32 v18, v7  }
0x448: {  	[tilespmem:v20+s4+$0x0] =	vst.idx.msk $0xffff, v23;
	v20 =	vmul.f32 v18, v8;
	v23 =	vor.u32 $0x13, v15  }
0x449: {  	[tilespmem:v21+s4+$0x0] =	vst.idx.msk $0xffff, v25;
	v21 =	vor.u32 $0x13, v17  }
0x44a: {  	[tilespmem:v24+s4+$0x0] =	vst.idx.msk $0xffff, v26  }
0x44b: {  	[tilespmem:v27+s4+$0x0] =	vst.idx.msk $0xffff, v19  }
0x44c: {  	v18 =	vmul.f32 v18, v11;
	[tilespmem:v28+s4+$0x0] =	vst.idx.msk $0xffff, v22  }
0x44d: {  	[tilespmem:v23+s4+$0x0] =	vst.idx.msk $0xffff, v20  }
0x44e: {  	[tilespmem:v21+s4+$0x0] =	vst.idx.msk $0xffff, v18  }
0x44f: {  	v18 =	vld [tilespmem:s25+$0x200];
	_ =	sdelay $0x1  }
0x450: {  	v19 =	vor.u32 $0x14, v9  }
0x451: {  	v20 =	vor.u32 $0x14, v10  }
0x452: {  	v21 =	vor.u32 $0x14, v12  }
0x453: {  	v24 =	vor.u32 $0x14, v13;
	v22 =	vmul.f32 v18, v3;
	v23 =	vmul.f32 v18, v2  }
0x454: {  	v27 =	vor.u32 $0x14, v14;
	v25 =	vmul.f32 v18, v4;
	v26 =	vmul.f32 v18, v5  }
0x455: {  	v28 =	vor.u32 $0x14, v16;
	[tilespmem:v19+s4+$0x0] =	vst.idx.msk $0xffff, v22;
	v19 =	vmul.f32 v18, v6;
	v22 =	vmul.f32 v18, v7  }
0x456: {  	[tilespmem:v20+s4+$0x0] =	vst.idx.msk $0xffff, v23;
	v20 =	vmul.f32 v18, v8;
	v23 =	vor.u32 $0x14, v15  }
0x457: {  	[tilespmem:v21+s4+$0x0] =	vst.idx.msk $0xffff, v25;
	v21 =	vor.u32 $0x14, v17  }
0x458: {  	[tilespmem:v24+s4+$0x0] =	vst.idx.msk $0xffff, v26  }
0x459: {  	[tilespmem:v27+s4+$0x0] =	vst.idx.msk $0xffff, v19  }
0x45a: {  	v18 =	vmul.f32 v18, v11;
	[tilespmem:v28+s4+$0x0] =	vst.idx.msk $0xffff, v22  }
0x45b: {  	[tilespmem:v23+s4+$0x0] =	vst.idx.msk $0xffff, v20  }
0x45c: {  	[tilespmem:v21+s4+$0x0] =	vst.idx.msk $0xffff, v18  }
0x45d: {  	v18 =	vld [tilespmem:s25+$0x280];
	_ =	sdelay $0x1  }
0x45e: {  	v19 =	vor.u32 $0x15, v9  }
0x45f: {  	v20 =	vor.u32 $0x15, v10  }
0x460: {  	v21 =	vor.u32 $0x15, v12  }
0x461: {  	v24 =	vor.u32 $0x15, v13;
	v22 =	vmul.f32 v18, v3;
	v23 =	vmul.f32 v18, v2  }
0x462: {  	v27 =	vor.u32 $0x15, v14;
	v25 =	vmul.f32 v18, v4;
	v26 =	vmul.f32 v18, v5  }
0x463: {  	v28 =	vor.u32 $0x15, v16;
	[tilespmem:v19+s4+$0x0] =	vst.idx.msk $0xffff, v22;
	v19 =	vmul.f32 v18, v6;
	v22 =	vmul.f32 v18, v7  }
0x464: {  	[tilespmem:v20+s4+$0x0] =	vst.idx.msk $0xffff, v23;
	v20 =	vmul.f32 v18, v8;
	v23 =	vor.u32 $0x15, v15  }
0x465: {  	[tilespmem:v21+s4+$0x0] =	vst.idx.msk $0xffff, v25;
	v21 =	vor.u32 $0x15, v17  }
0x466: {  	[tilespmem:v24+s4+$0x0] =	vst.idx.msk $0xffff, v26  }
0x467: {  	[tilespmem:v27+s4+$0x0] =	vst.idx.msk $0xffff, v19  }
0x468: {  	v18 =	vmul.f32 v18, v11;
	[tilespmem:v28+s4+$0x0] =	vst.idx.msk $0xffff, v22  }
0x469: {  	[tilespmem:v23+s4+$0x0] =	vst.idx.msk $0xffff, v20  }
0x46a: {  	[tilespmem:v21+s4+$0x0] =	vst.idx.msk $0xffff, v18  }
0x46b: {  	v18 =	vld [tilespmem:s25+$0x300];
	_ =	sdelay $0x1  }
0x46c: {  	v19 =	vor.u32 $0x16, v9  }
0x46d: {  	v20 =	vor.u32 $0x16, v10  }
0x46e: {  	v21 =	vor.u32 $0x16, v12  }
0x46f: {  	v24 =	vor.u32 $0x16, v13;
	v22 =	vmul.f32 v18, v3;
	v23 =	vmul.f32 v18, v2  }
0x470: {  	v27 =	vor.u32 $0x16, v14;
	v25 =	vmul.f32 v18, v4;
	v26 =	vmul.f32 v18, v5  }
0x471: {  	v28 =	vor.u32 $0x16, v16;
	[tilespmem:v19+s4+$0x0] =	vst.idx.msk $0xffff, v22;
	v19 =	vmul.f32 v18, v6;
	v22 =	vmul.f32 v18, v7  }
0x472: {  	[tilespmem:v20+s4+$0x0] =	vst.idx.msk $0xffff, v23;
	v20 =	vmul.f32 v18, v8;
	v23 =	vor.u32 $0x16, v15  }
0x473: {  	[tilespmem:v21+s4+$0x0] =	vst.idx.msk $0xffff, v25;
	v21 =	vor.u32 $0x16, v17  }
0x474: {  	[tilespmem:v24+s4+$0x0] =	vst.idx.msk $0xffff, v26  }
0x475: {  	[tilespmem:v27+s4+$0x0] =	vst.idx.msk $0xffff, v19  }
0x476: {  	v18 =	vmul.f32 v18, v11;
	[tilespmem:v28+s4+$0x0] =	vst.idx.msk $0xffff, v22  }
0x477: {  	[tilespmem:v23+s4+$0x0] =	vst.idx.msk $0xffff, v20  }
0x478: {  	[tilespmem:v21+s4+$0x0] =	vst.idx.msk $0xffff, v18  }
0x479: {  	v18 =	vld [tilespmem:s25+$0x380];
	_ =	sdelay $0x1  }
0x47a: {  	v19 =	vor.u32 $0x17, v9  }
0x47b: {  	v20 =	vor.u32 $0x17, v10  }
0x47c: {  	v21 =	vor.u32 $0x17, v12  }
0x47d: {  	v24 =	vor.u32 $0x17, v13;
	v22 =	vmul.f32 v18, v3;
	v23 =	vmul.f32 v18, v2  }
0x47e: {  	v27 =	vor.u32 $0x17, v14;
	v25 =	vmul.f32 v18, v4;
	v26 =	vmul.f32 v18, v5  }
0x47f: {  	v28 =	vor.u32 $0x17, v16;
	[tilespmem:v19+s4+$0x0] =	vst.idx.msk $0xffff, v22;
	v19 =	vmul.f32 v18, v6;
	v22 =	vmul.f32 v18, v7  }
0x480: {  	[tilespmem:v20+s4+$0x0] =	vst.idx.msk $0xffff, v23;
	v20 =	vmul.f32 v18, v8;
	v23 =	vor.u32 $0x17, v15  }
0x481: {  	[tilespmem:v21+s4+$0x0] =	vst.idx.msk $0xffff, v25;
	v21 =	vor.u32 $0x17, v17  }
0x482: {  	[tilespmem:v24+s4+$0x0] =	vst.idx.msk $0xffff, v26  }
0x483: {  	[tilespmem:v27+s4+$0x0] =	vst.idx.msk $0xffff, v19  }
0x484: {  	v18 =	vmul.f32 v18, v11;
	[tilespmem:v28+s4+$0x0] =	vst.idx.msk $0xffff, v22  }
0x485: {  	[tilespmem:v23+s4+$0x0] =	vst.idx.msk $0xffff, v20  }
0x486: {  	[tilespmem:v21+s4+$0x0] =	vst.idx.msk $0xffff, v18  }
0x487: {  	v18 =	vld [tilespmem:s25+$0x400];
	_ =	sdelay $0x1  }
0x488: {  	v19 =	vor.u32 $0x18, v9  }
0x489: {  	v20 =	vor.u32 $0x18, v10  }
0x48a: {  	v21 =	vor.u32 $0x18, v12  }
0x48b: {  	v24 =	vor.u32 $0x18, v13;
	v22 =	vmul.f32 v18, v3;
	v23 =	vmul.f32 v18, v2  }
0x48c: {  	v27 =	vor.u32 $0x18, v14;
	v25 =	vmul.f32 v18, v4;
	v26 =	vmul.f32 v18, v5  }
0x48d: {  	v28 =	vor.u32 $0x18, v16;
	[tilespmem:v19+s4+$0x0] =	vst.idx.msk $0xffff, v22;
	v19 =	vmul.f32 v18, v6;
	v22 =	vmul.f32 v18, v7  }
0x48e: {  	[tilespmem:v20+s4+$0x0] =	vst.idx.msk $0xffff, v23;
	v20 =	vmul.f32 v18, v8;
	v23 =	vor.u32 $0x18, v15  }
0x48f: {  	[tilespmem:v21+s4+$0x0] =	vst.idx.msk $0xffff, v25;
	v21 =	vor.u32 $0x18, v17  }
0x490: {  	[tilespmem:v24+s4+$0x0] =	vst.idx.msk $0xffff, v26  }
0x491: {  	[tilespmem:v27+s4+$0x0] =	vst.idx.msk $0xffff, v19  }
0x492: {  	v18 =	vmul.f32 v18, v11;
	[tilespmem:v28+s4+$0x0] =	vst.idx.msk $0xffff, v22  }
0x493: {  	[tilespmem:v23+s4+$0x0] =	vst.idx.msk $0xffff, v20  }
0x494: {  	[tilespmem:v21+s4+$0x0] =	vst.idx.msk $0xffff, v18  }
0x495: {  	v18 =	vld [tilespmem:s25+$0x480];
	_ =	sdelay $0x1  }
0x496: {  	v19 =	vor.u32 $0x19, v9  }
0x497: {  	v20 =	vor.u32 $0x19, v10  }
0x498: {  	v21 =	vor.u32 $0x19, v12  }
0x499: {  	v24 =	vor.u32 $0x19, v13;
	v22 =	vmul.f32 v18, v3;
	v23 =	vmul.f32 v18, v2  }
0x49a: {  	v27 =	vor.u32 $0x19, v14;
	v25 =	vmul.f32 v18, v4;
	v26 =	vmul.f32 v18, v5  }
0x49b: {  	v28 =	vor.u32 $0x19, v16;
	[tilespmem:v19+s4+$0x0] =	vst.idx.msk $0xffff, v22;
	v19 =	vmul.f32 v18, v6;
	v22 =	vmul.f32 v18, v7  }
0x49c: {  	[tilespmem:v20+s4+$0x0] =	vst.idx.msk $0xffff, v23;
	v20 =	vmul.f32 v18, v8;
	v23 =	vor.u32 $0x19, v15  }
0x49d: {  	[tilespmem:v21+s4+$0x0] =	vst.idx.msk $0xffff, v25;
	v21 =	vor.u32 $0x19, v17  }
0x49e: {  	[tilespmem:v24+s4+$0x0] =	vst.idx.msk $0xffff, v26  }
0x49f: {  	[tilespmem:v27+s4+$0x0] =	vst.idx.msk $0xffff, v19  }
0x4a0: {  	v18 =	vmul.f32 v18, v11;
	[tilespmem:v28+s4+$0x0] =	vst.idx.msk $0xffff, v22  }
0x4a1: {  	[tilespmem:v23+s4+$0x0] =	vst.idx.msk $0xffff, v20  }
0x4a2: {  	[tilespmem:v21+s4+$0x0] =	vst.idx.msk $0xffff, v18  }
0x4a3: {  	v18 =	vld [tilespmem:s25+$0x500];
	_ =	sdelay $0x1  }
0x4a4: {  	v19 =	vor.u32 $0x1A, v9  }
0x4a5: {  	v20 =	vor.u32 $0x1A, v10  }
0x4a6: {  	v21 =	vor.u32 $0x1A, v12  }
0x4a7: {  	v24 =	vor.u32 $0x1A, v13;
	v22 =	vmul.f32 v18, v3;
	v23 =	vmul.f32 v18, v2  }
0x4a8: {  	v27 =	vor.u32 $0x1A, v14;
	v25 =	vmul.f32 v18, v4;
	v26 =	vmul.f32 v18, v5  }
0x4a9: {  	v28 =	vor.u32 $0x1A, v16;
	[tilespmem:v19+s4+$0x0] =	vst.idx.msk $0xffff, v22;
	v19 =	vmul.f32 v18, v6;
	v22 =	vmul.f32 v18, v7  }
0x4aa: {  	[tilespmem:v20+s4+$0x0] =	vst.idx.msk $0xffff, v23;
	v20 =	vmul.f32 v18, v8;
	v23 =	vor.u32 $0x1A, v15  }
0x4ab: {  	[tilespmem:v21+s4+$0x0] =	vst.idx.msk $0xffff, v25;
	v21 =	vor.u32 $0x1A, v17  }
0x4ac: {  	[tilespmem:v24+s4+$0x0] =	vst.idx.msk $0xffff, v26  }
0x4ad: {  	[tilespmem:v27+s4+$0x0] =	vst.idx.msk $0xffff, v19  }
0x4ae: {  	v18 =	vmul.f32 v18, v11;
	[tilespmem:v28+s4+$0x0] =	vst.idx.msk $0xffff, v22  }
0x4af: {  	[tilespmem:v23+s4+$0x0] =	vst.idx.msk $0xffff, v20  }
0x4b0: {  	[tilespmem:v21+s4+$0x0] =	vst.idx.msk $0xffff, v18  }
0x4b1: {  	v18 =	vld [tilespmem:s25+$0x580];
	_ =	sdelay $0x1  }
0x4b2: {  	v19 =	vor.u32 $0x1B, v9  }
0x4b3: {  	v20 =	vor.u32 $0x1B, v10  }
0x4b4: {  	v21 =	vor.u32 $0x1B, v12  }
0x4b5: {  	v24 =	vor.u32 $0x1B, v13;
	v22 =	vmul.f32 v18, v3;
	v23 =	vmul.f32 v18, v2  }
0x4b6: {  	v27 =	vor.u32 $0x1B, v14;
	v25 =	vmul.f32 v18, v4;
	v26 =	vmul.f32 v18, v5  }
0x4b7: {  	v28 =	vor.u32 $0x1B, v16;
	[tilespmem:v19+s4+$0x0] =	vst.idx.msk $0xffff, v22;
	v19 =	vmul.f32 v18, v6;
	v22 =	vmul.f32 v18, v7  }
0x4b8: {  	[tilespmem:v20+s4+$0x0] =	vst.idx.msk $0xffff, v23;
	v20 =	vmul.f32 v18, v8;
	v23 =	vor.u32 $0x1B, v15  }
0x4b9: {  	[tilespmem:v21+s4+$0x0] =	vst.idx.msk $0xffff, v25;
	v21 =	vor.u32 $0x1B, v17  }
0x4ba: {  	[tilespmem:v24+s4+$0x0] =	vst.idx.msk $0xffff, v26  }
0x4bb: {  	[tilespmem:v27+s4+$0x0] =	vst.idx.msk $0xffff, v19  }
0x4bc: {  	v18 =	vmul.f32 v18, v11;
	[tilespmem:v28+s4+$0x0] =	vst.idx.msk $0xffff, v22  }
0x4bd: {  	[tilespmem:v23+s4+$0x0] =	vst.idx.msk $0xffff, v20  }
0x4be: {  	[tilespmem:v21+s4+$0x0] =	vst.idx.msk $0xffff, v18  }
0x4bf: {  	v18 =	vld [tilespmem:s25+$0x600];
	_ =	sdelay $0x1  }
0x4c0: {  	v19 =	vor.u32 $0x1C, v9  }
0x4c1: {  	v20 =	vor.u32 $0x1C, v10  }
0x4c2: {  	v21 =	vor.u32 $0x1C, v12  }
0x4c3: {  	v24 =	vor.u32 $0x1C, v13;
	v22 =	vmul.f32 v18, v3;
	v23 =	vmul.f32 v18, v2  }
0x4c4: {  	v27 =	vor.u32 $0x1C, v14;
	v25 =	vmul.f32 v18, v4;
	v26 =	vmul.f32 v18, v5  }
0x4c5: {  	v28 =	vor.u32 $0x1C, v16;
	[tilespmem:v19+s4+$0x0] =	vst.idx.msk $0xffff, v22;
	v19 =	vmul.f32 v18, v6;
	v22 =	vmul.f32 v18, v7  }
0x4c6: {  	[tilespmem:v20+s4+$0x0] =	vst.idx.msk $0xffff, v23;
	v20 =	vmul.f32 v18, v8;
	v23 =	vor.u32 $0x1C, v15  }
0x4c7: {  	[tilespmem:v21+s4+$0x0] =	vst.idx.msk $0xffff, v25;
	v21 =	vor.u32 $0x1C, v17  }
0x4c8: {  	[tilespmem:v24+s4+$0x0] =	vst.idx.msk $0xffff, v26  }
0x4c9: {  	[tilespmem:v27+s4+$0x0] =	vst.idx.msk $0xffff, v19  }
0x4ca: {  	v18 =	vmul.f32 v18, v11;
	[tilespmem:v28+s4+$0x0] =	vst.idx.msk $0xffff, v22  }
0x4cb: {  	[tilespmem:v23+s4+$0x0] =	vst.idx.msk $0xffff, v20  }
0x4cc: {  	[tilespmem:v21+s4+$0x0] =	vst.idx.msk $0xffff, v18  }
0x4cd: {  	v18 =	vld [tilespmem:s25+$0x680];
	_ =	sdelay $0x1  }
0x4ce: {  	v19 =	vor.u32 $0x1D, v9  }
0x4cf: {  	v20 =	vor.u32 $0x1D, v10  }
0x4d0: {  	v21 =	vor.u32 $0x1D, v12  }
0x4d1: {  	v24 =	vor.u32 $0x1D, v13;
	v22 =	vmul.f32 v18, v3;
	v23 =	vmul.f32 v18, v2  }
0x4d2: {  	v27 =	vor.u32 $0x1D, v14;
	v25 =	vmul.f32 v18, v4;
	v26 =	vmul.f32 v18, v5  }
0x4d3: {  	v28 =	vor.u32 $0x1D, v16;
	[tilespmem:v19+s4+$0x0] =	vst.idx.msk $0xffff, v22;
	v19 =	vmul.f32 v18, v6;
	v22 =	vmul.f32 v18, v7  }
0x4d4: {  	[tilespmem:v20+s4+$0x0] =	vst.idx.msk $0xffff, v23;
	v20 =	vmul.f32 v18, v8;
	v23 =	vor.u32 $0x1D, v15  }
0x4d5: {  	[tilespmem:v21+s4+$0x0] =	vst.idx.msk $0xffff, v25;
	v21 =	vor.u32 $0x1D, v17  }
0x4d6: {  	[tilespmem:v24+s4+$0x0] =	vst.idx.msk $0xffff, v26  }
0x4d7: {  	[tilespmem:v27+s4+$0x0] =	vst.idx.msk $0xffff, v19  }
0x4d8: {  	v18 =	vmul.f32 v18, v11;
	[tilespmem:v28+s4+$0x0] =	vst.idx.msk $0xffff, v22  }
0x4d9: {  	[tilespmem:v23+s4+$0x0] =	vst.idx.msk $0xffff, v20  }
0x4da: {  	[tilespmem:v21+s4+$0x0] =	vst.idx.msk $0xffff, v18  }
0x4db: {  	v18 =	vld [tilespmem:s25+$0x700];
	_ =	sdelay $0x1  }
0x4dc: {  	v19 =	vor.u32 $0x1E, v9  }
0x4dd: {  	v20 =	vor.u32 $0x1E, v10  }
0x4de: {  	v21 =	vor.u32 $0x1E, v12  }
0x4df: {  	v24 =	vor.u32 $0x1E, v13;
	v22 =	vmul.f32 v18, v3;
	v23 =	vmul.f32 v18, v2  }
0x4e0: {  	v27 =	vor.u32 $0x1E, v14;
	v25 =	vmul.f32 v18, v4;
	v26 =	vmul.f32 v18, v5  }
0x4e1: {  	v28 =	vor.u32 $0x1E, v16;
	[tilespmem:v19+s4+$0x0] =	vst.idx.msk $0xffff, v22;
	v19 =	vmul.f32 v18, v6;
	v22 =	vmul.f32 v18, v7  }
0x4e2: {  	[tilespmem:v20+s4+$0x0] =	vst.idx.msk $0xffff, v23;
	v20 =	vmul.f32 v18, v8;
	v23 =	vor.u32 $0x1E, v15  }
0x4e3: {  	[tilespmem:v21+s4+$0x0] =	vst.idx.msk $0xffff, v25;
	v21 =	vor.u32 $0x1E, v17  }
0x4e4: {  	[tilespmem:v24+s4+$0x0] =	vst.idx.msk $0xffff, v26  }
0x4e5: {  	[tilespmem:v27+s4+$0x0] =	vst.idx.msk $0xffff, v19  }
0x4e6: {  	v18 =	vmul.f32 v18, v11;
	[tilespmem:v28+s4+$0x0] =	vst.idx.msk $0xffff, v22  }
0x4e7: {  	[tilespmem:v23+s4+$0x0] =	vst.idx.msk $0xffff, v20  }
0x4e8: {  	[tilespmem:v21+s4+$0x0] =	vst.idx.msk $0xffff, v18  }
0x4e9: {  	v18 =	vld [tilespmem:s25+$0x780];
	_ =	sdelay $0x1  }
0x4ea: {  	v9 =	vor.u32 $0x1F, v9  }
0x4eb: {  	v10 =	vor.u32 $0x1F, v10  }
0x4ec: {  	v12 =	vor.u32 $0x1F, v12  }
0x4ed: {  	v13 =	vor.u32 $0x1F, v13;
	v3 =	vmul.f32 v18, v3;
	v19 =	vmul.f32 v18, v2  }
0x4ee: {  	v14 =	vor.u32 $0x1F, v14;
	v20 =	vmul.f32 v18, v4;
	v21 =	vmul.f32 v18, v5  }
.Ltmp0:
0x4ef: {  	v2 =	vmul.f32 v18, v7;
	v4 =	vor.u32 $0x1F, v16;
	[tilespmem:v9+s4+$0x0] =	vst.idx.msk $0xffff, v3;
	v9 =	vmul.f32 v18, v6;
	(pc) =	sbr.rel @p0 .LBB2_4-.Ltmp0, $4  }
0x4f0: {  	v5 =	vmul.f32 v18, v11;
	v3 =	vmul.f32 v18, v8;
	v6 =	vor.u32 $0x1F, v15;
	[tilespmem:v10+s4+$0x0] =	vst.idx.msk $0xffff, v19  }
0x4f1: {  	v7 =	vor.u32 $0x1F, v17;
	[tilespmem:v12+s4+$0x0] =	vst.idx.msk $0xffff, v20  }
0x4f2: {  	[tilespmem:v13+s4+$0x0] =	vst.idx.msk $0xffff, v21  }
0x4f3: {  	[tilespmem:v14+s4+$0x0] =	vst.idx.msk $0xffff, v9  }
0x4f4: {  	_ =	sdelay $0x3  }
0x4f5: {  	[tilespmem:v4+s4+$0x0] =	vst.idx.msk $0xffff, v2  }
0x4f6: {  	[tilespmem:v6+s4+$0x0] =	vst.idx.msk $0xffff, v3  }
0x4f7: {  	[tilespmem:v7+s4+$0x0] =	vst.idx.msk $0xffff, v5  }
0x4f8: {  	[spmem:s2] =	stream.indirect.scatter.add.f32 [tilespmem:s4], [sflag:$0x1], $0x20, s1, s31, $0xb8;
	[tilespmem:$0x1A800] =	vst v63  }
0x4f9: {  	_ =	swait.ge [sflag:s30], $0x1000  }
0x4fa: {  	[sflag:s30] =	ssyncset.done $0x0  }
0x4fb: {  	s3 =	simm.s32 $0x12480;
	s5 =	simm.s32 $0x13800;
	[sflag:s30] =	ssyncadd.s32 $0xFFFFF000  }
0x4fc: {  	[spmem:s2] =	stream.indirect.scatter.add.f32 [tilespmem:s5], [sflag:$0x1], $0x20, s3, s31, $0xb8;
	[tilespmem:$0x1A800] =	vst v63  }
0x4fd: {  	_ =	swait.ge [sflag:s30], $0x1000  }
0x4fe: {  	[sflag:s30] =	ssyncset.done $0x0  }
0x4ff: {  	[sflag:s30] =	ssyncadd.s32 $0xFFFFF000  }
0x500: {  	[spmem:s2] =	stream.indirect.scatter.add.f32 [tilespmem:s14], [sflag:$0x1], $0x20, s13, s31, $0xb8;
	[tilespmem:$0x1A800] =	vst v63  }
0x501: {  	_ =	swait.ge [sflag:s30], $0x1000  }
0x502: {  	[sflag:s30] =	ssyncset.done $0x0  }
0x503: {  	[sflag:s30] =	ssyncadd.s32 $0xFFFFF000  }
0x504: {  	[spmem:s2] =	stream.indirect.scatter.add.f32 [tilespmem:s16], [sflag:$0x1], $0x20, s15, s31, $0xb8;
	[tilespmem:$0x1A800] =	vst v63  }
0x505: {  	_ =	swait.ge [sflag:s30], $0x1000  }
0x506: {  	[sflag:s30] =	ssyncset.done $0x0  }
0x507: {  	[sflag:s30] =	ssyncadd.s32 $0xFFFFF000  }
0x508: {  	[spmem:s2] =	stream.indirect.scatter.add.f32 [tilespmem:s18], [sflag:$0x1], $0x20, s17, s31, $0xb8;
	[tilespmem:$0x1A800] =	vst v63  }
0x509: {  	_ =	swait.ge [sflag:s30], $0x1000  }
0x50a: {  	[sflag:s30] =	ssyncset.done $0x0  }
0x50b: {  	[sflag:s30] =	ssyncadd.s32 $0xFFFFF000  }
0x50c: {  	[spmem:s2] =	stream.indirect.scatter.add.f32 [tilespmem:s20], [sflag:$0x1], $0x20, s19, s31, $0xb8;
	[tilespmem:$0x1A800] =	vst v63  }
0x50d: {  	_ =	swait.ge [sflag:s30], $0x1000  }
0x50e: {  	[sflag:s30] =	ssyncset.done $0x0  }
0x50f: {  	[sflag:s30] =	ssyncadd.s32 $0xFFFFF000  }
0x510: {  	[spmem:s2] =	stream.indirect.scatter.add.f32 [tilespmem:s22], [sflag:$0x1], $0x20, s21, s31, $0xb8;
	[tilespmem:$0x1A800] =	vst v63  }
0x511: {  	s26 =	sadd.s32 $0x1, s26;
	_ =	swait.ge [sflag:s30], $0x1000  }
0x512: {  	p0 =	sne.s32 s26, $0x8;
	[sflag:s30] =	ssyncset.done $0x0  }
.Ltmp1:
0x513: {  	[sflag:s30] =	ssyncadd.s32 $0xFFFFF000;
	(pc) =	sbr.rel @p0 .LBB2_3-.Ltmp1, $4  }
0x514: {  	[spmem:s2] =	stream.indirect.scatter.add.f32 [tilespmem:s24], [sflag:$0x1], $0x20, s23, s31, $0xb8;
	[tilespmem:$0x1A800] =	vst v63  }
0x515: {  	_ =	swait.ge [sflag:s30], $0x1000  }
0x516: {  	[sflag:s30] =	ssyncset.done $0x0  }
0x517: {  	[sflag:s30] =	ssyncadd.s32 $0xFFFFF000  }
0x518: {  	s3 =	rddreg [dreg:$0x19]  }
0x519: {  	s5 =	rddreg [dreg:$0x6];
	[bflag:$0x0] =	sbarrier.arrive $0xFFFF;
	s3 =	sshll.u32 s3, $0x14  }
0x51a: {  	s26 =	stileid.u32;
	s8 =	rddreg [dreg:$0x1];
	s3 =	sor.u32 s5, s3  }
0x51b: {  	s10 =	rddreg [dreg:$0x7];
	s5 =	sshll.u32 s26, $0x6;
	s3 =	sshrl.u32 s3, $0x3  }
0x51c: {  	s28 =	sshrl.u32 s10, $0x3;
	s5 =	sor.u32 $0x1C01, s5;
	s3 =	sadd.s32 s8, s3  }
0x51d: {  	[hbm:s3], [sflag:s5] =	dma.local [spmem:s28], $0x2000  }
0x51e: {  	_ =	swait.ge [sflag:s30], $0x2000  }
0x51f: {  	s29 =	rddreg [dreg:$0x18]  }
0x520: {  	s8 =	sadd.s32 $0x1, s29  }
0x521: {  	p0 =	sne.s32 s8, $0x8  }
.Ltmp2:
0x522: {  	_ = 	snop;
	(pc) =	sbr.rel @p0 .LBB2_2-.Ltmp2, $3  }
0x523: {  	[sflag:s30] =	ssyncset.done $0x0  }
0x524: {  	[sflag:s30] =	ssyncadd.s32 $0xFFFFE000  }
0x525: {  	[bflag:$0x0] =	sbarrier.arrive $0xFFFF;
	_ =	sdelay $0x1  }
0x526: {  	s5 =	rddreg [dreg:$0x4]  }
0x527: {  	s3 =	rddreg [dreg:$0x8];
	s5 =	sadd.s32 $0x1, s5  }
0x528: {  	p0 =	sne.s32 s5, s3  }
.Ltmp3:
0x529: {  	_ = 	snop;
	(pc) =	sbr.rel @p0 .LBB2_1-.Ltmp3, $1  }
0x52a: {  	_ =	sdelay $0x3  }
0x52b: {  	_ =	sfence.sel $0x180000  }
0x52c: {  	[bflag:$0x0] =	sbarrier.arrive $0xFFFF  }
0x52d: {  	_ =	strace $0x9000004A  }
0x52e: {  	s0 =	stileid.u32;
	[bflag:$0x2] =	sbarrier.arrive $0xFFFF  }
0x52f: {  	p0 =	sne.s32 s0, $0x0;
	s0 =	rddreg [dreg:$0x3]  }
0x530: {  	s0 =	sadd.s32 @!p0 $0x100000, s0  }
0x531: {  	[sflag:s0] =	ssyncadd.tile.s32 @!p0 $0x1;
	_ =	shalt  }
.Lfunc_end2:
_tile_overlayer_lowered:
.L_overlay_start_2:
0x532: {  	(tag) =	ssettag $0x2  }
0x533: {  	s0 =	rddreg [dreg:$0x0];
	s2 =	stileid.u32  }
0x534: {  	s1 =	rddreg [dreg:$0x1];
	p0 =	sne.s32 s2, $0x0  }
0x535: {  	s3 =	rddreg [dreg:$0x2];
	[bflag:$0x3] =	sbarrier.arrive $0xFFFF;
	s2 =	simm.s32 @!p0 $0x1C01  }
0x536: {  	[timem:s3], [sflag:s2] =	dma.local @!p0 [hbm:s0], s1  }
0x537: {  	s0 =	simm.s32 @!p0 $0x1  }
0x538: {  	_ =	swait.ge @!p0 [sflag:s0], s1  }
0x539: {  	s1 =	ssub.s32 @!p0 $0x0, s1;
	[sflag:s0] =	ssyncset.done @!p0 $0x0  }
0x53a: {  	[sflag:s0] =	ssyncadd.s32 @!p0 s1  }
0x53b: {  	[bflag:$0x3] =	sbarrier.arrive $0xFFFF  }
0x53c: {  	_ =	shalt  }

// kernel: sparse-core-data-format-call.cloned.1.call-start
scs
called_computation_lowered:
.L_overlay_start_0:
0x0: {  	s2 =	sld [smem:$0x3FD9]  }
0x1: {  	s3 =	sld [smem:$0x3FFE];
	_ =	sdelay $0x1  }
0x2: {  	s1 =	srdreg.scid  }
0x3: {  	s0 =	sand.u32 $0x1, s1  }
0x4: {  	s15 =	sshll.u32 s0, $0xA;
	s2 =	sadd.s32 s3, s2  }
0x5: {  	s2 =	sadd.s32 s2, s15  }
0x6: {  	[smem:$0x3FC0] =	sst s2  }
0x7: {  	_ = 	snop  }
0x8: {  	s2 =	sld [smem:$0x3FD0];
	_ =	sdelay $0x2  }
0x9: {  	s16 =	simm.s32 $0xA;
	s4 =	simm.s32 $0x10  }
0xa: {  	[smem:s4], [sflag:s16] =	dma.local [hbm:s2], $0x1  }
0xb: {  	_ =	swait.eq [sflag:s16], $0x1  }
0xc: {  	[sflag:s16] =	ssyncset.done $0x0  }
0xd: {  	[sflag:s16] =	ssyncadd.s32 $0xFFFFFFFF  }
0xe: {  	s17 =	sld [smem:$0x10];
	(tm) =	ssettm $0x1  }
0xf: {  	s18 =	sld [smem:$0x3FFB];
	_ =	sdelay $0x3  }
0x10: {  	_ =	strace s18  }
0x11: {  	s3 =	sld [smem:$0x3FFC];
	_ =	sdelay $0x3  }
0x12: {  	_ =	strace s3  }
0x13: {  	s3 =	sld [smem:$0x3FFD];
	_ =	sdelay $0x3  }
0x14: {  	_ =	strace s3  }
0x15: {  	_ =	strace $0x8FFFFFFF  }
0x16: {  	s19 =	sld [smem:$0x3FDB];
	_ =	sdelay $0x1  }
0x17: {  	s20 =	simm.s32 $_scs_section_size  }
0x18: {  	s5 =	simm.s32 $_size__tile_overlayer_lowered;
	s6 =	simm.s32 $_tile_overlayer_lowered  }
0x19: {  	s23 =	simm.s32 $0x1BFF;
	s22 =	sshll.u32 s6, $0x1;
	s3 =	sadd.s32 s20, s19  }
0x1a: {  	s7 =	simm.s32 $0x0;
	s21 =	sshll.u32 s5, $0x1;
	s5 =	sadd.s32 s22, s3  }
0x1b: {  	[timem:s7], [sflag:s23] =	dma.local [hbm:s5], s21  }
0x1c: {  	_ =	swait.ge [sflag:s23], s21  }
0x1d: {  	s4 =	ssub.s32 $0x0, s21;
	[sflag:s23] =	ssyncset.done $0x0  }
0x1e: {  	[sflag:s23] =	ssyncadd.s32 s4;
	_ =	sdelay $0x1  }
0x1f: {  	s24 =	simm.s32 $0x1B8B  }
0x20: {  	_ =	swait.ge [sflag:s24], $0x1  }
0x21: {  	[sflag:s24] =	ssyncset.done $0x0  }
0x22: {  	s26 =	simm.s32 $0x1B8E;
	s25 =	sld [smem:$0x3FFE];
	[sflag:s24] =	ssyncadd.s32 $0xFFFFFFFF  }
0x23: {  	s27 =	simm.s32 $execute0_lowered;
	[smem:$0x3FD2] =	sst s26  }
0x24: {  	s5 =	sshll.u32 s27, $0x1;
	_ =	strace $0x80000046;
	[dreg:$0x1] =	wrdreg $0xFFFFFFFF  }
0x25: {  	s28 =	simm.s32 $_size_execute0_lowered;
	s3 =	sadd.s32 s3, s5;
	[dreg:$0x0] =	wrdreg $0x0  }
0x26: {  	s5 =	sshll.u32 s28, $0x1;
	[dreg:$0x2] =	wrdreg s3  }
0x27: {  	[dreg:$0x3] =	wrdreg s5  }
0x28: {  	[dreg:$0x4] =	wrdreg $0xC0  }
0x29: {  	_ =	task [dreg:s7], $0x5FFFF  }
0x2a: {  	[dreg:$0x1] =	wrdreg $0xFFFFFFFF  }
0x2b: {  	[dreg:$0x0] =	wrdreg $0x60  }
0x2c: {  	[dreg:$0x2] =	wrdreg s17  }
0x2d: {  	[dreg:$0x3] =	wrdreg s25  }
0x2e: {  	[dreg:$0x4] =	wrdreg $0x9  }
0x2f: {  	_ =	task.clear_ibuf [dreg:s7], $0x5FFFF;
	_ =	strace $0x90000046  }
0x30: {  	s29 =	simm.s32 $0x9;
	_ =	strace $0x80000048  }
0x31: {  	_ =	swait.ge [sflag:s29], $0x1  }
0x32: {  	[sflag:s29] =	ssyncadd.s32 $0xFFFFFFFF  }
0x33: {  	_ =	strace $0x90000048  }
0x34: {  	_ =	sfence  }
0x35: {  	s30 =	sld [smem:$0x0];
	_ =	sdelay $0x2  }
0x36: {  	s31 =	sshll.u32 s1, $0xD;
	s1 =	sshrl.u32 s1, $0x2  }
0x37: {  	s3 =	sand.u32 $0x4000, s31;
	s1 =	sadd.s32 s1, s30  }
0x38: {  	s0 =	sor.u32 s3, s0;
	s1 =	sshll.u32 s1, $0x11  }
0x39: {  	s0 =	sor.u32 s1, s0  }
0x3a: {  	s0 =	sadd.s32 $0x8F2B, s0  }
0x3b: {  	[sflag:s0] =	ssyncadd.remote.s32 $0x1  }
0x3c: {  	_ =	sfence.sel $0xFFFF  }
0x3d: {  	[dreg:$0x0] =	wrdreg $0xFFFFFFFF;
	(pc) =	sbr.abs _section_cstart, $3  }
0x3e: {  	[dreg:$0x1] =	wrdreg $0xFFFFFFFF  }
0x3f: {  	_ =	task.clear_ibuf [dreg:s7], $0x2FFFF;
	_ =	strace $0x9FFFFFFF  }
0x40: {  	(tm) =	ssettm $0x7FFFFFFF  }
0x41: {  	_ =	shalt  }
tec
execute0_lowered:
.L_overlay_start_1:
0x0: {  	(tag) =	ssettag $0x1  }
0x1: {  	s2 =	rddreg [dreg:$0x0]  }
0x2: {  	s1 =	rddreg [dreg:$0x1]  }
0x3: {  	s0 =	rddreg [dreg:$0x2];
	_ =	strace $0x80000047;
	s4 =	srdreg.scid  }
0x4: {  	s6 =	simm.s32 $0x2;
	s11 =	simm.s32 $0x0;
	p0 =	por $0x0, $0x0  }
.Ltmp0:
0x5: {  	s7 =	simm.s32 $0x4000;
	s12 =	simm.s32 $0x0;
	(pc) =	sbr.rel .LBB1_1-.Ltmp0, $4  }
0x6: {  	s9 =	simm.s32 $0x0;
	s3 =	sadd.s32 $0x1600, s1;
	s5 =	sshll.u32 s4, $0x4  }
0x7: {  	s1 =	stileid.u32;
	s4 =	simm.s32 $0x1;
	s5 =	sand.u32 $0x10, s5  }
0x8: {  	s8 =	simm.s32 $0x0;
	[sflag:s4] =	ssyncpa.u1 $0x0;
	s5 =	sor.u32 s1, s5  }
0x9: {  	[sflag:s6] =	ssyncpa.u1 $0x0;
	s6 =	simm.s32 $0x800;
	s10 =	smov.u32 s5  }
.LBB1_7:
0xa: {  	s13 =	sadd.s32 $0x10, s9  }
0xb: {  	s11 =	sadd.s32 $0x20, s10;
	s15 =	smov.u32 s10;
	p2 =	sgt.s32 s13, $0x7F  }
0xc: {  	p1 =	slt.u32 s8, $0x2;
	s15 =	smov.u32 @p2 s11  }
0xd: {  	s8 =	sadd.s32 $0x1, s8;
	s13 =	simm.s32 @p2 $0x0;
	p2 =	sgt.s32 s15, $0x3F  }
0xe: {  	s15 =	smov.u32 @p2 s5;
	p2 =	sne.s32 s8, $0x12  }
.Ltmp1:
0xf: {  	_ = 	snop;
	(pc) =	sbr.rel @!p2 .LBB1_8-.Ltmp1, $4  }
0x10: {  	s14 =	simm.s32 @!p1 $0x2  }
0x11: {  	s12 =	smov.u32 s10;
	_ =	swait.ge @!p1 [sflag:s14], $0x4000  }
0x12: {  	p0 =	por !p0, !p0;
	s11 =	smov.u32 s9;
	[sflag:s14] =	ssyncset.done @!p1 $0x0  }
0x13: {  	s9 =	smov.u32 s13;
	[sflag:s14] =	ssyncadd.s32 @!p1 $0xFFFFC000;
	s10 =	smov.u32 s15  }
.LBB1_1:
0x14: {  	p1 =	sgt.u32 s8, $0xF  }
0x15: {  	s13 =	sxor.u32 @!p1 $0xFFFFFFFF, s8;
	s14 =	sshll.u32 @!p1 s10, $0xE  }
0x16: {  	s15 =	sshll.u32 @!p1 s9, $0x7;
	s13 =	sshll.u32 @!p1 s13, $0xE;
	s14 =	sadd.s32 @!p1 s2, s14  }
0x17: {  	s13 =	sand.u32 @!p1 $0x4000, s13;
	s14 =	sadd.s32 @!p1 s15, s14;
	s15 =	simm.s32 @!p1 $0x0  }
0x18: {  	[tilespmem:s13], [sflag:$0x1] =	stream.linear.gather @!p1 [hbm4b:s14+s15], $0x4000, $0x38;
	[tilespmem:$0x10000] =	vst v63  }
0x19: {  	p1 =	seq.s32 s8, $0x0  }
0x1a: {  	p2 =	seq.s32 @!p1 s8, $0x11  }
0x1b: {  	p1 =	por p1, p2  }
.Ltmp2:
0x1c: {  	_ = 	snop;
	(pc) =	sbr.rel @p1 .LBB1_7-.Ltmp2, $1  }
0x1d: {  	_ =	sdelay $0x3  }
0x1e: {  	s13 =	simm.s32 $0x1;
	_ =	swait.ge [sflag:s4], $0x4000;
	s16 =	sshll.u32 s8, $0xE  }
0x1f: {  	s13 =	simm.s32 @!p0 $0x0;
	[sflag:s4] =	ssyncset.done $0x0;
	s31 =	sand.u32 $0x4000, s16  }
0x20: {  	s16 =	simm.s32 $0x0;
	s14 =	sshll.u32 s13, $0xE;
	[sflag:s4] =	ssyncadd.s32 $0xFFFFC000  }
0x21: {  	s13 =	sor.u32 $0x8040, s14;
	s15 =	sor.u32 $0x40, s14;
	s14 =	sor.u32 $0x8000, s31  }
.LBB1_3:
0x22: {  	v0 =	vmov s15;
	_ =	sdelay $0x3  }
0x23: {  	s18 =	simm.s32 $0x0  }
0x24: {  	v6 =	vld.idx.msk [tilespmem:v0+s18+$0x30 ss:$0x1], $0xffff  }
0x25: {  	v7 =	vld.idx.msk [tilespmem:v0+s18+$0xFFFFFFC0 ss:$0x1], $0xffff  }
0x26: {  	v5 =	vld.idx.msk [tilespmem:v0+s18+$0xFFFFFFD0 ss:$0x1], $0xffff  }
0x27: {  	v4 =	vld.idx.msk [tilespmem:v0+s18+$0xFFFFFFE0 ss:$0x1], $0xffff  }
0x28: {  	v3 =	vld.idx.msk [tilespmem:v0+s18+$0xFFFFFFF0 ss:$0x1], $0xffff  }
0x29: {  	v1 =	vld.idx.msk [tilespmem:v0+s18+$0x0 ss:$0x1], $0xffff  }
0x2a: {  	v2 =	vld.idx.msk [tilespmem:v0+s18+$0x10 ss:$0x1], $0xffff;
	[tilespmem:s13+$0x30] =	vst v6  }
0x2b: {  	s17 =	simm.s32 $0x80;
	s19 =	simm.s32 $0x400;
	[tilespmem:s13+$0xFFFFFFC0] =	vst v7;
	v6 =	vld.idx.msk [tilespmem:v0+s18+$0x20 ss:$0x1], $0xffff;
	s18 =	smov.u32 s13  }
.LBB1_4:
0x2c: {  	p1 =	sne.s32 s19, $0xE00;
	v7 =	vld.idx.msk [tilespmem:v0+s17+$0x30 ss:$0x1], $0xffff;
	[tilespmem:s18+$0xFFFFFFD0] =	vst v5  }
0x2d: {  	v8 =	vld.idx.msk [tilespmem:v0+s17+$0xFFFFFFC0 ss:$0x1], $0xffff;
	[tilespmem:s18+$0xFFFFFFE0] =	vst v4  }
0x2e: {  	v5 =	vld.idx.msk [tilespmem:v0+s17+$0xFFFFFFD0 ss:$0x1], $0xffff;
	[tilespmem:s18+$0xFFFFFFF0] =	vst v3  }
.Ltmp3:
0x2f: {  	v4 =	vld.idx.msk [tilespmem:v0+s17+$0xFFFFFFE0 ss:$0x1], $0xffff;
	[tilespmem:s18+$0x0] =	vst v1;
	(pc) =	sbr.rel @p1 .LBB1_4-.Ltmp3, $4  }
0x30: {  	v3 =	vld.idx.msk [tilespmem:v0+s17+$0xFFFFFFF0 ss:$0x1], $0xffff;
	[tilespmem:s18+$0x10] =	vst v2  }
0x31: {  	v1 =	vld.idx.msk [tilespmem:v0+s17+$0x0 ss:$0x1], $0xffff;
	[tilespmem:s18+$0x20] =	vst v6;
	s18 =	sadd.s32 $0x800, s18  }
0x32: {  	v2 =	vld.idx.msk [tilespmem:v0+s17+$0x10 ss:$0x1], $0xffff;
	[tilespmem:s18+$0x30] =	vst v7  }
0x33: {  	[tilespmem:s18+$0xFFFFFFC0] =	vst v8;
	v6 =	vld.idx.msk [tilespmem:v0+s17+$0x20 ss:$0x1], $0xffff;
	s17 =	sshra.s32 s19, $0x2;
	s19 =	sadd.s32 $0x200, s19  }
0x34: {  	_ =	sdelay $0x2  }
0x35: {  	[tilespmem:s18+$0xFFFFFFD0] =	vst v5  }
0x36: {  	v56 =	vld.idx.msk [tilespmem:v0+s17+$0x30 ss:$0x1], $0xffff;
	[tilespmem:s18+$0xFFFFFFE0] =	vst v4  }
0x37: {  	v57 =	vld.idx.msk [tilespmem:v0+s17+$0xFFFFFFC0 ss:$0x1], $0xffff;
	[tilespmem:s18+$0xFFFFFFF0] =	vst v3  }
0x38: {  	v58 =	vld.idx.msk [tilespmem:v0+s17+$0xFFFFFFD0 ss:$0x1], $0xffff;
	[tilespmem:s18+$0x0] =	vst v1  }
0x39: {  	v59 =	vld.idx.msk [tilespmem:v0+s17+$0xFFFFFFE0 ss:$0x1], $0xffff;
	[tilespmem:s18+$0x10] =	vst v2  }
0x3a: {  	v60 =	vld.idx.msk [tilespmem:v0+s17+$0xFFFFFFF0 ss:$0x1], $0xffff;
	s31 =	sadd.s32 $0x800, s18;
	[tilespmem:s18+$0x20] =	vst v6  }
0x3b: {  	v61 =	vld.idx.msk [tilespmem:v0+s17+$0x0 ss:$0x1], $0xffff;
	[tilespmem:s31+$0x30] =	vst v56  }
0x3c: {  	v62 =	vld.idx.msk [tilespmem:v0+s17+$0x10 ss:$0x1], $0xffff;
	s16 =	sadd.s32 $0x1, s16;
	[tilespmem:s31+$0xFFFFFFC0] =	vst v57  }
0x3d: {  	v63 =	vld.idx.msk [tilespmem:v0+s17+$0x20 ss:$0x1], $0xffff;
	p1 =	sne.s32 s16, $0x10;
	[tilespmem:s31+$0xFFFFFFD0] =	vst v58  }
.Ltmp4:
0x3e: {  	[tilespmem:s31+$0xFFFFFFE0] =	vst v59;
	(pc) =	sbr.rel @p1 .LBB1_3-.Ltmp4, $4  }
0x3f: {  	[tilespmem:s31+$0xFFFFFFF0] =	vst v60  }
0x40: {  	[tilespmem:s31+$0x0] =	vst v61  }
0x41: {  	[tilespmem:s31+$0x10] =	vst v62  }
0x42: {  	s13 =	sadd.s32 $0x80, s13;
	s15 =	sadd.s32 $0x400, s15;
	[tilespmem:s31+$0x20] =	vst v63  }
.Ltmp5:
0x43: {  	(pc) =	sbr.rel .LBB1_7-.Ltmp5, $4  }
0x44: {  	s12 =	sshll.u32 s12, $0xE;
	s11 =	sshll.u32 s11, $0x4  }
0x45: {  	s11 =	sand.u32 $0x7F0, s11;
	s12 =	sadd.s32 s3, s12  }
0x46: {  	s11 =	sadd.s32 s11, s12  }
0x47: {  	[hbm4b:s11+s6] =	stream.strided.scatter [tilespmem:s14], [sflag:$0x2], $0x4000, s7, s6, $0x38;
	[tilespmem:$0x10000] =	vst v63  }
.LBB1_8:
0x48: {  	_ =	sfence.sel $0x180000  }
0x49: {  	s2 =	simm.s32 $0x1;
	[bflag:$0x0] =	sbarrier.arrive $0xFFFF  }
0x4a: {  	s31 =	simm.s32 $0x2;
	[sflag:s2] =	ssyncpa.u1 $0x1  }
0x4b: {  	[sflag:s31] =	ssyncpa.u1 $0x1  }
0x4c: {  	p0 =	sne.s32 s1, $0x0;
	_ =	strace $0x90000047  }
0x4d: {  	s0 =	sadd.s32 @!p0 $0x100000, s0;
	[bflag:$0x2] =	sbarrier.arrive $0xFFFF  }
0x4e: {  	[sflag:s0] =	ssyncadd.tile.s32 @!p0 $0x1;
	_ =	shalt  }
.Lfunc_end1:
_tile_overlayer_lowered:
.L_overlay_start_2:
0x4f: {  	(tag) =	ssettag $0x2  }
0x50: {  	s0 =	rddreg [dreg:$0x0];
	s2 =	stileid.u32  }
0x51: {  	s1 =	rddreg [dreg:$0x1];
	p0 =	sne.s32 s2, $0x0  }
0x52: {  	s3 =	rddreg [dreg:$0x2];
	[bflag:$0x3] =	sbarrier.arrive $0xFFFF;
	s2 =	simm.s32 @!p0 $0x1C01  }
0x53: {  	[timem:s3], [sflag:s2] =	dma.local @!p0 [hbm:s0], s1  }
0x54: {  	s0 =	simm.s32 @!p0 $0x1  }
0x55: {  	_ =	swait.ge @!p0 [sflag:s0], s1  }
0x56: {  	s1 =	ssub.s32 @!p0 $0x0, s1;
	[sflag:s0] =	ssyncset.done @!p0 $0x0  }
0x57: {  	[sflag:s0] =	ssyncadd.s32 @!p0 s1  }
0x58: {  	[bflag:$0x3] =	sbarrier.arrive $0xFFFF  }
0x59: {  	_ =	shalt  }

</sc_bundles>
